<compile_context>
chip_gen: v7x
topology: tpu7x:2x2x1
jax: 0.10.2.dev20260603
libtpu: 0.0.44.dev20260713+nightly
codegen_flags: <defaults>
</compile_context>

<pallas_src>
import functools

import jax
import jax.numpy as jnp
from jax import lax
from jax.experimental import pallas as pl
from jax.experimental.pallas import tpu as pltpu
from jax.experimental.pallas import tpu_sc as plsc

N_NODES = 50000
D = 256
G = 256

NC = 2
NS = 16
L = 16

DC = D // NC
CHUNK = 80
GROUP = 320
CPG = GROUP // CHUNK
ROWS_PER_TILE = 3200
NGROUP = ROWS_PER_TILE // GROUP
NCHUNK = N_NODES // CHUNK

PAD_N = 51200
CBW = 1024


@functools.partial(
    pl.kernel,
    out_type=jax.ShapeDtypeStruct((G, D), jnp.float32),
    mesh=plsc.VectorSubcoreMesh(core_axis_name="c", subcore_axis_name="s"),
    scratch_types=[
        pltpu.VMEM((ROWS_PER_TILE // CHUNK, CHUNK), jnp.int32),
        pltpu.VMEM((GROUP, DC), jnp.float32),
        pltpu.VMEM((GROUP, DC), jnp.float32),
        pltpu.VMEM((L, DC), jnp.float32),
        pltpu.SemaphoreType.DMA,
        pltpu.SemaphoreType.DMA,
        pltpu.SemaphoreType.DMA,
        pltpu.VMEM_SHARED((G, DC), jnp.float32),
    ],
)
def _segment_sums_sc(x_hbm, seg_hbm, out_hbm, segb, xb0, xb1, zb,
                     sem0, sem1, sem2, acc_sh):
    c = lax.axis_index("c")
    s = lax.axis_index("s")
    row_base = s * ROWS_PER_TILE
    col0 = c * DC
    chunk0 = s * (ROWS_PER_TILE // CHUNK)

    zero_v = jnp.zeros((L,), dtype=jnp.float32)
    for r in range(L):
        for j in range(DC // L):
            zb[r, pl.ds(j * L, L)] = zero_v
    pltpu.sync_copy(zb, acc_sh.at[pl.ds(s * L, L), :])

    pltpu.sync_copy(seg_hbm.at[pl.ds(chunk0, ROWS_PER_TILE // CHUNK), :], segb)

    bufs = (xb0, xb1)
    sems = (sem0, sem1)

    def grp_rows(g):
        return row_base + g * GROUP

    def full(g):
        return grp_rows(g) + GROUP <= N_NODES

    def start_load(g):
        buf = bufs[g % 2]
        sem = sems[g % 2]
        pltpu.async_copy(x_hbm.at[pl.ds(grp_rows(g), GROUP), pl.ds(col0, DC)],
                         buf, sem)

    def wait_load(g):
        buf = bufs[g % 2]
        sem = sems[g % 2]
        pltpu.make_async_copy(
            x_hbm.at[pl.ds(grp_rows(g), GROUP), pl.ds(col0, DC)],
            buf, sem).wait()

    @pl.when(full(0))
    def _():
        start_load(0)

    plsc.subcore_barrier()

    for g in range(NGROUP):
        buf = bufs[g % 2]
        if g + 1 < NGROUP:
            @pl.when(full(g + 1))
            def _(g=g):
                start_load(g + 1)

        @pl.when(full(g))
        def _(g=g, buf=buf):
            wait_load(g)
            handles = []
            for q in range(CPG):
                handles.append(pltpu.async_copy(
                    buf.at[pl.ds(q * CHUNK, CHUNK), :],
                    acc_sh.at[segb.at[g * CPG + q]], sem2, add=True))
            for h in handles:
                h.wait()

        @pl.when(jnp.logical_and(jnp.logical_not(full(g)),
                                 grp_rows(g) + CHUNK <= N_NODES))
        def _(g=g, buf=buf):
            for q in range(CPG):
                @pl.when(grp_rows(g) + (q + 1) * CHUNK <= N_NODES)
                def _(g=g, q=q, buf=buf):
                    pltpu.sync_copy(
                        x_hbm.at[pl.ds(grp_rows(g) + q * CHUNK, CHUNK),
                                 pl.ds(col0, DC)],
                        buf.at[pl.ds(q * CHUNK, CHUNK), :])
                    pltpu.sync_copy(buf.at[pl.ds(q * CHUNK, CHUNK), :],
                                    acc_sh.at[segb.at[g * CPG + q]], add=True)

    plsc.subcore_barrier()
    pltpu.sync_copy(acc_sh.at[pl.ds(s * L, L), :],
                    out_hbm.at[pl.ds(s * L, L), pl.ds(col0, DC)])


def _counts_body(seg_ref, cnt_ref, acc_ref):
    i = pl.program_id(0)

    @pl.when(i == 0)
    def _():
        acc_ref[...] = jnp.zeros_like(acc_ref)

    ids = seg_ref[...]
    grow = lax.broadcasted_iota(jnp.int32, (16, 1), 0)
    a = ((ids >> 4) == grow).astype(jnp.float32)
    b = ((ids & 15) == grow).astype(jnp.float32)
    acc_ref[...] += lax.dot_general(
        a, b, (((1,), (1,)), ((), ())),
        preferred_element_type=jnp.float32)

    @pl.when(i == pl.num_programs(0) - 1)
    def _():
        cnt_ref[...] = acc_ref[...]


def _tc_counts(seg_row):
    return pl.pallas_call(
        _counts_body,
        grid=(PAD_N // CBW,),
        in_specs=[pl.BlockSpec((1, CBW), lambda i: (0, i))],
        out_specs=pl.BlockSpec((16, 16), lambda i: (0, 0)),
        out_shape=jax.ShapeDtypeStruct((16, 16), jnp.float32),
        scratch_shapes=[pltpu.VMEM((16, 16), jnp.float32)],
    )(seg_row)


def _scale_body(sums_ref, cnt_ref, out_ref):
    inv = 1.0 / jnp.maximum(cnt_ref[...], 1.0)
    out_ref[...] = sums_ref[...] * inv


def _tc_scale(sums, cnt_col):
    return pl.pallas_call(
        _scale_body,
        out_shape=jax.ShapeDtypeStruct((G, D), jnp.float32),
    )(sums, cnt_col)


def kernel(x, segment_ids):
    seg = segment_ids.astype(jnp.int32)
    seg2d = jnp.pad(seg.reshape(NCHUNK, CHUNK),
                    ((0, NS * (ROWS_PER_TILE // CHUNK) - NCHUNK), (0, 0)))
    seg_row = jnp.pad(seg, (0, PAD_N - N_NODES),
                      constant_values=G).reshape(1, PAD_N)
    cnt_col = _tc_counts(seg_row).reshape(G, 1)
    sums = _segment_sums_sc(x, seg2d)
    return _tc_scale(sums, cnt_col)

# --- scband reference (transcript-rebuilt; emitter-appended) ---
"""Pipeline reference for scband-readout-25391846654715 (READ-ONLY COPY).

The authoritative reference and input builder live on the scoring server;
editing this copy changes nothing except your own understanding.
"""

import jax, jax.numpy as jnp
import numpy as np

NUM_GRAPHS = 256
N_NODES = 50000
D_FEAT = 256


def setup_inputs(seed: int = 0) -> dict:
    key = jax.random.key(seed)
    k1, k2 = jax.random.split(key)
    x = jax.random.normal(k1, (N_NODES, D_FEAT), dtype=jnp.float32)
    segment_ids = jnp.sort(jax.random.randint(k2, (N_NODES,), 0, NUM_GRAPHS)).astype(jnp.int64)
    return {"x": x, "segment_ids": segment_ids}


def reference(x, segment_ids):
    # dgl.mean_nodes(g, attr): per-graph mean over node features.
    # segment_ids[i] = graph index of node i (batched graph).
    sums = jax.ops.segment_sum(x, segment_ids, num_segments=NUM_GRAPHS)
    counts = jax.ops.segment_sum(jnp.ones((x.shape[0],), dtype=x.dtype), segment_ids, num_segments=NUM_GRAPHS)
    counts = jnp.maximum(counts, 1.0)
    return sums / counts[:, None]

if __name__ == "__main__":
    import jax
    _d = setup_inputs()
    print(jax.jit(kernel)(*tuple(_d.values())))

</pallas_src>

<mosaic_0001>
#map = affine_map<(d0, d1) -> (0, 0)>
module attributes {stable_mosaic.version = 14 : i64} {
  func.func @_segment_sums_sc(%arg0: i32, %arg1: i32, %arg2: memref<50000x256xf32, #tpu.memory_space<hbm>>, %arg3: memref<640x80xi32, #tpu.memory_space<hbm>>, %arg4: memref<256x256xf32, #tpu.memory_space<hbm>>, %arg5: memref<40x80xi32, #tpu.memory_space<vmem>>, %arg6: memref<320x128xf32, #tpu.memory_space<vmem>>, %arg7: memref<320x128xf32, #tpu.memory_space<vmem>>, %arg8: memref<16x128xf32, #tpu.memory_space<vmem>>, %arg9: memref<!tpu.dma_semaphore, #tpu.memory_space<semaphore_mem>>, %arg10: memref<!tpu.dma_semaphore, #tpu.memory_space<semaphore_mem>>, %arg11: memref<!tpu.dma_semaphore, #tpu.memory_space<semaphore_mem>>, %arg12: memref<256x128xf32, #tpu.memory_space<vmem_shared>>) attributes {dimension_semantics = [#tpu.dimension_semantics<core_parallel>, #tpu.dimension_semantics<subcore_parallel>], iteration_bounds = array<i64: 2, 16>, scalar_prefetch = 0 : i64, scratch_operands = 8 : i64, tpu.core_type = #tpu.core_type<sc_vector_subcore>, window_params = [{transform_indices = #map}, {transform_indices = #map}, {transform_indices = #map}]} {
    %mul3A = arith.constant 3200 : i32
    %mul3A_0 = arith.muli %arg1, %mul3A : i32
    %mul3A_1 = arith.constant 128 : i32
    %mul3A_2 = arith.muli %arg0, %mul3A_1 : i32
    %mul3A_3 = arith.constant 40 : i32
    %mul3A_4 = arith.muli %arg1, %mul3A_3 : i32
    %broadcast_in_dim3A = arith.constant 0.000000e+00 : f32
    %broadcast_in_dim3A_5 = vector.broadcast %broadcast_in_dim3A : f32 to vector<16xf32>
    %swap3A = arith.constant 0 : i32
    %swap3A_6 = arith.index_cast %swap3A : i32 to index
    %swap3A_7 = arith.constant 0 : index
    %swap3A_8 = tpu.vector_load %arg8[%swap3A_6, %swap3A_7] {strides = array<i32>} : memref<16x128xf32, #tpu.memory_space<vmem>>, vector<1x16xf32>,
    %swap3A_9 = vector.shape_cast %swap3A_8 : vector<1x16xf32> to vector<16xf32>
    %swap3A_10 = vector.shape_cast %broadcast_in_dim3A_5 : vector<16xf32> to vector<1x16xf32>
    tpu.vector_store %arg8[%swap3A_6, %swap3A_7], %swap3A_10 {strides = array<i32>} : memref<16x128xf32, #tpu.memory_space<vmem>>, vector<1x16xf32>,
    %swap3A_11 = arith.constant 0 : i32
    %swap3A_12 = arith.index_cast %swap3A_11 : i32 to index
    %swap3A_13 = arith.constant 16 : index
    %swap3A_14 = tpu.vector_load %arg8[%swap3A_12, %swap3A_13] {strides = array<i32>} : memref<16x128xf32, #tpu.memory_space<vmem>>, vector<1x16xf32>,
    %swap3A_15 = vector.shape_cast %swap3A_14 : vector<1x16xf32> to vector<16xf32>
    %swap3A_16 = vector.shape_cast %broadcast_in_dim3A_5 : vector<16xf32> to vector<1x16xf32>
    tpu.vector_store %arg8[%swap3A_12, %swap3A_13], %swap3A_16 {strides = array<i32>} : memref<16x128xf32, #tpu.memory_space<vmem>>, vector<1x16xf32>,
    %swap3A_17 = arith.constant 0 : i32
    %swap3A_18 = arith.index_cast %swap3A_17 : i32 to index
    %swap3A_19 = arith.constant 32 : index
    %swap3A_20 = tpu.vector_load %arg8[%swap3A_18, %swap3A_19] {strides = array<i32>} : memref<16x128xf32, #tpu.memory_space<vmem>>, vector<1x16xf32>,
    %swap3A_21 = vector.shape_cast %swap3A_20 : vector<1x16xf32> to vector<16xf32>
    %swap3A_22 = vector.shape_cast %broadcast_in_dim3A_5 : vector<16xf32> to vector<1x16xf32>
    tpu.vector_store %arg8[%swap3A_18, %swap3A_19], %swap3A_22 {strides = array<i32>} : memref<16x128xf32, #tpu.memory_space<vmem>>, vector<1x16xf32>,
    %swap3A_23 = arith.constant 0 : i32
    %swap3A_24 = arith.index_cast %swap3A_23 : i32 to index
    %swap3A_25 = arith.constant 48 : index
    %swap3A_26 = tpu.vector_load %arg8[%swap3A_24, %swap3A_25] {strides = array<i32>} : memref<16x128xf32, #tpu.memory_space<vmem>>, vector<1x16xf32>,
    %swap3A_27 = vector.shape_cast %swap3A_26 : vector<1x16xf32> to vector<16xf32>
    %swap3A_28 = vector.shape_cast %broadcast_in_dim3A_5 : vector<16xf32> to vector<1x16xf32>
    tpu.vector_store %arg8[%swap3A_24, %swap3A_25], %swap3A_28 {strides = array<i32>} : memref<16x128xf32, #tpu.memory_space<vmem>>, vector<1x16xf32>,
    %swap3A_29 = arith.constant 0 : i32
    %swap3A_30 = arith.index_cast %swap3A_29 : i32 to index
    %swap3A_31 = arith.constant 64 : index
    %swap3A_32 = tpu.vector_load %arg8[%swap3A_30, %swap3A_31] {strides = array<i32>} : memref<16x128xf32, #tpu.memory_space<vmem>>, vector<1x16xf32>,
    %swap3A_33 = vector.shape_cast %swap3A_32 : vector<1x16xf32> to vector<16xf32>
    %swap3A_34 = vector.shape_cast %broadcast_in_dim3A_5 : vector<16xf32> to vector<1x16xf32>
    tpu.vector_store %arg8[%swap3A_30, %swap3A_31], %swap3A_34 {strides = array<i32>} : memref<16x128xf32, #tpu.memory_space<vmem>>, vector<1x16xf32>,
    %swap3A_35 = arith.constant 0 : i32
    %swap3A_36 = arith.index_cast %swap3A_35 : i32 to index
    %swap3A_37 = arith.constant 80 : index
    %swap3A_38 = tpu.vector_load %arg8[%swap3A_36, %swap3A_37] {strides = array<i32>} : memref<16x128xf32, #tpu.memory_space<vmem>>, vector<1x16xf32>,
    %swap3A_39 = vector.shape_cast %swap3A_38 : vector<1x16xf32> to vector<16xf32>
    %swap3A_40 = vector.shape_cast %broadcast_in_dim3A_5 : vector<16xf32> to vector<1x16xf32>
    tpu.vector_store %arg8[%swap3A_36, %swap3A_37], %swap3A_40 {strides = array<i32>} : memref<16x128xf32, #tpu.memory_space<vmem>>, vector<1x16xf32>,
    %swap3A_41 = arith.constant 0 : i32
    %swap3A_42 = arith.index_cast %swap3A_41 : i32 to index
    %swap3A_43 = arith.constant 96 : index
    %swap3A_44 = tpu.vector_load %arg8[%swap3A_42, %swap3A_43] {strides = array<i32>} : memref<16x128xf32, #tpu.memory_space<vmem>>, vector<1x16xf32>,
    %swap3A_45 = vector.shape_cast %swap3A_44 : vector<1x16xf32> to vector<16xf32>
    %swap3A_46 = vector.shape_cast %broadcast_in_dim3A_5 : vector<16xf32> to vector<1x16xf32>
    tpu.vector_store %arg8[%swap3A_42, %swap3A_43], %swap3A_46 {strides = array<i32>} : memref<16x128xf32, #tpu.memory_space<vmem>>, vector<1x16xf32>,
    %swap3A_47 = arith.constant 0 : i32
    %swap3A_48 = arith.index_cast %swap3A_47 : i32 to index
    %swap3A_49 = arith.constant 112 : index
    %swap3A_50 = tpu.vector_load %arg8[%swap3A_48, %swap3A_49] {strides = array<i32>} : memref<16x128xf32, #tpu.memory_space<vmem>>, vector<1x16xf32>,
    %swap3A_51 = vector.shape_cast %swap3A_50 : vector<1x16xf32> to vector<16xf32>
    %swap3A_52 = vector.shape_cast %broadcast_in_dim3A_5 : vector<16xf32> to vector<1x16xf32>
    tpu.vector_store %arg8[%swap3A_48, %swap3A_49], %swap3A_52 {strides = array<i32>} : memref<16x128xf32, #tpu.memory_space<vmem>>, vector<1x16xf32>,
    %swap3A_53 = arith.constant 1 : i32
    %swap3A_54 = arith.index_cast %swap3A_53 : i32 to index
    %swap3A_55 = arith.constant 0 : index
    %swap3A_56 = tpu.vector_load %arg8[%swap3A_54, %swap3A_55] {strides = array<i32>} : memref<16x128xf32, #tpu.memory_space<vmem>>, vector<1x16xf32>,
    %swap3A_57 = vector.shape_cast %swap3A_56 : vector<1x16xf32> to vector<16xf32>
    %swap3A_58 = vector.shape_cast %broadcast_in_dim3A_5 : vector<16xf32> to vector<1x16xf32>
    tpu.vector_store %arg8[%swap3A_54, %swap3A_55], %swap3A_58 {strides = array<i32>} : memref<16x128xf32, #tpu.memory_space<vmem>>, vector<1x16xf32>,
    %swap3A_59 = arith.constant 1 : i32
    %swap3A_60 = arith.index_cast %swap3A_59 : i32 to index
    %swap3A_61 = arith.constant 16 : index
    %swap3A_62 = tpu.vector_load %arg8[%swap3A_60, %swap3A_61] {strides = array<i32>} : memref<16x128xf32, #tpu.memory_space<vmem>>, vector<1x16xf32>,
    %swap3A_63 = vector.shape_cast %swap3A_62 : vector<1x16xf32> to vector<16xf32>
    %swap3A_64 = vector.shape_cast %broadcast_in_dim3A_5 : vector<16xf32> to vector<1x16xf32>
    tpu.vector_store %arg8[%swap3A_60, %swap3A_61], %swap3A_64 {strides = array<i32>} : memref<16x128xf32, #tpu.memory_space<vmem>>, vector<1x16xf32>,
    %swap3A_65 = arith.constant 1 : i32
    %swap3A_66 = arith.index_cast %swap3A_65 : i32 to index
    %swap3A_67 = arith.constant 32 : index
    %swap3A_68 = tpu.vector_load %arg8[%swap3A_66, %swap3A_67] {strides = array<i32>} : memref<16x128xf32, #tpu.memory_space<vmem>>, vector<1x16xf32>,
    %swap3A_69 = vector.shape_cast %swap3A_68 : vector<1x16xf32> to vector<16xf32>
    %swap3A_70 = vector.shape_cast %broadcast_in_dim3A_5 : vector<16xf32> to vector<1x16xf32>
    tpu.vector_store %arg8[%swap3A_66, %swap3A_67], %swap3A_70 {strides = array<i32>} : memref<16x128xf32, #tpu.memory_space<vmem>>, vector<1x16xf32>,
    %swap3A_71 = arith.constant 1 : i32
    %swap3A_72 = arith.index_cast %swap3A_71 : i32 to index
    %swap3A_73 = arith.constant 48 : index
    %swap3A_74 = tpu.vector_load %arg8[%swap3A_72, %swap3A_73] {strides = array<i32>} : memref<16x128xf32, #tpu.memory_space<vmem>>, vector<1x16xf32>,
    %swap3A_75 = vector.shape_cast %swap3A_74 : vector<1x16xf32> to vector<16xf32>
    %swap3A_76 = vector.shape_cast %broadcast_in_dim3A_5 : vector<16xf32> to vector<1x16xf32>
    tpu.vector_store %arg8[%swap3A_72, %swap3A_73], %swap3A_76 {strides = array<i32>} : memref<16x128xf32, #tpu.memory_space<vmem>>, vector<1x16xf32>,
    %swap3A_77 = arith.constant 1 : i32
    %swap3A_78 = arith.index_cast %swap3A_77 : i32 to index
    %swap3A_79 = arith.constant 64 : index
    %swap3A_80 = tpu.vector_load %arg8[%swap3A_78, %swap3A_79] {strides = array<i32>} : memref<16x128xf32, #tpu.memory_space<vmem>>, vector<1x16xf32>,
    %swap3A_81 = vector.shape_cast %swap3A_80 : vector<1x16xf32> to vector<16xf32>
    %swap3A_82 = vector.shape_cast %broadcast_in_dim3A_5 : vector<16xf32> to vector<1x16xf32>
    tpu.vector_store %arg8[%swap3A_78, %swap3A_79], %swap3A_82 {strides = array<i32>} : memref<16x128xf32, #tpu.memory_space<vmem>>, vector<1x16xf32>,
    %swap3A_83 = arith.constant 1 : i32
    %swap3A_84 = arith.index_cast %swap3A_83 : i32 to index
    %swap3A_85 = arith.constant 80 : index
    %swap3A_86 = tpu.vector_load %arg8[%swap3A_84, %swap3A_85] {strides = array<i32>} : memref<16x128xf32, #tpu.memory_space<vmem>>, vector<1x16xf32>,
    %swap3A_87 = vector.shape_cast %swap3A_86 : vector<1x16xf32> to vector<16xf32>
    %swap3A_88 = vector.shape_cast %broadcast_in_dim3A_5 : vector<16xf32> to vector<1x16xf32>
    tpu.vector_store %arg8[%swap3A_84, %swap3A_85], %swap3A_88 {strides = array<i32>} : memref<16x128xf32, #tpu.memory_space<vmem>>, vector<1x16xf32>,
    %swap3A_89 = arith.constant 1 : i32
    %swap3A_90 = arith.index_cast %swap3A_89 : i32 to index
    %swap3A_91 = arith.constant 96 : index
    %swap3A_92 = tpu.vector_load %arg8[%swap3A_90, %swap3A_91] {strides = array<i32>} : memref<16x128xf32, #tpu.memory_space<vmem>>, vector<1x16xf32>,
    %swap3A_93 = vector.shape_cast %swap3A_92 : vector<1x16xf32> to vector<16xf32>
    %swap3A_94 = vector.shape_cast %broadcast_in_dim3A_5 : vector<16xf32> to vector<1x16xf32>
    tpu.vector_store %arg8[%swap3A_90, %swap3A_91], %swap3A_94 {strides = array<i32>} : memref<16x128xf32, #tpu.memory_space<vmem>>, vector<1x16xf32>,
    %swap3A_95 = arith.constant 1 : i32
    %swap3A_96 = arith.index_cast %swap3A_95 : i32 to index
    %swap3A_97 = arith.constant 112 : index
    %swap3A_98 = tpu.vector_load %arg8[%swap3A_96, %swap3A_97] {strides = array<i32>} : memref<16x128xf32, #tpu.memory_space<vmem>>, vector<1x16xf32>,
    %swap3A_99 = vector.shape_cast %swap3A_98 : vector<1x16xf32> to vector<16xf32>
    %swap3A_100 = vector.shape_cast %broadcast_in_dim3A_5 : vector<16xf32> to vector<1x16xf32>
    tpu.vector_store %arg8[%swap3A_96, %swap3A_97], %swap3A_100 {strides = array<i32>} : memref<16x128xf32, #tpu.memory_space<vmem>>, vector<1x16xf32>,
    %swap3A_101 = arith.constant 2 : i32
    %swap3A_102 = arith.index_cast %swap3A_101 : i32 to index
    %swap3A_103 = arith.constant 0 : index
    %swap3A_104 = tpu.vector_load %arg8[%swap3A_102, %swap3A_103] {strides = array<i32>} : memref<16x128xf32, #tpu.memory_space<vmem>>, vector<1x16xf32>,
    %swap3A_105 = vector.shape_cast %swap3A_104 : vector<1x16xf32> to vector<16xf32>
    %swap3A_106 = vector.shape_cast %broadcast_in_dim3A_5 : vector<16xf32> to vector<1x16xf32>
    tpu.vector_store %arg8[%swap3A_102, %swap3A_103], %swap3A_106 {strides = array<i32>} : memref<16x128xf32, #tpu.memory_space<vmem>>, vector<1x16xf32>,
    %swap3A_107 = arith.constant 2 : i32
    %swap3A_108 = arith.index_cast %swap3A_107 : i32 to index
    %swap3A_109 = arith.constant 16 : index
    %swap3A_110 = tpu.vector_load %arg8[%swap3A_108, %swap3A_109] {strides = array<i32>} : memref<16x128xf32, #tpu.memory_space<vmem>>, vector<1x16xf32>,
    %swap3A_111 = vector.shape_cast %swap3A_110 : vector<1x16xf32> to vector<16xf32>
    %swap3A_112 = vector.shape_cast %broadcast_in_dim3A_5 : vector<16xf32> to vector<1x16xf32>
    tpu.vector_store %arg8[%swap3A_108, %swap3A_109], %swap3A_112 {strides = array<i32>} : memref<16x128xf32, #tpu.memory_space<vmem>>, vector<1x16xf32>,
    %swap3A_113 = arith.constant 2 : i32
    %swap3A_114 = arith.index_cast %swap3A_113 : i32 to index
    %swap3A_115 = arith.constant 32 : index
    %swap3A_116 = tpu.vector_load %arg8[%swap3A_114, %swap3A_115] {strides = array<i32>} : memref<16x128xf32, #tpu.memory_space<vmem>>, vector<1x16xf32>,
    %swap3A_117 = vector.shape_cast %swap3A_116 : vector<1x16xf32> to vector<16xf32>
    %swap3A_118 = vector.shape_cast %broadcast_in_dim3A_5 : vector<16xf32> to vector<1x16xf32>
    tpu.vector_store %arg8[%swap3A_114, %swap3A_115], %swap3A_118 {strides = array<i32>} : memref<16x128xf32, #tpu.memory_space<vmem>>, vector<1x16xf32>,
    %swap3A_119 = arith.constant 2 : i32
    %swap3A_120 = arith.index_cast %swap3A_119 : i32 to index
    %swap3A_121 = arith.constant 48 : index
    %swap3A_122 = tpu.vector_load %arg8[%swap3A_120, %swap3A_121] {strides = array<i32>} : memref<16x128xf32, #tpu.memory_space<vmem>>, vector<1x16xf32>,
    %swap3A_123 = vector.shape_cast %swap3A_122 : vector<1x16xf32> to vector<16xf32>
    %swap3A_124 = vector.shape_cast %broadcast_in_dim3A_5 : vector<16xf32> to vector<1x16xf32>
    tpu.vector_store %arg8[%swap3A_120, %swap3A_121], %swap3A_124 {strides = array<i32>} : memref<16x128xf32, #tpu.memory_space<vmem>>, vector<1x16xf32>,
    %swap3A_125 = arith.constant 2 : i32
    %swap3A_126 = arith.index_cast %swap3A_125 : i32 to index
    %swap3A_127 = arith.constant 64 : index
    %swap3A_128 = tpu.vector_load %arg8[%swap3A_126, %swap3A_127] {strides = array<i32>} : memref<16x128xf32, #tpu.memory_space<vmem>>, vector<1x16xf32>,
    %swap3A_129 = vector.shape_cast %swap3A_128 : vector<1x16xf32> to vector<16xf32>
    %swap3A_130 = vector.shape_cast %broadcast_in_dim3A_5 : vector<16xf32> to vector<1x16xf32>
    tpu.vector_store %arg8[%swap3A_126, %swap3A_127], %swap3A_130 {strides = array<i32>} : memref<16x128xf32, #tpu.memory_space<vmem>>, vector<1x16xf32>,
    %swap3A_131 = arith.constant 2 : i32
    %swap3A_132 = arith.index_cast %swap3A_131 : i32 to index
    %swap3A_133 = arith.constant 80 : index
    %swap3A_134 = tpu.vector_load %arg8[%swap3A_132, %swap3A_133] {strides = array<i32>} : memref<16x128xf32, #tpu.memory_space<vmem>>, vector<1x16xf32>,
    %swap3A_135 = vector.shape_cast %swap3A_134 : vector<1x16xf32> to vector<16xf32>
    %swap3A_136 = vector.shape_cast %broadcast_in_dim3A_5 : vector<16xf32> to vector<1x16xf32>
    tpu.vector_store %arg8[%swap3A_132, %swap3A_133], %swap3A_136 {strides = array<i32>} : memref<16x128xf32, #tpu.memory_space<vmem>>, vector<1x16xf32>,
    %swap3A_137 = arith.constant 2 : i32
    %swap3A_138 = arith.index_cast %swap3A_137 : i32 to index
    %swap3A_139 = arith.constant 96 : index
    %swap3A_140 = tpu.vector_load %arg8[%swap3A_138, %swap3A_139] {strides = array<i32>} : memref<16x128xf32, #tpu.memory_space<vmem>>, vector<1x16xf32>,
    %swap3A_141 = vector.shape_cast %swap3A_140 : vector<1x16xf32> to vector<16xf32>
    %swap3A_142 = vector.shape_cast %broadcast_in_dim3A_5 : vector<16xf32> to vector<1x16xf32>
    tpu.vector_store %arg8[%swap3A_138, %swap3A_139], %swap3A_142 {strides = array<i32>} : memref<16x128xf32, #tpu.memory_space<vmem>>, vector<1x16xf32>,
    %swap3A_143 = arith.constant 2 : i32
    %swap3A_144 = arith.index_cast %swap3A_143 : i32 to index
    %swap3A_145 = arith.constant 112 : index
    %swap3A_146 = tpu.vector_load %arg8[%swap3A_144, %swap3A_145] {strides = array<i32>} : memref<16x128xf32, #tpu.memory_space<vmem>>, vector<1x16xf32>,
    %swap3A_147 = vector.shape_cast %swap3A_146 : vector<1x16xf32> to vector<16xf32>
    %swap3A_148 = vector.shape_cast %broadcast_in_dim3A_5 : vector<16xf32> to vector<1x16xf32>
    tpu.vector_store %arg8[%swap3A_144, %swap3A_145], %swap3A_148 {strides = array<i32>} : memref<16x128xf32, #tpu.memory_space<vmem>>, vector<1x16xf32>,
    %swap3A_149 = arith.constant 3 : i32
    %swap3A_150 = arith.index_cast %swap3A_149 : i32 to index
    %swap3A_151 = arith.constant 0 : index
    %swap3A_152 = tpu.vector_load %arg8[%swap3A_150, %swap3A_151] {strides = array<i32>} : memref<16x128xf32, #tpu.memory_space<vmem>>, vector<1x16xf32>,
    %swap3A_153 = vector.shape_cast %swap3A_152 : vector<1x16xf32> to vector<16xf32>
    %swap3A_154 = vector.shape_cast %broadcast_in_dim3A_5 : vector<16xf32> to vector<1x16xf32>
    tpu.vector_store %arg8[%swap3A_150, %swap3A_151], %swap3A_154 {strides = array<i32>} : memref<16x128xf32, #tpu.memory_space<vmem>>, vector<1x16xf32>,
    %swap3A_155 = arith.constant 3 : i32
    %swap3A_156 = arith.index_cast %swap3A_155 : i32 to index
    %swap3A_157 = arith.constant 16 : index
    %swap3A_158 = tpu.vector_load %arg8[%swap3A_156, %swap3A_157] {strides = array<i32>} : memref<16x128xf32, #tpu.memory_space<vmem>>, vector<1x16xf32>,
    %swap3A_159 = vector.shape_cast %swap3A_158 : vector<1x16xf32> to vector<16xf32>
    %swap3A_160 = vector.shape_cast %broadcast_in_dim3A_5 : vector<16xf32> to vector<1x16xf32>
    tpu.vector_store %arg8[%swap3A_156, %swap3A_157], %swap3A_160 {strides = array<i32>} : memref<16x128xf32, #tpu.memory_space<vmem>>, vector<1x16xf32>,
    %swap3A_161 = arith.constant 3 : i32
    %swap3A_162 = arith.index_cast %swap3A_161 : i32 to index
    %swap3A_163 = arith.constant 32 : index
    %swap3A_164 = tpu.vector_load %arg8[%swap3A_162, %swap3A_163] {strides = array<i32>} : memref<16x128xf32, #tpu.memory_space<vmem>>, vector<1x16xf32>,
    %swap3A_165 = vector.shape_cast %swap3A_164 : vector<1x16xf32> to vector<16xf32>
    %swap3A_166 = vector.shape_cast %broadcast_in_dim3A_5 : vector<16xf32> to vector<1x16xf32>
    tpu.vector_store %arg8[%swap3A_162, %swap3A_163], %swap3A_166 {strides = array<i32>} : memref<16x128xf32, #tpu.memory_space<vmem>>, vector<1x16xf32>,
    %swap3A_167 = arith.constant 3 : i32
    %swap3A_168 = arith.index_cast %swap3A_167 : i32 to index
    %swap3A_169 = arith.constant 48 : index
    %swap3A_170 = tpu.vector_load %arg8[%swap3A_168, %swap3A_169] {strides = array<i32>} : memref<16x128xf32, #tpu.memory_space<vmem>>, vector<1x16xf32>,
    %swap3A_171 = vector.shape_cast %swap3A_170 : vector<1x16xf32> to vector<16xf32>
    %swap3A_172 = vector.shape_cast %broadcast_in_dim3A_5 : vector<16xf32> to vector<1x16xf32>
    tpu.vector_store %arg8[%swap3A_168, %swap3A_169], %swap3A_172 {strides = array<i32>} : memref<16x128xf32, #tpu.memory_space<vmem>>, vector<1x16xf32>,
    %swap3A_173 = arith.constant 3 : i32
    %swap3A_174 = arith.index_cast %swap3A_173 : i32 to index
    %swap3A_175 = arith.constant 64 : index
    %swap3A_176 = tpu.vector_load %arg8[%swap3A_174, %swap3A_175] {strides = array<i32>} : memref<16x128xf32, #tpu.memory_space<vmem>>, vector<1x16xf32>,
    %swap3A_177 = vector.shape_cast %swap3A_176 : vector<1x16xf32> to vector<16xf32>
    %swap3A_178 = vector.shape_cast %broadcast_in_dim3A_5 : vector<16xf32> to vector<1x16xf32>
    tpu.vector_store %arg8[%swap3A_174, %swap3A_175], %swap3A_178 {strides = array<i32>} : memref<16x128xf32, #tpu.memory_space<vmem>>, vector<1x16xf32>,
    %swap3A_179 = arith.constant 3 : i32
    %swap3A_180 = arith.index_cast %swap3A_179 : i32 to index
    %swap3A_181 = arith.constant 80 : index
    %swap3A_182 = tpu.vector_load %arg8[%swap3A_180, %swap3A_181] {strides = array<i32>} : memref<16x128xf32, #tpu.memory_space<vmem>>, vector<1x16xf32>,
    %swap3A_183 = vector.shape_cast %swap3A_182 : vector<1x16xf32> to vector<16xf32>
    %swap3A_184 = vector.shape_cast %broadcast_in_dim3A_5 : vector<16xf32> to vector<1x16xf32>
    tpu.vector_store %arg8[%swap3A_180, %swap3A_181], %swap3A_184 {strides = array<i32>} : memref<16x128xf32, #tpu.memory_space<vmem>>, vector<1x16xf32>,
    %swap3A_185 = arith.constant 3 : i32
    %swap3A_186 = arith.index_cast %swap3A_185 : i32 to index
    %swap3A_187 = arith.constant 96 : index
    %swap3A_188 = tpu.vector_load %arg8[%swap3A_186, %swap3A_187] {strides = array<i32>} : memref<16x128xf32, #tpu.memory_space<vmem>>, vector<1x16xf32>,
    %swap3A_189 = vector.shape_cast %swap3A_188 : vector<1x16xf32> to vector<16xf32>
    %swap3A_190 = vector.shape_cast %broadcast_in_dim3A_5 : vector<16xf32> to vector<1x16xf32>
    tpu.vector_store %arg8[%swap3A_186, %swap3A_187], %swap3A_190 {strides = array<i32>} : memref<16x128xf32, #tpu.memory_space<vmem>>, vector<1x16xf32>,
    %swap3A_191 = arith.constant 3 : i32
    %swap3A_192 = arith.index_cast %swap3A_191 : i32 to index
    %swap3A_193 = arith.constant 112 : index
    %swap3A_194 = tpu.vector_load %arg8[%swap3A_192, %swap3A_193] {strides = array<i32>} : memref<16x128xf32, #tpu.memory_space<vmem>>, vector<1x16xf32>,
    %swap3A_195 = vector.shape_cast %swap3A_194 : vector<1x16xf32> to vector<16xf32>
    %swap3A_196 = vector.shape_cast %broadcast_in_dim3A_5 : vector<16xf32> to vector<1x16xf32>
    tpu.vector_store %arg8[%swap3A_192, %swap3A_193], %swap3A_196 {strides = array<i32>} : memref<16x128xf32, #tpu.memory_space<vmem>>, vector<1x16xf32>,
    %swap3A_197 = arith.constant 4 : i32
    %swap3A_198 = arith.index_cast %swap3A_197 : i32 to index
    %swap3A_199 = arith.constant 0 : index
    %swap3A_200 = tpu.vector_load %arg8[%swap3A_198, %swap3A_199] {strides = array<i32>} : memref<16x128xf32, #tpu.memory_space<vmem>>, vector<1x16xf32>,
    %swap3A_201 = vector.shape_cast %swap3A_200 : vector<1x16xf32> to vector<16xf32>
    %swap3A_202 = vector.shape_cast %broadcast_in_dim3A_5 : vector<16xf32> to vector<1x16xf32>
    tpu.vector_store %arg8[%swap3A_198, %swap3A_199], %swap3A_202 {strides = array<i32>} : memref<16x128xf32, #tpu.memory_space<vmem>>, vector<1x16xf32>,
    %swap3A_203 = arith.constant 4 : i32
    %swap3A_204 = arith.index_cast %swap3A_203 : i32 to index
    %swap3A_205 = arith.constant 16 : index
    %swap3A_206 = tpu.vector_load %arg8[%swap3A_204, %swap3A_205] {strides = array<i32>} : memref<16x128xf32, #tpu.memory_space<vmem>>, vector<1x16xf32>,
    %swap3A_207 = vector.shape_cast %swap3A_206 : vector<1x16xf32> to vector<16xf32>
    %swap3A_208 = vector.shape_cast %broadcast_in_dim3A_5 : vector<16xf32> to vector<1x16xf32>
    tpu.vector_store %arg8[%swap3A_204, %swap3A_205], %swap3A_208 {strides = array<i32>} : memref<16x128xf32, #tpu.memory_space<vmem>>, vector<1x16xf32>,
    %swap3A_209 = arith.constant 4 : i32
    %swap3A_210 = arith.index_cast %swap3A_209 : i32 to index
    %swap3A_211 = arith.constant 32 : index
    %swap3A_212 = tpu.vector_load %arg8[%swap3A_210, %swap3A_211] {strides = array<i32>} : memref<16x128xf32, #tpu.memory_space<vmem>>, vector<1x16xf32>,
    %swap3A_213 = vector.shape_cast %swap3A_212 : vector<1x16xf32> to vector<16xf32>
    %swap3A_214 = vector.shape_cast %broadcast_in_dim3A_5 : vector<16xf32> to vector<1x16xf32>
    tpu.vector_store %arg8[%swap3A_210, %swap3A_211], %swap3A_214 {strides = array<i32>} : memref<16x128xf32, #tpu.memory_space<vmem>>, vector<1x16xf32>,
    %swap3A_215 = arith.constant 4 : i32
    %swap3A_216 = arith.index_cast %swap3A_215 : i32 to index
    %swap3A_217 = arith.constant 48 : index
    %swap3A_218 = tpu.vector_load %arg8[%swap3A_216, %swap3A_217] {strides = array<i32>} : memref<16x128xf32, #tpu.memory_space<vmem>>, vector<1x16xf32>,
    %swap3A_219 = vector.shape_cast %swap3A_218 : vector<1x16xf32> to vector<16xf32>
    %swap3A_220 = vector.shape_cast %broadcast_in_dim3A_5 : vector<16xf32> to vector<1x16xf32>
    tpu.vector_store %arg8[%swap3A_216, %swap3A_217], %swap3A_220 {strides = array<i32>} : memref<16x128xf32, #tpu.memory_space<vmem>>, vector<1x16xf32>,
    %swap3A_221 = arith.constant 4 : i32
    %swap3A_222 = arith.index_cast %swap3A_221 : i32 to index
    %swap3A_223 = arith.constant 64 : index
    %swap3A_224 = tpu.vector_load %arg8[%swap3A_222, %swap3A_223] {strides = array<i32>} : memref<16x128xf32, #tpu.memory_space<vmem>>, vector<1x16xf32>,
    %swap3A_225 = vector.shape_cast %swap3A_224 : vector<1x16xf32> to vector<16xf32>
    %swap3A_226 = vector.shape_cast %broadcast_in_dim3A_5 : vector<16xf32> to vector<1x16xf32>
    tpu.vector_store %arg8[%swap3A_222, %swap3A_223], %swap3A_226 {strides = array<i32>} : memref<16x128xf32, #tpu.memory_space<vmem>>, vector<1x16xf32>,
    %swap3A_227 = arith.constant 4 : i32
    %swap3A_228 = arith.index_cast %swap3A_227 : i32 to index
    %swap3A_229 = arith.constant 80 : index
    %swap3A_230 = tpu.vector_load %arg8[%swap3A_228, %swap3A_229] {strides = array<i32>} : memref<16x128xf32, #tpu.memory_space<vmem>>, vector<1x16xf32>,
    %swap3A_231 = vector.shape_cast %swap3A_230 : vector<1x16xf32> to vector<16xf32>
    %swap3A_232 = vector.shape_cast %broadcast_in_dim3A_5 : vector<16xf32> to vector<1x16xf32>
    tpu.vector_store %arg8[%swap3A_228, %swap3A_229], %swap3A_232 {strides = array<i32>} : memref<16x128xf32, #tpu.memory_space<vmem>>, vector<1x16xf32>,
    %swap3A_233 = arith.constant 4 : i32
    %swap3A_234 = arith.index_cast %swap3A_233 : i32 to index
    %swap3A_235 = arith.constant 96 : index
    %swap3A_236 = tpu.vector_load %arg8[%swap3A_234, %swap3A_235] {strides = array<i32>} : memref<16x128xf32, #tpu.memory_space<vmem>>, vector<1x16xf32>,
    %swap3A_237 = vector.shape_cast %swap3A_236 : vector<1x16xf32> to vector<16xf32>
    %swap3A_238 = vector.shape_cast %broadcast_in_dim3A_5 : vector<16xf32> to vector<1x16xf32>
    tpu.vector_store %arg8[%swap3A_234, %swap3A_235], %swap3A_238 {strides = array<i32>} : memref<16x128xf32, #tpu.memory_space<vmem>>, vector<1x16xf32>,
    %swap3A_239 = arith.constant 4 : i32
    %swap3A_240 = arith.index_cast %swap3A_239 : i32 to index
    %swap3A_241 = arith.constant 112 : index
    %swap3A_242 = tpu.vector_load %arg8[%swap3A_240, %swap3A_241] {strides = array<i32>} : memref<16x128xf32, #tpu.memory_space<vmem>>, vector<1x16xf32>,
    %swap3A_243 = vector.shape_cast %swap3A_242 : vector<1x16xf32> to vector<16xf32>
    %swap3A_244 = vector.shape_cast %broadcast_in_dim3A_5 : vector<16xf32> to vector<1x16xf32>
    tpu.vector_store %arg8[%swap3A_240, %swap3A_241], %swap3A_244 {strides = array<i32>} : memref<16x128xf32, #tpu.memory_space<vmem>>, vector<1x16xf32>,
    %swap3A_245 = arith.constant 5 : i32
    %swap3A_246 = arith.index_cast %swap3A_245 : i32 to index
    %swap3A_247 = arith.constant 0 : index
    %swap3A_248 = tpu.vector_load %arg8[%swap3A_246, %swap3A_247] {strides = array<i32>} : memref<16x128xf32, #tpu.memory_space<vmem>>, vector<1x16xf32>,
    %swap3A_249 = vector.shape_cast %swap3A_248 : vector<1x16xf32> to vector<16xf32>
    %swap3A_250 = vector.shape_cast %broadcast_in_dim3A_5 : vector<16xf32> to vector<1x16xf32>
    tpu.vector_store %arg8[%swap3A_246, %swap3A_247], %swap3A_250 {strides = array<i32>} : memref<16x128xf32, #tpu.memory_space<vmem>>, vector<1x16xf32>,
    %swap3A_251 = arith.constant 5 : i32
    %swap3A_252 = arith.index_cast %swap3A_251 : i32 to index
    %swap3A_253 = arith.constant 16 : index
    %swap3A_254 = tpu.vector_load %arg8[%swap3A_252, %swap3A_253] {strides = array<i32>} : memref<16x128xf32, #tpu.memory_space<vmem>>, vector<1x16xf32>,
    %swap3A_255 = vector.shape_cast %swap3A_254 : vector<1x16xf32> to vector<16xf32>
    %swap3A_256 = vector.shape_cast %broadcast_in_dim3A_5 : vector<16xf32> to vector<1x16xf32>
    tpu.vector_store %arg8[%swap3A_252, %swap3A_253], %swap3A_256 {strides = array<i32>} : memref<16x128xf32, #tpu.memory_space<vmem>>, vector<1x16xf32>,
    %swap3A_257 = arith.constant 5 : i32
    %swap3A_258 = arith.index_cast %swap3A_257 : i32 to index
    %swap3A_259 = arith.constant 32 : index
    %swap3A_260 = tpu.vector_load %arg8[%swap3A_258, %swap3A_259] {strides = array<i32>} : memref<16x128xf32, #tpu.memory_space<vmem>>, vector<1x16xf32>,
    %swap3A_261 = vector.shape_cast %swap3A_260 : vector<1x16xf32> to vector<16xf32>
    %swap3A_262 = vector.shape_cast %broadcast_in_dim3A_5 : vector<16xf32> to vector<1x16xf32>
    tpu.vector_store %arg8[%swap3A_258, %swap3A_259], %swap3A_262 {strides = array<i32>} : memref<16x128xf32, #tpu.memory_space<vmem>>, vector<1x16xf32>,
    %swap3A_263 = arith.constant 5 : i32
    %swap3A_264 = arith.index_cast %swap3A_263 : i32 to index
    %swap3A_265 = arith.constant 48 : index
    %swap3A_266 = tpu.vector_load %arg8[%swap3A_264, %swap3A_265] {strides = array<i32>} : memref<16x128xf32, #tpu.memory_space<vmem>>, vector<1x16xf32>,
    %swap3A_267 = vector.shape_cast %swap3A_266 : vector<1x16xf32> to vector<16xf32>
    %swap3A_268 = vector.shape_cast %broadcast_in_dim3A_5 : vector<16xf32> to vector<1x16xf32>
    tpu.vector_store %arg8[%swap3A_264, %swap3A_265], %swap3A_268 {strides = array<i32>} : memref<16x128xf32, #tpu.memory_space<vmem>>, vector<1x16xf32>,
    %swap3A_269 = arith.constant 5 : i32
    %swap3A_270 = arith.index_cast %swap3A_269 : i32 to index
    %swap3A_271 = arith.constant 64 : index
    %swap3A_272 = tpu.vector_load %arg8[%swap3A_270, %swap3A_271] {strides = array<i32>} : memref<16x128xf32, #tpu.memory_space<vmem>>, vector<1x16xf32>,
    %swap3A_273 = vector.shape_cast %swap3A_272 : vector<1x16xf32> to vector<16xf32>
    %swap3A_274 = vector.shape_cast %broadcast_in_dim3A_5 : vector<16xf32> to vector<1x16xf32>
    tpu.vector_store %arg8[%swap3A_270, %swap3A_271], %swap3A_274 {strides = array<i32>} : memref<16x128xf32, #tpu.memory_space<vmem>>, vector<1x16xf32>,
    %swap3A_275 = arith.constant 5 : i32
    %swap3A_276 = arith.index_cast %swap3A_275 : i32 to index
    %swap3A_277 = arith.constant 80 : index
    %swap3A_278 = tpu.vector_load %arg8[%swap3A_276, %swap3A_277] {strides = array<i32>} : memref<16x128xf32, #tpu.memory_space<vmem>>, vector<1x16xf32>,
    %swap3A_279 = vector.shape_cast %swap3A_278 : vector<1x16xf32> to vector<16xf32>
    %swap3A_280 = vector.shape_cast %broadcast_in_dim3A_5 : vector<16xf32> to vector<1x16xf32>
    tpu.vector_store %arg8[%swap3A_276, %swap3A_277], %swap3A_280 {strides = array<i32>} : memref<16x128xf32, #tpu.memory_space<vmem>>, vector<1x16xf32>,
    %swap3A_281 = arith.constant 5 : i32
    %swap3A_282 = arith.index_cast %swap3A_281 : i32 to index
    %swap3A_283 = arith.constant 96 : index
    %swap3A_284 = tpu.vector_load %arg8[%swap3A_282, %swap3A_283] {strides = array<i32>} : memref<16x128xf32, #tpu.memory_space<vmem>>, vector<1x16xf32>,
    %swap3A_285 = vector.shape_cast %swap3A_284 : vector<1x16xf32> to vector<16xf32>
    %swap3A_286 = vector.shape_cast %broadcast_in_dim3A_5 : vector<16xf32> to vector<1x16xf32>
    tpu.vector_store %arg8[%swap3A_282, %swap3A_283], %swap3A_286 {strides = array<i32>} : memref<16x128xf32, #tpu.memory_space<vmem>>, vector<1x16xf32>,
    %swap3A_287 = arith.constant 5 : i32
    %swap3A_288 = arith.index_cast %swap3A_287 : i32 to index
    %swap3A_289 = arith.constant 112 : index
    %swap3A_290 = tpu.vector_load %arg8[%swap3A_288, %swap3A_289] {strides = array<i32>} : memref<16x128xf32, #tpu.memory_space<vmem>>, vector<1x16xf32>,
    %swap3A_291 = vector.shape_cast %swap3A_290 : vector<1x16xf32> to vector<16xf32>
    %swap3A_292 = vector.shape_cast %broadcast_in_dim3A_5 : vector<16xf32> to vector<1x16xf32>
    tpu.vector_store %arg8[%swap3A_288, %swap3A_289], %swap3A_292 {strides = array<i32>} : memref<16x128xf32, #tpu.memory_space<vmem>>, vector<1x16xf32>,
    %swap3A_293 = arith.constant 6 : i32
    %swap3A_294 = arith.index_cast %swap3A_293 : i32 to index
    %swap3A_295 = arith.constant 0 : index
    %swap3A_296 = tpu.vector_load %arg8[%swap3A_294, %swap3A_295] {strides = array<i32>} : memref<16x128xf32, #tpu.memory_space<vmem>>, vector<1x16xf32>,
    %swap3A_297 = vector.shape_cast %swap3A_296 : vector<1x16xf32> to vector<16xf32>
    %swap3A_298 = vector.shape_cast %broadcast_in_dim3A_5 : vector<16xf32> to vector<1x16xf32>
    tpu.vector_store %arg8[%swap3A_294, %swap3A_295], %swap3A_298 {strides = array<i32>} : memref<16x128xf32, #tpu.memory_space<vmem>>, vector<1x16xf32>,
    %swap3A_299 = arith.constant 6 : i32
    %swap3A_300 = arith.index_cast %swap3A_299 : i32 to index
    %swap3A_301 = arith.constant 16 : index
    %swap3A_302 = tpu.vector_load %arg8[%swap3A_300, %swap3A_301] {strides = array<i32>} : memref<16x128xf32, #tpu.memory_space<vmem>>, vector<1x16xf32>,
    %swap3A_303 = vector.shape_cast %swap3A_302 : vector<1x16xf32> to vector<16xf32>
    %swap3A_304 = vector.shape_cast %broadcast_in_dim3A_5 : vector<16xf32> to vector<1x16xf32>
    tpu.vector_store %arg8[%swap3A_300, %swap3A_301], %swap3A_304 {strides = array<i32>} : memref<16x128xf32, #tpu.memory_space<vmem>>, vector<1x16xf32>,
    %swap3A_305 = arith.constant 6 : i32
    %swap3A_306 = arith.index_cast %swap3A_305 : i32 to index
    %swap3A_307 = arith.constant 32 : index
    %swap3A_308 = tpu.vector_load %arg8[%swap3A_306, %swap3A_307] {strides = array<i32>} : memref<16x128xf32, #tpu.memory_space<vmem>>, vector<1x16xf32>,
    %swap3A_309 = vector.shape_cast %swap3A_308 : vector<1x16xf32> to vector<16xf32>
    %swap3A_310 = vector.shape_cast %broadcast_in_dim3A_5 : vector<16xf32> to vector<1x16xf32>
    tpu.vector_store %arg8[%swap3A_306, %swap3A_307], %swap3A_310 {strides = array<i32>} : memref<16x128xf32, #tpu.memory_space<vmem>>, vector<1x16xf32>,
    %swap3A_311 = arith.constant 6 : i32
    %swap3A_312 = arith.index_cast %swap3A_311 : i32 to index
    %swap3A_313 = arith.constant 48 : index
    %swap3A_314 = tpu.vector_load %arg8[%swap3A_312, %swap3A_313] {strides = array<i32>} : memref<16x128xf32, #tpu.memory_space<vmem>>, vector<1x16xf32>,
    %swap3A_315 = vector.shape_cast %swap3A_314 : vector<1x16xf32> to vector<16xf32>
    %swap3A_316 = vector.shape_cast %broadcast_in_dim3A_5 : vector<16xf32> to vector<1x16xf32>
    tpu.vector_store %arg8[%swap3A_312, %swap3A_313], %swap3A_316 {strides = array<i32>} : memref<16x128xf32, #tpu.memory_space<vmem>>, vector<1x16xf32>,
    %swap3A_317 = arith.constant 6 : i32
    %swap3A_318 = arith.index_cast %swap3A_317 : i32 to index
    %swap3A_319 = arith.constant 64 : index
    %swap3A_320 = tpu.vector_load %arg8[%swap3A_318, %swap3A_319] {strides = array<i32>} : memref<16x128xf32, #tpu.memory_space<vmem>>, vector<1x16xf32>,
    %swap3A_321 = vector.shape_cast %swap3A_320 : vector<1x16xf32> to vector<16xf32>
    %swap3A_322 = vector.shape_cast %broadcast_in_dim3A_5 : vector<16xf32> to vector<1x16xf32>
    tpu.vector_store %arg8[%swap3A_318, %swap3A_319], %swap3A_322 {strides = array<i32>} : memref<16x128xf32, #tpu.memory_space<vmem>>, vector<1x16xf32>,
    %swap3A_323 = arith.constant 6 : i32
    %swap3A_324 = arith.index_cast %swap3A_323 : i32 to index
    %swap3A_325 = arith.constant 80 : index
    %swap3A_326 = tpu.vector_load %arg8[%swap3A_324, %swap3A_325] {strides = array<i32>} : memref<16x128xf32, #tpu.memory_space<vmem>>, vector<1x16xf32>,
    %swap3A_327 = vector.shape_cast %swap3A_326 : vector<1x16xf32> to vector<16xf32>
    %swap3A_328 = vector.shape_cast %broadcast_in_dim3A_5 : vector<16xf32> to vector<1x16xf32>
    tpu.vector_store %arg8[%swap3A_324, %swap3A_325], %swap3A_328 {strides = array<i32>} : memref<16x128xf32, #tpu.memory_space<vmem>>, vector<1x16xf32>,
    %swap3A_329 = arith.constant 6 : i32
    %swap3A_330 = arith.index_cast %swap3A_329 : i32 to index
    %swap3A_331 = arith.constant 96 : index
    %swap3A_332 = tpu.vector_load %arg8[%swap3A_330, %swap3A_331] {strides = array<i32>} : memref<16x128xf32, #tpu.memory_space<vmem>>, vector<1x16xf32>,
    %swap3A_333 = vector.shape_cast %swap3A_332 : vector<1x16xf32> to vector<16xf32>
    %swap3A_334 = vector.shape_cast %broadcast_in_dim3A_5 : vector<16xf32> to vector<1x16xf32>
    tpu.vector_store %arg8[%swap3A_330, %swap3A_331], %swap3A_334 {strides = array<i32>} : memref<16x128xf32, #tpu.memory_space<vmem>>, vector<1x16xf32>,
    %swap3A_335 = arith.constant 6 : i32
    %swap3A_336 = arith.index_cast %swap3A_335 : i32 to index
    %swap3A_337 = arith.constant 112 : index
    %swap3A_338 = tpu.vector_load %arg8[%swap3A_336, %swap3A_337] {strides = array<i32>} : memref<16x128xf32, #tpu.memory_space<vmem>>, vector<1x16xf32>,
    %swap3A_339 = vector.shape_cast %swap3A_338 : vector<1x16xf32> to vector<16xf32>
    %swap3A_340 = vector.shape_cast %broadcast_in_dim3A_5 : vector<16xf32> to vector<1x16xf32>
    tpu.vector_store %arg8[%swap3A_336, %swap3A_337], %swap3A_340 {strides = array<i32>} : memref<16x128xf32, #tpu.memory_space<vmem>>, vector<1x16xf32>,
    %swap3A_341 = arith.constant 7 : i32
    %swap3A_342 = arith.index_cast %swap3A_341 : i32 to index
    %swap3A_343 = arith.constant 0 : index
    %swap3A_344 = tpu.vector_load %arg8[%swap3A_342, %swap3A_343] {strides = array<i32>} : memref<16x128xf32, #tpu.memory_space<vmem>>, vector<1x16xf32>,
    %swap3A_345 = vector.shape_cast %swap3A_344 : vector<1x16xf32> to vector<16xf32>
    %swap3A_346 = vector.shape_cast %broadcast_in_dim3A_5 : vector<16xf32> to vector<1x16xf32>
    tpu.vector_store %arg8[%swap3A_342, %swap3A_343], %swap3A_346 {strides = array<i32>} : memref<16x128xf32, #tpu.memory_space<vmem>>, vector<1x16xf32>,
    %swap3A_347 = arith.constant 7 : i32
    %swap3A_348 = arith.index_cast %swap3A_347 : i32 to index
    %swap3A_349 = arith.constant 16 : index
    %swap3A_350 = tpu.vector_load %arg8[%swap3A_348, %swap3A_349] {strides = array<i32>} : memref<16x128xf32, #tpu.memory_space<vmem>>, vector<1x16xf32>,
    %swap3A_351 = vector.shape_cast %swap3A_350 : vector<1x16xf32> to vector<16xf32>
    %swap3A_352 = vector.shape_cast %broadcast_in_dim3A_5 : vector<16xf32> to vector<1x16xf32>
    tpu.vector_store %arg8[%swap3A_348, %swap3A_349], %swap3A_352 {strides = array<i32>} : memref<16x128xf32, #tpu.memory_space<vmem>>, vector<1x16xf32>,
    %swap3A_353 = arith.constant 7 : i32
    %swap3A_354 = arith.index_cast %swap3A_353 : i32 to index
    %swap3A_355 = arith.constant 32 : index
    %swap3A_356 = tpu.vector_load %arg8[%swap3A_354, %swap3A_355] {strides = array<i32>} : memref<16x128xf32, #tpu.memory_space<vmem>>, vector<1x16xf32>,
    %swap3A_357 = vector.shape_cast %swap3A_356 : vector<1x16xf32> to vector<16xf32>
    %swap3A_358 = vector.shape_cast %broadcast_in_dim3A_5 : vector<16xf32> to vector<1x16xf32>
    tpu.vector_store %arg8[%swap3A_354, %swap3A_355], %swap3A_358 {strides = array<i32>} : memref<16x128xf32, #tpu.memory_space<vmem>>, vector<1x16xf32>,
    %swap3A_359 = arith.constant 7 : i32
    %swap3A_360 = arith.index_cast %swap3A_359 : i32 to index
    %swap3A_361 = arith.constant 48 : index
    %swap3A_362 = tpu.vector_load %arg8[%swap3A_360, %swap3A_361] {strides = array<i32>} : memref<16x128xf32, #tpu.memory_space<vmem>>, vector<1x16xf32>,
    %swap3A_363 = vector.shape_cast %swap3A_362 : vector<1x16xf32> to vector<16xf32>
    %swap3A_364 = vector.shape_cast %broadcast_in_dim3A_5 : vector<16xf32> to vector<1x16xf32>
    tpu.vector_store %arg8[%swap3A_360, %swap3A_361], %swap3A_364 {strides = array<i32>} : memref<16x128xf32, #tpu.memory_space<vmem>>, vector<1x16xf32>,
    %swap3A_365 = arith.constant 7 : i32
    %swap3A_366 = arith.index_cast %swap3A_365 : i32 to index
    %swap3A_367 = arith.constant 64 : index
    %swap3A_368 = tpu.vector_load %arg8[%swap3A_366, %swap3A_367] {strides = array<i32>} : memref<16x128xf32, #tpu.memory_space<vmem>>, vector<1x16xf32>,
    %swap3A_369 = vector.shape_cast %swap3A_368 : vector<1x16xf32> to vector<16xf32>
    %swap3A_370 = vector.shape_cast %broadcast_in_dim3A_5 : vector<16xf32> to vector<1x16xf32>
    tpu.vector_store %arg8[%swap3A_366, %swap3A_367], %swap3A_370 {strides = array<i32>} : memref<16x128xf32, #tpu.memory_space<vmem>>, vector<1x16xf32>,
    %swap3A_371 = arith.constant 7 : i32
    %swap3A_372 = arith.index_cast %swap3A_371 : i32 to index
    %swap3A_373 = arith.constant 80 : index
    %swap3A_374 = tpu.vector_load %arg8[%swap3A_372, %swap3A_373] {strides = array<i32>} : memref<16x128xf32, #tpu.memory_space<vmem>>, vector<1x16xf32>,
    %swap3A_375 = vector.shape_cast %swap3A_374 : vector<1x16xf32> to vector<16xf32>
    %swap3A_376 = vector.shape_cast %broadcast_in_dim3A_5 : vector<16xf32> to vector<1x16xf32>
    tpu.vector_store %arg8[%swap3A_372, %swap3A_373], %swap3A_376 {strides = array<i32>} : memref<16x128xf32, #tpu.memory_space<vmem>>, vector<1x16xf32>,
    %swap3A_377 = arith.constant 7 : i32
    %swap3A_378 = arith.index_cast %swap3A_377 : i32 to index
    %swap3A_379 = arith.constant 96 : index
    %swap3A_380 = tpu.vector_load %arg8[%swap3A_378, %swap3A_379] {strides = array<i32>} : memref<16x128xf32, #tpu.memory_space<vmem>>, vector<1x16xf32>,
    %swap3A_381 = vector.shape_cast %swap3A_380 : vector<1x16xf32> to vector<16xf32>
    %swap3A_382 = vector.shape_cast %broadcast_in_dim3A_5 : vector<16xf32> to vector<1x16xf32>
    tpu.vector_store %arg8[%swap3A_378, %swap3A_379], %swap3A_382 {strides = array<i32>} : memref<16x128xf32, #tpu.memory_space<vmem>>, vector<1x16xf32>,
    %swap3A_383 = arith.constant 7 : i32
    %swap3A_384 = arith.index_cast %swap3A_383 : i32 to index
    %swap3A_385 = arith.constant 112 : index
    %swap3A_386 = tpu.vector_load %arg8[%swap3A_384, %swap3A_385] {strides = array<i32>} : memref<16x128xf32, #tpu.memory_space<vmem>>, vector<1x16xf32>,
    %swap3A_387 = vector.shape_cast %swap3A_386 : vector<1x16xf32> to vector<16xf32>
    %swap3A_388 = vector.shape_cast %broadcast_in_dim3A_5 : vector<16xf32> to vector<1x16xf32>
    tpu.vector_store %arg8[%swap3A_384, %swap3A_385], %swap3A_388 {strides = array<i32>} : memref<16x128xf32, #tpu.memory_space<vmem>>, vector<1x16xf32>,
    %swap3A_389 = arith.constant 8 : i32
    %swap3A_390 = arith.index_cast %swap3A_389 : i32 to index
    %swap3A_391 = arith.constant 0 : index
    %swap3A_392 = tpu.vector_load %arg8[%swap3A_390, %swap3A_391] {strides = array<i32>} : memref<16x128xf32, #tpu.memory_space<vmem>>, vector<1x16xf32>,
    %swap3A_393 = vector.shape_cast %swap3A_392 : vector<1x16xf32> to vector<16xf32>
    %swap3A_394 = vector.shape_cast %broadcast_in_dim3A_5 : vector<16xf32> to vector<1x16xf32>
    tpu.vector_store %arg8[%swap3A_390, %swap3A_391], %swap3A_394 {strides = array<i32>} : memref<16x128xf32, #tpu.memory_space<vmem>>, vector<1x16xf32>,
    %swap3A_395 = arith.constant 8 : i32
    %swap3A_396 = arith.index_cast %swap3A_395 : i32 to index
    %swap3A_397 = arith.constant 16 : index
    %swap3A_398 = tpu.vector_load %arg8[%swap3A_396, %swap3A_397] {strides = array<i32>} : memref<16x128xf32, #tpu.memory_space<vmem>>, vector<1x16xf32>,
    %swap3A_399 = vector.shape_cast %swap3A_398 : vector<1x16xf32> to vector<16xf32>
    %swap3A_400 = vector.shape_cast %broadcast_in_dim3A_5 : vector<16xf32> to vector<1x16xf32>
    tpu.vector_store %arg8[%swap3A_396, %swap3A_397], %swap3A_400 {strides = array<i32>} : memref<16x128xf32, #tpu.memory_space<vmem>>, vector<1x16xf32>,
    %swap3A_401 = arith.constant 8 : i32
    %swap3A_402 = arith.index_cast %swap3A_401 : i32 to index
    %swap3A_403 = arith.constant 32 : index
    %swap3A_404 = tpu.vector_load %arg8[%swap3A_402, %swap3A_403] {strides = array<i32>} : memref<16x128xf32, #tpu.memory_space<vmem>>, vector<1x16xf32>,
    %swap3A_405 = vector.shape_cast %swap3A_404 : vector<1x16xf32> to vector<16xf32>
    %swap3A_406 = vector.shape_cast %broadcast_in_dim3A_5 : vector<16xf32> to vector<1x16xf32>
    tpu.vector_store %arg8[%swap3A_402, %swap3A_403], %swap3A_406 {strides = array<i32>} : memref<16x128xf32, #tpu.memory_space<vmem>>, vector<1x16xf32>,
    %swap3A_407 = arith.constant 8 : i32
    %swap3A_408 = arith.index_cast %swap3A_407 : i32 to index
    %swap3A_409 = arith.constant 48 : index
    %swap3A_410 = tpu.vector_load %arg8[%swap3A_408, %swap3A_409] {strides = array<i32>} : memref<16x128xf32, #tpu.memory_space<vmem>>, vector<1x16xf32>,
    %swap3A_411 = vector.shape_cast %swap3A_410 : vector<1x16xf32> to vector<16xf32>
    %swap3A_412 = vector.shape_cast %broadcast_in_dim3A_5 : vector<16xf32> to vector<1x16xf32>
    tpu.vector_store %arg8[%swap3A_408, %swap3A_409], %swap3A_412 {strides = array<i32>} : memref<16x128xf32, #tpu.memory_space<vmem>>, vector<1x16xf32>,
    %swap3A_413 = arith.constant 8 : i32
    %swap3A_414 = arith.index_cast %swap3A_413 : i32 to index
    %swap3A_415 = arith.constant 64 : index
    %swap3A_416 = tpu.vector_load %arg8[%swap3A_414, %swap3A_415] {strides = array<i32>} : memref<16x128xf32, #tpu.memory_space<vmem>>, vector<1x16xf32>,
    %swap3A_417 = vector.shape_cast %swap3A_416 : vector<1x16xf32> to vector<16xf32>
    %swap3A_418 = vector.shape_cast %broadcast_in_dim3A_5 : vector<16xf32> to vector<1x16xf32>
    tpu.vector_store %arg8[%swap3A_414, %swap3A_415], %swap3A_418 {strides = array<i32>} : memref<16x128xf32, #tpu.memory_space<vmem>>, vector<1x16xf32>,
    %swap3A_419 = arith.constant 8 : i32
    %swap3A_420 = arith.index_cast %swap3A_419 : i32 to index
    %swap3A_421 = arith.constant 80 : index
    %swap3A_422 = tpu.vector_load %arg8[%swap3A_420, %swap3A_421] {strides = array<i32>} : memref<16x128xf32, #tpu.memory_space<vmem>>, vector<1x16xf32>,
    %swap3A_423 = vector.shape_cast %swap3A_422 : vector<1x16xf32> to vector<16xf32>
    %swap3A_424 = vector.shape_cast %broadcast_in_dim3A_5 : vector<16xf32> to vector<1x16xf32>
    tpu.vector_store %arg8[%swap3A_420, %swap3A_421], %swap3A_424 {strides = array<i32>} : memref<16x128xf32, #tpu.memory_space<vmem>>, vector<1x16xf32>,
    %swap3A_425 = arith.constant 8 : i32
    %swap3A_426 = arith.index_cast %swap3A_425 : i32 to index
    %swap3A_427 = arith.constant 96 : index
    %swap3A_428 = tpu.vector_load %arg8[%swap3A_426, %swap3A_427] {strides = array<i32>} : memref<16x128xf32, #tpu.memory_space<vmem>>, vector<1x16xf32>,
    %swap3A_429 = vector.shape_cast %swap3A_428 : vector<1x16xf32> to vector<16xf32>
    %swap3A_430 = vector.shape_cast %broadcast_in_dim3A_5 : vector<16xf32> to vector<1x16xf32>
    tpu.vector_store %arg8[%swap3A_426, %swap3A_427], %swap3A_430 {strides = array<i32>} : memref<16x128xf32, #tpu.memory_space<vmem>>, vector<1x16xf32>,
    %swap3A_431 = arith.constant 8 : i32
    %swap3A_432 = arith.index_cast %swap3A_431 : i32 to index
    %swap3A_433 = arith.constant 112 : index
    %swap3A_434 = tpu.vector_load %arg8[%swap3A_432, %swap3A_433] {strides = array<i32>} : memref<16x128xf32, #tpu.memory_space<vmem>>, vector<1x16xf32>,
    %swap3A_435 = vector.shape_cast %swap3A_434 : vector<1x16xf32> to vector<16xf32>
    %swap3A_436 = vector.shape_cast %broadcast_in_dim3A_5 : vector<16xf32> to vector<1x16xf32>
    tpu.vector_store %arg8[%swap3A_432, %swap3A_433], %swap3A_436 {strides = array<i32>} : memref<16x128xf32, #tpu.memory_space<vmem>>, vector<1x16xf32>,
    %swap3A_437 = arith.constant 9 : i32
    %swap3A_438 = arith.index_cast %swap3A_437 : i32 to index
    %swap3A_439 = arith.constant 0 : index
    %swap3A_440 = tpu.vector_load %arg8[%swap3A_438, %swap3A_439] {strides = array<i32>} : memref<16x128xf32, #tpu.memory_space<vmem>>, vector<1x16xf32>,
    %swap3A_441 = vector.shape_cast %swap3A_440 : vector<1x16xf32> to vector<16xf32>
    %swap3A_442 = vector.shape_cast %broadcast_in_dim3A_5 : vector<16xf32> to vector<1x16xf32>
    tpu.vector_store %arg8[%swap3A_438, %swap3A_439], %swap3A_442 {strides = array<i32>} : memref<16x128xf32, #tpu.memory_space<vmem>>, vector<1x16xf32>,
    %swap3A_443 = arith.constant 9 : i32
    %swap3A_444 = arith.index_cast %swap3A_443 : i32 to index
    %swap3A_445 = arith.constant 16 : index
    %swap3A_446 = tpu.vector_load %arg8[%swap3A_444, %swap3A_445] {strides = array<i32>} : memref<16x128xf32, #tpu.memory_space<vmem>>, vector<1x16xf32>,
    %swap3A_447 = vector.shape_cast %swap3A_446 : vector<1x16xf32> to vector<16xf32>
    %swap3A_448 = vector.shape_cast %broadcast_in_dim3A_5 : vector<16xf32> to vector<1x16xf32>
    tpu.vector_store %arg8[%swap3A_444, %swap3A_445], %swap3A_448 {strides = array<i32>} : memref<16x128xf32, #tpu.memory_space<vmem>>, vector<1x16xf32>,
    %swap3A_449 = arith.constant 9 : i32
    %swap3A_450 = arith.index_cast %swap3A_449 : i32 to index
    %swap3A_451 = arith.constant 32 : index
    %swap3A_452 = tpu.vector_load %arg8[%swap3A_450, %swap3A_451] {strides = array<i32>} : memref<16x128xf32, #tpu.memory_space<vmem>>, vector<1x16xf32>,
    %swap3A_453 = vector.shape_cast %swap3A_452 : vector<1x16xf32> to vector<16xf32>
    %swap3A_454 = vector.shape_cast %broadcast_in_dim3A_5 : vector<16xf32> to vector<1x16xf32>
    tpu.vector_store %arg8[%swap3A_450, %swap3A_451], %swap3A_454 {strides = array<i32>} : memref<16x128xf32, #tpu.memory_space<vmem>>, vector<1x16xf32>,
    %swap3A_455 = arith.constant 9 : i32
    %swap3A_456 = arith.index_cast %swap3A_455 : i32 to index
    %swap3A_457 = arith.constant 48 : index
    %swap3A_458 = tpu.vector_load %arg8[%swap3A_456, %swap3A_457] {strides = array<i32>} : memref<16x128xf32, #tpu.memory_space<vmem>>, vector<1x16xf32>,
    %swap3A_459 = vector.shape_cast %swap3A_458 : vector<1x16xf32> to vector<16xf32>
    %swap3A_460 = vector.shape_cast %broadcast_in_dim3A_5 : vector<16xf32> to vector<1x16xf32>
    tpu.vector_store %arg8[%swap3A_456, %swap3A_457], %swap3A_460 {strides = array<i32>} : memref<16x128xf32, #tpu.memory_space<vmem>>, vector<1x16xf32>,
    %swap3A_461 = arith.constant 9 : i32
    %swap3A_462 = arith.index_cast %swap3A_461 : i32 to index
    %swap3A_463 = arith.constant 64 : index
    %swap3A_464 = tpu.vector_load %arg8[%swap3A_462, %swap3A_463] {strides = array<i32>} : memref<16x128xf32, #tpu.memory_space<vmem>>, vector<1x16xf32>,
    %swap3A_465 = vector.shape_cast %swap3A_464 : vector<1x16xf32> to vector<16xf32>
    %swap3A_466 = vector.shape_cast %broadcast_in_dim3A_5 : vector<16xf32> to vector<1x16xf32>
    tpu.vector_store %arg8[%swap3A_462, %swap3A_463], %swap3A_466 {strides = array<i32>} : memref<16x128xf32, #tpu.memory_space<vmem>>, vector<1x16xf32>,
    %swap3A_467 = arith.constant 9 : i32
    %swap3A_468 = arith.index_cast %swap3A_467 : i32 to index
    %swap3A_469 = arith.constant 80 : index
    %swap3A_470 = tpu.vector_load %arg8[%swap3A_468, %swap3A_469] {strides = array<i32>} : memref<16x128xf32, #tpu.memory_space<vmem>>, vector<1x16xf32>,
    %swap3A_471 = vector.shape_cast %swap3A_470 : vector<1x16xf32> to vector<16xf32>
    %swap3A_472 = vector.shape_cast %broadcast_in_dim3A_5 : vector<16xf32> to vector<1x16xf32>
    tpu.vector_store %arg8[%swap3A_468, %swap3A_469], %swap3A_472 {strides = array<i32>} : memref<16x128xf32, #tpu.memory_space<vmem>>, vector<1x16xf32>,
    %swap3A_473 = arith.constant 9 : i32
    %swap3A_474 = arith.index_cast %swap3A_473 : i32 to index
    %swap3A_475 = arith.constant 96 : index
    %swap3A_476 = tpu.vector_load %arg8[%swap3A_474, %swap3A_475] {strides = array<i32>} : memref<16x128xf32, #tpu.memory_space<vmem>>, vector<1x16xf32>,
    %swap3A_477 = vector.shape_cast %swap3A_476 : vector<1x16xf32> to vector<16xf32>
    %swap3A_478 = vector.shape_cast %broadcast_in_dim3A_5 : vector<16xf32> to vector<1x16xf32>
    tpu.vector_store %arg8[%swap3A_474, %swap3A_475], %swap3A_478 {strides = array<i32>} : memref<16x128xf32, #tpu.memory_space<vmem>>, vector<1x16xf32>,
    %swap3A_479 = arith.constant 9 : i32
    %swap3A_480 = arith.index_cast %swap3A_479 : i32 to index
    %swap3A_481 = arith.constant 112 : index
    %swap3A_482 = tpu.vector_load %arg8[%swap3A_480, %swap3A_481] {strides = array<i32>} : memref<16x128xf32, #tpu.memory_space<vmem>>, vector<1x16xf32>,
    %swap3A_483 = vector.shape_cast %swap3A_482 : vector<1x16xf32> to vector<16xf32>
    %swap3A_484 = vector.shape_cast %broadcast_in_dim3A_5 : vector<16xf32> to vector<1x16xf32>
    tpu.vector_store %arg8[%swap3A_480, %swap3A_481], %swap3A_484 {strides = array<i32>} : memref<16x128xf32, #tpu.memory_space<vmem>>, vector<1x16xf32>,
    %swap3A_485 = arith.constant 10 : i32
    %swap3A_486 = arith.index_cast %swap3A_485 : i32 to index
    %swap3A_487 = arith.constant 0 : index
    %swap3A_488 = tpu.vector_load %arg8[%swap3A_486, %swap3A_487] {strides = array<i32>} : memref<16x128xf32, #tpu.memory_space<vmem>>, vector<1x16xf32>,
    %swap3A_489 = vector.shape_cast %swap3A_488 : vector<1x16xf32> to vector<16xf32>
    %swap3A_490 = vector.shape_cast %broadcast_in_dim3A_5 : vector<16xf32> to vector<1x16xf32>
    tpu.vector_store %arg8[%swap3A_486, %swap3A_487], %swap3A_490 {strides = array<i32>} : memref<16x128xf32, #tpu.memory_space<vmem>>, vector<1x16xf32>,
    %swap3A_491 = arith.constant 10 : i32
    %swap3A_492 = arith.index_cast %swap3A_491 : i32 to index
    %swap3A_493 = arith.constant 16 : index
    %swap3A_494 = tpu.vector_load %arg8[%swap3A_492, %swap3A_493] {strides = array<i32>} : memref<16x128xf32, #tpu.memory_space<vmem>>, vector<1x16xf32>,
    %swap3A_495 = vector.shape_cast %swap3A_494 : vector<1x16xf32> to vector<16xf32>
    %swap3A_496 = vector.shape_cast %broadcast_in_dim3A_5 : vector<16xf32> to vector<1x16xf32>
    tpu.vector_store %arg8[%swap3A_492, %swap3A_493], %swap3A_496 {strides = array<i32>} : memref<16x128xf32, #tpu.memory_space<vmem>>, vector<1x16xf32>,
    %swap3A_497 = arith.constant 10 : i32
    %swap3A_498 = arith.index_cast %swap3A_497 : i32 to index
    %swap3A_499 = arith.constant 32 : index
    %swap3A_500 = tpu.vector_load %arg8[%swap3A_498, %swap3A_499] {strides = array<i32>} : memref<16x128xf32, #tpu.memory_space<vmem>>, vector<1x16xf32>,
    %swap3A_501 = vector.shape_cast %swap3A_500 : vector<1x16xf32> to vector<16xf32>
    %swap3A_502 = vector.shape_cast %broadcast_in_dim3A_5 : vector<16xf32> to vector<1x16xf32>
    tpu.vector_store %arg8[%swap3A_498, %swap3A_499], %swap3A_502 {strides = array<i32>} : memref<16x128xf32, #tpu.memory_space<vmem>>, vector<1x16xf32>,
    %swap3A_503 = arith.constant 10 : i32
    %swap3A_504 = arith.index_cast %swap3A_503 : i32 to index
    %swap3A_505 = arith.constant 48 : index
    %swap3A_506 = tpu.vector_load %arg8[%swap3A_504, %swap3A_505] {strides = array<i32>} : memref<16x128xf32, #tpu.memory_space<vmem>>, vector<1x16xf32>,
    %swap3A_507 = vector.shape_cast %swap3A_506 : vector<1x16xf32> to vector<16xf32>
    %swap3A_508 = vector.shape_cast %broadcast_in_dim3A_5 : vector<16xf32> to vector<1x16xf32>
    tpu.vector_store %arg8[%swap3A_504, %swap3A_505], %swap3A_508 {strides = array<i32>} : memref<16x128xf32, #tpu.memory_space<vmem>>, vector<1x16xf32>,
    %swap3A_509 = arith.constant 10 : i32
    %swap3A_510 = arith.index_cast %swap3A_509 : i32 to index
    %swap3A_511 = arith.constant 64 : index
    %swap3A_512 = tpu.vector_load %arg8[%swap3A_510, %swap3A_511] {strides = array<i32>} : memref<16x128xf32, #tpu.memory_space<vmem>>, vector<1x16xf32>,
    %swap3A_513 = vector.shape_cast %swap3A_512 : vector<1x16xf32> to vector<16xf32>
    %swap3A_514 = vector.shape_cast %broadcast_in_dim3A_5 : vector<16xf32> to vector<1x16xf32>
    tpu.vector_store %arg8[%swap3A_510, %swap3A_511], %swap3A_514 {strides = array<i32>} : memref<16x128xf32, #tpu.memory_space<vmem>>, vector<1x16xf32>,
    %swap3A_515 = arith.constant 10 : i32
    %swap3A_516 = arith.index_cast %swap3A_515 : i32 to index
    %swap3A_517 = arith.constant 80 : index
    %swap3A_518 = tpu.vector_load %arg8[%swap3A_516, %swap3A_517] {strides = array<i32>} : memref<16x128xf32, #tpu.memory_space<vmem>>, vector<1x16xf32>,
    %swap3A_519 = vector.shape_cast %swap3A_518 : vector<1x16xf32> to vector<16xf32>
    %swap3A_520 = vector.shape_cast %broadcast_in_dim3A_5 : vector<16xf32> to vector<1x16xf32>
    tpu.vector_store %arg8[%swap3A_516, %swap3A_517], %swap3A_520 {strides = array<i32>} : memref<16x128xf32, #tpu.memory_space<vmem>>, vector<1x16xf32>,
    %swap3A_521 = arith.constant 10 : i32
    %swap3A_522 = arith.index_cast %swap3A_521 : i32 to index
    %swap3A_523 = arith.constant 96 : index
    %swap3A_524 = tpu.vector_load %arg8[%swap3A_522, %swap3A_523] {strides = array<i32>} : memref<16x128xf32, #tpu.memory_space<vmem>>, vector<1x16xf32>,
    %swap3A_525 = vector.shape_cast %swap3A_524 : vector<1x16xf32> to vector<16xf32>
    %swap3A_526 = vector.shape_cast %broadcast_in_dim3A_5 : vector<16xf32> to vector<1x16xf32>
    tpu.vector_store %arg8[%swap3A_522, %swap3A_523], %swap3A_526 {strides = array<i32>} : memref<16x128xf32, #tpu.memory_space<vmem>>, vector<1x16xf32>,
    %swap3A_527 = arith.constant 10 : i32
    %swap3A_528 = arith.index_cast %swap3A_527 : i32 to index
    %swap3A_529 = arith.constant 112 : index
    %swap3A_530 = tpu.vector_load %arg8[%swap3A_528, %swap3A_529] {strides = array<i32>} : memref<16x128xf32, #tpu.memory_space<vmem>>, vector<1x16xf32>,
    %swap3A_531 = vector.shape_cast %swap3A_530 : vector<1x16xf32> to vector<16xf32>
    %swap3A_532 = vector.shape_cast %broadcast_in_dim3A_5 : vector<16xf32> to vector<1x16xf32>
    tpu.vector_store %arg8[%swap3A_528, %swap3A_529], %swap3A_532 {strides = array<i32>} : memref<16x128xf32, #tpu.memory_space<vmem>>, vector<1x16xf32>,
    %swap3A_533 = arith.constant 11 : i32
    %swap3A_534 = arith.index_cast %swap3A_533 : i32 to index
    %swap3A_535 = arith.constant 0 : index
    %swap3A_536 = tpu.vector_load %arg8[%swap3A_534, %swap3A_535] {strides = array<i32>} : memref<16x128xf32, #tpu.memory_space<vmem>>, vector<1x16xf32>,
    %swap3A_537 = vector.shape_cast %swap3A_536 : vector<1x16xf32> to vector<16xf32>
    %swap3A_538 = vector.shape_cast %broadcast_in_dim3A_5 : vector<16xf32> to vector<1x16xf32>
    tpu.vector_store %arg8[%swap3A_534, %swap3A_535], %swap3A_538 {strides = array<i32>} : memref<16x128xf32, #tpu.memory_space<vmem>>, vector<1x16xf32>,
    %swap3A_539 = arith.constant 11 : i32
    %swap3A_540 = arith.index_cast %swap3A_539 : i32 to index
    %swap3A_541 = arith.constant 16 : index
    %swap3A_542 = tpu.vector_load %arg8[%swap3A_540, %swap3A_541] {strides = array<i32>} : memref<16x128xf32, #tpu.memory_space<vmem>>, vector<1x16xf32>,
    %swap3A_543 = vector.shape_cast %swap3A_542 : vector<1x16xf32> to vector<16xf32>
    %swap3A_544 = vector.shape_cast %broadcast_in_dim3A_5 : vector<16xf32> to vector<1x16xf32>
    tpu.vector_store %arg8[%swap3A_540, %swap3A_541], %swap3A_544 {strides = array<i32>} : memref<16x128xf32, #tpu.memory_space<vmem>>, vector<1x16xf32>,
    %swap3A_545 = arith.constant 11 : i32
    %swap3A_546 = arith.index_cast %swap3A_545 : i32 to index
    %swap3A_547 = arith.constant 32 : index
    %swap3A_548 = tpu.vector_load %arg8[%swap3A_546, %swap3A_547] {strides = array<i32>} : memref<16x128xf32, #tpu.memory_space<vmem>>, vector<1x16xf32>,
    %swap3A_549 = vector.shape_cast %swap3A_548 : vector<1x16xf32> to vector<16xf32>
    %swap3A_550 = vector.shape_cast %broadcast_in_dim3A_5 : vector<16xf32> to vector<1x16xf32>
    tpu.vector_store %arg8[%swap3A_546, %swap3A_547], %swap3A_550 {strides = array<i32>} : memref<16x128xf32, #tpu.memory_space<vmem>>, vector<1x16xf32>,
    %swap3A_551 = arith.constant 11 : i32
    %swap3A_552 = arith.index_cast %swap3A_551 : i32 to index
    %swap3A_553 = arith.constant 48 : index
    %swap3A_554 = tpu.vector_load %arg8[%swap3A_552, %swap3A_553] {strides = array<i32>} : memref<16x128xf32, #tpu.memory_space<vmem>>, vector<1x16xf32>,
    %swap3A_555 = vector.shape_cast %swap3A_554 : vector<1x16xf32> to vector<16xf32>
    %swap3A_556 = vector.shape_cast %broadcast_in_dim3A_5 : vector<16xf32> to vector<1x16xf32>
    tpu.vector_store %arg8[%swap3A_552, %swap3A_553], %swap3A_556 {strides = array<i32>} : memref<16x128xf32, #tpu.memory_space<vmem>>, vector<1x16xf32>,
    %swap3A_557 = arith.constant 11 : i32
    %swap3A_558 = arith.index_cast %swap3A_557 : i32 to index
    %swap3A_559 = arith.constant 64 : index
    %swap3A_560 = tpu.vector_load %arg8[%swap3A_558, %swap3A_559] {strides = array<i32>} : memref<16x128xf32, #tpu.memory_space<vmem>>, vector<1x16xf32>,
    %swap3A_561 = vector.shape_cast %swap3A_560 : vector<1x16xf32> to vector<16xf32>
    %swap3A_562 = vector.shape_cast %broadcast_in_dim3A_5 : vector<16xf32> to vector<1x16xf32>
    tpu.vector_store %arg8[%swap3A_558, %swap3A_559], %swap3A_562 {strides = array<i32>} : memref<16x128xf32, #tpu.memory_space<vmem>>, vector<1x16xf32>,
    %swap3A_563 = arith.constant 11 : i32
    %swap3A_564 = arith.index_cast %swap3A_563 : i32 to index
    %swap3A_565 = arith.constant 80 : index
    %swap3A_566 = tpu.vector_load %arg8[%swap3A_564, %swap3A_565] {strides = array<i32>} : memref<16x128xf32, #tpu.memory_space<vmem>>, vector<1x16xf32>,
    %swap3A_567 = vector.shape_cast %swap3A_566 : vector<1x16xf32> to vector<16xf32>
    %swap3A_568 = vector.shape_cast %broadcast_in_dim3A_5 : vector<16xf32> to vector<1x16xf32>
    tpu.vector_store %arg8[%swap3A_564, %swap3A_565], %swap3A_568 {strides = array<i32>} : memref<16x128xf32, #tpu.memory_space<vmem>>, vector<1x16xf32>,
    %swap3A_569 = arith.constant 11 : i32
    %swap3A_570 = arith.index_cast %swap3A_569 : i32 to index
    %swap3A_571 = arith.constant 96 : index
    %swap3A_572 = tpu.vector_load %arg8[%swap3A_570, %swap3A_571] {strides = array<i32>} : memref<16x128xf32, #tpu.memory_space<vmem>>, vector<1x16xf32>,
    %swap3A_573 = vector.shape_cast %swap3A_572 : vector<1x16xf32> to vector<16xf32>
    %swap3A_574 = vector.shape_cast %broadcast_in_dim3A_5 : vector<16xf32> to vector<1x16xf32>
    tpu.vector_store %arg8[%swap3A_570, %swap3A_571], %swap3A_574 {strides = array<i32>} : memref<16x128xf32, #tpu.memory_space<vmem>>, vector<1x16xf32>,
    %swap3A_575 = arith.constant 11 : i32
    %swap3A_576 = arith.index_cast %swap3A_575 : i32 to index
    %swap3A_577 = arith.constant 112 : index
    %swap3A_578 = tpu.vector_load %arg8[%swap3A_576, %swap3A_577] {strides = array<i32>} : memref<16x128xf32, #tpu.memory_space<vmem>>, vector<1x16xf32>,
    %swap3A_579 = vector.shape_cast %swap3A_578 : vector<1x16xf32> to vector<16xf32>
    %swap3A_580 = vector.shape_cast %broadcast_in_dim3A_5 : vector<16xf32> to vector<1x16xf32>
    tpu.vector_store %arg8[%swap3A_576, %swap3A_577], %swap3A_580 {strides = array<i32>} : memref<16x128xf32, #tpu.memory_space<vmem>>, vector<1x16xf32>,
    %swap3A_581 = arith.constant 12 : i32
    %swap3A_582 = arith.index_cast %swap3A_581 : i32 to index
    %swap3A_583 = arith.constant 0 : index
    %swap3A_584 = tpu.vector_load %arg8[%swap3A_582, %swap3A_583] {strides = array<i32>} : memref<16x128xf32, #tpu.memory_space<vmem>>, vector<1x16xf32>,
    %swap3A_585 = vector.shape_cast %swap3A_584 : vector<1x16xf32> to vector<16xf32>
    %swap3A_586 = vector.shape_cast %broadcast_in_dim3A_5 : vector<16xf32> to vector<1x16xf32>
    tpu.vector_store %arg8[%swap3A_582, %swap3A_583], %swap3A_586 {strides = array<i32>} : memref<16x128xf32, #tpu.memory_space<vmem>>, vector<1x16xf32>,
    %swap3A_587 = arith.constant 12 : i32
    %swap3A_588 = arith.index_cast %swap3A_587 : i32 to index
    %swap3A_589 = arith.constant 16 : index
    %swap3A_590 = tpu.vector_load %arg8[%swap3A_588, %swap3A_589] {strides = array<i32>} : memref<16x128xf32, #tpu.memory_space<vmem>>, vector<1x16xf32>,
    %swap3A_591 = vector.shape_cast %swap3A_590 : vector<1x16xf32> to vector<16xf32>
    %swap3A_592 = vector.shape_cast %broadcast_in_dim3A_5 : vector<16xf32> to vector<1x16xf32>
    tpu.vector_store %arg8[%swap3A_588, %swap3A_589], %swap3A_592 {strides = array<i32>} : memref<16x128xf32, #tpu.memory_space<vmem>>, vector<1x16xf32>,
    %swap3A_593 = arith.constant 12 : i32
    %swap3A_594 = arith.index_cast %swap3A_593 : i32 to index
    %swap3A_595 = arith.constant 32 : index
    %swap3A_596 = tpu.vector_load %arg8[%swap3A_594, %swap3A_595] {strides = array<i32>} : memref<16x128xf32, #tpu.memory_space<vmem>>, vector<1x16xf32>,
    %swap3A_597 = vector.shape_cast %swap3A_596 : vector<1x16xf32> to vector<16xf32>
    %swap3A_598 = vector.shape_cast %broadcast_in_dim3A_5 : vector<16xf32> to vector<1x16xf32>
    tpu.vector_store %arg8[%swap3A_594, %swap3A_595], %swap3A_598 {strides = array<i32>} : memref<16x128xf32, #tpu.memory_space<vmem>>, vector<1x16xf32>,
    %swap3A_599 = arith.constant 12 : i32
    %swap3A_600 = arith.index_cast %swap3A_599 : i32 to index
    %swap3A_601 = arith.constant 48 : index
    %swap3A_602 = tpu.vector_load %arg8[%swap3A_600, %swap3A_601] {strides = array<i32>} : memref<16x128xf32, #tpu.memory_space<vmem>>, vector<1x16xf32>,
    %swap3A_603 = vector.shape_cast %swap3A_602 : vector<1x16xf32> to vector<16xf32>
    %swap3A_604 = vector.shape_cast %broadcast_in_dim3A_5 : vector<16xf32> to vector<1x16xf32>
    tpu.vector_store %arg8[%swap3A_600, %swap3A_601], %swap3A_604 {strides = array<i32>} : memref<16x128xf32, #tpu.memory_space<vmem>>, vector<1x16xf32>,
    %swap3A_605 = arith.constant 12 : i32
    %swap3A_606 = arith.index_cast %swap3A_605 : i32 to index
    %swap3A_607 = arith.constant 64 : index
    %swap3A_608 = tpu.vector_load %arg8[%swap3A_606, %swap3A_607] {strides = array<i32>} : memref<16x128xf32, #tpu.memory_space<vmem>>, vector<1x16xf32>,
    %swap3A_609 = vector.shape_cast %swap3A_608 : vector<1x16xf32> to vector<16xf32>
    %swap3A_610 = vector.shape_cast %broadcast_in_dim3A_5 : vector<16xf32> to vector<1x16xf32>
    tpu.vector_store %arg8[%swap3A_606, %swap3A_607], %swap3A_610 {strides = array<i32>} : memref<16x128xf32, #tpu.memory_space<vmem>>, vector<1x16xf32>,
    %swap3A_611 = arith.constant 12 : i32
    %swap3A_612 = arith.index_cast %swap3A_611 : i32 to index
    %swap3A_613 = arith.constant 80 : index
    %swap3A_614 = tpu.vector_load %arg8[%swap3A_612, %swap3A_613] {strides = array<i32>} : memref<16x128xf32, #tpu.memory_space<vmem>>, vector<1x16xf32>,
    %swap3A_615 = vector.shape_cast %swap3A_614 : vector<1x16xf32> to vector<16xf32>
    %swap3A_616 = vector.shape_cast %broadcast_in_dim3A_5 : vector<16xf32> to vector<1x16xf32>
    tpu.vector_store %arg8[%swap3A_612, %swap3A_613], %swap3A_616 {strides = array<i32>} : memref<16x128xf32, #tpu.memory_space<vmem>>, vector<1x16xf32>,
    %swap3A_617 = arith.constant 12 : i32
    %swap3A_618 = arith.index_cast %swap3A_617 : i32 to index
    %swap3A_619 = arith.constant 96 : index
    %swap3A_620 = tpu.vector_load %arg8[%swap3A_618, %swap3A_619] {strides = array<i32>} : memref<16x128xf32, #tpu.memory_space<vmem>>, vector<1x16xf32>,
    %swap3A_621 = vector.shape_cast %swap3A_620 : vector<1x16xf32> to vector<16xf32>
    %swap3A_622 = vector.shape_cast %broadcast_in_dim3A_5 : vector<16xf32> to vector<1x16xf32>
    tpu.vector_store %arg8[%swap3A_618, %swap3A_619], %swap3A_622 {strides = array<i32>} : memref<16x128xf32, #tpu.memory_space<vmem>>, vector<1x16xf32>,
    %swap3A_623 = arith.constant 12 : i32
    %swap3A_624 = arith.index_cast %swap3A_623 : i32 to index
    %swap3A_625 = arith.constant 112 : index
    %swap3A_626 = tpu.vector_load %arg8[%swap3A_624, %swap3A_625] {strides = array<i32>} : memref<16x128xf32, #tpu.memory_space<vmem>>, vector<1x16xf32>,
    %swap3A_627 = vector.shape_cast %swap3A_626 : vector<1x16xf32> to vector<16xf32>
    %swap3A_628 = vector.shape_cast %broadcast_in_dim3A_5 : vector<16xf32> to vector<1x16xf32>
    tpu.vector_store %arg8[%swap3A_624, %swap3A_625], %swap3A_628 {strides = array<i32>} : memref<16x128xf32, #tpu.memory_space<vmem>>, vector<1x16xf32>,
    %swap3A_629 = arith.constant 13 : i32
    %swap3A_630 = arith.index_cast %swap3A_629 : i32 to index
    %swap3A_631 = arith.constant 0 : index
    %swap3A_632 = tpu.vector_load %arg8[%swap3A_630, %swap3A_631] {strides = array<i32>} : memref<16x128xf32, #tpu.memory_space<vmem>>, vector<1x16xf32>,
    %swap3A_633 = vector.shape_cast %swap3A_632 : vector<1x16xf32> to vector<16xf32>
    %swap3A_634 = vector.shape_cast %broadcast_in_dim3A_5 : vector<16xf32> to vector<1x16xf32>
    tpu.vector_store %arg8[%swap3A_630, %swap3A_631], %swap3A_634 {strides = array<i32>} : memref<16x128xf32, #tpu.memory_space<vmem>>, vector<1x16xf32>,
    %swap3A_635 = arith.constant 13 : i32
    %swap3A_636 = arith.index_cast %swap3A_635 : i32 to index
    %swap3A_637 = arith.constant 16 : index
    %swap3A_638 = tpu.vector_load %arg8[%swap3A_636, %swap3A_637] {strides = array<i32>} : memref<16x128xf32, #tpu.memory_space<vmem>>, vector<1x16xf32>,
    %swap3A_639 = vector.shape_cast %swap3A_638 : vector<1x16xf32> to vector<16xf32>
    %swap3A_640 = vector.shape_cast %broadcast_in_dim3A_5 : vector<16xf32> to vector<1x16xf32>
    tpu.vector_store %arg8[%swap3A_636, %swap3A_637], %swap3A_640 {strides = array<i32>} : memref<16x128xf32, #tpu.memory_space<vmem>>, vector<1x16xf32>,
    %swap3A_641 = arith.constant 13 : i32
    %swap3A_642 = arith.index_cast %swap3A_641 : i32 to index
    %swap3A_643 = arith.constant 32 : index
    %swap3A_644 = tpu.vector_load %arg8[%swap3A_642, %swap3A_643] {strides = array<i32>} : memref<16x128xf32, #tpu.memory_space<vmem>>, vector<1x16xf32>,
    %swap3A_645 = vector.shape_cast %swap3A_644 : vector<1x16xf32> to vector<16xf32>
    %swap3A_646 = vector.shape_cast %broadcast_in_dim3A_5 : vector<16xf32> to vector<1x16xf32>
    tpu.vector_store %arg8[%swap3A_642, %swap3A_643], %swap3A_646 {strides = array<i32>} : memref<16x128xf32, #tpu.memory_space<vmem>>, vector<1x16xf32>,
    %swap3A_647 = arith.constant 13 : i32
    %swap3A_648 = arith.index_cast %swap3A_647 : i32 to index
    %swap3A_649 = arith.constant 48 : index
    %swap3A_650 = tpu.vector_load %arg8[%swap3A_648, %swap3A_649] {strides = array<i32>} : memref<16x128xf32, #tpu.memory_space<vmem>>, vector<1x16xf32>,
    %swap3A_651 = vector.shape_cast %swap3A_650 : vector<1x16xf32> to vector<16xf32>
    %swap3A_652 = vector.shape_cast %broadcast_in_dim3A_5 : vector<16xf32> to vector<1x16xf32>
    tpu.vector_store %arg8[%swap3A_648, %swap3A_649], %swap3A_652 {strides = array<i32>} : memref<16x128xf32, #tpu.memory_space<vmem>>, vector<1x16xf32>,
    %swap3A_653 = arith.constant 13 : i32
    %swap3A_654 = arith.index_cast %swap3A_653 : i32 to index
    %swap3A_655 = arith.constant 64 : index
    %swap3A_656 = tpu.vector_load %arg8[%swap3A_654, %swap3A_655] {strides = array<i32>} : memref<16x128xf32, #tpu.memory_space<vmem>>, vector<1x16xf32>,
    %swap3A_657 = vector.shape_cast %swap3A_656 : vector<1x16xf32> to vector<16xf32>
    %swap3A_658 = vector.shape_cast %broadcast_in_dim3A_5 : vector<16xf32> to vector<1x16xf32>
    tpu.vector_store %arg8[%swap3A_654, %swap3A_655], %swap3A_658 {strides = array<i32>} : memref<16x128xf32, #tpu.memory_space<vmem>>, vector<1x16xf32>,
    %swap3A_659 = arith.constant 13 : i32
    %swap3A_660 = arith.index_cast %swap3A_659 : i32 to index
    %swap3A_661 = arith.constant 80 : index
    %swap3A_662 = tpu.vector_load %arg8[%swap3A_660, %swap3A_661] {strides = array<i32>} : memref<16x128xf32, #tpu.memory_space<vmem>>, vector<1x16xf32>,
    %swap3A_663 = vector.shape_cast %swap3A_662 : vector<1x16xf32> to vector<16xf32>
    %swap3A_664 = vector.shape_cast %broadcast_in_dim3A_5 : vector<16xf32> to vector<1x16xf32>
    tpu.vector_store %arg8[%swap3A_660, %swap3A_661], %swap3A_664 {strides = array<i32>} : memref<16x128xf32, #tpu.memory_space<vmem>>, vector<1x16xf32>,
    %swap3A_665 = arith.constant 13 : i32
    %swap3A_666 = arith.index_cast %swap3A_665 : i32 to index
    %swap3A_667 = arith.constant 96 : index
    %swap3A_668 = tpu.vector_load %arg8[%swap3A_666, %swap3A_667] {strides = array<i32>} : memref<16x128xf32, #tpu.memory_space<vmem>>, vector<1x16xf32>,
    %swap3A_669 = vector.shape_cast %swap3A_668 : vector<1x16xf32> to vector<16xf32>
    %swap3A_670 = vector.shape_cast %broadcast_in_dim3A_5 : vector<16xf32> to vector<1x16xf32>
    tpu.vector_store %arg8[%swap3A_666, %swap3A_667], %swap3A_670 {strides = array<i32>} : memref<16x128xf32, #tpu.memory_space<vmem>>, vector<1x16xf32>,
    %swap3A_671 = arith.constant 13 : i32
    %swap3A_672 = arith.index_cast %swap3A_671 : i32 to index
    %swap3A_673 = arith.constant 112 : index
    %swap3A_674 = tpu.vector_load %arg8[%swap3A_672, %swap3A_673] {strides = array<i32>} : memref<16x128xf32, #tpu.memory_space<vmem>>, vector<1x16xf32>,
    %swap3A_675 = vector.shape_cast %swap3A_674 : vector<1x16xf32> to vector<16xf32>
    %swap3A_676 = vector.shape_cast %broadcast_in_dim3A_5 : vector<16xf32> to vector<1x16xf32>
    tpu.vector_store %arg8[%swap3A_672, %swap3A_673], %swap3A_676 {strides = array<i32>} : memref<16x128xf32, #tpu.memory_space<vmem>>, vector<1x16xf32>,
    %swap3A_677 = arith.constant 14 : i32
    %swap3A_678 = arith.index_cast %swap3A_677 : i32 to index
    %swap3A_679 = arith.constant 0 : index
    %swap3A_680 = tpu.vector_load %arg8[%swap3A_678, %swap3A_679] {strides = array<i32>} : memref<16x128xf32, #tpu.memory_space<vmem>>, vector<1x16xf32>,
    %swap3A_681 = vector.shape_cast %swap3A_680 : vector<1x16xf32> to vector<16xf32>
    %swap3A_682 = vector.shape_cast %broadcast_in_dim3A_5 : vector<16xf32> to vector<1x16xf32>
    tpu.vector_store %arg8[%swap3A_678, %swap3A_679], %swap3A_682 {strides = array<i32>} : memref<16x128xf32, #tpu.memory_space<vmem>>, vector<1x16xf32>,
    %swap3A_683 = arith.constant 14 : i32
    %swap3A_684 = arith.index_cast %swap3A_683 : i32 to index
    %swap3A_685 = arith.constant 16 : index
    %swap3A_686 = tpu.vector_load %arg8[%swap3A_684, %swap3A_685] {strides = array<i32>} : memref<16x128xf32, #tpu.memory_space<vmem>>, vector<1x16xf32>,
    %swap3A_687 = vector.shape_cast %swap3A_686 : vector<1x16xf32> to vector<16xf32>
    %swap3A_688 = vector.shape_cast %broadcast_in_dim3A_5 : vector<16xf32> to vector<1x16xf32>
    tpu.vector_store %arg8[%swap3A_684, %swap3A_685], %swap3A_688 {strides = array<i32>} : memref<16x128xf32, #tpu.memory_space<vmem>>, vector<1x16xf32>,
    %swap3A_689 = arith.constant 14 : i32
    %swap3A_690 = arith.index_cast %swap3A_689 : i32 to index
    %swap3A_691 = arith.constant 32 : index
    %swap3A_692 = tpu.vector_load %arg8[%swap3A_690, %swap3A_691] {strides = array<i32>} : memref<16x128xf32, #tpu.memory_space<vmem>>, vector<1x16xf32>,
    %swap3A_693 = vector.shape_cast %swap3A_692 : vector<1x16xf32> to vector<16xf32>
    %swap3A_694 = vector.shape_cast %broadcast_in_dim3A_5 : vector<16xf32> to vector<1x16xf32>
    tpu.vector_store %arg8[%swap3A_690, %swap3A_691], %swap3A_694 {strides = array<i32>} : memref<16x128xf32, #tpu.memory_space<vmem>>, vector<1x16xf32>,
    %swap3A_695 = arith.constant 14 : i32
    %swap3A_696 = arith.index_cast %swap3A_695 : i32 to index
    %swap3A_697 = arith.constant 48 : index
    %swap3A_698 = tpu.vector_load %arg8[%swap3A_696, %swap3A_697] {strides = array<i32>} : memref<16x128xf32, #tpu.memory_space<vmem>>, vector<1x16xf32>,
    %swap3A_699 = vector.shape_cast %swap3A_698 : vector<1x16xf32> to vector<16xf32>
    %swap3A_700 = vector.shape_cast %broadcast_in_dim3A_5 : vector<16xf32> to vector<1x16xf32>
    tpu.vector_store %arg8[%swap3A_696, %swap3A_697], %swap3A_700 {strides = array<i32>} : memref<16x128xf32, #tpu.memory_space<vmem>>, vector<1x16xf32>,
    %swap3A_701 = arith.constant 14 : i32
    %swap3A_702 = arith.index_cast %swap3A_701 : i32 to index
    %swap3A_703 = arith.constant 64 : index
    %swap3A_704 = tpu.vector_load %arg8[%swap3A_702, %swap3A_703] {strides = array<i32>} : memref<16x128xf32, #tpu.memory_space<vmem>>, vector<1x16xf32>,
    %swap3A_705 = vector.shape_cast %swap3A_704 : vector<1x16xf32> to vector<16xf32>
    %swap3A_706 = vector.shape_cast %broadcast_in_dim3A_5 : vector<16xf32> to vector<1x16xf32>
    tpu.vector_store %arg8[%swap3A_702, %swap3A_703], %swap3A_706 {strides = array<i32>} : memref<16x128xf32, #tpu.memory_space<vmem>>, vector<1x16xf32>,
    %swap3A_707 = arith.constant 14 : i32
    %swap3A_708 = arith.index_cast %swap3A_707 : i32 to index
    %swap3A_709 = arith.constant 80 : index
    %swap3A_710 = tpu.vector_load %arg8[%swap3A_708, %swap3A_709] {strides = array<i32>} : memref<16x128xf32, #tpu.memory_space<vmem>>, vector<1x16xf32>,
    %swap3A_711 = vector.shape_cast %swap3A_710 : vector<1x16xf32> to vector<16xf32>
    %swap3A_712 = vector.shape_cast %broadcast_in_dim3A_5 : vector<16xf32> to vector<1x16xf32>
    tpu.vector_store %arg8[%swap3A_708, %swap3A_709], %swap3A_712 {strides = array<i32>} : memref<16x128xf32, #tpu.memory_space<vmem>>, vector<1x16xf32>,
    %swap3A_713 = arith.constant 14 : i32
    %swap3A_714 = arith.index_cast %swap3A_713 : i32 to index
    %swap3A_715 = arith.constant 96 : index
    %swap3A_716 = tpu.vector_load %arg8[%swap3A_714, %swap3A_715] {strides = array<i32>} : memref<16x128xf32, #tpu.memory_space<vmem>>, vector<1x16xf32>,
    %swap3A_717 = vector.shape_cast %swap3A_716 : vector<1x16xf32> to vector<16xf32>
    %swap3A_718 = vector.shape_cast %broadcast_in_dim3A_5 : vector<16xf32> to vector<1x16xf32>
    tpu.vector_store %arg8[%swap3A_714, %swap3A_715], %swap3A_718 {strides = array<i32>} : memref<16x128xf32, #tpu.memory_space<vmem>>, vector<1x16xf32>,
    %swap3A_719 = arith.constant 14 : i32
    %swap3A_720 = arith.index_cast %swap3A_719 : i32 to index
    %swap3A_721 = arith.constant 112 : index
    %swap3A_722 = tpu.vector_load %arg8[%swap3A_720, %swap3A_721] {strides = array<i32>} : memref<16x128xf32, #tpu.memory_space<vmem>>, vector<1x16xf32>,
    %swap3A_723 = vector.shape_cast %swap3A_722 : vector<1x16xf32> to vector<16xf32>
    %swap3A_724 = vector.shape_cast %broadcast_in_dim3A_5 : vector<16xf32> to vector<1x16xf32>
    tpu.vector_store %arg8[%swap3A_720, %swap3A_721], %swap3A_724 {strides = array<i32>} : memref<16x128xf32, #tpu.memory_space<vmem>>, vector<1x16xf32>,
    %swap3A_725 = arith.constant 15 : i32
    %swap3A_726 = arith.index_cast %swap3A_725 : i32 to index
    %swap3A_727 = arith.constant 0 : index
    %swap3A_728 = tpu.vector_load %arg8[%swap3A_726, %swap3A_727] {strides = array<i32>} : memref<16x128xf32, #tpu.memory_space<vmem>>, vector<1x16xf32>,
    %swap3A_729 = vector.shape_cast %swap3A_728 : vector<1x16xf32> to vector<16xf32>
    %swap3A_730 = vector.shape_cast %broadcast_in_dim3A_5 : vector<16xf32> to vector<1x16xf32>
    tpu.vector_store %arg8[%swap3A_726, %swap3A_727], %swap3A_730 {strides = array<i32>} : memref<16x128xf32, #tpu.memory_space<vmem>>, vector<1x16xf32>,
    %swap3A_731 = arith.constant 15 : i32
    %swap3A_732 = arith.index_cast %swap3A_731 : i32 to index
    %swap3A_733 = arith.constant 16 : index
    %swap3A_734 = tpu.vector_load %arg8[%swap3A_732, %swap3A_733] {strides = array<i32>} : memref<16x128xf32, #tpu.memory_space<vmem>>, vector<1x16xf32>,
    %swap3A_735 = vector.shape_cast %swap3A_734 : vector<1x16xf32> to vector<16xf32>
    %swap3A_736 = vector.shape_cast %broadcast_in_dim3A_5 : vector<16xf32> to vector<1x16xf32>
    tpu.vector_store %arg8[%swap3A_732, %swap3A_733], %swap3A_736 {strides = array<i32>} : memref<16x128xf32, #tpu.memory_space<vmem>>, vector<1x16xf32>,
    %swap3A_737 = arith.constant 15 : i32
    %swap3A_738 = arith.index_cast %swap3A_737 : i32 to index
    %swap3A_739 = arith.constant 32 : index
    %swap3A_740 = tpu.vector_load %arg8[%swap3A_738, %swap3A_739] {strides = array<i32>} : memref<16x128xf32, #tpu.memory_space<vmem>>, vector<1x16xf32>,
    %swap3A_741 = vector.shape_cast %swap3A_740 : vector<1x16xf32> to vector<16xf32>
    %swap3A_742 = vector.shape_cast %broadcast_in_dim3A_5 : vector<16xf32> to vector<1x16xf32>
    tpu.vector_store %arg8[%swap3A_738, %swap3A_739], %swap3A_742 {strides = array<i32>} : memref<16x128xf32, #tpu.memory_space<vmem>>, vector<1x16xf32>,
    %swap3A_743 = arith.constant 15 : i32
    %swap3A_744 = arith.index_cast %swap3A_743 : i32 to index
    %swap3A_745 = arith.constant 48 : index
    %swap3A_746 = tpu.vector_load %arg8[%swap3A_744, %swap3A_745] {strides = array<i32>} : memref<16x128xf32, #tpu.memory_space<vmem>>, vector<1x16xf32>,
    %swap3A_747 = vector.shape_cast %swap3A_746 : vector<1x16xf32> to vector<16xf32>
    %swap3A_748 = vector.shape_cast %broadcast_in_dim3A_5 : vector<16xf32> to vector<1x16xf32>
    tpu.vector_store %arg8[%swap3A_744, %swap3A_745], %swap3A_748 {strides = array<i32>} : memref<16x128xf32, #tpu.memory_space<vmem>>, vector<1x16xf32>,
    %swap3A_749 = arith.constant 15 : i32
    %swap3A_750 = arith.index_cast %swap3A_749 : i32 to index
    %swap3A_751 = arith.constant 64 : index
    %swap3A_752 = tpu.vector_load %arg8[%swap3A_750, %swap3A_751] {strides = array<i32>} : memref<16x128xf32, #tpu.memory_space<vmem>>, vector<1x16xf32>,
    %swap3A_753 = vector.shape_cast %swap3A_752 : vector<1x16xf32> to vector<16xf32>
    %swap3A_754 = vector.shape_cast %broadcast_in_dim3A_5 : vector<16xf32> to vector<1x16xf32>
    tpu.vector_store %arg8[%swap3A_750, %swap3A_751], %swap3A_754 {strides = array<i32>} : memref<16x128xf32, #tpu.memory_space<vmem>>, vector<1x16xf32>,
    %swap3A_755 = arith.constant 15 : i32
    %swap3A_756 = arith.index_cast %swap3A_755 : i32 to index
    %swap3A_757 = arith.constant 80 : index
    %swap3A_758 = tpu.vector_load %arg8[%swap3A_756, %swap3A_757] {strides = array<i32>} : memref<16x128xf32, #tpu.memory_space<vmem>>, vector<1x16xf32>,
    %swap3A_759 = vector.shape_cast %swap3A_758 : vector<1x16xf32> to vector<16xf32>
    %swap3A_760 = vector.shape_cast %broadcast_in_dim3A_5 : vector<16xf32> to vector<1x16xf32>
    tpu.vector_store %arg8[%swap3A_756, %swap3A_757], %swap3A_760 {strides = array<i32>} : memref<16x128xf32, #tpu.memory_space<vmem>>, vector<1x16xf32>,
    %swap3A_761 = arith.constant 15 : i32
    %swap3A_762 = arith.index_cast %swap3A_761 : i32 to index
    %swap3A_763 = arith.constant 96 : index
    %swap3A_764 = tpu.vector_load %arg8[%swap3A_762, %swap3A_763] {strides = array<i32>} : memref<16x128xf32, #tpu.memory_space<vmem>>, vector<1x16xf32>,
    %swap3A_765 = vector.shape_cast %swap3A_764 : vector<1x16xf32> to vector<16xf32>
    %swap3A_766 = vector.shape_cast %broadcast_in_dim3A_5 : vector<16xf32> to vector<1x16xf32>
    tpu.vector_store %arg8[%swap3A_762, %swap3A_763], %swap3A_766 {strides = array<i32>} : memref<16x128xf32, #tpu.memory_space<vmem>>, vector<1x16xf32>,
    %swap3A_767 = arith.constant 15 : i32
    %swap3A_768 = arith.index_cast %swap3A_767 : i32 to index
    %swap3A_769 = arith.constant 112 : index
    %swap3A_770 = tpu.vector_load %arg8[%swap3A_768, %swap3A_769] {strides = array<i32>} : memref<16x128xf32, #tpu.memory_space<vmem>>, vector<1x16xf32>,
    %swap3A_771 = vector.shape_cast %swap3A_770 : vector<1x16xf32> to vector<16xf32>
    %swap3A_772 = vector.shape_cast %broadcast_in_dim3A_5 : vector<16xf32> to vector<1x16xf32>
    tpu.vector_store %arg8[%swap3A_768, %swap3A_769], %swap3A_772 {strides = array<i32>} : memref<16x128xf32, #tpu.memory_space<vmem>>, vector<1x16xf32>,
    %mul3A_773 = arith.constant 16 : i32
    %mul3A_774 = arith.muli %arg1, %mul3A_773 : i32
    "tpu.region"() ({
      %run_scoped3A = tpu.sem_alloc : memref<!tpu.dma_semaphore, #tpu.memory_space<semaphore_mem>>
      %dma_start3A = arith.constant 0 : i32
      %dma_start3A_1134 = tpu.memref_slice %arg12[%mul3A_774, %dma_start3A] : memref<256x128xf32, #tpu.memory_space<vmem_shared>> -> memref<16x128xf32, #tpu.memory_space<vmem_shared>>
      %dma_start3A_1135 = arith.constant 0 : i32
      %dma_start3A_1136 = tpu.memref_slice %arg12[%mul3A_774, %dma_start3A_1135] : memref<256x128xf32, #tpu.memory_space<vmem_shared>> -> memref<16x128xf32, #tpu.memory_space<vmem_shared>>
      tpu.enqueue_dma source(%arg8 : memref<16x128xf32, #tpu.memory_space<vmem>>) target(%dma_start3A_1136 : memref<16x128xf32, #tpu.memory_space<vmem_shared>>) target_semaphore(%run_scoped3A : memref<!tpu.dma_semaphore, #tpu.memory_space<semaphore_mem>>)
      %dma_wait3A = arith.constant 0 : i32
      %dma_wait3A_1137 = tpu.memref_slice %arg12[%mul3A_774, %dma_wait3A] : memref<256x128xf32, #tpu.memory_space<vmem_shared>> -> memref<16x128xf32, #tpu.memory_space<vmem_shared>>
      %dma_wait3A_1138 = arith.constant 0 : i32
      %dma_wait3A_1139 = tpu.memref_slice %arg12[%mul3A_774, %dma_wait3A_1138] : memref<256x128xf32, #tpu.memory_space<vmem_shared>> -> memref<16x128xf32, #tpu.memory_space<vmem_shared>>
      tpu.wait_dma2 semaphore(%run_scoped3A : memref<!tpu.dma_semaphore, #tpu.memory_space<semaphore_mem>>) src(%arg8 : memref<16x128xf32, #tpu.memory_space<vmem>>) dst(%dma_wait3A_1139 : memref<16x128xf32, #tpu.memory_space<vmem_shared>>)
      tpu.yield
    }) : () -> ()
    "tpu.region"() ({
      %run_scoped3A = tpu.sem_alloc : memref<!tpu.dma_semaphore, #tpu.memory_space<semaphore_mem>>
      %dma_start3A = arith.constant 0 : i32
      %dma_start3A_1134 = tpu.memref_slice %arg3[%mul3A_4, %dma_start3A] : memref<640x80xi32, #tpu.memory_space<hbm>> -> memref<40x80xi32, #tpu.memory_space<hbm>>
      %dma_start3A_1135 = arith.constant 0 : i32
      %dma_start3A_1136 = tpu.memref_slice %arg3[%mul3A_4, %dma_start3A_1135] : memref<640x80xi32, #tpu.memory_space<hbm>> -> memref<40x80xi32, #tpu.memory_space<hbm>>
      tpu.enqueue_dma source(%dma_start3A_1136 : memref<40x80xi32, #tpu.memory_space<hbm>>) target(%arg5 : memref<40x80xi32, #tpu.memory_space<vmem>>) target_semaphore(%run_scoped3A : memref<!tpu.dma_semaphore, #tpu.memory_space<semaphore_mem>>)
      %dma_wait3A = arith.constant 0 : i32
      %dma_wait3A_1137 = tpu.memref_slice %arg3[%mul3A_4, %dma_wait3A] : memref<640x80xi32, #tpu.memory_space<hbm>> -> memref<40x80xi32, #tpu.memory_space<hbm>>
      %dma_wait3A_1138 = arith.constant 0 : i32
      %dma_wait3A_1139 = tpu.memref_slice %arg3[%mul3A_4, %dma_wait3A_1138] : memref<640x80xi32, #tpu.memory_space<hbm>> -> memref<40x80xi32, #tpu.memory_space<hbm>>
      tpu.wait_dma2 semaphore(%run_scoped3A : memref<!tpu.dma_semaphore, #tpu.memory_space<semaphore_mem>>) src(%dma_wait3A_1139 : memref<40x80xi32, #tpu.memory_space<hbm>>) dst(%arg5 : memref<40x80xi32, #tpu.memory_space<vmem>>)
      tpu.yield
    }) : () -> ()
    %add3A = arith.constant 0 : i32
    %add3A_775 = arith.addi %mul3A_0, %add3A : i32
    %add3A_776 = arith.constant 320 : i32
    %add3A_777 = arith.addi %add3A_775, %add3A_776 : i32
    %le3A = arith.constant 50000 : i32
    %le3A_778 = arith.cmpi sle, %add3A_777, %le3A : i32
    %convert_element_type3A = arith.extui %le3A_778 : i1 to i32
    %cond3A = arith.constant 0 : i32
    %cond3A_779 = arith.cmpi ne, %convert_element_type3A, %cond3A : i32
    scf.if %cond3A_779 {
      %add3A_1134 = arith.constant 0 : i32
      %add3A_1135 = arith.addi %mul3A_0, %add3A_1134 : i32
      %dma_start3A = tpu.memref_slice %arg2[%add3A_1135, %mul3A_2] : memref<50000x256xf32, #tpu.memory_space<hbm>> -> memref<320x128xf32, #tpu.memory_space<hbm>>
      %dma_start3A_1136 = tpu.memref_slice %arg2[%add3A_1135, %mul3A_2] : memref<50000x256xf32, #tpu.memory_space<hbm>> -> memref<320x128xf32, #tpu.memory_space<hbm>>
      tpu.enqueue_dma source(%dma_start3A_1136 : memref<320x128xf32, #tpu.memory_space<hbm>>) target(%arg6 : memref<320x128xf32, #tpu.memory_space<vmem>>) target_semaphore(%arg9 : memref<!tpu.dma_semaphore, #tpu.memory_space<semaphore_mem>>)
    } else {
    }
    %barrier3A = arith.constant 0 : index
    tpu.barrier barrier_id(%barrier3A)
    %add3A_780 = arith.constant 320 : i32
    %add3A_781 = arith.addi %mul3A_0, %add3A_780 : i32
    %add3A_782 = arith.constant 320 : i32
    %add3A_783 = arith.addi %add3A_781, %add3A_782 : i32
    %le3A_784 = arith.constant 50000 : i32
    %le3A_785 = arith.cmpi sle, %add3A_783, %le3A_784 : i32
    %convert_element_type3A_786 = arith.extui %le3A_785 : i1 to i32
    %cond3A_787 = arith.constant 0 : i32
    %cond3A_788 = arith.cmpi ne, %convert_element_type3A_786, %cond3A_787 : i32
    scf.if %cond3A_788 {
      %add3A_1134 = arith.constant 320 : i32
      %add3A_1135 = arith.addi %mul3A_0, %add3A_1134 : i32
      %dma_start3A = tpu.memref_slice %arg2[%add3A_1135, %mul3A_2] : memref<50000x256xf32, #tpu.memory_space<hbm>> -> memref<320x128xf32, #tpu.memory_space<hbm>>
      %dma_start3A_1136 = tpu.memref_slice %arg2[%add3A_1135, %mul3A_2] : memref<50000x256xf32, #tpu.memory_space<hbm>> -> memref<320x128xf32, #tpu.memory_space<hbm>>
      tpu.enqueue_dma source(%dma_start3A_1136 : memref<320x128xf32, #tpu.memory_space<hbm>>) target(%arg7 : memref<320x128xf32, #tpu.memory_space<vmem>>) target_semaphore(%arg10 : memref<!tpu.dma_semaphore, #tpu.memory_space<semaphore_mem>>)
    } else {
    }
    %add3A_789 = arith.constant 0 : i32
    %add3A_790 = arith.addi %mul3A_0, %add3A_789 : i32
    %add3A_791 = arith.constant 320 : i32
    %add3A_792 = arith.addi %add3A_790, %add3A_791 : i32
    %le3A_793 = arith.constant 50000 : i32
    %le3A_794 = arith.cmpi sle, %add3A_792, %le3A_793 : i32
    %convert_element_type3A_795 = arith.extui %le3A_794 : i1 to i32
    %cond3A_796 = arith.constant 0 : i32
    %cond3A_797 = arith.cmpi ne, %convert_element_type3A_795, %cond3A_796 : i32
    scf.if %cond3A_797 {
      %add3A_1134 = arith.constant 0 : i32
      %add3A_1135 = arith.addi %mul3A_0, %add3A_1134 : i32
      %dma_wait3A = tpu.memref_slice %arg2[%add3A_1135, %mul3A_2] : memref<50000x256xf32, #tpu.memory_space<hbm>> -> memref<320x128xf32, #tpu.memory_space<hbm>>
      %dma_wait3A_1136 = tpu.memref_slice %arg2[%add3A_1135, %mul3A_2] : memref<50000x256xf32, #tpu.memory_space<hbm>> -> memref<320x128xf32, #tpu.memory_space<hbm>>
      tpu.wait_dma2 semaphore(%arg9 : memref<!tpu.dma_semaphore, #tpu.memory_space<semaphore_mem>>) src(%dma_wait3A_1136 : memref<320x128xf32, #tpu.memory_space<hbm>>) dst(%arg6 : memref<320x128xf32, #tpu.memory_space<vmem>>)
      %dma_start3A = arith.constant 0 : i32
      %dma_start3A_1137 = arith.constant 0 : i32
      %dma_start3A_1138 = arith.constant 0 : i32
      %dma_start3A_1139 = tpu.memref_slice %arg6[%dma_start3A_1137, %dma_start3A_1138] : memref<320x128xf32, #tpu.memory_space<vmem>> -> memref<80x128xf32, #tpu.memory_space<vmem>>
      %dma_start3A_1140 = arith.constant 0 : i32
      %dma_start3A_1141 = tpu.memref_slice %arg5[%dma_start3A, %dma_start3A_1140] : memref<40x80xi32, #tpu.memory_space<vmem>> -> memref<1x80xi32, #tpu.memory_space<vmem>>
      %dma_start3A_1142 = tpu.memref_squeeze %dma_start3A_1141 : memref<1x80xi32, #tpu.memory_space<vmem>> -> memref<80xi32, #tpu.memory_space<vmem>>
      %dma_start3A_1143 = arith.constant 0 : i32
      %dma_start3A_1144 = arith.constant 0 : i32
      %dma_start3A_1145 = tpu.memref_slice %arg12[%dma_start3A_1143, %dma_start3A_1144] : memref<256x128xf32, #tpu.memory_space<vmem_shared>> -> memref<256x128xf32, #tpu.memory_space<vmem_shared>>
      tpu.enqueue_indirect_dma source(%dma_start3A_1139 : memref<80x128xf32, #tpu.memory_space<vmem>>) target(%dma_start3A_1145 : memref<256x128xf32, #tpu.memory_space<vmem_shared>>) offsets(%dma_start3A_1142 : memref<80xi32, #tpu.memory_space<vmem>>) semaphore(%arg11 : memref<!tpu.dma_semaphore, #tpu.memory_space<semaphore_mem>>) {add = true}
      %dma_start3A_1146 = arith.constant 1 : i32
      %dma_start3A_1147 = arith.constant 80 : i32
      %dma_start3A_1148 = arith.constant 0 : i32
      %dma_start3A_1149 = tpu.memref_slice %arg6[%dma_start3A_1147, %dma_start3A_1148] : memref<320x128xf32, #tpu.memory_space<vmem>> -> memref<80x128xf32, #tpu.memory_space<vmem>>
      %dma_start3A_1150 = arith.constant 0 : i32
      %dma_start3A_1151 = tpu.memref_slice %arg5[%dma_start3A_1146, %dma_start3A_1150] : memref<40x80xi32, #tpu.memory_space<vmem>> -> memref<1x80xi32, #tpu.memory_space<vmem>>
      %dma_start3A_1152 = tpu.memref_squeeze %dma_start3A_1151 : memref<1x80xi32, #tpu.memory_space<vmem>> -> memref<80xi32, #tpu.memory_space<vmem>>
      %dma_start3A_1153 = arith.constant 0 : i32
      %dma_start3A_1154 = arith.constant 0 : i32
      %dma_start3A_1155 = tpu.memref_slice %arg12[%dma_start3A_1153, %dma_start3A_1154] : memref<256x128xf32, #tpu.memory_space<vmem_shared>> -> memref<256x128xf32, #tpu.memory_space<vmem_shared>>
      tpu.enqueue_indirect_dma source(%dma_start3A_1149 : memref<80x128xf32, #tpu.memory_space<vmem>>) target(%dma_start3A_1155 : memref<256x128xf32, #tpu.memory_space<vmem_shared>>) offsets(%dma_start3A_1152 : memref<80xi32, #tpu.memory_space<vmem>>) semaphore(%arg11 : memref<!tpu.dma_semaphore, #tpu.memory_space<semaphore_mem>>) {add = true}
      %dma_start3A_1156 = arith.constant 2 : i32
      %dma_start3A_1157 = arith.constant 160 : i32
      %dma_start3A_1158 = arith.constant 0 : i32
      %dma_start3A_1159 = tpu.memref_slice %arg6[%dma_start3A_1157, %dma_start3A_1158] : memref<320x128xf32, #tpu.memory_space<vmem>> -> memref<80x128xf32, #tpu.memory_space<vmem>>
      %dma_start3A_1160 = arith.constant 0 : i32
      %dma_start3A_1161 = tpu.memref_slice %arg5[%dma_start3A_1156, %dma_start3A_1160] : memref<40x80xi32, #tpu.memory_space<vmem>> -> memref<1x80xi32, #tpu.memory_space<vmem>>
      %dma_start3A_1162 = tpu.memref_squeeze %dma_start3A_1161 : memref<1x80xi32, #tpu.memory_space<vmem>> -> memref<80xi32, #tpu.memory_space<vmem>>
      %dma_start3A_1163 = arith.constant 0 : i32
      %dma_start3A_1164 = arith.constant 0 : i32
      %dma_start3A_1165 = tpu.memref_slice %arg12[%dma_start3A_1163, %dma_start3A_1164] : memref<256x128xf32, #tpu.memory_space<vmem_shared>> -> memref<256x128xf32, #tpu.memory_space<vmem_shared>>
      tpu.enqueue_indirect_dma source(%dma_start3A_1159 : memref<80x128xf32, #tpu.memory_space<vmem>>) target(%dma_start3A_1165 : memref<256x128xf32, #tpu.memory_space<vmem_shared>>) offsets(%dma_start3A_1162 : memref<80xi32, #tpu.memory_space<vmem>>) semaphore(%arg11 : memref<!tpu.dma_semaphore, #tpu.memory_space<semaphore_mem>>) {add = true}
      %dma_start3A_1166 = arith.constant 3 : i32
      %dma_start3A_1167 = arith.constant 240 : i32
      %dma_start3A_1168 = arith.constant 0 : i32
      %dma_start3A_1169 = tpu.memref_slice %arg6[%dma_start3A_1167, %dma_start3A_1168] : memref<320x128xf32, #tpu.memory_space<vmem>> -> memref<80x128xf32, #tpu.memory_space<vmem>>
      %dma_start3A_1170 = arith.constant 0 : i32
      %dma_start3A_1171 = tpu.memref_slice %arg5[%dma_start3A_1166, %dma_start3A_1170] : memref<40x80xi32, #tpu.memory_space<vmem>> -> memref<1x80xi32, #tpu.memory_space<vmem>>
      %dma_start3A_1172 = tpu.memref_squeeze %dma_start3A_1171 : memref<1x80xi32, #tpu.memory_space<vmem>> -> memref<80xi32, #tpu.memory_space<vmem>>
      %dma_start3A_1173 = arith.constant 0 : i32
      %dma_start3A_1174 = arith.constant 0 : i32
      %dma_start3A_1175 = tpu.memref_slice %arg12[%dma_start3A_1173, %dma_start3A_1174] : memref<256x128xf32, #tpu.memory_space<vmem_shared>> -> memref<256x128xf32, #tpu.memory_space<vmem_shared>>
      tpu.enqueue_indirect_dma source(%dma_start3A_1169 : memref<80x128xf32, #tpu.memory_space<vmem>>) target(%dma_start3A_1175 : memref<256x128xf32, #tpu.memory_space<vmem_shared>>) offsets(%dma_start3A_1172 : memref<80xi32, #tpu.memory_space<vmem>>) semaphore(%arg11 : memref<!tpu.dma_semaphore, #tpu.memory_space<semaphore_mem>>) {add = true}
      %dma_wait3A_1176 = arith.constant 0 : i32
      %dma_wait3A_1177 = arith.constant 0 : i32
      %dma_wait3A_1178 = arith.constant 0 : i32
      %dma_wait3A_1179 = tpu.memref_slice %arg6[%dma_wait3A_1177, %dma_wait3A_1178] : memref<320x128xf32, #tpu.memory_space<vmem>> -> memref<80x128xf32, #tpu.memory_space<vmem>>
      %dma_wait3A_1180 = arith.constant 0 : i32
      %dma_wait3A_1181 = tpu.memref_slice %arg5[%dma_wait3A_1176, %dma_wait3A_1180] : memref<40x80xi32, #tpu.memory_space<vmem>> -> memref<1x80xi32, #tpu.memory_space<vmem>>
      %dma_wait3A_1182 = tpu.memref_squeeze %dma_wait3A_1181 : memref<1x80xi32, #tpu.memory_space<vmem>> -> memref<80xi32, #tpu.memory_space<vmem>>
      %dma_wait3A_1183 = arith.constant 0 : i32
      %dma_wait3A_1184 = arith.constant 0 : i32
      %dma_wait3A_1185 = tpu.memref_slice %arg12[%dma_wait3A_1183, %dma_wait3A_1184] : memref<256x128xf32, #tpu.memory_space<vmem_shared>> -> memref<256x128xf32, #tpu.memory_space<vmem_shared>>
      tpu.wait_indirect_dma semaphore(%arg11 : memref<!tpu.dma_semaphore, #tpu.memory_space<semaphore_mem>>) src(%dma_wait3A_1179 : memref<80x128xf32, #tpu.memory_space<vmem>>) dst(%dma_wait3A_1185 : memref<256x128xf32, #tpu.memory_space<vmem_shared>>)
      %dma_wait3A_1186 = arith.constant 1 : i32
      %dma_wait3A_1187 = arith.constant 80 : i32
      %dma_wait3A_1188 = arith.constant 0 : i32
      %dma_wait3A_1189 = tpu.memref_slice %arg6[%dma_wait3A_1187, %dma_wait3A_1188] : memref<320x128xf32, #tpu.memory_space<vmem>> -> memref<80x128xf32, #tpu.memory_space<vmem>>
      %dma_wait3A_1190 = arith.constant 0 : i32
      %dma_wait3A_1191 = tpu.memref_slice %arg5[%dma_wait3A_1186, %dma_wait3A_1190] : memref<40x80xi32, #tpu.memory_space<vmem>> -> memref<1x80xi32, #tpu.memory_space<vmem>>
      %dma_wait3A_1192 = tpu.memref_squeeze %dma_wait3A_1191 : memref<1x80xi32, #tpu.memory_space<vmem>> -> memref<80xi32, #tpu.memory_space<vmem>>
      %dma_wait3A_1193 = arith.constant 0 : i32
      %dma_wait3A_1194 = arith.constant 0 : i32
      %dma_wait3A_1195 = tpu.memref_slice %arg12[%dma_wait3A_1193, %dma_wait3A_1194] : memref<256x128xf32, #tpu.memory_space<vmem_shared>> -> memref<256x128xf32, #tpu.memory_space<vmem_shared>>
      tpu.wait_indirect_dma semaphore(%arg11 : memref<!tpu.dma_semaphore, #tpu.memory_space<semaphore_mem>>) src(%dma_wait3A_1189 : memref<80x128xf32, #tpu.memory_space<vmem>>) dst(%dma_wait3A_1195 : memref<256x128xf32, #tpu.memory_space<vmem_shared>>)
      %dma_wait3A_1196 = arith.constant 2 : i32
      %dma_wait3A_1197 = arith.constant 160 : i32
      %dma_wait3A_1198 = arith.constant 0 : i32
      %dma_wait3A_1199 = tpu.memref_slice %arg6[%dma_wait3A_1197, %dma_wait3A_1198] : memref<320x128xf32, #tpu.memory_space<vmem>> -> memref<80x128xf32, #tpu.memory_space<vmem>>
      %dma_wait3A_1200 = arith.constant 0 : i32
      %dma_wait3A_1201 = tpu.memref_slice %arg5[%dma_wait3A_1196, %dma_wait3A_1200] : memref<40x80xi32, #tpu.memory_space<vmem>> -> memref<1x80xi32, #tpu.memory_space<vmem>>
      %dma_wait3A_1202 = tpu.memref_squeeze %dma_wait3A_1201 : memref<1x80xi32, #tpu.memory_space<vmem>> -> memref<80xi32, #tpu.memory_space<vmem>>
      %dma_wait3A_1203 = arith.constant 0 : i32
      %dma_wait3A_1204 = arith.constant 0 : i32
      %dma_wait3A_1205 = tpu.memref_slice %arg12[%dma_wait3A_1203, %dma_wait3A_1204] : memref<256x128xf32, #tpu.memory_space<vmem_shared>> -> memref<256x128xf32, #tpu.memory_space<vmem_shared>>
      tpu.wait_indirect_dma semaphore(%arg11 : memref<!tpu.dma_semaphore, #tpu.memory_space<semaphore_mem>>) src(%dma_wait3A_1199 : memref<80x128xf32, #tpu.memory_space<vmem>>) dst(%dma_wait3A_1205 : memref<256x128xf32, #tpu.memory_space<vmem_shared>>)
      %dma_wait3A_1206 = arith.constant 3 : i32
      %dma_wait3A_1207 = arith.constant 240 : i32
      %dma_wait3A_1208 = arith.constant 0 : i32
      %dma_wait3A_1209 = tpu.memref_slice %arg6[%dma_wait3A_1207, %dma_wait3A_1208] : memref<320x128xf32, #tpu.memory_space<vmem>> -> memref<80x128xf32, #tpu.memory_space<vmem>>
      %dma_wait3A_1210 = arith.constant 0 : i32
      %dma_wait3A_1211 = tpu.memref_slice %arg5[%dma_wait3A_1206, %dma_wait3A_1210] : memref<40x80xi32, #tpu.memory_space<vmem>> -> memref<1x80xi32, #tpu.memory_space<vmem>>
      %dma_wait3A_1212 = tpu.memref_squeeze %dma_wait3A_1211 : memref<1x80xi32, #tpu.memory_space<vmem>> -> memref<80xi32, #tpu.memory_space<vmem>>
      %dma_wait3A_1213 = arith.constant 0 : i32
      %dma_wait3A_1214 = arith.constant 0 : i32
      %dma_wait3A_1215 = tpu.memref_slice %arg12[%dma_wait3A_1213, %dma_wait3A_1214] : memref<256x128xf32, #tpu.memory_space<vmem_shared>> -> memref<256x128xf32, #tpu.memory_space<vmem_shared>>
      tpu.wait_indirect_dma semaphore(%arg11 : memref<!tpu.dma_semaphore, #tpu.memory_space<semaphore_mem>>) src(%dma_wait3A_1209 : memref<80x128xf32, #tpu.memory_space<vmem>>) dst(%dma_wait3A_1215 : memref<256x128xf32, #tpu.memory_space<vmem_shared>>)
    } else {
    }
    %add3A_798 = arith.constant 0 : i32
    %add3A_799 = arith.addi %mul3A_0, %add3A_798 : i32
    %add3A_800 = arith.constant 320 : i32
    %add3A_801 = arith.addi %add3A_799, %add3A_800 : i32
    %le3A_802 = arith.constant 50000 : i32
    %le3A_803 = arith.cmpi sle, %add3A_801, %le3A_802 : i32
    %not3A = arith.constant true
    %not3A_804 = arith.xori %le3A_803, %not3A : i1
    %add3A_805 = arith.constant 0 : i32
    %add3A_806 = arith.addi %mul3A_0, %add3A_805 : i32
    %add3A_807 = arith.constant 80 : i32
    %add3A_808 = arith.addi %add3A_806, %add3A_807 : i32
    %le3A_809 = arith.constant 50000 : i32
    %le3A_810 = arith.cmpi sle, %add3A_808, %le3A_809 : i32
    %and3A = arith.andi %not3A_804, %le3A_810 : i1
    %convert_element_type3A_811 = arith.extui %and3A : i1 to i32
    %cond3A_812 = arith.constant 0 : i32
    %cond3A_813 = arith.cmpi ne, %convert_element_type3A_811, %cond3A_812 : i32
    scf.if %cond3A_813 {
      %add3A_1134 = arith.constant 0 : i32
      %add3A_1135 = arith.addi %mul3A_0, %add3A_1134 : i32
      %add3A_1136 = arith.constant 80 : i32
      %add3A_1137 = arith.addi %add3A_1135, %add3A_1136 : i32
      %le3A_1138 = arith.constant 50000 : i32
      %le3A_1139 = arith.cmpi sle, %add3A_1137, %le3A_1138 : i32
      %convert_element_type3A_1140 = arith.extui %le3A_1139 : i1 to i32
      %cond3A_1141 = arith.constant 0 : i32
      %cond3A_1142 = arith.cmpi ne, %convert_element_type3A_1140, %cond3A_1141 : i32
      scf.if %cond3A_1142 {
        %add3A_1170 = arith.constant 0 : i32
        %add3A_1171 = arith.addi %mul3A_0, %add3A_1170 : i32
        %add3A_1172 = arith.constant 0 : i32
        %add3A_1173 = arith.addi %add3A_1171, %add3A_1172 : i32
        "tpu.region"() ({
          %run_scoped3A_1174 = tpu.sem_alloc : memref<!tpu.dma_semaphore, #tpu.memory_space<semaphore_mem>>
          %dma_start3A = arith.constant 0 : i32
          %dma_start3A_1175 = arith.constant 0 : i32
          %dma_start3A_1176 = tpu.memref_slice %arg6[%dma_start3A, %dma_start3A_1175] : memref<320x128xf32, #tpu.memory_space<vmem>> -> memref<80x128xf32, #tpu.memory_space<vmem>>
          %dma_start3A_1177 = tpu.memref_slice %arg2[%add3A_1173, %mul3A_2] : memref<50000x256xf32, #tpu.memory_space<hbm>> -> memref<80x128xf32, #tpu.memory_space<hbm>>
          %dma_start3A_1178 = arith.constant 0 : i32
          %dma_start3A_1179 = arith.constant 0 : i32
          %dma_start3A_1180 = tpu.memref_slice %arg6[%dma_start3A_1178, %dma_start3A_1179] : memref<320x128xf32, #tpu.memory_space<vmem>> -> memref<80x128xf32, #tpu.memory_space<vmem>>
          %dma_start3A_1181 = tpu.memref_slice %arg2[%add3A_1173, %mul3A_2] : memref<50000x256xf32, #tpu.memory_space<hbm>> -> memref<80x128xf32, #tpu.memory_space<hbm>>
          tpu.enqueue_dma source(%dma_start3A_1181 : memref<80x128xf32, #tpu.memory_space<hbm>>) target(%dma_start3A_1180 : memref<80x128xf32, #tpu.memory_space<vmem>>) target_semaphore(%run_scoped3A_1174 : memref<!tpu.dma_semaphore, #tpu.memory_space<semaphore_mem>>)
          %dma_wait3A = arith.constant 0 : i32
          %dma_wait3A_1182 = arith.constant 0 : i32
          %dma_wait3A_1183 = tpu.memref_slice %arg6[%dma_wait3A, %dma_wait3A_1182] : memref<320x128xf32, #tpu.memory_space<vmem>> -> memref<80x128xf32, #tpu.memory_space<vmem>>
          %dma_wait3A_1184 = tpu.memref_slice %arg2[%add3A_1173, %mul3A_2] : memref<50000x256xf32, #tpu.memory_space<hbm>> -> memref<80x128xf32, #tpu.memory_space<hbm>>
          %dma_wait3A_1185 = arith.constant 0 : i32
          %dma_wait3A_1186 = arith.constant 0 : i32
          %dma_wait3A_1187 = tpu.memref_slice %arg6[%dma_wait3A_1185, %dma_wait3A_1186] : memref<320x128xf32, #tpu.memory_space<vmem>> -> memref<80x128xf32, #tpu.memory_space<vmem>>
          %dma_wait3A_1188 = tpu.memref_slice %arg2[%add3A_1173, %mul3A_2] : memref<50000x256xf32, #tpu.memory_space<hbm>> -> memref<80x128xf32, #tpu.memory_space<hbm>>
          tpu.wait_dma2 semaphore(%run_scoped3A_1174 : memref<!tpu.dma_semaphore, #tpu.memory_space<semaphore_mem>>) src(%dma_wait3A_1188 : memref<80x128xf32, #tpu.memory_space<hbm>>) dst(%dma_wait3A_1187 : memref<80x128xf32, #tpu.memory_space<vmem>>)
          tpu.yield
        }) : () -> ()
        %run_scoped3A = arith.constant 0 : i32
        "tpu.region"() ({
          %run_scoped3A_1174 = tpu.sem_alloc : memref<!tpu.dma_semaphore, #tpu.memory_space<semaphore_mem>>
          %dma_start3A = arith.constant 0 : i32
          %dma_start3A_1175 = arith.constant 0 : i32
          %dma_start3A_1176 = tpu.memref_slice %arg6[%dma_start3A, %dma_start3A_1175] : memref<320x128xf32, #tpu.memory_space<vmem>> -> memref<80x128xf32, #tpu.memory_space<vmem>>
          %dma_start3A_1177 = arith.constant 0 : i32
          %dma_start3A_1178 = tpu.memref_slice %arg5[%run_scoped3A, %dma_start3A_1177] : memref<40x80xi32, #tpu.memory_space<vmem>> -> memref<1x80xi32, #tpu.memory_space<vmem>>
          %dma_start3A_1179 = tpu.memref_squeeze %dma_start3A_1178 : memref<1x80xi32, #tpu.memory_space<vmem>> -> memref<80xi32, #tpu.memory_space<vmem>>
          %dma_start3A_1180 = arith.constant 0 : i32
          %dma_start3A_1181 = arith.constant 0 : i32
          %dma_start3A_1182 = tpu.memref_slice %arg12[%dma_start3A_1180, %dma_start3A_1181] : memref<256x128xf32, #tpu.memory_space<vmem_shared>> -> memref<256x128xf32, #tpu.memory_space<vmem_shared>>
          tpu.enqueue_indirect_dma source(%dma_start3A_1176 : memref<80x128xf32, #tpu.memory_space<vmem>>) target(%dma_start3A_1182 : memref<256x128xf32, #tpu.memory_space<vmem_shared>>) offsets(%dma_start3A_1179 : memref<80xi32, #tpu.memory_space<vmem>>) semaphore(%run_scoped3A_1174 : memref<!tpu.dma_semaphore, #tpu.memory_space<semaphore_mem>>) {add = true}
          %dma_wait3A = arith.constant 0 : i32
          %dma_wait3A_1183 = arith.constant 0 : i32
          %dma_wait3A_1184 = tpu.memref_slice %arg6[%dma_wait3A, %dma_wait3A_1183] : memref<320x128xf32, #tpu.memory_space<vmem>> -> memref<80x128xf32, #tpu.memory_space<vmem>>
          %dma_wait3A_1185 = arith.constant 0 : i32
          %dma_wait3A_1186 = tpu.memref_slice %arg5[%run_scoped3A, %dma_wait3A_1185] : memref<40x80xi32, #tpu.memory_space<vmem>> -> memref<1x80xi32, #tpu.memory_space<vmem>>
          %dma_wait3A_1187 = tpu.memref_squeeze %dma_wait3A_1186 : memref<1x80xi32, #tpu.memory_space<vmem>> -> memref<80xi32, #tpu.memory_space<vmem>>
          %dma_wait3A_1188 = arith.constant 0 : i32
          %dma_wait3A_1189 = arith.constant 0 : i32
          %dma_wait3A_1190 = tpu.memref_slice %arg12[%dma_wait3A_1188, %dma_wait3A_1189] : memref<256x128xf32, #tpu.memory_space<vmem_shared>> -> memref<256x128xf32, #tpu.memory_space<vmem_shared>>
          tpu.wait_indirect_dma semaphore(%run_scoped3A_1174 : memref<!tpu.dma_semaphore, #tpu.memory_space<semaphore_mem>>) src(%dma_wait3A_1184 : memref<80x128xf32, #tpu.memory_space<vmem>>) dst(%dma_wait3A_1190 : memref<256x128xf32, #tpu.memory_space<vmem_shared>>)
          tpu.yield
        }) : () -> ()
      } else {
      }
      %add3A_1143 = arith.constant 0 : i32
      %add3A_1144 = arith.addi %mul3A_0, %add3A_1143 : i32
      %add3A_1145 = arith.constant 160 : i32
      %add3A_1146 = arith.addi %add3A_1144, %add3A_1145 : i32
      %le3A_1147 = arith.constant 50000 : i32
      %le3A_1148 = arith.cmpi sle, %add3A_1146, %le3A_1147 : i32
      %convert_element_type3A_1149 = arith.extui %le3A_1148 : i1 to i32
      %cond3A_1150 = arith.constant 0 : i32
      %cond3A_1151 = arith.cmpi ne, %convert_element_type3A_1149, %cond3A_1150 : i32
      scf.if %cond3A_1151 {
        %add3A_1170 = arith.constant 0 : i32
        %add3A_1171 = arith.addi %mul3A_0, %add3A_1170 : i32
        %add3A_1172 = arith.constant 80 : i32
        %add3A_1173 = arith.addi %add3A_1171, %add3A_1172 : i32
        "tpu.region"() ({
          %run_scoped3A_1174 = tpu.sem_alloc : memref<!tpu.dma_semaphore, #tpu.memory_space<semaphore_mem>>
          %dma_start3A = arith.constant 80 : i32
          %dma_start3A_1175 = arith.constant 0 : i32
          %dma_start3A_1176 = tpu.memref_slice %arg6[%dma_start3A, %dma_start3A_1175] : memref<320x128xf32, #tpu.memory_space<vmem>> -> memref<80x128xf32, #tpu.memory_space<vmem>>
          %dma_start3A_1177 = tpu.memref_slice %arg2[%add3A_1173, %mul3A_2] : memref<50000x256xf32, #tpu.memory_space<hbm>> -> memref<80x128xf32, #tpu.memory_space<hbm>>
          %dma_start3A_1178 = arith.constant 80 : i32
          %dma_start3A_1179 = arith.constant 0 : i32
          %dma_start3A_1180 = tpu.memref_slice %arg6[%dma_start3A_1178, %dma_start3A_1179] : memref<320x128xf32, #tpu.memory_space<vmem>> -> memref<80x128xf32, #tpu.memory_space<vmem>>
          %dma_start3A_1181 = tpu.memref_slice %arg2[%add3A_1173, %mul3A_2] : memref<50000x256xf32, #tpu.memory_space<hbm>> -> memref<80x128xf32, #tpu.memory_space<hbm>>
          tpu.enqueue_dma source(%dma_start3A_1181 : memref<80x128xf32, #tpu.memory_space<hbm>>) target(%dma_start3A_1180 : memref<80x128xf32, #tpu.memory_space<vmem>>) target_semaphore(%run_scoped3A_1174 : memref<!tpu.dma_semaphore, #tpu.memory_space<semaphore_mem>>)
          %dma_wait3A = arith.constant 80 : i32
          %dma_wait3A_1182 = arith.constant 0 : i32
          %dma_wait3A_1183 = tpu.memref_slice %arg6[%dma_wait3A, %dma_wait3A_1182] : memref<320x128xf32, #tpu.memory_space<vmem>> -> memref<80x128xf32, #tpu.memory_space<vmem>>
          %dma_wait3A_1184 = tpu.memref_slice %arg2[%add3A_1173, %mul3A_2] : memref<50000x256xf32, #tpu.memory_space<hbm>> -> memref<80x128xf32, #tpu.memory_space<hbm>>
          %dma_wait3A_1185 = arith.constant 80 : i32
          %dma_wait3A_1186 = arith.constant 0 : i32
          %dma_wait3A_1187 = tpu.memref_slice %arg6[%dma_wait3A_1185, %dma_wait3A_1186] : memref<320x128xf32, #tpu.memory_space<vmem>> -> memref<80x128xf32, #tpu.memory_space<vmem>>
          %dma_wait3A_1188 = tpu.memref_slice %arg2[%add3A_1173, %mul3A_2] : memref<50000x256xf32, #tpu.memory_space<hbm>> -> memref<80x128xf32, #tpu.memory_space<hbm>>
          tpu.wait_dma2 semaphore(%run_scoped3A_1174 : memref<!tpu.dma_semaphore, #tpu.memory_space<semaphore_mem>>) src(%dma_wait3A_1188 : memref<80x128xf32, #tpu.memory_space<hbm>>) dst(%dma_wait3A_1187 : memref<80x128xf32, #tpu.memory_space<vmem>>)
          tpu.yield
        }) : () -> ()
        %run_scoped3A = arith.constant 1 : i32
        "tpu.region"() ({
          %run_scoped3A_1174 = tpu.sem_alloc : memref<!tpu.dma_semaphore, #tpu.memory_space<semaphore_mem>>
          %dma_start3A = arith.constant 80 : i32
          %dma_start3A_1175 = arith.constant 0 : i32
          %dma_start3A_1176 = tpu.memref_slice %arg6[%dma_start3A, %dma_start3A_1175] : memref<320x128xf32, #tpu.memory_space<vmem>> -> memref<80x128xf32, #tpu.memory_space<vmem>>
          %dma_start3A_1177 = arith.constant 0 : i32
          %dma_start3A_1178 = tpu.memref_slice %arg5[%run_scoped3A, %dma_start3A_1177] : memref<40x80xi32, #tpu.memory_space<vmem>> -> memref<1x80xi32, #tpu.memory_space<vmem>>
          %dma_start3A_1179 = tpu.memref_squeeze %dma_start3A_1178 : memref<1x80xi32, #tpu.memory_space<vmem>> -> memref<80xi32, #tpu.memory_space<vmem>>
          %dma_start3A_1180 = arith.constant 0 : i32
          %dma_start3A_1181 = arith.constant 0 : i32
          %dma_start3A_1182 = tpu.memref_slice %arg12[%dma_start3A_1180, %dma_start3A_1181] : memref<256x128xf32, #tpu.memory_space<vmem_shared>> -> memref<256x128xf32, #tpu.memory_space<vmem_shared>>
          tpu.enqueue_indirect_dma source(%dma_start3A_1176 : memref<80x128xf32, #tpu.memory_space<vmem>>) target(%dma_start3A_1182 : memref<256x128xf32, #tpu.memory_space<vmem_shared>>) offsets(%dma_start3A_1179 : memref<80xi32, #tpu.memory_space<vmem>>) semaphore(%run_scoped3A_1174 : memref<!tpu.dma_semaphore, #tpu.memory_space<semaphore_mem>>) {add = true}
          %dma_wait3A = arith.constant 80 : i32
          %dma_wait3A_1183 = arith.constant 0 : i32
          %dma_wait3A_1184 = tpu.memref_slice %arg6[%dma_wait3A, %dma_wait3A_1183] : memref<320x128xf32, #tpu.memory_space<vmem>> -> memref<80x128xf32, #tpu.memory_space<vmem>>
          %dma_wait3A_1185 = arith.constant 0 : i32
          %dma_wait3A_1186 = tpu.memref_slice %arg5[%run_scoped3A, %dma_wait3A_1185] : memref<40x80xi32, #tpu.memory_space<vmem>> -> memref<1x80xi32, #tpu.memory_space<vmem>>
          %dma_wait3A_1187 = tpu.memref_squeeze %dma_wait3A_1186 : memref<1x80xi32, #tpu.memory_space<vmem>> -> memref<80xi32, #tpu.memory_space<vmem>>
          %dma_wait3A_1188 = arith.constant 0 : i32
          %dma_wait3A_1189 = arith.constant 0 : i32
          %dma_wait3A_1190 = tpu.memref_slice %arg12[%dma_wait3A_1188, %dma_wait3A_1189] : memref<256x128xf32, #tpu.memory_space<vmem_shared>> -> memref<256x128xf32, #tpu.memory_space<vmem_shared>>
          tpu.wait_indirect_dma semaphore(%run_scoped3A_1174 : memref<!tpu.dma_semaphore, #tpu.memory_space<semaphore_mem>>) src(%dma_wait3A_1184 : memref<80x128xf32, #tpu.memory_space<vmem>>) dst(%dma_wait3A_1190 : memref<256x128xf32, #tpu.memory_space<vmem_shared>>)
          tpu.yield
        }) : () -> ()
      } else {
      }
      %add3A_1152 = arith.constant 0 : i32
      %add3A_1153 = arith.addi %mul3A_0, %add3A_1152 : i32
      %add3A_1154 = arith.constant 240 : i32
      %add3A_1155 = arith.addi %add3A_1153, %add3A_1154 : i32
      %le3A_1156 = arith.constant 50000 : i32
      %le3A_1157 = arith.cmpi sle, %add3A_1155, %le3A_1156 : i32
      %convert_element_type3A_1158 = arith.extui %le3A_1157 : i1 to i32
      %cond3A_1159 = arith.constant 0 : i32
      %cond3A_1160 = arith.cmpi ne, %convert_element_type3A_1158, %cond3A_1159 : i32
      scf.if %cond3A_1160 {
        %add3A_1170 = arith.constant 0 : i32
        %add3A_1171 = arith.addi %mul3A_0, %add3A_1170 : i32
        %add3A_1172 = arith.constant 160 : i32
        %add3A_1173 = arith.addi %add3A_1171, %add3A_1172 : i32
        "tpu.region"() ({
          %run_scoped3A_1174 = tpu.sem_alloc : memref<!tpu.dma_semaphore, #tpu.memory_space<semaphore_mem>>
          %dma_start3A = arith.constant 160 : i32
          %dma_start3A_1175 = arith.constant 0 : i32
          %dma_start3A_1176 = tpu.memref_slice %arg6[%dma_start3A, %dma_start3A_1175] : memref<320x128xf32, #tpu.memory_space<vmem>> -> memref<80x128xf32, #tpu.memory_space<vmem>>
          %dma_start3A_1177 = tpu.memref_slice %arg2[%add3A_1173, %mul3A_2] : memref<50000x256xf32, #tpu.memory_space<hbm>> -> memref<80x128xf32, #tpu.memory_space<hbm>>
          %dma_start3A_1178 = arith.constant 160 : i32
          %dma_start3A_1179 = arith.constant 0 : i32
          %dma_start3A_1180 = tpu.memref_slice %arg6[%dma_start3A_1178, %dma_start3A_1179] : memref<320x128xf32, #tpu.memory_space<vmem>> -> memref<80x128xf32, #tpu.memory_space<vmem>>
          %dma_start3A_1181 = tpu.memref_slice %arg2[%add3A_1173, %mul3A_2] : memref<50000x256xf32, #tpu.memory_space<hbm>> -> memref<80x128xf32, #tpu.memory_space<hbm>>
          tpu.enqueue_dma source(%dma_start3A_1181 : memref<80x128xf32, #tpu.memory_space<hbm>>) target(%dma_start3A_1180 : memref<80x128xf32, #tpu.memory_space<vmem>>) target_semaphore(%run_scoped3A_1174 : memref<!tpu.dma_semaphore, #tpu.memory_space<semaphore_mem>>)
          %dma_wait3A = arith.constant 160 : i32
          %dma_wait3A_1182 = arith.constant 0 : i32
          %dma_wait3A_1183 = tpu.memref_slice %arg6[%dma_wait3A, %dma_wait3A_1182] : memref<320x128xf32, #tpu.memory_space<vmem>> -> memref<80x128xf32, #tpu.memory_space<vmem>>
          %dma_wait3A_1184 = tpu.memref_slice %arg2[%add3A_1173, %mul3A_2] : memref<50000x256xf32, #tpu.memory_space<hbm>> -> memref<80x128xf32, #tpu.memory_space<hbm>>
          %dma_wait3A_1185 = arith.constant 160 : i32
          %dma_wait3A_1186 = arith.constant 0 : i32
          %dma_wait3A_1187 = tpu.memref_slice %arg6[%dma_wait3A_1185, %dma_wait3A_1186] : memref<320x128xf32, #tpu.memory_space<vmem>> -> memref<80x128xf32, #tpu.memory_space<vmem>>
          %dma_wait3A_1188 = tpu.memref_slice %arg2[%add3A_1173, %mul3A_2] : memref<50000x256xf32, #tpu.memory_space<hbm>> -> memref<80x128xf32, #tpu.memory_space<hbm>>
          tpu.wait_dma2 semaphore(%run_scoped3A_1174 : memref<!tpu.dma_semaphore, #tpu.memory_space<semaphore_mem>>) src(%dma_wait3A_1188 : memref<80x128xf32, #tpu.memory_space<hbm>>) dst(%dma_wait3A_1187 : memref<80x128xf32, #tpu.memory_space<vmem>>)
          tpu.yield
        }) : () -> ()
        %run_scoped3A = arith.constant 2 : i32
        "tpu.region"() ({
          %run_scoped3A_1174 = tpu.sem_alloc : memref<!tpu.dma_semaphore, #tpu.memory_space<semaphore_mem>>
          %dma_start3A = arith.constant 160 : i32
          %dma_start3A_1175 = arith.constant 0 : i32
          %dma_start3A_1176 = tpu.memref_slice %arg6[%dma_start3A, %dma_start3A_1175] : memref<320x128xf32, #tpu.memory_space<vmem>> -> memref<80x128xf32, #tpu.memory_space<vmem>>
          %dma_start3A_1177 = arith.constant 0 : i32
          %dma_start3A_1178 = tpu.memref_slice %arg5[%run_scoped3A, %dma_start3A_1177] : memref<40x80xi32, #tpu.memory_space<vmem>> -> memref<1x80xi32, #tpu.memory_space<vmem>>
          %dma_start3A_1179 = tpu.memref_squeeze %dma_start3A_1178 : memref<1x80xi32, #tpu.memory_space<vmem>> -> memref<80xi32, #tpu.memory_space<vmem>>
          %dma_start3A_1180 = arith.constant 0 : i32
          %dma_start3A_1181 = arith.constant 0 : i32
          %dma_start3A_1182 = tpu.memref_slice %arg12[%dma_start3A_1180, %dma_start3A_1181] : memref<256x128xf32, #tpu.memory_space<vmem_shared>> -> memref<256x128xf32, #tpu.memory_space<vmem_shared>>
          tpu.enqueue_indirect_dma source(%dma_start3A_1176 : memref<80x128xf32, #tpu.memory_space<vmem>>) target(%dma_start3A_1182 : memref<256x128xf32, #tpu.memory_space<vmem_shared>>) offsets(%dma_start3A_1179 : memref<80xi32, #tpu.memory_space<vmem>>) semaphore(%run_scoped3A_1174 : memref<!tpu.dma_semaphore, #tpu.memory_space<semaphore_mem>>) {add = true}
          %dma_wait3A = arith.constant 160 : i32
          %dma_wait3A_1183 = arith.constant 0 : i32
          %dma_wait3A_1184 = tpu.memref_slice %arg6[%dma_wait3A, %dma_wait3A_1183] : memref<320x128xf32, #tpu.memory_space<vmem>> -> memref<80x128xf32, #tpu.memory_space<vmem>>
          %dma_wait3A_1185 = arith.constant 0 : i32
          %dma_wait3A_1186 = tpu.memref_slice %arg5[%run_scoped3A, %dma_wait3A_1185] : memref<40x80xi32, #tpu.memory_space<vmem>> -> memref<1x80xi32, #tpu.memory_space<vmem>>
          %dma_wait3A_1187 = tpu.memref_squeeze %dma_wait3A_1186 : memref<1x80xi32, #tpu.memory_space<vmem>> -> memref<80xi32, #tpu.memory_space<vmem>>
          %dma_wait3A_1188 = arith.constant 0 : i32
          %dma_wait3A_1189 = arith.constant 0 : i32
          %dma_wait3A_1190 = tpu.memref_slice %arg12[%dma_wait3A_1188, %dma_wait3A_1189] : memref<256x128xf32, #tpu.memory_space<vmem_shared>> -> memref<256x128xf32, #tpu.memory_space<vmem_shared>>
          tpu.wait_indirect_dma semaphore(%run_scoped3A_1174 : memref<!tpu.dma_semaphore, #tpu.memory_space<semaphore_mem>>) src(%dma_wait3A_1184 : memref<80x128xf32, #tpu.memory_space<vmem>>) dst(%dma_wait3A_1190 : memref<256x128xf32, #tpu.memory_space<vmem_shared>>)
          tpu.yield
        }) : () -> ()
      } else {
      }
      %add3A_1161 = arith.constant 0 : i32
      %add3A_1162 = arith.addi %mul3A_0, %add3A_1161 : i32
      %add3A_1163 = arith.constant 320 : i32
      %add3A_1164 = arith.addi %add3A_1162, %add3A_1163 : i32
      %le3A_1165 = arith.constant 50000 : i32
      %le3A_1166 = arith.cmpi sle, %add3A_1164, %le3A_1165 : i32
      %convert_element_type3A_1167 = arith.extui %le3A_1166 : i1 to i32
      %cond3A_1168 = arith.constant 0 : i32
      %cond3A_1169 = arith.cmpi ne, %convert_element_type3A_1167, %cond3A_1168 : i32
      scf.if %cond3A_1169 {
        %add3A_1170 = arith.constant 0 : i32
        %add3A_1171 = arith.addi %mul3A_0, %add3A_1170 : i32
        %add3A_1172 = arith.constant 240 : i32
        %add3A_1173 = arith.addi %add3A_1171, %add3A_1172 : i32
        "tpu.region"() ({
          %run_scoped3A_1174 = tpu.sem_alloc : memref<!tpu.dma_semaphore, #tpu.memory_space<semaphore_mem>>
          %dma_start3A = arith.constant 240 : i32
          %dma_start3A_1175 = arith.constant 0 : i32
          %dma_start3A_1176 = tpu.memref_slice %arg6[%dma_start3A, %dma_start3A_1175] : memref<320x128xf32, #tpu.memory_space<vmem>> -> memref<80x128xf32, #tpu.memory_space<vmem>>
          %dma_start3A_1177 = tpu.memref_slice %arg2[%add3A_1173, %mul3A_2] : memref<50000x256xf32, #tpu.memory_space<hbm>> -> memref<80x128xf32, #tpu.memory_space<hbm>>
          %dma_start3A_1178 = arith.constant 240 : i32
          %dma_start3A_1179 = arith.constant 0 : i32
          %dma_start3A_1180 = tpu.memref_slice %arg6[%dma_start3A_1178, %dma_start3A_1179] : memref<320x128xf32, #tpu.memory_space<vmem>> -> memref<80x128xf32, #tpu.memory_space<vmem>>
          %dma_start3A_1181 = tpu.memref_slice %arg2[%add3A_1173, %mul3A_2] : memref<50000x256xf32, #tpu.memory_space<hbm>> -> memref<80x128xf32, #tpu.memory_space<hbm>>
          tpu.enqueue_dma source(%dma_start3A_1181 : memref<80x128xf32, #tpu.memory_space<hbm>>) target(%dma_start3A_1180 : memref<80x128xf32, #tpu.memory_space<vmem>>) target_semaphore(%run_scoped3A_1174 : memref<!tpu.dma_semaphore, #tpu.memory_space<semaphore_mem>>)
          %dma_wait3A = arith.constant 240 : i32
          %dma_wait3A_1182 = arith.constant 0 : i32
          %dma_wait3A_1183 = tpu.memref_slice %arg6[%dma_wait3A, %dma_wait3A_1182] : memref<320x128xf32, #tpu.memory_space<vmem>> -> memref<80x128xf32, #tpu.memory_space<vmem>>
          %dma_wait3A_1184 = tpu.memref_slice %arg2[%add3A_1173, %mul3A_2] : memref<50000x256xf32, #tpu.memory_space<hbm>> -> memref<80x128xf32, #tpu.memory_space<hbm>>
          %dma_wait3A_1185 = arith.constant 240 : i32
          %dma_wait3A_1186 = arith.constant 0 : i32
          %dma_wait3A_1187 = tpu.memref_slice %arg6[%dma_wait3A_1185, %dma_wait3A_1186] : memref<320x128xf32, #tpu.memory_space<vmem>> -> memref<80x128xf32, #tpu.memory_space<vmem>>
          %dma_wait3A_1188 = tpu.memref_slice %arg2[%add3A_1173, %mul3A_2] : memref<50000x256xf32, #tpu.memory_space<hbm>> -> memref<80x128xf32, #tpu.memory_space<hbm>>
          tpu.wait_dma2 semaphore(%run_scoped3A_1174 : memref<!tpu.dma_semaphore, #tpu.memory_space<semaphore_mem>>) src(%dma_wait3A_1188 : memref<80x128xf32, #tpu.memory_space<hbm>>) dst(%dma_wait3A_1187 : memref<80x128xf32, #tpu.memory_space<vmem>>)
          tpu.yield
        }) : () -> ()
        %run_scoped3A = arith.constant 3 : i32
        "tpu.region"() ({
          %run_scoped3A_1174 = tpu.sem_alloc : memref<!tpu.dma_semaphore, #tpu.memory_space<semaphore_mem>>
          %dma_start3A = arith.constant 240 : i32
          %dma_start3A_1175 = arith.constant 0 : i32
          %dma_start3A_1176 = tpu.memref_slice %arg6[%dma_start3A, %dma_start3A_1175] : memref<320x128xf32, #tpu.memory_space<vmem>> -> memref<80x128xf32, #tpu.memory_space<vmem>>
          %dma_start3A_1177 = arith.constant 0 : i32
          %dma_start3A_1178 = tpu.memref_slice %arg5[%run_scoped3A, %dma_start3A_1177] : memref<40x80xi32, #tpu.memory_space<vmem>> -> memref<1x80xi32, #tpu.memory_space<vmem>>
          %dma_start3A_1179 = tpu.memref_squeeze %dma_start3A_1178 : memref<1x80xi32, #tpu.memory_space<vmem>> -> memref<80xi32, #tpu.memory_space<vmem>>
          %dma_start3A_1180 = arith.constant 0 : i32
          %dma_start3A_1181 = arith.constant 0 : i32
          %dma_start3A_1182 = tpu.memref_slice %arg12[%dma_start3A_1180, %dma_start3A_1181] : memref<256x128xf32, #tpu.memory_space<vmem_shared>> -> memref<256x128xf32, #tpu.memory_space<vmem_shared>>
          tpu.enqueue_indirect_dma source(%dma_start3A_1176 : memref<80x128xf32, #tpu.memory_space<vmem>>) target(%dma_start3A_1182 : memref<256x128xf32, #tpu.memory_space<vmem_shared>>) offsets(%dma_start3A_1179 : memref<80xi32, #tpu.memory_space<vmem>>) semaphore(%run_scoped3A_1174 : memref<!tpu.dma_semaphore, #tpu.memory_space<semaphore_mem>>) {add = true}
          %dma_wait3A = arith.constant 240 : i32
          %dma_wait3A_1183 = arith.constant 0 : i32
          %dma_wait3A_1184 = tpu.memref_slice %arg6[%dma_wait3A, %dma_wait3A_1183] : memref<320x128xf32, #tpu.memory_space<vmem>> -> memref<80x128xf32, #tpu.memory_space<vmem>>
          %dma_wait3A_1185 = arith.constant 0 : i32
          %dma_wait3A_1186 = tpu.memref_slice %arg5[%run_scoped3A, %dma_wait3A_1185] : memref<40x80xi32, #tpu.memory_space<vmem>> -> memref<1x80xi32, #tpu.memory_space<vmem>>
          %dma_wait3A_1187 = tpu.memref_squeeze %dma_wait3A_1186 : memref<1x80xi32, #tpu.memory_space<vmem>> -> memref<80xi32, #tpu.memory_space<vmem>>
          %dma_wait3A_1188 = arith.constant 0 : i32
          %dma_wait3A_1189 = arith.constant 0 : i32
          %dma_wait3A_1190 = tpu.memref_slice %arg12[%dma_wait3A_1188, %dma_wait3A_1189] : memref<256x128xf32, #tpu.memory_space<vmem_shared>> -> memref<256x128xf32, #tpu.memory_space<vmem_shared>>
          tpu.wait_indirect_dma semaphore(%run_scoped3A_1174 : memref<!tpu.dma_semaphore, #tpu.memory_space<semaphore_mem>>) src(%dma_wait3A_1184 : memref<80x128xf32, #tpu.memory_space<vmem>>) dst(%dma_wait3A_1190 : memref<256x128xf32, #tpu.memory_space<vmem_shared>>)
          tpu.yield
        }) : () -> ()
      } else {
      }
    } else {
    }
    %add3A_814 = arith.constant 640 : i32
    %add3A_815 = arith.addi %mul3A_0, %add3A_814 : i32
    %add3A_816 = arith.constant 320 : i32
    %add3A_817 = arith.addi %add3A_815, %add3A_816 : i32
    %le3A_818 = arith.constant 50000 : i32
    %le3A_819 = arith.cmpi sle, %add3A_817, %le3A_818 : i32
    %convert_element_type3A_820 = arith.extui %le3A_819 : i1 to i32
    %cond3A_821 = arith.constant 0 : i32
    %cond3A_822 = arith.cmpi ne, %convert_element_type3A_820, %cond3A_821 : i32
    scf.if %cond3A_822 {
      %add3A_1134 = arith.constant 640 : i32
      %add3A_1135 = arith.addi %mul3A_0, %add3A_1134 : i32
      %dma_start3A = tpu.memref_slice %arg2[%add3A_1135, %mul3A_2] : memref<50000x256xf32, #tpu.memory_space<hbm>> -> memref<320x128xf32, #tpu.memory_space<hbm>>
      %dma_start3A_1136 = tpu.memref_slice %arg2[%add3A_1135, %mul3A_2] : memref<50000x256xf32, #tpu.memory_space<hbm>> -> memref<320x128xf32, #tpu.memory_space<hbm>>
      tpu.enqueue_dma source(%dma_start3A_1136 : memref<320x128xf32, #tpu.memory_space<hbm>>) target(%arg6 : memref<320x128xf32, #tpu.memory_space<vmem>>) target_semaphore(%arg9 : memref<!tpu.dma_semaphore, #tpu.memory_space<semaphore_mem>>)
    } else {
    }
    %add3A_823 = arith.constant 320 : i32
    %add3A_824 = arith.addi %mul3A_0, %add3A_823 : i32
    %add3A_825 = arith.constant 320 : i32
    %add3A_826 = arith.addi %add3A_824, %add3A_825 : i32
    %le3A_827 = arith.constant 50000 : i32
    %le3A_828 = arith.cmpi sle, %add3A_826, %le3A_827 : i32
    %convert_element_type3A_829 = arith.extui %le3A_828 : i1 to i32
    %cond3A_830 = arith.constant 0 : i32
    %cond3A_831 = arith.cmpi ne, %convert_element_type3A_829, %cond3A_830 : i32
    scf.if %cond3A_831 {
      %add3A_1134 = arith.constant 320 : i32
      %add3A_1135 = arith.addi %mul3A_0, %add3A_1134 : i32
      %dma_wait3A = tpu.memref_slice %arg2[%add3A_1135, %mul3A_2] : memref<50000x256xf32, #tpu.memory_space<hbm>> -> memref<320x128xf32, #tpu.memory_space<hbm>>
      %dma_wait3A_1136 = tpu.memref_slice %arg2[%add3A_1135, %mul3A_2] : memref<50000x256xf32, #tpu.memory_space<hbm>> -> memref<320x128xf32, #tpu.memory_space<hbm>>
      tpu.wait_dma2 semaphore(%arg10 : memref<!tpu.dma_semaphore, #tpu.memory_space<semaphore_mem>>) src(%dma_wait3A_1136 : memref<320x128xf32, #tpu.memory_space<hbm>>) dst(%arg7 : memref<320x128xf32, #tpu.memory_space<vmem>>)
      %dma_start3A = arith.constant 4 : i32
      %dma_start3A_1137 = arith.constant 0 : i32
      %dma_start3A_1138 = arith.constant 0 : i32
      %dma_start3A_1139 = tpu.memref_slice %arg7[%dma_start3A_1137, %dma_start3A_1138] : memref<320x128xf32, #tpu.memory_space<vmem>> -> memref<80x128xf32, #tpu.memory_space<vmem>>
      %dma_start3A_1140 = arith.constant 0 : i32
      %dma_start3A_1141 = tpu.memref_slice %arg5[%dma_start3A, %dma_start3A_1140] : memref<40x80xi32, #tpu.memory_space<vmem>> -> memref<1x80xi32, #tpu.memory_space<vmem>>
      %dma_start3A_1142 = tpu.memref_squeeze %dma_start3A_1141 : memref<1x80xi32, #tpu.memory_space<vmem>> -> memref<80xi32, #tpu.memory_space<vmem>>
      %dma_start3A_1143 = arith.constant 0 : i32
      %dma_start3A_1144 = arith.constant 0 : i32
      %dma_start3A_1145 = tpu.memref_slice %arg12[%dma_start3A_1143, %dma_start3A_1144] : memref<256x128xf32, #tpu.memory_space<vmem_shared>> -> memref<256x128xf32, #tpu.memory_space<vmem_shared>>
      tpu.enqueue_indirect_dma source(%dma_start3A_1139 : memref<80x128xf32, #tpu.memory_space<vmem>>) target(%dma_start3A_1145 : memref<256x128xf32, #tpu.memory_space<vmem_shared>>) offsets(%dma_start3A_1142 : memref<80xi32, #tpu.memory_space<vmem>>) semaphore(%arg11 : memref<!tpu.dma_semaphore, #tpu.memory_space<semaphore_mem>>) {add = true}
      %dma_start3A_1146 = arith.constant 5 : i32
      %dma_start3A_1147 = arith.constant 80 : i32
      %dma_start3A_1148 = arith.constant 0 : i32
      %dma_start3A_1149 = tpu.memref_slice %arg7[%dma_start3A_1147, %dma_start3A_1148] : memref<320x128xf32, #tpu.memory_space<vmem>> -> memref<80x128xf32, #tpu.memory_space<vmem>>
      %dma_start3A_1150 = arith.constant 0 : i32
      %dma_start3A_1151 = tpu.memref_slice %arg5[%dma_start3A_1146, %dma_start3A_1150] : memref<40x80xi32, #tpu.memory_space<vmem>> -> memref<1x80xi32, #tpu.memory_space<vmem>>
      %dma_start3A_1152 = tpu.memref_squeeze %dma_start3A_1151 : memref<1x80xi32, #tpu.memory_space<vmem>> -> memref<80xi32, #tpu.memory_space<vmem>>
      %dma_start3A_1153 = arith.constant 0 : i32
      %dma_start3A_1154 = arith.constant 0 : i32
      %dma_start3A_1155 = tpu.memref_slice %arg12[%dma_start3A_1153, %dma_start3A_1154] : memref<256x128xf32, #tpu.memory_space<vmem_shared>> -> memref<256x128xf32, #tpu.memory_space<vmem_shared>>
      tpu.enqueue_indirect_dma source(%dma_start3A_1149 : memref<80x128xf32, #tpu.memory_space<vmem>>) target(%dma_start3A_1155 : memref<256x128xf32, #tpu.memory_space<vmem_shared>>) offsets(%dma_start3A_1152 : memref<80xi32, #tpu.memory_space<vmem>>) semaphore(%arg11 : memref<!tpu.dma_semaphore, #tpu.memory_space<semaphore_mem>>) {add = true}
      %dma_start3A_1156 = arith.constant 6 : i32
      %dma_start3A_1157 = arith.constant 160 : i32
      %dma_start3A_1158 = arith.constant 0 : i32
      %dma_start3A_1159 = tpu.memref_slice %arg7[%dma_start3A_1157, %dma_start3A_1158] : memref<320x128xf32, #tpu.memory_space<vmem>> -> memref<80x128xf32, #tpu.memory_space<vmem>>
      %dma_start3A_1160 = arith.constant 0 : i32
      %dma_start3A_1161 = tpu.memref_slice %arg5[%dma_start3A_1156, %dma_start3A_1160] : memref<40x80xi32, #tpu.memory_space<vmem>> -> memref<1x80xi32, #tpu.memory_space<vmem>>
      %dma_start3A_1162 = tpu.memref_squeeze %dma_start3A_1161 : memref<1x80xi32, #tpu.memory_space<vmem>> -> memref<80xi32, #tpu.memory_space<vmem>>
      %dma_start3A_1163 = arith.constant 0 : i32
      %dma_start3A_1164 = arith.constant 0 : i32
      %dma_start3A_1165 = tpu.memref_slice %arg12[%dma_start3A_1163, %dma_start3A_1164] : memref<256x128xf32, #tpu.memory_space<vmem_shared>> -> memref<256x128xf32, #tpu.memory_space<vmem_shared>>
      tpu.enqueue_indirect_dma source(%dma_start3A_1159 : memref<80x128xf32, #tpu.memory_space<vmem>>) target(%dma_start3A_1165 : memref<256x128xf32, #tpu.memory_space<vmem_shared>>) offsets(%dma_start3A_1162 : memref<80xi32, #tpu.memory_space<vmem>>) semaphore(%arg11 : memref<!tpu.dma_semaphore, #tpu.memory_space<semaphore_mem>>) {add = true}
      %dma_start3A_1166 = arith.constant 7 : i32
      %dma_start3A_1167 = arith.constant 240 : i32
      %dma_start3A_1168 = arith.constant 0 : i32
      %dma_start3A_1169 = tpu.memref_slice %arg7[%dma_start3A_1167, %dma_start3A_1168] : memref<320x128xf32, #tpu.memory_space<vmem>> -> memref<80x128xf32, #tpu.memory_space<vmem>>
      %dma_start3A_1170 = arith.constant 0 : i32
      %dma_start3A_1171 = tpu.memref_slice %arg5[%dma_start3A_1166, %dma_start3A_1170] : memref<40x80xi32, #tpu.memory_space<vmem>> -> memref<1x80xi32, #tpu.memory_space<vmem>>
      %dma_start3A_1172 = tpu.memref_squeeze %dma_start3A_1171 : memref<1x80xi32, #tpu.memory_space<vmem>> -> memref<80xi32, #tpu.memory_space<vmem>>
      %dma_start3A_1173 = arith.constant 0 : i32
      %dma_start3A_1174 = arith.constant 0 : i32
      %dma_start3A_1175 = tpu.memref_slice %arg12[%dma_start3A_1173, %dma_start3A_1174] : memref<256x128xf32, #tpu.memory_space<vmem_shared>> -> memref<256x128xf32, #tpu.memory_space<vmem_shared>>
      tpu.enqueue_indirect_dma source(%dma_start3A_1169 : memref<80x128xf32, #tpu.memory_space<vmem>>) target(%dma_start3A_1175 : memref<256x128xf32, #tpu.memory_space<vmem_shared>>) offsets(%dma_start3A_1172 : memref<80xi32, #tpu.memory_space<vmem>>) semaphore(%arg11 : memref<!tpu.dma_semaphore, #tpu.memory_space<semaphore_mem>>) {add = true}
      %dma_wait3A_1176 = arith.constant 4 : i32
      %dma_wait3A_1177 = arith.constant 0 : i32
      %dma_wait3A_1178 = arith.constant 0 : i32
      %dma_wait3A_1179 = tpu.memref_slice %arg7[%dma_wait3A_1177, %dma_wait3A_1178] : memref<320x128xf32, #tpu.memory_space<vmem>> -> memref<80x128xf32, #tpu.memory_space<vmem>>
      %dma_wait3A_1180 = arith.constant 0 : i32
      %dma_wait3A_1181 = tpu.memref_slice %arg5[%dma_wait3A_1176, %dma_wait3A_1180] : memref<40x80xi32, #tpu.memory_space<vmem>> -> memref<1x80xi32, #tpu.memory_space<vmem>>
      %dma_wait3A_1182 = tpu.memref_squeeze %dma_wait3A_1181 : memref<1x80xi32, #tpu.memory_space<vmem>> -> memref<80xi32, #tpu.memory_space<vmem>>
      %dma_wait3A_1183 = arith.constant 0 : i32
      %dma_wait3A_1184 = arith.constant 0 : i32
      %dma_wait3A_1185 = tpu.memref_slice %arg12[%dma_wait3A_1183, %dma_wait3A_1184] : memref<256x128xf32, #tpu.memory_space<vmem_shared>> -> memref<256x128xf32, #tpu.memory_space<vmem_shared>>
      tpu.wait_indirect_dma semaphore(%arg11 : memref<!tpu.dma_semaphore, #tpu.memory_space<semaphore_mem>>) src(%dma_wait3A_1179 : memref<80x128xf32, #tpu.memory_space<vmem>>) dst(%dma_wait3A_1185 : memref<256x128xf32, #tpu.memory_space<vmem_shared>>)
      %dma_wait3A_1186 = arith.constant 5 : i32
      %dma_wait3A_1187 = arith.constant 80 : i32
      %dma_wait3A_1188 = arith.constant 0 : i32
      %dma_wait3A_1189 = tpu.memref_slice %arg7[%dma_wait3A_1187, %dma_wait3A_1188] : memref<320x128xf32, #tpu.memory_space<vmem>> -> memref<80x128xf32, #tpu.memory_space<vmem>>
      %dma_wait3A_1190 = arith.constant 0 : i32
      %dma_wait3A_1191 = tpu.memref_slice %arg5[%dma_wait3A_1186, %dma_wait3A_1190] : memref<40x80xi32, #tpu.memory_space<vmem>> -> memref<1x80xi32, #tpu.memory_space<vmem>>
      %dma_wait3A_1192 = tpu.memref_squeeze %dma_wait3A_1191 : memref<1x80xi32, #tpu.memory_space<vmem>> -> memref<80xi32, #tpu.memory_space<vmem>>
      %dma_wait3A_1193 = arith.constant 0 : i32
      %dma_wait3A_1194 = arith.constant 0 : i32
      %dma_wait3A_1195 = tpu.memref_slice %arg12[%dma_wait3A_1193, %dma_wait3A_1194] : memref<256x128xf32, #tpu.memory_space<vmem_shared>> -> memref<256x128xf32, #tpu.memory_space<vmem_shared>>
      tpu.wait_indirect_dma semaphore(%arg11 : memref<!tpu.dma_semaphore, #tpu.memory_space<semaphore_mem>>) src(%dma_wait3A_1189 : memref<80x128xf32, #tpu.memory_space<vmem>>) dst(%dma_wait3A_1195 : memref<256x128xf32, #tpu.memory_space<vmem_shared>>)
      %dma_wait3A_1196 = arith.constant 6 : i32
      %dma_wait3A_1197 = arith.constant 160 : i32
      %dma_wait3A_1198 = arith.constant 0 : i32
      %dma_wait3A_1199 = tpu.memref_slice %arg7[%dma_wait3A_1197, %dma_wait3A_1198] : memref<320x128xf32, #tpu.memory_space<vmem>> -> memref<80x128xf32, #tpu.memory_space<vmem>>
      %dma_wait3A_1200 = arith.constant 0 : i32
      %dma_wait3A_1201 = tpu.memref_slice %arg5[%dma_wait3A_1196, %dma_wait3A_1200] : memref<40x80xi32, #tpu.memory_space<vmem>> -> memref<1x80xi32, #tpu.memory_space<vmem>>
      %dma_wait3A_1202 = tpu.memref_squeeze %dma_wait3A_1201 : memref<1x80xi32, #tpu.memory_space<vmem>> -> memref<80xi32, #tpu.memory_space<vmem>>
      %dma_wait3A_1203 = arith.constant 0 : i32
      %dma_wait3A_1204 = arith.constant 0 : i32
      %dma_wait3A_1205 = tpu.memref_slice %arg12[%dma_wait3A_1203, %dma_wait3A_1204] : memref<256x128xf32, #tpu.memory_space<vmem_shared>> -> memref<256x128xf32, #tpu.memory_space<vmem_shared>>
      tpu.wait_indirect_dma semaphore(%arg11 : memref<!tpu.dma_semaphore, #tpu.memory_space<semaphore_mem>>) src(%dma_wait3A_1199 : memref<80x128xf32, #tpu.memory_space<vmem>>) dst(%dma_wait3A_1205 : memref<256x128xf32, #tpu.memory_space<vmem_shared>>)
      %dma_wait3A_1206 = arith.constant 7 : i32
      %dma_wait3A_1207 = arith.constant 240 : i32
      %dma_wait3A_1208 = arith.constant 0 : i32
      %dma_wait3A_1209 = tpu.memref_slice %arg7[%dma_wait3A_1207, %dma_wait3A_1208] : memref<320x128xf32, #tpu.memory_space<vmem>> -> memref<80x128xf32, #tpu.memory_space<vmem>>
      %dma_wait3A_1210 = arith.constant 0 : i32
      %dma_wait3A_1211 = tpu.memref_slice %arg5[%dma_wait3A_1206, %dma_wait3A_1210] : memref<40x80xi32, #tpu.memory_space<vmem>> -> memref<1x80xi32, #tpu.memory_space<vmem>>
      %dma_wait3A_1212 = tpu.memref_squeeze %dma_wait3A_1211 : memref<1x80xi32, #tpu.memory_space<vmem>> -> memref<80xi32, #tpu.memory_space<vmem>>
      %dma_wait3A_1213 = arith.constant 0 : i32
      %dma_wait3A_1214 = arith.constant 0 : i32
      %dma_wait3A_1215 = tpu.memref_slice %arg12[%dma_wait3A_1213, %dma_wait3A_1214] : memref<256x128xf32, #tpu.memory_space<vmem_shared>> -> memref<256x128xf32, #tpu.memory_space<vmem_shared>>
      tpu.wait_indirect_dma semaphore(%arg11 : memref<!tpu.dma_semaphore, #tpu.memory_space<semaphore_mem>>) src(%dma_wait3A_1209 : memref<80x128xf32, #tpu.memory_space<vmem>>) dst(%dma_wait3A_1215 : memref<256x128xf32, #tpu.memory_space<vmem_shared>>)
    } else {
    }
    %add3A_832 = arith.constant 320 : i32
    %add3A_833 = arith.addi %mul3A_0, %add3A_832 : i32
    %add3A_834 = arith.constant 320 : i32
    %add3A_835 = arith.addi %add3A_833, %add3A_834 : i32
    %le3A_836 = arith.constant 50000 : i32
    %le3A_837 = arith.cmpi sle, %add3A_835, %le3A_836 : i32
    %not3A_838 = arith.constant true
    %not3A_839 = arith.xori %le3A_837, %not3A_838 : i1
    %add3A_840 = arith.constant 320 : i32
    %add3A_841 = arith.addi %mul3A_0, %add3A_840 : i32
    %add3A_842 = arith.constant 80 : i32
    %add3A_843 = arith.addi %add3A_841, %add3A_842 : i32
    %le3A_844 = arith.constant 50000 : i32
    %le3A_845 = arith.cmpi sle, %add3A_843, %le3A_844 : i32
    %and3A_846 = arith.andi %not3A_839, %le3A_845 : i1
    %convert_element_type3A_847 = arith.extui %and3A_846 : i1 to i32
    %cond3A_848 = arith.constant 0 : i32
    %cond3A_849 = arith.cmpi ne, %convert_element_type3A_847, %cond3A_848 : i32
    scf.if %cond3A_849 {
      %add3A_1134 = arith.constant 320 : i32
      %add3A_1135 = arith.addi %mul3A_0, %add3A_1134 : i32
      %add3A_1136 = arith.constant 80 : i32
      %add3A_1137 = arith.addi %add3A_1135, %add3A_1136 : i32
      %le3A_1138 = arith.constant 50000 : i32
      %le3A_1139 = arith.cmpi sle, %add3A_1137, %le3A_1138 : i32
      %convert_element_type3A_1140 = arith.extui %le3A_1139 : i1 to i32
      %cond3A_1141 = arith.constant 0 : i32
      %cond3A_1142 = arith.cmpi ne, %convert_element_type3A_1140, %cond3A_1141 : i32
      scf.if %cond3A_1142 {
        %add3A_1170 = arith.constant 320 : i32
        %add3A_1171 = arith.addi %mul3A_0, %add3A_1170 : i32
        %add3A_1172 = arith.constant 0 : i32
        %add3A_1173 = arith.addi %add3A_1171, %add3A_1172 : i32
        "tpu.region"() ({
          %run_scoped3A_1174 = tpu.sem_alloc : memref<!tpu.dma_semaphore, #tpu.memory_space<semaphore_mem>>
          %dma_start3A = arith.constant 0 : i32
          %dma_start3A_1175 = arith.constant 0 : i32
          %dma_start3A_1176 = tpu.memref_slice %arg7[%dma_start3A, %dma_start3A_1175] : memref<320x128xf32, #tpu.memory_space<vmem>> -> memref<80x128xf32, #tpu.memory_space<vmem>>
          %dma_start3A_1177 = tpu.memref_slice %arg2[%add3A_1173, %mul3A_2] : memref<50000x256xf32, #tpu.memory_space<hbm>> -> memref<80x128xf32, #tpu.memory_space<hbm>>
          %dma_start3A_1178 = arith.constant 0 : i32
          %dma_start3A_1179 = arith.constant 0 : i32
          %dma_start3A_1180 = tpu.memref_slice %arg7[%dma_start3A_1178, %dma_start3A_1179] : memref<320x128xf32, #tpu.memory_space<vmem>> -> memref<80x128xf32, #tpu.memory_space<vmem>>
          %dma_start3A_1181 = tpu.memref_slice %arg2[%add3A_1173, %mul3A_2] : memref<50000x256xf32, #tpu.memory_space<hbm>> -> memref<80x128xf32, #tpu.memory_space<hbm>>
          tpu.enqueue_dma source(%dma_start3A_1181 : memref<80x128xf32, #tpu.memory_space<hbm>>) target(%dma_start3A_1180 : memref<80x128xf32, #tpu.memory_space<vmem>>) target_semaphore(%run_scoped3A_1174 : memref<!tpu.dma_semaphore, #tpu.memory_space<semaphore_mem>>)
          %dma_wait3A = arith.constant 0 : i32
          %dma_wait3A_1182 = arith.constant 0 : i32
          %dma_wait3A_1183 = tpu.memref_slice %arg7[%dma_wait3A, %dma_wait3A_1182] : memref<320x128xf32, #tpu.memory_space<vmem>> -> memref<80x128xf32, #tpu.memory_space<vmem>>
          %dma_wait3A_1184 = tpu.memref_slice %arg2[%add3A_1173, %mul3A_2] : memref<50000x256xf32, #tpu.memory_space<hbm>> -> memref<80x128xf32, #tpu.memory_space<hbm>>
          %dma_wait3A_1185 = arith.constant 0 : i32
          %dma_wait3A_1186 = arith.constant 0 : i32
          %dma_wait3A_1187 = tpu.memref_slice %arg7[%dma_wait3A_1185, %dma_wait3A_1186] : memref<320x128xf32, #tpu.memory_space<vmem>> -> memref<80x128xf32, #tpu.memory_space<vmem>>
          %dma_wait3A_1188 = tpu.memref_slice %arg2[%add3A_1173, %mul3A_2] : memref<50000x256xf32, #tpu.memory_space<hbm>> -> memref<80x128xf32, #tpu.memory_space<hbm>>
          tpu.wait_dma2 semaphore(%run_scoped3A_1174 : memref<!tpu.dma_semaphore, #tpu.memory_space<semaphore_mem>>) src(%dma_wait3A_1188 : memref<80x128xf32, #tpu.memory_space<hbm>>) dst(%dma_wait3A_1187 : memref<80x128xf32, #tpu.memory_space<vmem>>)
          tpu.yield
        }) : () -> ()
        %run_scoped3A = arith.constant 4 : i32
        "tpu.region"() ({
          %run_scoped3A_1174 = tpu.sem_alloc : memref<!tpu.dma_semaphore, #tpu.memory_space<semaphore_mem>>
          %dma_start3A = arith.constant 0 : i32
          %dma_start3A_1175 = arith.constant 0 : i32
          %dma_start3A_1176 = tpu.memref_slice %arg7[%dma_start3A, %dma_start3A_1175] : memref<320x128xf32, #tpu.memory_space<vmem>> -> memref<80x128xf32, #tpu.memory_space<vmem>>
          %dma_start3A_1177 = arith.constant 0 : i32
          %dma_start3A_1178 = tpu.memref_slice %arg5[%run_scoped3A, %dma_start3A_1177] : memref<40x80xi32, #tpu.memory_space<vmem>> -> memref<1x80xi32, #tpu.memory_space<vmem>>
          %dma_start3A_1179 = tpu.memref_squeeze %dma_start3A_1178 : memref<1x80xi32, #tpu.memory_space<vmem>> -> memref<80xi32, #tpu.memory_space<vmem>>
          %dma_start3A_1180 = arith.constant 0 : i32
          %dma_start3A_1181 = arith.constant 0 : i32
          %dma_start3A_1182 = tpu.memref_slice %arg12[%dma_start3A_1180, %dma_start3A_1181] : memref<256x128xf32, #tpu.memory_space<vmem_shared>> -> memref<256x128xf32, #tpu.memory_space<vmem_shared>>
          tpu.enqueue_indirect_dma source(%dma_start3A_1176 : memref<80x128xf32, #tpu.memory_space<vmem>>) target(%dma_start3A_1182 : memref<256x128xf32, #tpu.memory_space<vmem_shared>>) offsets(%dma_start3A_1179 : memref<80xi32, #tpu.memory_space<vmem>>) semaphore(%run_scoped3A_1174 : memref<!tpu.dma_semaphore, #tpu.memory_space<semaphore_mem>>) {add = true}
          %dma_wait3A = arith.constant 0 : i32
          %dma_wait3A_1183 = arith.constant 0 : i32
          %dma_wait3A_1184 = tpu.memref_slice %arg7[%dma_wait3A, %dma_wait3A_1183] : memref<320x128xf32, #tpu.memory_space<vmem>> -> memref<80x128xf32, #tpu.memory_space<vmem>>
          %dma_wait3A_1185 = arith.constant 0 : i32
          %dma_wait3A_1186 = tpu.memref_slice %arg5[%run_scoped3A, %dma_wait3A_1185] : memref<40x80xi32, #tpu.memory_space<vmem>> -> memref<1x80xi32, #tpu.memory_space<vmem>>
          %dma_wait3A_1187 = tpu.memref_squeeze %dma_wait3A_1186 : memref<1x80xi32, #tpu.memory_space<vmem>> -> memref<80xi32, #tpu.memory_space<vmem>>
          %dma_wait3A_1188 = arith.constant 0 : i32
          %dma_wait3A_1189 = arith.constant 0 : i32
          %dma_wait3A_1190 = tpu.memref_slice %arg12[%dma_wait3A_1188, %dma_wait3A_1189] : memref<256x128xf32, #tpu.memory_space<vmem_shared>> -> memref<256x128xf32, #tpu.memory_space<vmem_shared>>
          tpu.wait_indirect_dma semaphore(%run_scoped3A_1174 : memref<!tpu.dma_semaphore, #tpu.memory_space<semaphore_mem>>) src(%dma_wait3A_1184 : memref<80x128xf32, #tpu.memory_space<vmem>>) dst(%dma_wait3A_1190 : memref<256x128xf32, #tpu.memory_space<vmem_shared>>)
          tpu.yield
        }) : () -> ()
      } else {
      }
      %add3A_1143 = arith.constant 320 : i32
      %add3A_1144 = arith.addi %mul3A_0, %add3A_1143 : i32
      %add3A_1145 = arith.constant 160 : i32
      %add3A_1146 = arith.addi %add3A_1144, %add3A_1145 : i32
      %le3A_1147 = arith.constant 50000 : i32
      %le3A_1148 = arith.cmpi sle, %add3A_1146, %le3A_1147 : i32
      %convert_element_type3A_1149 = arith.extui %le3A_1148 : i1 to i32
      %cond3A_1150 = arith.constant 0 : i32
      %cond3A_1151 = arith.cmpi ne, %convert_element_type3A_1149, %cond3A_1150 : i32
      scf.if %cond3A_1151 {
        %add3A_1170 = arith.constant 320 : i32
        %add3A_1171 = arith.addi %mul3A_0, %add3A_1170 : i32
        %add3A_1172 = arith.constant 80 : i32
        %add3A_1173 = arith.addi %add3A_1171, %add3A_1172 : i32
        "tpu.region"() ({
          %run_scoped3A_1174 = tpu.sem_alloc : memref<!tpu.dma_semaphore, #tpu.memory_space<semaphore_mem>>
          %dma_start3A = arith.constant 80 : i32
          %dma_start3A_1175 = arith.constant 0 : i32
          %dma_start3A_1176 = tpu.memref_slice %arg7[%dma_start3A, %dma_start3A_1175] : memref<320x128xf32, #tpu.memory_space<vmem>> -> memref<80x128xf32, #tpu.memory_space<vmem>>
          %dma_start3A_1177 = tpu.memref_slice %arg2[%add3A_1173, %mul3A_2] : memref<50000x256xf32, #tpu.memory_space<hbm>> -> memref<80x128xf32, #tpu.memory_space<hbm>>
          %dma_start3A_1178 = arith.constant 80 : i32
          %dma_start3A_1179 = arith.constant 0 : i32
          %dma_start3A_1180 = tpu.memref_slice %arg7[%dma_start3A_1178, %dma_start3A_1179] : memref<320x128xf32, #tpu.memory_space<vmem>> -> memref<80x128xf32, #tpu.memory_space<vmem>>
          %dma_start3A_1181 = tpu.memref_slice %arg2[%add3A_1173, %mul3A_2] : memref<50000x256xf32, #tpu.memory_space<hbm>> -> memref<80x128xf32, #tpu.memory_space<hbm>>
          tpu.enqueue_dma source(%dma_start3A_1181 : memref<80x128xf32, #tpu.memory_space<hbm>>) target(%dma_start3A_1180 : memref<80x128xf32, #tpu.memory_space<vmem>>) target_semaphore(%run_scoped3A_1174 : memref<!tpu.dma_semaphore, #tpu.memory_space<semaphore_mem>>)
          %dma_wait3A = arith.constant 80 : i32
          %dma_wait3A_1182 = arith.constant 0 : i32
          %dma_wait3A_1183 = tpu.memref_slice %arg7[%dma_wait3A, %dma_wait3A_1182] : memref<320x128xf32, #tpu.memory_space<vmem>> -> memref<80x128xf32, #tpu.memory_space<vmem>>
          %dma_wait3A_1184 = tpu.memref_slice %arg2[%add3A_1173, %mul3A_2] : memref<50000x256xf32, #tpu.memory_space<hbm>> -> memref<80x128xf32, #tpu.memory_space<hbm>>
          %dma_wait3A_1185 = arith.constant 80 : i32
          %dma_wait3A_1186 = arith.constant 0 : i32
          %dma_wait3A_1187 = tpu.memref_slice %arg7[%dma_wait3A_1185, %dma_wait3A_1186] : memref<320x128xf32, #tpu.memory_space<vmem>> -> memref<80x128xf32, #tpu.memory_space<vmem>>
          %dma_wait3A_1188 = tpu.memref_slice %arg2[%add3A_1173, %mul3A_2] : memref<50000x256xf32, #tpu.memory_space<hbm>> -> memref<80x128xf32, #tpu.memory_space<hbm>>
          tpu.wait_dma2 semaphore(%run_scoped3A_1174 : memref<!tpu.dma_semaphore, #tpu.memory_space<semaphore_mem>>) src(%dma_wait3A_1188 : memref<80x128xf32, #tpu.memory_space<hbm>>) dst(%dma_wait3A_1187 : memref<80x128xf32, #tpu.memory_space<vmem>>)
          tpu.yield
        }) : () -> ()
        %run_scoped3A = arith.constant 5 : i32
        "tpu.region"() ({
          %run_scoped3A_1174 = tpu.sem_alloc : memref<!tpu.dma_semaphore, #tpu.memory_space<semaphore_mem>>
          %dma_start3A = arith.constant 80 : i32
          %dma_start3A_1175 = arith.constant 0 : i32
          %dma_start3A_1176 = tpu.memref_slice %arg7[%dma_start3A, %dma_start3A_1175] : memref<320x128xf32, #tpu.memory_space<vmem>> -> memref<80x128xf32, #tpu.memory_space<vmem>>
          %dma_start3A_1177 = arith.constant 0 : i32
          %dma_start3A_1178 = tpu.memref_slice %arg5[%run_scoped3A, %dma_start3A_1177] : memref<40x80xi32, #tpu.memory_space<vmem>> -> memref<1x80xi32, #tpu.memory_space<vmem>>
          %dma_start3A_1179 = tpu.memref_squeeze %dma_start3A_1178 : memref<1x80xi32, #tpu.memory_space<vmem>> -> memref<80xi32, #tpu.memory_space<vmem>>
          %dma_start3A_1180 = arith.constant 0 : i32
          %dma_start3A_1181 = arith.constant 0 : i32
          %dma_start3A_1182 = tpu.memref_slice %arg12[%dma_start3A_1180, %dma_start3A_1181] : memref<256x128xf32, #tpu.memory_space<vmem_shared>> -> memref<256x128xf32, #tpu.memory_space<vmem_shared>>
          tpu.enqueue_indirect_dma source(%dma_start3A_1176 : memref<80x128xf32, #tpu.memory_space<vmem>>) target(%dma_start3A_1182 : memref<256x128xf32, #tpu.memory_space<vmem_shared>>) offsets(%dma_start3A_1179 : memref<80xi32, #tpu.memory_space<vmem>>) semaphore(%run_scoped3A_1174 : memref<!tpu.dma_semaphore, #tpu.memory_space<semaphore_mem>>) {add = true}
          %dma_wait3A = arith.constant 80 : i32
          %dma_wait3A_1183 = arith.constant 0 : i32
          %dma_wait3A_1184 = tpu.memref_slice %arg7[%dma_wait3A, %dma_wait3A_1183] : memref<320x128xf32, #tpu.memory_space<vmem>> -> memref<80x128xf32, #tpu.memory_space<vmem>>
          %dma_wait3A_1185 = arith.constant 0 : i32
          %dma_wait3A_1186 = tpu.memref_slice %arg5[%run_scoped3A, %dma_wait3A_1185] : memref<40x80xi32, #tpu.memory_space<vmem>> -> memref<1x80xi32, #tpu.memory_space<vmem>>
          %dma_wait3A_1187 = tpu.memref_squeeze %dma_wait3A_1186 : memref<1x80xi32, #tpu.memory_space<vmem>> -> memref<80xi32, #tpu.memory_space<vmem>>
          %dma_wait3A_1188 = arith.constant 0 : i32
          %dma_wait3A_1189 = arith.constant 0 : i32
          %dma_wait3A_1190 = tpu.memref_slice %arg12[%dma_wait3A_1188, %dma_wait3A_1189] : memref<256x128xf32, #tpu.memory_space<vmem_shared>> -> memref<256x128xf32, #tpu.memory_space<vmem_shared>>
          tpu.wait_indirect_dma semaphore(%run_scoped3A_1174 : memref<!tpu.dma_semaphore, #tpu.memory_space<semaphore_mem>>) src(%dma_wait3A_1184 : memref<80x128xf32, #tpu.memory_space<vmem>>) dst(%dma_wait3A_1190 : memref<256x128xf32, #tpu.memory_space<vmem_shared>>)
          tpu.yield
        }) : () -> ()
      } else {
      }
      %add3A_1152 = arith.constant 320 : i32
      %add3A_1153 = arith.addi %mul3A_0, %add3A_1152 : i32
      %add3A_1154 = arith.constant 240 : i32
      %add3A_1155 = arith.addi %add3A_1153, %add3A_1154 : i32
      %le3A_1156 = arith.constant 50000 : i32
      %le3A_1157 = arith.cmpi sle, %add3A_1155, %le3A_1156 : i32
      %convert_element_type3A_1158 = arith.extui %le3A_1157 : i1 to i32
      %cond3A_1159 = arith.constant 0 : i32
      %cond3A_1160 = arith.cmpi ne, %convert_element_type3A_1158, %cond3A_1159 : i32
      scf.if %cond3A_1160 {
        %add3A_1170 = arith.constant 320 : i32
        %add3A_1171 = arith.addi %mul3A_0, %add3A_1170 : i32
        %add3A_1172 = arith.constant 160 : i32
        %add3A_1173 = arith.addi %add3A_1171, %add3A_1172 : i32
        "tpu.region"() ({
          %run_scoped3A_1174 = tpu.sem_alloc : memref<!tpu.dma_semaphore, #tpu.memory_space<semaphore_mem>>
          %dma_start3A = arith.constant 160 : i32
          %dma_start3A_1175 = arith.constant 0 : i32
          %dma_start3A_1176 = tpu.memref_slice %arg7[%dma_start3A, %dma_start3A_1175] : memref<320x128xf32, #tpu.memory_space<vmem>> -> memref<80x128xf32, #tpu.memory_space<vmem>>
          %dma_start3A_1177 = tpu.memref_slice %arg2[%add3A_1173, %mul3A_2] : memref<50000x256xf32, #tpu.memory_space<hbm>> -> memref<80x128xf32, #tpu.memory_space<hbm>>
          %dma_start3A_1178 = arith.constant 160 : i32
          %dma_start3A_1179 = arith.constant 0 : i32
          %dma_start3A_1180 = tpu.memref_slice %arg7[%dma_start3A_1178, %dma_start3A_1179] : memref<320x128xf32, #tpu.memory_space<vmem>> -> memref<80x128xf32, #tpu.memory_space<vmem>>
          %dma_start3A_1181 = tpu.memref_slice %arg2[%add3A_1173, %mul3A_2] : memref<50000x256xf32, #tpu.memory_space<hbm>> -> memref<80x128xf32, #tpu.memory_space<hbm>>
          tpu.enqueue_dma source(%dma_start3A_1181 : memref<80x128xf32, #tpu.memory_space<hbm>>) target(%dma_start3A_1180 : memref<80x128xf32, #tpu.memory_space<vmem>>) target_semaphore(%run_scoped3A_1174 : memref<!tpu.dma_semaphore, #tpu.memory_space<semaphore_mem>>)
          %dma_wait3A = arith.constant 160 : i32
          %dma_wait3A_1182 = arith.constant 0 : i32
          %dma_wait3A_1183 = tpu.memref_slice %arg7[%dma_wait3A, %dma_wait3A_1182] : memref<320x128xf32, #tpu.memory_space<vmem>> -> memref<80x128xf32, #tpu.memory_space<vmem>>
          %dma_wait3A_1184 = tpu.memref_slice %arg2[%add3A_1173, %mul3A_2] : memref<50000x256xf32, #tpu.memory_space<hbm>> -> memref<80x128xf32, #tpu.memory_space<hbm>>
          %dma_wait3A_1185 = arith.constant 160 : i32
          %dma_wait3A_1186 = arith.constant 0 : i32
          %dma_wait3A_1187 = tpu.memref_slice %arg7[%dma_wait3A_1185, %dma_wait3A_1186] : memref<320x128xf32, #tpu.memory_space<vmem>> -> memref<80x128xf32, #tpu.memory_space<vmem>>
          %dma_wait3A_1188 = tpu.memref_slice %arg2[%add3A_1173, %mul3A_2] : memref<50000x256xf32, #tpu.memory_space<hbm>> -> memref<80x128xf32, #tpu.memory_space<hbm>>
          tpu.wait_dma2 semaphore(%run_scoped3A_1174 : memref<!tpu.dma_semaphore, #tpu.memory_space<semaphore_mem>>) src(%dma_wait3A_1188 : memref<80x128xf32, #tpu.memory_space<hbm>>) dst(%dma_wait3A_1187 : memref<80x128xf32, #tpu.memory_space<vmem>>)
          tpu.yield
        }) : () -> ()
        %run_scoped3A = arith.constant 6 : i32
        "tpu.region"() ({
          %run_scoped3A_1174 = tpu.sem_alloc : memref<!tpu.dma_semaphore, #tpu.memory_space<semaphore_mem>>
          %dma_start3A = arith.constant 160 : i32
          %dma_start3A_1175 = arith.constant 0 : i32
          %dma_start3A_1176 = tpu.memref_slice %arg7[%dma_start3A, %dma_start3A_1175] : memref<320x128xf32, #tpu.memory_space<vmem>> -> memref<80x128xf32, #tpu.memory_space<vmem>>
          %dma_start3A_1177 = arith.constant 0 : i32
          %dma_start3A_1178 = tpu.memref_slice %arg5[%run_scoped3A, %dma_start3A_1177] : memref<40x80xi32, #tpu.memory_space<vmem>> -> memref<1x80xi32, #tpu.memory_space<vmem>>
          %dma_start3A_1179 = tpu.memref_squeeze %dma_start3A_1178 : memref<1x80xi32, #tpu.memory_space<vmem>> -> memref<80xi32, #tpu.memory_space<vmem>>
          %dma_start3A_1180 = arith.constant 0 : i32
          %dma_start3A_1181 = arith.constant 0 : i32
          %dma_start3A_1182 = tpu.memref_slice %arg12[%dma_start3A_1180, %dma_start3A_1181] : memref<256x128xf32, #tpu.memory_space<vmem_shared>> -> memref<256x128xf32, #tpu.memory_space<vmem_shared>>
          tpu.enqueue_indirect_dma source(%dma_start3A_1176 : memref<80x128xf32, #tpu.memory_space<vmem>>) target(%dma_start3A_1182 : memref<256x128xf32, #tpu.memory_space<vmem_shared>>) offsets(%dma_start3A_1179 : memref<80xi32, #tpu.memory_space<vmem>>) semaphore(%run_scoped3A_1174 : memref<!tpu.dma_semaphore, #tpu.memory_space<semaphore_mem>>) {add = true}
          %dma_wait3A = arith.constant 160 : i32
          %dma_wait3A_1183 = arith.constant 0 : i32
          %dma_wait3A_1184 = tpu.memref_slice %arg7[%dma_wait3A, %dma_wait3A_1183] : memref<320x128xf32, #tpu.memory_space<vmem>> -> memref<80x128xf32, #tpu.memory_space<vmem>>
          %dma_wait3A_1185 = arith.constant 0 : i32
          %dma_wait3A_1186 = tpu.memref_slice %arg5[%run_scoped3A, %dma_wait3A_1185] : memref<40x80xi32, #tpu.memory_space<vmem>> -> memref<1x80xi32, #tpu.memory_space<vmem>>
          %dma_wait3A_1187 = tpu.memref_squeeze %dma_wait3A_1186 : memref<1x80xi32, #tpu.memory_space<vmem>> -> memref<80xi32, #tpu.memory_space<vmem>>
          %dma_wait3A_1188 = arith.constant 0 : i32
          %dma_wait3A_1189 = arith.constant 0 : i32
          %dma_wait3A_1190 = tpu.memref_slice %arg12[%dma_wait3A_1188, %dma_wait3A_1189] : memref<256x128xf32, #tpu.memory_space<vmem_shared>> -> memref<256x128xf32, #tpu.memory_space<vmem_shared>>
          tpu.wait_indirect_dma semaphore(%run_scoped3A_1174 : memref<!tpu.dma_semaphore, #tpu.memory_space<semaphore_mem>>) src(%dma_wait3A_1184 : memref<80x128xf32, #tpu.memory_space<vmem>>) dst(%dma_wait3A_1190 : memref<256x128xf32, #tpu.memory_space<vmem_shared>>)
          tpu.yield
        }) : () -> ()
      } else {
      }
      %add3A_1161 = arith.constant 320 : i32
      %add3A_1162 = arith.addi %mul3A_0, %add3A_1161 : i32
      %add3A_1163 = arith.constant 320 : i32
      %add3A_1164 = arith.addi %add3A_1162, %add3A_1163 : i32
      %le3A_1165 = arith.constant 50000 : i32
      %le3A_1166 = arith.cmpi sle, %add3A_1164, %le3A_1165 : i32
      %convert_element_type3A_1167 = arith.extui %le3A_1166 : i1 to i32
      %cond3A_1168 = arith.constant 0 : i32
      %cond3A_1169 = arith.cmpi ne, %convert_element_type3A_1167, %cond3A_1168 : i32
      scf.if %cond3A_1169 {
        %add3A_1170 = arith.constant 320 : i32
        %add3A_1171 = arith.addi %mul3A_0, %add3A_1170 : i32
        %add3A_1172 = arith.constant 240 : i32
        %add3A_1173 = arith.addi %add3A_1171, %add3A_1172 : i32
        "tpu.region"() ({
          %run_scoped3A_1174 = tpu.sem_alloc : memref<!tpu.dma_semaphore, #tpu.memory_space<semaphore_mem>>
          %dma_start3A = arith.constant 240 : i32
          %dma_start3A_1175 = arith.constant 0 : i32
          %dma_start3A_1176 = tpu.memref_slice %arg7[%dma_start3A, %dma_start3A_1175] : memref<320x128xf32, #tpu.memory_space<vmem>> -> memref<80x128xf32, #tpu.memory_space<vmem>>
          %dma_start3A_1177 = tpu.memref_slice %arg2[%add3A_1173, %mul3A_2] : memref<50000x256xf32, #tpu.memory_space<hbm>> -> memref<80x128xf32, #tpu.memory_space<hbm>>
          %dma_start3A_1178 = arith.constant 240 : i32
          %dma_start3A_1179 = arith.constant 0 : i32
          %dma_start3A_1180 = tpu.memref_slice %arg7[%dma_start3A_1178, %dma_start3A_1179] : memref<320x128xf32, #tpu.memory_space<vmem>> -> memref<80x128xf32, #tpu.memory_space<vmem>>
          %dma_start3A_1181 = tpu.memref_slice %arg2[%add3A_1173, %mul3A_2] : memref<50000x256xf32, #tpu.memory_space<hbm>> -> memref<80x128xf32, #tpu.memory_space<hbm>>
          tpu.enqueue_dma source(%dma_start3A_1181 : memref<80x128xf32, #tpu.memory_space<hbm>>) target(%dma_start3A_1180 : memref<80x128xf32, #tpu.memory_space<vmem>>) target_semaphore(%run_scoped3A_1174 : memref<!tpu.dma_semaphore, #tpu.memory_space<semaphore_mem>>)
          %dma_wait3A = arith.constant 240 : i32
          %dma_wait3A_1182 = arith.constant 0 : i32
          %dma_wait3A_1183 = tpu.memref_slice %arg7[%dma_wait3A, %dma_wait3A_1182] : memref<320x128xf32, #tpu.memory_space<vmem>> -> memref<80x128xf32, #tpu.memory_space<vmem>>
          %dma_wait3A_1184 = tpu.memref_slice %arg2[%add3A_1173, %mul3A_2] : memref<50000x256xf32, #tpu.memory_space<hbm>> -> memref<80x128xf32, #tpu.memory_space<hbm>>
          %dma_wait3A_1185 = arith.constant 240 : i32
          %dma_wait3A_1186 = arith.constant 0 : i32
          %dma_wait3A_1187 = tpu.memref_slice %arg7[%dma_wait3A_1185, %dma_wait3A_1186] : memref<320x128xf32, #tpu.memory_space<vmem>> -> memref<80x128xf32, #tpu.memory_space<vmem>>
          %dma_wait3A_1188 = tpu.memref_slice %arg2[%add3A_1173, %mul3A_2] : memref<50000x256xf32, #tpu.memory_space<hbm>> -> memref<80x128xf32, #tpu.memory_space<hbm>>
          tpu.wait_dma2 semaphore(%run_scoped3A_1174 : memref<!tpu.dma_semaphore, #tpu.memory_space<semaphore_mem>>) src(%dma_wait3A_1188 : memref<80x128xf32, #tpu.memory_space<hbm>>) dst(%dma_wait3A_1187 : memref<80x128xf32, #tpu.memory_space<vmem>>)
          tpu.yield
        }) : () -> ()
        %run_scoped3A = arith.constant 7 : i32
        "tpu.region"() ({
          %run_scoped3A_1174 = tpu.sem_alloc : memref<!tpu.dma_semaphore, #tpu.memory_space<semaphore_mem>>
          %dma_start3A = arith.constant 240 : i32
          %dma_start3A_1175 = arith.constant 0 : i32
          %dma_start3A_1176 = tpu.memref_slice %arg7[%dma_start3A, %dma_start3A_1175] : memref<320x128xf32, #tpu.memory_space<vmem>> -> memref<80x128xf32, #tpu.memory_space<vmem>>
          %dma_start3A_1177 = arith.constant 0 : i32
          %dma_start3A_1178 = tpu.memref_slice %arg5[%run_scoped3A, %dma_start3A_1177] : memref<40x80xi32, #tpu.memory_space<vmem>> -> memref<1x80xi32, #tpu.memory_space<vmem>>
          %dma_start3A_1179 = tpu.memref_squeeze %dma_start3A_1178 : memref<1x80xi32, #tpu.memory_space<vmem>> -> memref<80xi32, #tpu.memory_space<vmem>>
          %dma_start3A_1180 = arith.constant 0 : i32
          %dma_start3A_1181 = arith.constant 0 : i32
          %dma_start3A_1182 = tpu.memref_slice %arg12[%dma_start3A_1180, %dma_start3A_1181] : memref<256x128xf32, #tpu.memory_space<vmem_shared>> -> memref<256x128xf32, #tpu.memory_space<vmem_shared>>
          tpu.enqueue_indirect_dma source(%dma_start3A_1176 : memref<80x128xf32, #tpu.memory_space<vmem>>) target(%dma_start3A_1182 : memref<256x128xf32, #tpu.memory_space<vmem_shared>>) offsets(%dma_start3A_1179 : memref<80xi32, #tpu.memory_space<vmem>>) semaphore(%run_scoped3A_1174 : memref<!tpu.dma_semaphore, #tpu.memory_space<semaphore_mem>>) {add = true}
          %dma_wait3A = arith.constant 240 : i32
          %dma_wait3A_1183 = arith.constant 0 : i32
          %dma_wait3A_1184 = tpu.memref_slice %arg7[%dma_wait3A, %dma_wait3A_1183] : memref<320x128xf32, #tpu.memory_space<vmem>> -> memref<80x128xf32, #tpu.memory_space<vmem>>
          %dma_wait3A_1185 = arith.constant 0 : i32
          %dma_wait3A_1186 = tpu.memref_slice %arg5[%run_scoped3A, %dma_wait3A_1185] : memref<40x80xi32, #tpu.memory_space<vmem>> -> memref<1x80xi32, #tpu.memory_space<vmem>>
          %dma_wait3A_1187 = tpu.memref_squeeze %dma_wait3A_1186 : memref<1x80xi32, #tpu.memory_space<vmem>> -> memref<80xi32, #tpu.memory_space<vmem>>
          %dma_wait3A_1188 = arith.constant 0 : i32
          %dma_wait3A_1189 = arith.constant 0 : i32
          %dma_wait3A_1190 = tpu.memref_slice %arg12[%dma_wait3A_1188, %dma_wait3A_1189] : memref<256x128xf32, #tpu.memory_space<vmem_shared>> -> memref<256x128xf32, #tpu.memory_space<vmem_shared>>
          tpu.wait_indirect_dma semaphore(%run_scoped3A_1174 : memref<!tpu.dma_semaphore, #tpu.memory_space<semaphore_mem>>) src(%dma_wait3A_1184 : memref<80x128xf32, #tpu.memory_space<vmem>>) dst(%dma_wait3A_1190 : memref<256x128xf32, #tpu.memory_space<vmem_shared>>)
          tpu.yield
        }) : () -> ()
      } else {
      }
    } else {
    }
    %add3A_850 = arith.constant 960 : i32
    %add3A_851 = arith.addi %mul3A_0, %add3A_850 : i32
    %add3A_852 = arith.constant 320 : i32
    %add3A_853 = arith.addi %add3A_851, %add3A_852 : i32
    %le3A_854 = arith.constant 50000 : i32
    %le3A_855 = arith.cmpi sle, %add3A_853, %le3A_854 : i32
    %convert_element_type3A_856 = arith.extui %le3A_855 : i1 to i32
    %cond3A_857 = arith.constant 0 : i32
    %cond3A_858 = arith.cmpi ne, %convert_element_type3A_856, %cond3A_857 : i32
    scf.if %cond3A_858 {
      %add3A_1134 = arith.constant 960 : i32
      %add3A_1135 = arith.addi %mul3A_0, %add3A_1134 : i32
      %dma_start3A = tpu.memref_slice %arg2[%add3A_1135, %mul3A_2] : memref<50000x256xf32, #tpu.memory_space<hbm>> -> memref<320x128xf32, #tpu.memory_space<hbm>>
      %dma_start3A_1136 = tpu.memref_slice %arg2[%add3A_1135, %mul3A_2] : memref<50000x256xf32, #tpu.memory_space<hbm>> -> memref<320x128xf32, #tpu.memory_space<hbm>>
      tpu.enqueue_dma source(%dma_start3A_1136 : memref<320x128xf32, #tpu.memory_space<hbm>>) target(%arg7 : memref<320x128xf32, #tpu.memory_space<vmem>>) target_semaphore(%arg10 : memref<!tpu.dma_semaphore, #tpu.memory_space<semaphore_mem>>)
    } else {
    }
    %add3A_859 = arith.constant 640 : i32
    %add3A_860 = arith.addi %mul3A_0, %add3A_859 : i32
    %add3A_861 = arith.constant 320 : i32
    %add3A_862 = arith.addi %add3A_860, %add3A_861 : i32
    %le3A_863 = arith.constant 50000 : i32
    %le3A_864 = arith.cmpi sle, %add3A_862, %le3A_863 : i32
    %convert_element_type3A_865 = arith.extui %le3A_864 : i1 to i32
    %cond3A_866 = arith.constant 0 : i32
    %cond3A_867 = arith.cmpi ne, %convert_element_type3A_865, %cond3A_866 : i32
    scf.if %cond3A_867 {
      %add3A_1134 = arith.constant 640 : i32
      %add3A_1135 = arith.addi %mul3A_0, %add3A_1134 : i32
      %dma_wait3A = tpu.memref_slice %arg2[%add3A_1135, %mul3A_2] : memref<50000x256xf32, #tpu.memory_space<hbm>> -> memref<320x128xf32, #tpu.memory_space<hbm>>
      %dma_wait3A_1136 = tpu.memref_slice %arg2[%add3A_1135, %mul3A_2] : memref<50000x256xf32, #tpu.memory_space<hbm>> -> memref<320x128xf32, #tpu.memory_space<hbm>>
      tpu.wait_dma2 semaphore(%arg9 : memref<!tpu.dma_semaphore, #tpu.memory_space<semaphore_mem>>) src(%dma_wait3A_1136 : memref<320x128xf32, #tpu.memory_space<hbm>>) dst(%arg6 : memref<320x128xf32, #tpu.memory_space<vmem>>)
      %dma_start3A = arith.constant 8 : i32
      %dma_start3A_1137 = arith.constant 0 : i32
      %dma_start3A_1138 = arith.constant 0 : i32
      %dma_start3A_1139 = tpu.memref_slice %arg6[%dma_start3A_1137, %dma_start3A_1138] : memref<320x128xf32, #tpu.memory_space<vmem>> -> memref<80x128xf32, #tpu.memory_space<vmem>>
      %dma_start3A_1140 = arith.constant 0 : i32
      %dma_start3A_1141 = tpu.memref_slice %arg5[%dma_start3A, %dma_start3A_1140] : memref<40x80xi32, #tpu.memory_space<vmem>> -> memref<1x80xi32, #tpu.memory_space<vmem>>
      %dma_start3A_1142 = tpu.memref_squeeze %dma_start3A_1141 : memref<1x80xi32, #tpu.memory_space<vmem>> -> memref<80xi32, #tpu.memory_space<vmem>>
      %dma_start3A_1143 = arith.constant 0 : i32
      %dma_start3A_1144 = arith.constant 0 : i32
      %dma_start3A_1145 = tpu.memref_slice %arg12[%dma_start3A_1143, %dma_start3A_1144] : memref<256x128xf32, #tpu.memory_space<vmem_shared>> -> memref<256x128xf32, #tpu.memory_space<vmem_shared>>
      tpu.enqueue_indirect_dma source(%dma_start3A_1139 : memref<80x128xf32, #tpu.memory_space<vmem>>) target(%dma_start3A_1145 : memref<256x128xf32, #tpu.memory_space<vmem_shared>>) offsets(%dma_start3A_1142 : memref<80xi32, #tpu.memory_space<vmem>>) semaphore(%arg11 : memref<!tpu.dma_semaphore, #tpu.memory_space<semaphore_mem>>) {add = true}
      %dma_start3A_1146 = arith.constant 9 : i32
      %dma_start3A_1147 = arith.constant 80 : i32
      %dma_start3A_1148 = arith.constant 0 : i32
      %dma_start3A_1149 = tpu.memref_slice %arg6[%dma_start3A_1147, %dma_start3A_1148] : memref<320x128xf32, #tpu.memory_space<vmem>> -> memref<80x128xf32, #tpu.memory_space<vmem>>
      %dma_start3A_1150 = arith.constant 0 : i32
      %dma_start3A_1151 = tpu.memref_slice %arg5[%dma_start3A_1146, %dma_start3A_1150] : memref<40x80xi32, #tpu.memory_space<vmem>> -> memref<1x80xi32, #tpu.memory_space<vmem>>
      %dma_start3A_1152 = tpu.memref_squeeze %dma_start3A_1151 : memref<1x80xi32, #tpu.memory_space<vmem>> -> memref<80xi32, #tpu.memory_space<vmem>>
      %dma_start3A_1153 = arith.constant 0 : i32
      %dma_start3A_1154 = arith.constant 0 : i32
      %dma_start3A_1155 = tpu.memref_slice %arg12[%dma_start3A_1153, %dma_start3A_1154] : memref<256x128xf32, #tpu.memory_space<vmem_shared>> -> memref<256x128xf32, #tpu.memory_space<vmem_shared>>
      tpu.enqueue_indirect_dma source(%dma_start3A_1149 : memref<80x128xf32, #tpu.memory_space<vmem>>) target(%dma_start3A_1155 : memref<256x128xf32, #tpu.memory_space<vmem_shared>>) offsets(%dma_start3A_1152 : memref<80xi32, #tpu.memory_space<vmem>>) semaphore(%arg11 : memref<!tpu.dma_semaphore, #tpu.memory_space<semaphore_mem>>) {add = true}
      %dma_start3A_1156 = arith.constant 10 : i32
      %dma_start3A_1157 = arith.constant 160 : i32
      %dma_start3A_1158 = arith.constant 0 : i32
      %dma_start3A_1159 = tpu.memref_slice %arg6[%dma_start3A_1157, %dma_start3A_1158] : memref<320x128xf32, #tpu.memory_space<vmem>> -> memref<80x128xf32, #tpu.memory_space<vmem>>
      %dma_start3A_1160 = arith.constant 0 : i32
      %dma_start3A_1161 = tpu.memref_slice %arg5[%dma_start3A_1156, %dma_start3A_1160] : memref<40x80xi32, #tpu.memory_space<vmem>> -> memref<1x80xi32, #tpu.memory_space<vmem>>
      %dma_start3A_1162 = tpu.memref_squeeze %dma_start3A_1161 : memref<1x80xi32, #tpu.memory_space<vmem>> -> memref<80xi32, #tpu.memory_space<vmem>>
      %dma_start3A_1163 = arith.constant 0 : i32
      %dma_start3A_1164 = arith.constant 0 : i32
      %dma_start3A_1165 = tpu.memref_slice %arg12[%dma_start3A_1163, %dma_start3A_1164] : memref<256x128xf32, #tpu.memory_space<vmem_shared>> -> memref<256x128xf32, #tpu.memory_space<vmem_shared>>
      tpu.enqueue_indirect_dma source(%dma_start3A_1159 : memref<80x128xf32, #tpu.memory_space<vmem>>) target(%dma_start3A_1165 : memref<256x128xf32, #tpu.memory_space<vmem_shared>>) offsets(%dma_start3A_1162 : memref<80xi32, #tpu.memory_space<vmem>>) semaphore(%arg11 : memref<!tpu.dma_semaphore, #tpu.memory_space<semaphore_mem>>) {add = true}
      %dma_start3A_1166 = arith.constant 11 : i32
      %dma_start3A_1167 = arith.constant 240 : i32
      %dma_start3A_1168 = arith.constant 0 : i32
      %dma_start3A_1169 = tpu.memref_slice %arg6[%dma_start3A_1167, %dma_start3A_1168] : memref<320x128xf32, #tpu.memory_space<vmem>> -> memref<80x128xf32, #tpu.memory_space<vmem>>
      %dma_start3A_1170 = arith.constant 0 : i32
      %dma_start3A_1171 = tpu.memref_slice %arg5[%dma_start3A_1166, %dma_start3A_1170] : memref<40x80xi32, #tpu.memory_space<vmem>> -> memref<1x80xi32, #tpu.memory_space<vmem>>
      %dma_start3A_1172 = tpu.memref_squeeze %dma_start3A_1171 : memref<1x80xi32, #tpu.memory_space<vmem>> -> memref<80xi32, #tpu.memory_space<vmem>>
      %dma_start3A_1173 = arith.constant 0 : i32
      %dma_start3A_1174 = arith.constant 0 : i32
      %dma_start3A_1175 = tpu.memref_slice %arg12[%dma_start3A_1173, %dma_start3A_1174] : memref<256x128xf32, #tpu.memory_space<vmem_shared>> -> memref<256x128xf32, #tpu.memory_space<vmem_shared>>
      tpu.enqueue_indirect_dma source(%dma_start3A_1169 : memref<80x128xf32, #tpu.memory_space<vmem>>) target(%dma_start3A_1175 : memref<256x128xf32, #tpu.memory_space<vmem_shared>>) offsets(%dma_start3A_1172 : memref<80xi32, #tpu.memory_space<vmem>>) semaphore(%arg11 : memref<!tpu.dma_semaphore, #tpu.memory_space<semaphore_mem>>) {add = true}
      %dma_wait3A_1176 = arith.constant 8 : i32
      %dma_wait3A_1177 = arith.constant 0 : i32
      %dma_wait3A_1178 = arith.constant 0 : i32
      %dma_wait3A_1179 = tpu.memref_slice %arg6[%dma_wait3A_1177, %dma_wait3A_1178] : memref<320x128xf32, #tpu.memory_space<vmem>> -> memref<80x128xf32, #tpu.memory_space<vmem>>
      %dma_wait3A_1180 = arith.constant 0 : i32
      %dma_wait3A_1181 = tpu.memref_slice %arg5[%dma_wait3A_1176, %dma_wait3A_1180] : memref<40x80xi32, #tpu.memory_space<vmem>> -> memref<1x80xi32, #tpu.memory_space<vmem>>
      %dma_wait3A_1182 = tpu.memref_squeeze %dma_wait3A_1181 : memref<1x80xi32, #tpu.memory_space<vmem>> -> memref<80xi32, #tpu.memory_space<vmem>>
      %dma_wait3A_1183 = arith.constant 0 : i32
      %dma_wait3A_1184 = arith.constant 0 : i32
      %dma_wait3A_1185 = tpu.memref_slice %arg12[%dma_wait3A_1183, %dma_wait3A_1184] : memref<256x128xf32, #tpu.memory_space<vmem_shared>> -> memref<256x128xf32, #tpu.memory_space<vmem_shared>>
      tpu.wait_indirect_dma semaphore(%arg11 : memref<!tpu.dma_semaphore, #tpu.memory_space<semaphore_mem>>) src(%dma_wait3A_1179 : memref<80x128xf32, #tpu.memory_space<vmem>>) dst(%dma_wait3A_1185 : memref<256x128xf32, #tpu.memory_space<vmem_shared>>)
      %dma_wait3A_1186 = arith.constant 9 : i32
      %dma_wait3A_1187 = arith.constant 80 : i32
      %dma_wait3A_1188 = arith.constant 0 : i32
      %dma_wait3A_1189 = tpu.memref_slice %arg6[%dma_wait3A_1187, %dma_wait3A_1188] : memref<320x128xf32, #tpu.memory_space<vmem>> -> memref<80x128xf32, #tpu.memory_space<vmem>>
      %dma_wait3A_1190 = arith.constant 0 : i32
      %dma_wait3A_1191 = tpu.memref_slice %arg5[%dma_wait3A_1186, %dma_wait3A_1190] : memref<40x80xi32, #tpu.memory_space<vmem>> -> memref<1x80xi32, #tpu.memory_space<vmem>>
      %dma_wait3A_1192 = tpu.memref_squeeze %dma_wait3A_1191 : memref<1x80xi32, #tpu.memory_space<vmem>> -> memref<80xi32, #tpu.memory_space<vmem>>
      %dma_wait3A_1193 = arith.constant 0 : i32
      %dma_wait3A_1194 = arith.constant 0 : i32
      %dma_wait3A_1195 = tpu.memref_slice %arg12[%dma_wait3A_1193, %dma_wait3A_1194] : memref<256x128xf32, #tpu.memory_space<vmem_shared>> -> memref<256x128xf32, #tpu.memory_space<vmem_shared>>
      tpu.wait_indirect_dma semaphore(%arg11 : memref<!tpu.dma_semaphore, #tpu.memory_space<semaphore_mem>>) src(%dma_wait3A_1189 : memref<80x128xf32, #tpu.memory_space<vmem>>) dst(%dma_wait3A_1195 : memref<256x128xf32, #tpu.memory_space<vmem_shared>>)
      %dma_wait3A_1196 = arith.constant 10 : i32
      %dma_wait3A_1197 = arith.constant 160 : i32
      %dma_wait3A_1198 = arith.constant 0 : i32
      %dma_wait3A_1199 = tpu.memref_slice %arg6[%dma_wait3A_1197, %dma_wait3A_1198] : memref<320x128xf32, #tpu.memory_space<vmem>> -> memref<80x128xf32, #tpu.memory_space<vmem>>
      %dma_wait3A_1200 = arith.constant 0 : i32
      %dma_wait3A_1201 = tpu.memref_slice %arg5[%dma_wait3A_1196, %dma_wait3A_1200] : memref<40x80xi32, #tpu.memory_space<vmem>> -> memref<1x80xi32, #tpu.memory_space<vmem>>
      %dma_wait3A_1202 = tpu.memref_squeeze %dma_wait3A_1201 : memref<1x80xi32, #tpu.memory_space<vmem>> -> memref<80xi32, #tpu.memory_space<vmem>>
      %dma_wait3A_1203 = arith.constant 0 : i32
      %dma_wait3A_1204 = arith.constant 0 : i32
      %dma_wait3A_1205 = tpu.memref_slice %arg12[%dma_wait3A_1203, %dma_wait3A_1204] : memref<256x128xf32, #tpu.memory_space<vmem_shared>> -> memref<256x128xf32, #tpu.memory_space<vmem_shared>>
      tpu.wait_indirect_dma semaphore(%arg11 : memref<!tpu.dma_semaphore, #tpu.memory_space<semaphore_mem>>) src(%dma_wait3A_1199 : memref<80x128xf32, #tpu.memory_space<vmem>>) dst(%dma_wait3A_1205 : memref<256x128xf32, #tpu.memory_space<vmem_shared>>)
      %dma_wait3A_1206 = arith.constant 11 : i32
      %dma_wait3A_1207 = arith.constant 240 : i32
      %dma_wait3A_1208 = arith.constant 0 : i32
      %dma_wait3A_1209 = tpu.memref_slice %arg6[%dma_wait3A_1207, %dma_wait3A_1208] : memref<320x128xf32, #tpu.memory_space<vmem>> -> memref<80x128xf32, #tpu.memory_space<vmem>>
      %dma_wait3A_1210 = arith.constant 0 : i32
      %dma_wait3A_1211 = tpu.memref_slice %arg5[%dma_wait3A_1206, %dma_wait3A_1210] : memref<40x80xi32, #tpu.memory_space<vmem>> -> memref<1x80xi32, #tpu.memory_space<vmem>>
      %dma_wait3A_1212 = tpu.memref_squeeze %dma_wait3A_1211 : memref<1x80xi32, #tpu.memory_space<vmem>> -> memref<80xi32, #tpu.memory_space<vmem>>
      %dma_wait3A_1213 = arith.constant 0 : i32
      %dma_wait3A_1214 = arith.constant 0 : i32
      %dma_wait3A_1215 = tpu.memref_slice %arg12[%dma_wait3A_1213, %dma_wait3A_1214] : memref<256x128xf32, #tpu.memory_space<vmem_shared>> -> memref<256x128xf32, #tpu.memory_space<vmem_shared>>
      tpu.wait_indirect_dma semaphore(%arg11 : memref<!tpu.dma_semaphore, #tpu.memory_space<semaphore_mem>>) src(%dma_wait3A_1209 : memref<80x128xf32, #tpu.memory_space<vmem>>) dst(%dma_wait3A_1215 : memref<256x128xf32, #tpu.memory_space<vmem_shared>>)
    } else {
    }
    %add3A_868 = arith.constant 640 : i32
    %add3A_869 = arith.addi %mul3A_0, %add3A_868 : i32
    %add3A_870 = arith.constant 320 : i32
    %add3A_871 = arith.addi %add3A_869, %add3A_870 : i32
    %le3A_872 = arith.constant 50000 : i32
    %le3A_873 = arith.cmpi sle, %add3A_871, %le3A_872 : i32
    %not3A_874 = arith.constant true
    %not3A_875 = arith.xori %le3A_873, %not3A_874 : i1
    %add3A_876 = arith.constant 640 : i32
    %add3A_877 = arith.addi %mul3A_0, %add3A_876 : i32
    %add3A_878 = arith.constant 80 : i32
    %add3A_879 = arith.addi %add3A_877, %add3A_878 : i32
    %le3A_880 = arith.constant 50000 : i32
    %le3A_881 = arith.cmpi sle, %add3A_879, %le3A_880 : i32
    %and3A_882 = arith.andi %not3A_875, %le3A_881 : i1
    %convert_element_type3A_883 = arith.extui %and3A_882 : i1 to i32
    %cond3A_884 = arith.constant 0 : i32
    %cond3A_885 = arith.cmpi ne, %convert_element_type3A_883, %cond3A_884 : i32
    scf.if %cond3A_885 {
      %add3A_1134 = arith.constant 640 : i32
      %add3A_1135 = arith.addi %mul3A_0, %add3A_1134 : i32
      %add3A_1136 = arith.constant 80 : i32
      %add3A_1137 = arith.addi %add3A_1135, %add3A_1136 : i32
      %le3A_1138 = arith.constant 50000 : i32
      %le3A_1139 = arith.cmpi sle, %add3A_1137, %le3A_1138 : i32
      %convert_element_type3A_1140 = arith.extui %le3A_1139 : i1 to i32
      %cond3A_1141 = arith.constant 0 : i32
      %cond3A_1142 = arith.cmpi ne, %convert_element_type3A_1140, %cond3A_1141 : i32
      scf.if %cond3A_1142 {
        %add3A_1170 = arith.constant 640 : i32
        %add3A_1171 = arith.addi %mul3A_0, %add3A_1170 : i32
        %add3A_1172 = arith.constant 0 : i32
        %add3A_1173 = arith.addi %add3A_1171, %add3A_1172 : i32
        "tpu.region"() ({
          %run_scoped3A_1174 = tpu.sem_alloc : memref<!tpu.dma_semaphore, #tpu.memory_space<semaphore_mem>>
          %dma_start3A = arith.constant 0 : i32
          %dma_start3A_1175 = arith.constant 0 : i32
          %dma_start3A_1176 = tpu.memref_slice %arg6[%dma_start3A, %dma_start3A_1175] : memref<320x128xf32, #tpu.memory_space<vmem>> -> memref<80x128xf32, #tpu.memory_space<vmem>>
          %dma_start3A_1177 = tpu.memref_slice %arg2[%add3A_1173, %mul3A_2] : memref<50000x256xf32, #tpu.memory_space<hbm>> -> memref<80x128xf32, #tpu.memory_space<hbm>>
          %dma_start3A_1178 = arith.constant 0 : i32
          %dma_start3A_1179 = arith.constant 0 : i32
          %dma_start3A_1180 = tpu.memref_slice %arg6[%dma_start3A_1178, %dma_start3A_1179] : memref<320x128xf32, #tpu.memory_space<vmem>> -> memref<80x128xf32, #tpu.memory_space<vmem>>
          %dma_start3A_1181 = tpu.memref_slice %arg2[%add3A_1173, %mul3A_2] : memref<50000x256xf32, #tpu.memory_space<hbm>> -> memref<80x128xf32, #tpu.memory_space<hbm>>
          tpu.enqueue_dma source(%dma_start3A_1181 : memref<80x128xf32, #tpu.memory_space<hbm>>) target(%dma_start3A_1180 : memref<80x128xf32, #tpu.memory_space<vmem>>) target_semaphore(%run_scoped3A_1174 : memref<!tpu.dma_semaphore, #tpu.memory_space<semaphore_mem>>)
          %dma_wait3A = arith.constant 0 : i32
          %dma_wait3A_1182 = arith.constant 0 : i32
          %dma_wait3A_1183 = tpu.memref_slice %arg6[%dma_wait3A, %dma_wait3A_1182] : memref<320x128xf32, #tpu.memory_space<vmem>> -> memref<80x128xf32, #tpu.memory_space<vmem>>
          %dma_wait3A_1184 = tpu.memref_slice %arg2[%add3A_1173, %mul3A_2] : memref<50000x256xf32, #tpu.memory_space<hbm>> -> memref<80x128xf32, #tpu.memory_space<hbm>>
          %dma_wait3A_1185 = arith.constant 0 : i32
          %dma_wait3A_1186 = arith.constant 0 : i32
          %dma_wait3A_1187 = tpu.memref_slice %arg6[%dma_wait3A_1185, %dma_wait3A_1186] : memref<320x128xf32, #tpu.memory_space<vmem>> -> memref<80x128xf32, #tpu.memory_space<vmem>>
          %dma_wait3A_1188 = tpu.memref_slice %arg2[%add3A_1173, %mul3A_2] : memref<50000x256xf32, #tpu.memory_space<hbm>> -> memref<80x128xf32, #tpu.memory_space<hbm>>
          tpu.wait_dma2 semaphore(%run_scoped3A_1174 : memref<!tpu.dma_semaphore, #tpu.memory_space<semaphore_mem>>) src(%dma_wait3A_1188 : memref<80x128xf32, #tpu.memory_space<hbm>>) dst(%dma_wait3A_1187 : memref<80x128xf32, #tpu.memory_space<vmem>>)
          tpu.yield
        }) : () -> ()
        %run_scoped3A = arith.constant 8 : i32
        "tpu.region"() ({
          %run_scoped3A_1174 = tpu.sem_alloc : memref<!tpu.dma_semaphore, #tpu.memory_space<semaphore_mem>>
          %dma_start3A = arith.constant 0 : i32
          %dma_start3A_1175 = arith.constant 0 : i32
          %dma_start3A_1176 = tpu.memref_slice %arg6[%dma_start3A, %dma_start3A_1175] : memref<320x128xf32, #tpu.memory_space<vmem>> -> memref<80x128xf32, #tpu.memory_space<vmem>>
          %dma_start3A_1177 = arith.constant 0 : i32
          %dma_start3A_1178 = tpu.memref_slice %arg5[%run_scoped3A, %dma_start3A_1177] : memref<40x80xi32, #tpu.memory_space<vmem>> -> memref<1x80xi32, #tpu.memory_space<vmem>>
          %dma_start3A_1179 = tpu.memref_squeeze %dma_start3A_1178 : memref<1x80xi32, #tpu.memory_space<vmem>> -> memref<80xi32, #tpu.memory_space<vmem>>
          %dma_start3A_1180 = arith.constant 0 : i32
          %dma_start3A_1181 = arith.constant 0 : i32
          %dma_start3A_1182 = tpu.memref_slice %arg12[%dma_start3A_1180, %dma_start3A_1181] : memref<256x128xf32, #tpu.memory_space<vmem_shared>> -> memref<256x128xf32, #tpu.memory_space<vmem_shared>>
          tpu.enqueue_indirect_dma source(%dma_start3A_1176 : memref<80x128xf32, #tpu.memory_space<vmem>>) target(%dma_start3A_1182 : memref<256x128xf32, #tpu.memory_space<vmem_shared>>) offsets(%dma_start3A_1179 : memref<80xi32, #tpu.memory_space<vmem>>) semaphore(%run_scoped3A_1174 : memref<!tpu.dma_semaphore, #tpu.memory_space<semaphore_mem>>) {add = true}
          %dma_wait3A = arith.constant 0 : i32
          %dma_wait3A_1183 = arith.constant 0 : i32
          %dma_wait3A_1184 = tpu.memref_slice %arg6[%dma_wait3A, %dma_wait3A_1183] : memref<320x128xf32, #tpu.memory_space<vmem>> -> memref<80x128xf32, #tpu.memory_space<vmem>>
          %dma_wait3A_1185 = arith.constant 0 : i32
          %dma_wait3A_1186 = tpu.memref_slice %arg5[%run_scoped3A, %dma_wait3A_1185] : memref<40x80xi32, #tpu.memory_space<vmem>> -> memref<1x80xi32, #tpu.memory_space<vmem>>
          %dma_wait3A_1187 = tpu.memref_squeeze %dma_wait3A_1186 : memref<1x80xi32, #tpu.memory_space<vmem>> -> memref<80xi32, #tpu.memory_space<vmem>>
          %dma_wait3A_1188 = arith.constant 0 : i32
          %dma_wait3A_1189 = arith.constant 0 : i32
          %dma_wait3A_1190 = tpu.memref_slice %arg12[%dma_wait3A_1188, %dma_wait3A_1189] : memref<256x128xf32, #tpu.memory_space<vmem_shared>> -> memref<256x128xf32, #tpu.memory_space<vmem_shared>>
          tpu.wait_indirect_dma semaphore(%run_scoped3A_1174 : memref<!tpu.dma_semaphore, #tpu.memory_space<semaphore_mem>>) src(%dma_wait3A_1184 : memref<80x128xf32, #tpu.memory_space<vmem>>) dst(%dma_wait3A_1190 : memref<256x128xf32, #tpu.memory_space<vmem_shared>>)
          tpu.yield
        }) : () -> ()
      } else {
      }
      %add3A_1143 = arith.constant 640 : i32
      %add3A_1144 = arith.addi %mul3A_0, %add3A_1143 : i32
      %add3A_1145 = arith.constant 160 : i32
      %add3A_1146 = arith.addi %add3A_1144, %add3A_1145 : i32
      %le3A_1147 = arith.constant 50000 : i32
      %le3A_1148 = arith.cmpi sle, %add3A_1146, %le3A_1147 : i32
      %convert_element_type3A_1149 = arith.extui %le3A_1148 : i1 to i32
      %cond3A_1150 = arith.constant 0 : i32
      %cond3A_1151 = arith.cmpi ne, %convert_element_type3A_1149, %cond3A_1150 : i32
      scf.if %cond3A_1151 {
        %add3A_1170 = arith.constant 640 : i32
        %add3A_1171 = arith.addi %mul3A_0, %add3A_1170 : i32
        %add3A_1172 = arith.constant 80 : i32
        %add3A_1173 = arith.addi %add3A_1171, %add3A_1172 : i32
        "tpu.region"() ({
          %run_scoped3A_1174 = tpu.sem_alloc : memref<!tpu.dma_semaphore, #tpu.memory_space<semaphore_mem>>
          %dma_start3A = arith.constant 80 : i32
          %dma_start3A_1175 = arith.constant 0 : i32
          %dma_start3A_1176 = tpu.memref_slice %arg6[%dma_start3A, %dma_start3A_1175] : memref<320x128xf32, #tpu.memory_space<vmem>> -> memref<80x128xf32, #tpu.memory_space<vmem>>
          %dma_start3A_1177 = tpu.memref_slice %arg2[%add3A_1173, %mul3A_2] : memref<50000x256xf32, #tpu.memory_space<hbm>> -> memref<80x128xf32, #tpu.memory_space<hbm>>
          %dma_start3A_1178 = arith.constant 80 : i32
          %dma_start3A_1179 = arith.constant 0 : i32
          %dma_start3A_1180 = tpu.memref_slice %arg6[%dma_start3A_1178, %dma_start3A_1179] : memref<320x128xf32, #tpu.memory_space<vmem>> -> memref<80x128xf32, #tpu.memory_space<vmem>>
          %dma_start3A_1181 = tpu.memref_slice %arg2[%add3A_1173, %mul3A_2] : memref<50000x256xf32, #tpu.memory_space<hbm>> -> memref<80x128xf32, #tpu.memory_space<hbm>>
          tpu.enqueue_dma source(%dma_start3A_1181 : memref<80x128xf32, #tpu.memory_space<hbm>>) target(%dma_start3A_1180 : memref<80x128xf32, #tpu.memory_space<vmem>>) target_semaphore(%run_scoped3A_1174 : memref<!tpu.dma_semaphore, #tpu.memory_space<semaphore_mem>>)
          %dma_wait3A = arith.constant 80 : i32
          %dma_wait3A_1182 = arith.constant 0 : i32
          %dma_wait3A_1183 = tpu.memref_slice %arg6[%dma_wait3A, %dma_wait3A_1182] : memref<320x128xf32, #tpu.memory_space<vmem>> -> memref<80x128xf32, #tpu.memory_space<vmem>>
          %dma_wait3A_1184 = tpu.memref_slice %arg2[%add3A_1173, %mul3A_2] : memref<50000x256xf32, #tpu.memory_space<hbm>> -> memref<80x128xf32, #tpu.memory_space<hbm>>
          %dma_wait3A_1185 = arith.constant 80 : i32
          %dma_wait3A_1186 = arith.constant 0 : i32
          %dma_wait3A_1187 = tpu.memref_slice %arg6[%dma_wait3A_1185, %dma_wait3A_1186] : memref<320x128xf32, #tpu.memory_space<vmem>> -> memref<80x128xf32, #tpu.memory_space<vmem>>
          %dma_wait3A_1188 = tpu.memref_slice %arg2[%add3A_1173, %mul3A_2] : memref<50000x256xf32, #tpu.memory_space<hbm>> -> memref<80x128xf32, #tpu.memory_space<hbm>>
          tpu.wait_dma2 semaphore(%run_scoped3A_1174 : memref<!tpu.dma_semaphore, #tpu.memory_space<semaphore_mem>>) src(%dma_wait3A_1188 : memref<80x128xf32, #tpu.memory_space<hbm>>) dst(%dma_wait3A_1187 : memref<80x128xf32, #tpu.memory_space<vmem>>)
          tpu.yield
        }) : () -> ()
        %run_scoped3A = arith.constant 9 : i32
        "tpu.region"() ({
          %run_scoped3A_1174 = tpu.sem_alloc : memref<!tpu.dma_semaphore, #tpu.memory_space<semaphore_mem>>
          %dma_start3A = arith.constant 80 : i32
          %dma_start3A_1175 = arith.constant 0 : i32
          %dma_start3A_1176 = tpu.memref_slice %arg6[%dma_start3A, %dma_start3A_1175] : memref<320x128xf32, #tpu.memory_space<vmem>> -> memref<80x128xf32, #tpu.memory_space<vmem>>
          %dma_start3A_1177 = arith.constant 0 : i32
          %dma_start3A_1178 = tpu.memref_slice %arg5[%run_scoped3A, %dma_start3A_1177] : memref<40x80xi32, #tpu.memory_space<vmem>> -> memref<1x80xi32, #tpu.memory_space<vmem>>
          %dma_start3A_1179 = tpu.memref_squeeze %dma_start3A_1178 : memref<1x80xi32, #tpu.memory_space<vmem>> -> memref<80xi32, #tpu.memory_space<vmem>>
          %dma_start3A_1180 = arith.constant 0 : i32
          %dma_start3A_1181 = arith.constant 0 : i32
          %dma_start3A_1182 = tpu.memref_slice %arg12[%dma_start3A_1180, %dma_start3A_1181] : memref<256x128xf32, #tpu.memory_space<vmem_shared>> -> memref<256x128xf32, #tpu.memory_space<vmem_shared>>
          tpu.enqueue_indirect_dma source(%dma_start3A_1176 : memref<80x128xf32, #tpu.memory_space<vmem>>) target(%dma_start3A_1182 : memref<256x128xf32, #tpu.memory_space<vmem_shared>>) offsets(%dma_start3A_1179 : memref<80xi32, #tpu.memory_space<vmem>>) semaphore(%run_scoped3A_1174 : memref<!tpu.dma_semaphore, #tpu.memory_space<semaphore_mem>>) {add = true}
          %dma_wait3A = arith.constant 80 : i32
          %dma_wait3A_1183 = arith.constant 0 : i32
          %dma_wait3A_1184 = tpu.memref_slice %arg6[%dma_wait3A, %dma_wait3A_1183] : memref<320x128xf32, #tpu.memory_space<vmem>> -> memref<80x128xf32, #tpu.memory_space<vmem>>
          %dma_wait3A_1185 = arith.constant 0 : i32
          %dma_wait3A_1186 = tpu.memref_slice %arg5[%run_scoped3A, %dma_wait3A_1185] : memref<40x80xi32, #tpu.memory_space<vmem>> -> memref<1x80xi32, #tpu.memory_space<vmem>>
          %dma_wait3A_1187 = tpu.memref_squeeze %dma_wait3A_1186 : memref<1x80xi32, #tpu.memory_space<vmem>> -> memref<80xi32, #tpu.memory_space<vmem>>
          %dma_wait3A_1188 = arith.constant 0 : i32
          %dma_wait3A_1189 = arith.constant 0 : i32
          %dma_wait3A_1190 = tpu.memref_slice %arg12[%dma_wait3A_1188, %dma_wait3A_1189] : memref<256x128xf32, #tpu.memory_space<vmem_shared>> -> memref<256x128xf32, #tpu.memory_space<vmem_shared>>
          tpu.wait_indirect_dma semaphore(%run_scoped3A_1174 : memref<!tpu.dma_semaphore, #tpu.memory_space<semaphore_mem>>) src(%dma_wait3A_1184 : memref<80x128xf32, #tpu.memory_space<vmem>>) dst(%dma_wait3A_1190 : memref<256x128xf32, #tpu.memory_space<vmem_shared>>)
          tpu.yield
        }) : () -> ()
      } else {
      }
      %add3A_1152 = arith.constant 640 : i32
      %add3A_1153 = arith.addi %mul3A_0, %add3A_1152 : i32
      %add3A_1154 = arith.constant 240 : i32
      %add3A_1155 = arith.addi %add3A_1153, %add3A_1154 : i32
      %le3A_1156 = arith.constant 50000 : i32
      %le3A_1157 = arith.cmpi sle, %add3A_1155, %le3A_1156 : i32
      %convert_element_type3A_1158 = arith.extui %le3A_1157 : i1 to i32
      %cond3A_1159 = arith.constant 0 : i32
      %cond3A_1160 = arith.cmpi ne, %convert_element_type3A_1158, %cond3A_1159 : i32
      scf.if %cond3A_1160 {
        %add3A_1170 = arith.constant 640 : i32
        %add3A_1171 = arith.addi %mul3A_0, %add3A_1170 : i32
        %add3A_1172 = arith.constant 160 : i32
        %add3A_1173 = arith.addi %add3A_1171, %add3A_1172 : i32
        "tpu.region"() ({
          %run_scoped3A_1174 = tpu.sem_alloc : memref<!tpu.dma_semaphore, #tpu.memory_space<semaphore_mem>>
          %dma_start3A = arith.constant 160 : i32
          %dma_start3A_1175 = arith.constant 0 : i32
          %dma_start3A_1176 = tpu.memref_slice %arg6[%dma_start3A, %dma_start3A_1175] : memref<320x128xf32, #tpu.memory_space<vmem>> -> memref<80x128xf32, #tpu.memory_space<vmem>>
          %dma_start3A_1177 = tpu.memref_slice %arg2[%add3A_1173, %mul3A_2] : memref<50000x256xf32, #tpu.memory_space<hbm>> -> memref<80x128xf32, #tpu.memory_space<hbm>>
          %dma_start3A_1178 = arith.constant 160 : i32
          %dma_start3A_1179 = arith.constant 0 : i32
          %dma_start3A_1180 = tpu.memref_slice %arg6[%dma_start3A_1178, %dma_start3A_1179] : memref<320x128xf32, #tpu.memory_space<vmem>> -> memref<80x128xf32, #tpu.memory_space<vmem>>
          %dma_start3A_1181 = tpu.memref_slice %arg2[%add3A_1173, %mul3A_2] : memref<50000x256xf32, #tpu.memory_space<hbm>> -> memref<80x128xf32, #tpu.memory_space<hbm>>
          tpu.enqueue_dma source(%dma_start3A_1181 : memref<80x128xf32, #tpu.memory_space<hbm>>) target(%dma_start3A_1180 : memref<80x128xf32, #tpu.memory_space<vmem>>) target_semaphore(%run_scoped3A_1174 : memref<!tpu.dma_semaphore, #tpu.memory_space<semaphore_mem>>)
          %dma_wait3A = arith.constant 160 : i32
          %dma_wait3A_1182 = arith.constant 0 : i32
          %dma_wait3A_1183 = tpu.memref_slice %arg6[%dma_wait3A, %dma_wait3A_1182] : memref<320x128xf32, #tpu.memory_space<vmem>> -> memref<80x128xf32, #tpu.memory_space<vmem>>
          %dma_wait3A_1184 = tpu.memref_slice %arg2[%add3A_1173, %mul3A_2] : memref<50000x256xf32, #tpu.memory_space<hbm>> -> memref<80x128xf32, #tpu.memory_space<hbm>>
          %dma_wait3A_1185 = arith.constant 160 : i32
          %dma_wait3A_1186 = arith.constant 0 : i32
          %dma_wait3A_1187 = tpu.memref_slice %arg6[%dma_wait3A_1185, %dma_wait3A_1186] : memref<320x128xf32, #tpu.memory_space<vmem>> -> memref<80x128xf32, #tpu.memory_space<vmem>>
          %dma_wait3A_1188 = tpu.memref_slice %arg2[%add3A_1173, %mul3A_2] : memref<50000x256xf32, #tpu.memory_space<hbm>> -> memref<80x128xf32, #tpu.memory_space<hbm>>
          tpu.wait_dma2 semaphore(%run_scoped3A_1174 : memref<!tpu.dma_semaphore, #tpu.memory_space<semaphore_mem>>) src(%dma_wait3A_1188 : memref<80x128xf32, #tpu.memory_space<hbm>>) dst(%dma_wait3A_1187 : memref<80x128xf32, #tpu.memory_space<vmem>>)
          tpu.yield
        }) : () -> ()
        %run_scoped3A = arith.constant 10 : i32
        "tpu.region"() ({
          %run_scoped3A_1174 = tpu.sem_alloc : memref<!tpu.dma_semaphore, #tpu.memory_space<semaphore_mem>>
          %dma_start3A = arith.constant 160 : i32
          %dma_start3A_1175 = arith.constant 0 : i32
          %dma_start3A_1176 = tpu.memref_slice %arg6[%dma_start3A, %dma_start3A_1175] : memref<320x128xf32, #tpu.memory_space<vmem>> -> memref<80x128xf32, #tpu.memory_space<vmem>>
          %dma_start3A_1177 = arith.constant 0 : i32
          %dma_start3A_1178 = tpu.memref_slice %arg5[%run_scoped3A, %dma_start3A_1177] : memref<40x80xi32, #tpu.memory_space<vmem>> -> memref<1x80xi32, #tpu.memory_space<vmem>>
          %dma_start3A_1179 = tpu.memref_squeeze %dma_start3A_1178 : memref<1x80xi32, #tpu.memory_space<vmem>> -> memref<80xi32, #tpu.memory_space<vmem>>
          %dma_start3A_1180 = arith.constant 0 : i32
          %dma_start3A_1181 = arith.constant 0 : i32
          %dma_start3A_1182 = tpu.memref_slice %arg12[%dma_start3A_1180, %dma_start3A_1181] : memref<256x128xf32, #tpu.memory_space<vmem_shared>> -> memref<256x128xf32, #tpu.memory_space<vmem_shared>>
          tpu.enqueue_indirect_dma source(%dma_start3A_1176 : memref<80x128xf32, #tpu.memory_space<vmem>>) target(%dma_start3A_1182 : memref<256x128xf32, #tpu.memory_space<vmem_shared>>) offsets(%dma_start3A_1179 : memref<80xi32, #tpu.memory_space<vmem>>) semaphore(%run_scoped3A_1174 : memref<!tpu.dma_semaphore, #tpu.memory_space<semaphore_mem>>) {add = true}
          %dma_wait3A = arith.constant 160 : i32
          %dma_wait3A_1183 = arith.constant 0 : i32
          %dma_wait3A_1184 = tpu.memref_slice %arg6[%dma_wait3A, %dma_wait3A_1183] : memref<320x128xf32, #tpu.memory_space<vmem>> -> memref<80x128xf32, #tpu.memory_space<vmem>>
          %dma_wait3A_1185 = arith.constant 0 : i32
          %dma_wait3A_1186 = tpu.memref_slice %arg5[%run_scoped3A, %dma_wait3A_1185] : memref<40x80xi32, #tpu.memory_space<vmem>> -> memref<1x80xi32, #tpu.memory_space<vmem>>
          %dma_wait3A_1187 = tpu.memref_squeeze %dma_wait3A_1186 : memref<1x80xi32, #tpu.memory_space<vmem>> -> memref<80xi32, #tpu.memory_space<vmem>>
          %dma_wait3A_1188 = arith.constant 0 : i32
          %dma_wait3A_1189 = arith.constant 0 : i32
          %dma_wait3A_1190 = tpu.memref_slice %arg12[%dma_wait3A_1188, %dma_wait3A_1189] : memref<256x128xf32, #tpu.memory_space<vmem_shared>> -> memref<256x128xf32, #tpu.memory_space<vmem_shared>>
          tpu.wait_indirect_dma semaphore(%run_scoped3A_1174 : memref<!tpu.dma_semaphore, #tpu.memory_space<semaphore_mem>>) src(%dma_wait3A_1184 : memref<80x128xf32, #tpu.memory_space<vmem>>) dst(%dma_wait3A_1190 : memref<256x128xf32, #tpu.memory_space<vmem_shared>>)
          tpu.yield
        }) : () -> ()
      } else {
      }
      %add3A_1161 = arith.constant 640 : i32
      %add3A_1162 = arith.addi %mul3A_0, %add3A_1161 : i32
      %add3A_1163 = arith.constant 320 : i32
      %add3A_1164 = arith.addi %add3A_1162, %add3A_1163 : i32
      %le3A_1165 = arith.constant 50000 : i32
      %le3A_1166 = arith.cmpi sle, %add3A_1164, %le3A_1165 : i32
      %convert_element_type3A_1167 = arith.extui %le3A_1166 : i1 to i32
      %cond3A_1168 = arith.constant 0 : i32
      %cond3A_1169 = arith.cmpi ne, %convert_element_type3A_1167, %cond3A_1168 : i32
      scf.if %cond3A_1169 {
        %add3A_1170 = arith.constant 640 : i32
        %add3A_1171 = arith.addi %mul3A_0, %add3A_1170 : i32
        %add3A_1172 = arith.constant 240 : i32
        %add3A_1173 = arith.addi %add3A_1171, %add3A_1172 : i32
        "tpu.region"() ({
          %run_scoped3A_1174 = tpu.sem_alloc : memref<!tpu.dma_semaphore, #tpu.memory_space<semaphore_mem>>
          %dma_start3A = arith.constant 240 : i32
          %dma_start3A_1175 = arith.constant 0 : i32
          %dma_start3A_1176 = tpu.memref_slice %arg6[%dma_start3A, %dma_start3A_1175] : memref<320x128xf32, #tpu.memory_space<vmem>> -> memref<80x128xf32, #tpu.memory_space<vmem>>
          %dma_start3A_1177 = tpu.memref_slice %arg2[%add3A_1173, %mul3A_2] : memref<50000x256xf32, #tpu.memory_space<hbm>> -> memref<80x128xf32, #tpu.memory_space<hbm>>
          %dma_start3A_1178 = arith.constant 240 : i32
          %dma_start3A_1179 = arith.constant 0 : i32
          %dma_start3A_1180 = tpu.memref_slice %arg6[%dma_start3A_1178, %dma_start3A_1179] : memref<320x128xf32, #tpu.memory_space<vmem>> -> memref<80x128xf32, #tpu.memory_space<vmem>>
          %dma_start3A_1181 = tpu.memref_slice %arg2[%add3A_1173, %mul3A_2] : memref<50000x256xf32, #tpu.memory_space<hbm>> -> memref<80x128xf32, #tpu.memory_space<hbm>>
          tpu.enqueue_dma source(%dma_start3A_1181 : memref<80x128xf32, #tpu.memory_space<hbm>>) target(%dma_start3A_1180 : memref<80x128xf32, #tpu.memory_space<vmem>>) target_semaphore(%run_scoped3A_1174 : memref<!tpu.dma_semaphore, #tpu.memory_space<semaphore_mem>>)
          %dma_wait3A = arith.constant 240 : i32
          %dma_wait3A_1182 = arith.constant 0 : i32
          %dma_wait3A_1183 = tpu.memref_slice %arg6[%dma_wait3A, %dma_wait3A_1182] : memref<320x128xf32, #tpu.memory_space<vmem>> -> memref<80x128xf32, #tpu.memory_space<vmem>>
          %dma_wait3A_1184 = tpu.memref_slice %arg2[%add3A_1173, %mul3A_2] : memref<50000x256xf32, #tpu.memory_space<hbm>> -> memref<80x128xf32, #tpu.memory_space<hbm>>
          %dma_wait3A_1185 = arith.constant 240 : i32
          %dma_wait3A_1186 = arith.constant 0 : i32
          %dma_wait3A_1187 = tpu.memref_slice %arg6[%dma_wait3A_1185, %dma_wait3A_1186] : memref<320x128xf32, #tpu.memory_space<vmem>> -> memref<80x128xf32, #tpu.memory_space<vmem>>
          %dma_wait3A_1188 = tpu.memref_slice %arg2[%add3A_1173, %mul3A_2] : memref<50000x256xf32, #tpu.memory_space<hbm>> -> memref<80x128xf32, #tpu.memory_space<hbm>>
          tpu.wait_dma2 semaphore(%run_scoped3A_1174 : memref<!tpu.dma_semaphore, #tpu.memory_space<semaphore_mem>>) src(%dma_wait3A_1188 : memref<80x128xf32, #tpu.memory_space<hbm>>) dst(%dma_wait3A_1187 : memref<80x128xf32, #tpu.memory_space<vmem>>)
          tpu.yield
        }) : () -> ()
        %run_scoped3A = arith.constant 11 : i32
        "tpu.region"() ({
          %run_scoped3A_1174 = tpu.sem_alloc : memref<!tpu.dma_semaphore, #tpu.memory_space<semaphore_mem>>
          %dma_start3A = arith.constant 240 : i32
          %dma_start3A_1175 = arith.constant 0 : i32
          %dma_start3A_1176 = tpu.memref_slice %arg6[%dma_start3A, %dma_start3A_1175] : memref<320x128xf32, #tpu.memory_space<vmem>> -> memref<80x128xf32, #tpu.memory_space<vmem>>
          %dma_start3A_1177 = arith.constant 0 : i32
          %dma_start3A_1178 = tpu.memref_slice %arg5[%run_scoped3A, %dma_start3A_1177] : memref<40x80xi32, #tpu.memory_space<vmem>> -> memref<1x80xi32, #tpu.memory_space<vmem>>
          %dma_start3A_1179 = tpu.memref_squeeze %dma_start3A_1178 : memref<1x80xi32, #tpu.memory_space<vmem>> -> memref<80xi32, #tpu.memory_space<vmem>>
          %dma_start3A_1180 = arith.constant 0 : i32
          %dma_start3A_1181 = arith.constant 0 : i32
          %dma_start3A_1182 = tpu.memref_slice %arg12[%dma_start3A_1180, %dma_start3A_1181] : memref<256x128xf32, #tpu.memory_space<vmem_shared>> -> memref<256x128xf32, #tpu.memory_space<vmem_shared>>
          tpu.enqueue_indirect_dma source(%dma_start3A_1176 : memref<80x128xf32, #tpu.memory_space<vmem>>) target(%dma_start3A_1182 : memref<256x128xf32, #tpu.memory_space<vmem_shared>>) offsets(%dma_start3A_1179 : memref<80xi32, #tpu.memory_space<vmem>>) semaphore(%run_scoped3A_1174 : memref<!tpu.dma_semaphore, #tpu.memory_space<semaphore_mem>>) {add = true}
          %dma_wait3A = arith.constant 240 : i32
          %dma_wait3A_1183 = arith.constant 0 : i32
          %dma_wait3A_1184 = tpu.memref_slice %arg6[%dma_wait3A, %dma_wait3A_1183] : memref<320x128xf32, #tpu.memory_space<vmem>> -> memref<80x128xf32, #tpu.memory_space<vmem>>
          %dma_wait3A_1185 = arith.constant 0 : i32
          %dma_wait3A_1186 = tpu.memref_slice %arg5[%run_scoped3A, %dma_wait3A_1185] : memref<40x80xi32, #tpu.memory_space<vmem>> -> memref<1x80xi32, #tpu.memory_space<vmem>>
          %dma_wait3A_1187 = tpu.memref_squeeze %dma_wait3A_1186 : memref<1x80xi32, #tpu.memory_space<vmem>> -> memref<80xi32, #tpu.memory_space<vmem>>
          %dma_wait3A_1188 = arith.constant 0 : i32
          %dma_wait3A_1189 = arith.constant 0 : i32
          %dma_wait3A_1190 = tpu.memref_slice %arg12[%dma_wait3A_1188, %dma_wait3A_1189] : memref<256x128xf32, #tpu.memory_space<vmem_shared>> -> memref<256x128xf32, #tpu.memory_space<vmem_shared>>
          tpu.wait_indirect_dma semaphore(%run_scoped3A_1174 : memref<!tpu.dma_semaphore, #tpu.memory_space<semaphore_mem>>) src(%dma_wait3A_1184 : memref<80x128xf32, #tpu.memory_space<vmem>>) dst(%dma_wait3A_1190 : memref<256x128xf32, #tpu.memory_space<vmem_shared>>)
          tpu.yield
        }) : () -> ()
      } else {
      }
    } else {
    }
    %add3A_886 = arith.constant 1280 : i32
    %add3A_887 = arith.addi %mul3A_0, %add3A_886 : i32
    %add3A_888 = arith.constant 320 : i32
    %add3A_889 = arith.addi %add3A_887, %add3A_888 : i32
    %le3A_890 = arith.constant 50000 : i32
    %le3A_891 = arith.cmpi sle, %add3A_889, %le3A_890 : i32
    %convert_element_type3A_892 = arith.extui %le3A_891 : i1 to i32
    %cond3A_893 = arith.constant 0 : i32
    %cond3A_894 = arith.cmpi ne, %convert_element_type3A_892, %cond3A_893 : i32
    scf.if %cond3A_894 {
      %add3A_1134 = arith.constant 1280 : i32
      %add3A_1135 = arith.addi %mul3A_0, %add3A_1134 : i32
      %dma_start3A = tpu.memref_slice %arg2[%add3A_1135, %mul3A_2] : memref<50000x256xf32, #tpu.memory_space<hbm>> -> memref<320x128xf32, #tpu.memory_space<hbm>>
      %dma_start3A_1136 = tpu.memref_slice %arg2[%add3A_1135, %mul3A_2] : memref<50000x256xf32, #tpu.memory_space<hbm>> -> memref<320x128xf32, #tpu.memory_space<hbm>>
      tpu.enqueue_dma source(%dma_start3A_1136 : memref<320x128xf32, #tpu.memory_space<hbm>>) target(%arg6 : memref<320x128xf32, #tpu.memory_space<vmem>>) target_semaphore(%arg9 : memref<!tpu.dma_semaphore, #tpu.memory_space<semaphore_mem>>)
    } else {
    }
    %add3A_895 = arith.constant 960 : i32
    %add3A_896 = arith.addi %mul3A_0, %add3A_895 : i32
    %add3A_897 = arith.constant 320 : i32
    %add3A_898 = arith.addi %add3A_896, %add3A_897 : i32
    %le3A_899 = arith.constant 50000 : i32
    %le3A_900 = arith.cmpi sle, %add3A_898, %le3A_899 : i32
    %convert_element_type3A_901 = arith.extui %le3A_900 : i1 to i32
    %cond3A_902 = arith.constant 0 : i32
    %cond3A_903 = arith.cmpi ne, %convert_element_type3A_901, %cond3A_902 : i32
    scf.if %cond3A_903 {
      %add3A_1134 = arith.constant 960 : i32
      %add3A_1135 = arith.addi %mul3A_0, %add3A_1134 : i32
      %dma_wait3A = tpu.memref_slice %arg2[%add3A_1135, %mul3A_2] : memref<50000x256xf32, #tpu.memory_space<hbm>> -> memref<320x128xf32, #tpu.memory_space<hbm>>
      %dma_wait3A_1136 = tpu.memref_slice %arg2[%add3A_1135, %mul3A_2] : memref<50000x256xf32, #tpu.memory_space<hbm>> -> memref<320x128xf32, #tpu.memory_space<hbm>>
      tpu.wait_dma2 semaphore(%arg10 : memref<!tpu.dma_semaphore, #tpu.memory_space<semaphore_mem>>) src(%dma_wait3A_1136 : memref<320x128xf32, #tpu.memory_space<hbm>>) dst(%arg7 : memref<320x128xf32, #tpu.memory_space<vmem>>)
      %dma_start3A = arith.constant 12 : i32
      %dma_start3A_1137 = arith.constant 0 : i32
      %dma_start3A_1138 = arith.constant 0 : i32
      %dma_start3A_1139 = tpu.memref_slice %arg7[%dma_start3A_1137, %dma_start3A_1138] : memref<320x128xf32, #tpu.memory_space<vmem>> -> memref<80x128xf32, #tpu.memory_space<vmem>>
      %dma_start3A_1140 = arith.constant 0 : i32
      %dma_start3A_1141 = tpu.memref_slice %arg5[%dma_start3A, %dma_start3A_1140] : memref<40x80xi32, #tpu.memory_space<vmem>> -> memref<1x80xi32, #tpu.memory_space<vmem>>
      %dma_start3A_1142 = tpu.memref_squeeze %dma_start3A_1141 : memref<1x80xi32, #tpu.memory_space<vmem>> -> memref<80xi32, #tpu.memory_space<vmem>>
      %dma_start3A_1143 = arith.constant 0 : i32
      %dma_start3A_1144 = arith.constant 0 : i32
      %dma_start3A_1145 = tpu.memref_slice %arg12[%dma_start3A_1143, %dma_start3A_1144] : memref<256x128xf32, #tpu.memory_space<vmem_shared>> -> memref<256x128xf32, #tpu.memory_space<vmem_shared>>
      tpu.enqueue_indirect_dma source(%dma_start3A_1139 : memref<80x128xf32, #tpu.memory_space<vmem>>) target(%dma_start3A_1145 : memref<256x128xf32, #tpu.memory_space<vmem_shared>>) offsets(%dma_start3A_1142 : memref<80xi32, #tpu.memory_space<vmem>>) semaphore(%arg11 : memref<!tpu.dma_semaphore, #tpu.memory_space<semaphore_mem>>) {add = true}
      %dma_start3A_1146 = arith.constant 13 : i32
      %dma_start3A_1147 = arith.constant 80 : i32
      %dma_start3A_1148 = arith.constant 0 : i32
      %dma_start3A_1149 = tpu.memref_slice %arg7[%dma_start3A_1147, %dma_start3A_1148] : memref<320x128xf32, #tpu.memory_space<vmem>> -> memref<80x128xf32, #tpu.memory_space<vmem>>
      %dma_start3A_1150 = arith.constant 0 : i32
      %dma_start3A_1151 = tpu.memref_slice %arg5[%dma_start3A_1146, %dma_start3A_1150] : memref<40x80xi32, #tpu.memory_space<vmem>> -> memref<1x80xi32, #tpu.memory_space<vmem>>
      %dma_start3A_1152 = tpu.memref_squeeze %dma_start3A_1151 : memref<1x80xi32, #tpu.memory_space<vmem>> -> memref<80xi32, #tpu.memory_space<vmem>>
      %dma_start3A_1153 = arith.constant 0 : i32
      %dma_start3A_1154 = arith.constant 0 : i32
      %dma_start3A_1155 = tpu.memref_slice %arg12[%dma_start3A_1153, %dma_start3A_1154] : memref<256x128xf32, #tpu.memory_space<vmem_shared>> -> memref<256x128xf32, #tpu.memory_space<vmem_shared>>
      tpu.enqueue_indirect_dma source(%dma_start3A_1149 : memref<80x128xf32, #tpu.memory_space<vmem>>) target(%dma_start3A_1155 : memref<256x128xf32, #tpu.memory_space<vmem_shared>>) offsets(%dma_start3A_1152 : memref<80xi32, #tpu.memory_space<vmem>>) semaphore(%arg11 : memref<!tpu.dma_semaphore, #tpu.memory_space<semaphore_mem>>) {add = true}
      %dma_start3A_1156 = arith.constant 14 : i32
      %dma_start3A_1157 = arith.constant 160 : i32
      %dma_start3A_1158 = arith.constant 0 : i32
      %dma_start3A_1159 = tpu.memref_slice %arg7[%dma_start3A_1157, %dma_start3A_1158] : memref<320x128xf32, #tpu.memory_space<vmem>> -> memref<80x128xf32, #tpu.memory_space<vmem>>
      %dma_start3A_1160 = arith.constant 0 : i32
      %dma_start3A_1161 = tpu.memref_slice %arg5[%dma_start3A_1156, %dma_start3A_1160] : memref<40x80xi32, #tpu.memory_space<vmem>> -> memref<1x80xi32, #tpu.memory_space<vmem>>
      %dma_start3A_1162 = tpu.memref_squeeze %dma_start3A_1161 : memref<1x80xi32, #tpu.memory_space<vmem>> -> memref<80xi32, #tpu.memory_space<vmem>>
      %dma_start3A_1163 = arith.constant 0 : i32
      %dma_start3A_1164 = arith.constant 0 : i32
      %dma_start3A_1165 = tpu.memref_slice %arg12[%dma_start3A_1163, %dma_start3A_1164] : memref<256x128xf32, #tpu.memory_space<vmem_shared>> -> memref<256x128xf32, #tpu.memory_space<vmem_shared>>
      tpu.enqueue_indirect_dma source(%dma_start3A_1159 : memref<80x128xf32, #tpu.memory_space<vmem>>) target(%dma_start3A_1165 : memref<256x128xf32, #tpu.memory_space<vmem_shared>>) offsets(%dma_start3A_1162 : memref<80xi32, #tpu.memory_space<vmem>>) semaphore(%arg11 : memref<!tpu.dma_semaphore, #tpu.memory_space<semaphore_mem>>) {add = true}
      %dma_start3A_1166 = arith.constant 15 : i32
      %dma_start3A_1167 = arith.constant 240 : i32
      %dma_start3A_1168 = arith.constant 0 : i32
      %dma_start3A_1169 = tpu.memref_slice %arg7[%dma_start3A_1167, %dma_start3A_1168] : memref<320x128xf32, #tpu.memory_space<vmem>> -> memref<80x128xf32, #tpu.memory_space<vmem>>
      %dma_start3A_1170 = arith.constant 0 : i32
      %dma_start3A_1171 = tpu.memref_slice %arg5[%dma_start3A_1166, %dma_start3A_1170] : memref<40x80xi32, #tpu.memory_space<vmem>> -> memref<1x80xi32, #tpu.memory_space<vmem>>
      %dma_start3A_1172 = tpu.memref_squeeze %dma_start3A_1171 : memref<1x80xi32, #tpu.memory_space<vmem>> -> memref<80xi32, #tpu.memory_space<vmem>>
      %dma_start3A_1173 = arith.constant 0 : i32
      %dma_start3A_1174 = arith.constant 0 : i32
      %dma_start3A_1175 = tpu.memref_slice %arg12[%dma_start3A_1173, %dma_start3A_1174] : memref<256x128xf32, #tpu.memory_space<vmem_shared>> -> memref<256x128xf32, #tpu.memory_space<vmem_shared>>
      tpu.enqueue_indirect_dma source(%dma_start3A_1169 : memref<80x128xf32, #tpu.memory_space<vmem>>) target(%dma_start3A_1175 : memref<256x128xf32, #tpu.memory_space<vmem_shared>>) offsets(%dma_start3A_1172 : memref<80xi32, #tpu.memory_space<vmem>>) semaphore(%arg11 : memref<!tpu.dma_semaphore, #tpu.memory_space<semaphore_mem>>) {add = true}
      %dma_wait3A_1176 = arith.constant 12 : i32
      %dma_wait3A_1177 = arith.constant 0 : i32
      %dma_wait3A_1178 = arith.constant 0 : i32
      %dma_wait3A_1179 = tpu.memref_slice %arg7[%dma_wait3A_1177, %dma_wait3A_1178] : memref<320x128xf32, #tpu.memory_space<vmem>> -> memref<80x128xf32, #tpu.memory_space<vmem>>
      %dma_wait3A_1180 = arith.constant 0 : i32
      %dma_wait3A_1181 = tpu.memref_slice %arg5[%dma_wait3A_1176, %dma_wait3A_1180] : memref<40x80xi32, #tpu.memory_space<vmem>> -> memref<1x80xi32, #tpu.memory_space<vmem>>
      %dma_wait3A_1182 = tpu.memref_squeeze %dma_wait3A_1181 : memref<1x80xi32, #tpu.memory_space<vmem>> -> memref<80xi32, #tpu.memory_space<vmem>>
      %dma_wait3A_1183 = arith.constant 0 : i32
      %dma_wait3A_1184 = arith.constant 0 : i32
      %dma_wait3A_1185 = tpu.memref_slice %arg12[%dma_wait3A_1183, %dma_wait3A_1184] : memref<256x128xf32, #tpu.memory_space<vmem_shared>> -> memref<256x128xf32, #tpu.memory_space<vmem_shared>>
      tpu.wait_indirect_dma semaphore(%arg11 : memref<!tpu.dma_semaphore, #tpu.memory_space<semaphore_mem>>) src(%dma_wait3A_1179 : memref<80x128xf32, #tpu.memory_space<vmem>>) dst(%dma_wait3A_1185 : memref<256x128xf32, #tpu.memory_space<vmem_shared>>)
      %dma_wait3A_1186 = arith.constant 13 : i32
      %dma_wait3A_1187 = arith.constant 80 : i32
      %dma_wait3A_1188 = arith.constant 0 : i32
      %dma_wait3A_1189 = tpu.memref_slice %arg7[%dma_wait3A_1187, %dma_wait3A_1188] : memref<320x128xf32, #tpu.memory_space<vmem>> -> memref<80x128xf32, #tpu.memory_space<vmem>>
      %dma_wait3A_1190 = arith.constant 0 : i32
      %dma_wait3A_1191 = tpu.memref_slice %arg5[%dma_wait3A_1186, %dma_wait3A_1190] : memref<40x80xi32, #tpu.memory_space<vmem>> -> memref<1x80xi32, #tpu.memory_space<vmem>>
      %dma_wait3A_1192 = tpu.memref_squeeze %dma_wait3A_1191 : memref<1x80xi32, #tpu.memory_space<vmem>> -> memref<80xi32, #tpu.memory_space<vmem>>
      %dma_wait3A_1193 = arith.constant 0 : i32
      %dma_wait3A_1194 = arith.constant 0 : i32
      %dma_wait3A_1195 = tpu.memref_slice %arg12[%dma_wait3A_1193, %dma_wait3A_1194] : memref<256x128xf32, #tpu.memory_space<vmem_shared>> -> memref<256x128xf32, #tpu.memory_space<vmem_shared>>
      tpu.wait_indirect_dma semaphore(%arg11 : memref<!tpu.dma_semaphore, #tpu.memory_space<semaphore_mem>>) src(%dma_wait3A_1189 : memref<80x128xf32, #tpu.memory_space<vmem>>) dst(%dma_wait3A_1195 : memref<256x128xf32, #tpu.memory_space<vmem_shared>>)
      %dma_wait3A_1196 = arith.constant 14 : i32
      %dma_wait3A_1197 = arith.constant 160 : i32
      %dma_wait3A_1198 = arith.constant 0 : i32
      %dma_wait3A_1199 = tpu.memref_slice %arg7[%dma_wait3A_1197, %dma_wait3A_1198] : memref<320x128xf32, #tpu.memory_space<vmem>> -> memref<80x128xf32, #tpu.memory_space<vmem>>
      %dma_wait3A_1200 = arith.constant 0 : i32
      %dma_wait3A_1201 = tpu.memref_slice %arg5[%dma_wait3A_1196, %dma_wait3A_1200] : memref<40x80xi32, #tpu.memory_space<vmem>> -> memref<1x80xi32, #tpu.memory_space<vmem>>
      %dma_wait3A_1202 = tpu.memref_squeeze %dma_wait3A_1201 : memref<1x80xi32, #tpu.memory_space<vmem>> -> memref<80xi32, #tpu.memory_space<vmem>>
      %dma_wait3A_1203 = arith.constant 0 : i32
      %dma_wait3A_1204 = arith.constant 0 : i32
      %dma_wait3A_1205 = tpu.memref_slice %arg12[%dma_wait3A_1203, %dma_wait3A_1204] : memref<256x128xf32, #tpu.memory_space<vmem_shared>> -> memref<256x128xf32, #tpu.memory_space<vmem_shared>>
      tpu.wait_indirect_dma semaphore(%arg11 : memref<!tpu.dma_semaphore, #tpu.memory_space<semaphore_mem>>) src(%dma_wait3A_1199 : memref<80x128xf32, #tpu.memory_space<vmem>>) dst(%dma_wait3A_1205 : memref<256x128xf32, #tpu.memory_space<vmem_shared>>)
      %dma_wait3A_1206 = arith.constant 15 : i32
      %dma_wait3A_1207 = arith.constant 240 : i32
      %dma_wait3A_1208 = arith.constant 0 : i32
      %dma_wait3A_1209 = tpu.memref_slice %arg7[%dma_wait3A_1207, %dma_wait3A_1208] : memref<320x128xf32, #tpu.memory_space<vmem>> -> memref<80x128xf32, #tpu.memory_space<vmem>>
      %dma_wait3A_1210 = arith.constant 0 : i32
      %dma_wait3A_1211 = tpu.memref_slice %arg5[%dma_wait3A_1206, %dma_wait3A_1210] : memref<40x80xi32, #tpu.memory_space<vmem>> -> memref<1x80xi32, #tpu.memory_space<vmem>>
      %dma_wait3A_1212 = tpu.memref_squeeze %dma_wait3A_1211 : memref<1x80xi32, #tpu.memory_space<vmem>> -> memref<80xi32, #tpu.memory_space<vmem>>
      %dma_wait3A_1213 = arith.constant 0 : i32
      %dma_wait3A_1214 = arith.constant 0 : i32
      %dma_wait3A_1215 = tpu.memref_slice %arg12[%dma_wait3A_1213, %dma_wait3A_1214] : memref<256x128xf32, #tpu.memory_space<vmem_shared>> -> memref<256x128xf32, #tpu.memory_space<vmem_shared>>
      tpu.wait_indirect_dma semaphore(%arg11 : memref<!tpu.dma_semaphore, #tpu.memory_space<semaphore_mem>>) src(%dma_wait3A_1209 : memref<80x128xf32, #tpu.memory_space<vmem>>) dst(%dma_wait3A_1215 : memref<256x128xf32, #tpu.memory_space<vmem_shared>>)
    } else {
    }
    %add3A_904 = arith.constant 960 : i32
    %add3A_905 = arith.addi %mul3A_0, %add3A_904 : i32
    %add3A_906 = arith.constant 320 : i32
    %add3A_907 = arith.addi %add3A_905, %add3A_906 : i32
    %le3A_908 = arith.constant 50000 : i32
    %le3A_909 = arith.cmpi sle, %add3A_907, %le3A_908 : i32
    %not3A_910 = arith.constant true
    %not3A_911 = arith.xori %le3A_909, %not3A_910 : i1
    %add3A_912 = arith.constant 960 : i32
    %add3A_913 = arith.addi %mul3A_0, %add3A_912 : i32
    %add3A_914 = arith.constant 80 : i32
    %add3A_915 = arith.addi %add3A_913, %add3A_914 : i32
    %le3A_916 = arith.constant 50000 : i32
    %le3A_917 = arith.cmpi sle, %add3A_915, %le3A_916 : i32
    %and3A_918 = arith.andi %not3A_911, %le3A_917 : i1
    %convert_element_type3A_919 = arith.extui %and3A_918 : i1 to i32
    %cond3A_920 = arith.constant 0 : i32
    %cond3A_921 = arith.cmpi ne, %convert_element_type3A_919, %cond3A_920 : i32
    scf.if %cond3A_921 {
      %add3A_1134 = arith.constant 960 : i32
      %add3A_1135 = arith.addi %mul3A_0, %add3A_1134 : i32
      %add3A_1136 = arith.constant 80 : i32
      %add3A_1137 = arith.addi %add3A_1135, %add3A_1136 : i32
      %le3A_1138 = arith.constant 50000 : i32
      %le3A_1139 = arith.cmpi sle, %add3A_1137, %le3A_1138 : i32
      %convert_element_type3A_1140 = arith.extui %le3A_1139 : i1 to i32
      %cond3A_1141 = arith.constant 0 : i32
      %cond3A_1142 = arith.cmpi ne, %convert_element_type3A_1140, %cond3A_1141 : i32
      scf.if %cond3A_1142 {
        %add3A_1170 = arith.constant 960 : i32
        %add3A_1171 = arith.addi %mul3A_0, %add3A_1170 : i32
        %add3A_1172 = arith.constant 0 : i32
        %add3A_1173 = arith.addi %add3A_1171, %add3A_1172 : i32
        "tpu.region"() ({
          %run_scoped3A_1174 = tpu.sem_alloc : memref<!tpu.dma_semaphore, #tpu.memory_space<semaphore_mem>>
          %dma_start3A = arith.constant 0 : i32
          %dma_start3A_1175 = arith.constant 0 : i32
          %dma_start3A_1176 = tpu.memref_slice %arg7[%dma_start3A, %dma_start3A_1175] : memref<320x128xf32, #tpu.memory_space<vmem>> -> memref<80x128xf32, #tpu.memory_space<vmem>>
          %dma_start3A_1177 = tpu.memref_slice %arg2[%add3A_1173, %mul3A_2] : memref<50000x256xf32, #tpu.memory_space<hbm>> -> memref<80x128xf32, #tpu.memory_space<hbm>>
          %dma_start3A_1178 = arith.constant 0 : i32
          %dma_start3A_1179 = arith.constant 0 : i32
          %dma_start3A_1180 = tpu.memref_slice %arg7[%dma_start3A_1178, %dma_start3A_1179] : memref<320x128xf32, #tpu.memory_space<vmem>> -> memref<80x128xf32, #tpu.memory_space<vmem>>
          %dma_start3A_1181 = tpu.memref_slice %arg2[%add3A_1173, %mul3A_2] : memref<50000x256xf32, #tpu.memory_space<hbm>> -> memref<80x128xf32, #tpu.memory_space<hbm>>
          tpu.enqueue_dma source(%dma_start3A_1181 : memref<80x128xf32, #tpu.memory_space<hbm>>) target(%dma_start3A_1180 : memref<80x128xf32, #tpu.memory_space<vmem>>) target_semaphore(%run_scoped3A_1174 : memref<!tpu.dma_semaphore, #tpu.memory_space<semaphore_mem>>)
          %dma_wait3A = arith.constant 0 : i32
          %dma_wait3A_1182 = arith.constant 0 : i32
          %dma_wait3A_1183 = tpu.memref_slice %arg7[%dma_wait3A, %dma_wait3A_1182] : memref<320x128xf32, #tpu.memory_space<vmem>> -> memref<80x128xf32, #tpu.memory_space<vmem>>
          %dma_wait3A_1184 = tpu.memref_slice %arg2[%add3A_1173, %mul3A_2] : memref<50000x256xf32, #tpu.memory_space<hbm>> -> memref<80x128xf32, #tpu.memory_space<hbm>>
          %dma_wait3A_1185 = arith.constant 0 : i32
          %dma_wait3A_1186 = arith.constant 0 : i32
          %dma_wait3A_1187 = tpu.memref_slice %arg7[%dma_wait3A_1185, %dma_wait3A_1186] : memref<320x128xf32, #tpu.memory_space<vmem>> -> memref<80x128xf32, #tpu.memory_space<vmem>>
          %dma_wait3A_1188 = tpu.memref_slice %arg2[%add3A_1173, %mul3A_2] : memref<50000x256xf32, #tpu.memory_space<hbm>> -> memref<80x128xf32, #tpu.memory_space<hbm>>
          tpu.wait_dma2 semaphore(%run_scoped3A_1174 : memref<!tpu.dma_semaphore, #tpu.memory_space<semaphore_mem>>) src(%dma_wait3A_1188 : memref<80x128xf32, #tpu.memory_space<hbm>>) dst(%dma_wait3A_1187 : memref<80x128xf32, #tpu.memory_space<vmem>>)
          tpu.yield
        }) : () -> ()
        %run_scoped3A = arith.constant 12 : i32
        "tpu.region"() ({
          %run_scoped3A_1174 = tpu.sem_alloc : memref<!tpu.dma_semaphore, #tpu.memory_space<semaphore_mem>>
          %dma_start3A = arith.constant 0 : i32
          %dma_start3A_1175 = arith.constant 0 : i32
          %dma_start3A_1176 = tpu.memref_slice %arg7[%dma_start3A, %dma_start3A_1175] : memref<320x128xf32, #tpu.memory_space<vmem>> -> memref<80x128xf32, #tpu.memory_space<vmem>>
          %dma_start3A_1177 = arith.constant 0 : i32
          %dma_start3A_1178 = tpu.memref_slice %arg5[%run_scoped3A, %dma_start3A_1177] : memref<40x80xi32, #tpu.memory_space<vmem>> -> memref<1x80xi32, #tpu.memory_space<vmem>>
          %dma_start3A_1179 = tpu.memref_squeeze %dma_start3A_1178 : memref<1x80xi32, #tpu.memory_space<vmem>> -> memref<80xi32, #tpu.memory_space<vmem>>
          %dma_start3A_1180 = arith.constant 0 : i32
          %dma_start3A_1181 = arith.constant 0 : i32
          %dma_start3A_1182 = tpu.memref_slice %arg12[%dma_start3A_1180, %dma_start3A_1181] : memref<256x128xf32, #tpu.memory_space<vmem_shared>> -> memref<256x128xf32, #tpu.memory_space<vmem_shared>>
          tpu.enqueue_indirect_dma source(%dma_start3A_1176 : memref<80x128xf32, #tpu.memory_space<vmem>>) target(%dma_start3A_1182 : memref<256x128xf32, #tpu.memory_space<vmem_shared>>) offsets(%dma_start3A_1179 : memref<80xi32, #tpu.memory_space<vmem>>) semaphore(%run_scoped3A_1174 : memref<!tpu.dma_semaphore, #tpu.memory_space<semaphore_mem>>) {add = true}
          %dma_wait3A = arith.constant 0 : i32
          %dma_wait3A_1183 = arith.constant 0 : i32
          %dma_wait3A_1184 = tpu.memref_slice %arg7[%dma_wait3A, %dma_wait3A_1183] : memref<320x128xf32, #tpu.memory_space<vmem>> -> memref<80x128xf32, #tpu.memory_space<vmem>>
          %dma_wait3A_1185 = arith.constant 0 : i32
          %dma_wait3A_1186 = tpu.memref_slice %arg5[%run_scoped3A, %dma_wait3A_1185] : memref<40x80xi32, #tpu.memory_space<vmem>> -> memref<1x80xi32, #tpu.memory_space<vmem>>
          %dma_wait3A_1187 = tpu.memref_squeeze %dma_wait3A_1186 : memref<1x80xi32, #tpu.memory_space<vmem>> -> memref<80xi32, #tpu.memory_space<vmem>>
          %dma_wait3A_1188 = arith.constant 0 : i32
          %dma_wait3A_1189 = arith.constant 0 : i32
          %dma_wait3A_1190 = tpu.memref_slice %arg12[%dma_wait3A_1188, %dma_wait3A_1189] : memref<256x128xf32, #tpu.memory_space<vmem_shared>> -> memref<256x128xf32, #tpu.memory_space<vmem_shared>>
          tpu.wait_indirect_dma semaphore(%run_scoped3A_1174 : memref<!tpu.dma_semaphore, #tpu.memory_space<semaphore_mem>>) src(%dma_wait3A_1184 : memref<80x128xf32, #tpu.memory_space<vmem>>) dst(%dma_wait3A_1190 : memref<256x128xf32, #tpu.memory_space<vmem_shared>>)
          tpu.yield
        }) : () -> ()
      } else {
      }
      %add3A_1143 = arith.constant 960 : i32
      %add3A_1144 = arith.addi %mul3A_0, %add3A_1143 : i32
      %add3A_1145 = arith.constant 160 : i32
      %add3A_1146 = arith.addi %add3A_1144, %add3A_1145 : i32
      %le3A_1147 = arith.constant 50000 : i32
      %le3A_1148 = arith.cmpi sle, %add3A_1146, %le3A_1147 : i32
      %convert_element_type3A_1149 = arith.extui %le3A_1148 : i1 to i32
      %cond3A_1150 = arith.constant 0 : i32
      %cond3A_1151 = arith.cmpi ne, %convert_element_type3A_1149, %cond3A_1150 : i32
      scf.if %cond3A_1151 {
        %add3A_1170 = arith.constant 960 : i32
        %add3A_1171 = arith.addi %mul3A_0, %add3A_1170 : i32
        %add3A_1172 = arith.constant 80 : i32
        %add3A_1173 = arith.addi %add3A_1171, %add3A_1172 : i32
        "tpu.region"() ({
          %run_scoped3A_1174 = tpu.sem_alloc : memref<!tpu.dma_semaphore, #tpu.memory_space<semaphore_mem>>
          %dma_start3A = arith.constant 80 : i32
          %dma_start3A_1175 = arith.constant 0 : i32
          %dma_start3A_1176 = tpu.memref_slice %arg7[%dma_start3A, %dma_start3A_1175] : memref<320x128xf32, #tpu.memory_space<vmem>> -> memref<80x128xf32, #tpu.memory_space<vmem>>
          %dma_start3A_1177 = tpu.memref_slice %arg2[%add3A_1173, %mul3A_2] : memref<50000x256xf32, #tpu.memory_space<hbm>> -> memref<80x128xf32, #tpu.memory_space<hbm>>
          %dma_start3A_1178 = arith.constant 80 : i32
          %dma_start3A_1179 = arith.constant 0 : i32
          %dma_start3A_1180 = tpu.memref_slice %arg7[%dma_start3A_1178, %dma_start3A_1179] : memref<320x128xf32, #tpu.memory_space<vmem>> -> memref<80x128xf32, #tpu.memory_space<vmem>>
          %dma_start3A_1181 = tpu.memref_slice %arg2[%add3A_1173, %mul3A_2] : memref<50000x256xf32, #tpu.memory_space<hbm>> -> memref<80x128xf32, #tpu.memory_space<hbm>>
          tpu.enqueue_dma source(%dma_start3A_1181 : memref<80x128xf32, #tpu.memory_space<hbm>>) target(%dma_start3A_1180 : memref<80x128xf32, #tpu.memory_space<vmem>>) target_semaphore(%run_scoped3A_1174 : memref<!tpu.dma_semaphore, #tpu.memory_space<semaphore_mem>>)
          %dma_wait3A = arith.constant 80 : i32
          %dma_wait3A_1182 = arith.constant 0 : i32
          %dma_wait3A_1183 = tpu.memref_slice %arg7[%dma_wait3A, %dma_wait3A_1182] : memref<320x128xf32, #tpu.memory_space<vmem>> -> memref<80x128xf32, #tpu.memory_space<vmem>>
          %dma_wait3A_1184 = tpu.memref_slice %arg2[%add3A_1173, %mul3A_2] : memref<50000x256xf32, #tpu.memory_space<hbm>> -> memref<80x128xf32, #tpu.memory_space<hbm>>
          %dma_wait3A_1185 = arith.constant 80 : i32
          %dma_wait3A_1186 = arith.constant 0 : i32
          %dma_wait3A_1187 = tpu.memref_slice %arg7[%dma_wait3A_1185, %dma_wait3A_1186] : memref<320x128xf32, #tpu.memory_space<vmem>> -> memref<80x128xf32, #tpu.memory_space<vmem>>
          %dma_wait3A_1188 = tpu.memref_slice %arg2[%add3A_1173, %mul3A_2] : memref<50000x256xf32, #tpu.memory_space<hbm>> -> memref<80x128xf32, #tpu.memory_space<hbm>>
          tpu.wait_dma2 semaphore(%run_scoped3A_1174 : memref<!tpu.dma_semaphore, #tpu.memory_space<semaphore_mem>>) src(%dma_wait3A_1188 : memref<80x128xf32, #tpu.memory_space<hbm>>) dst(%dma_wait3A_1187 : memref<80x128xf32, #tpu.memory_space<vmem>>)
          tpu.yield
        }) : () -> ()
        %run_scoped3A = arith.constant 13 : i32
        "tpu.region"() ({
          %run_scoped3A_1174 = tpu.sem_alloc : memref<!tpu.dma_semaphore, #tpu.memory_space<semaphore_mem>>
          %dma_start3A = arith.constant 80 : i32
          %dma_start3A_1175 = arith.constant 0 : i32
          %dma_start3A_1176 = tpu.memref_slice %arg7[%dma_start3A, %dma_start3A_1175] : memref<320x128xf32, #tpu.memory_space<vmem>> -> memref<80x128xf32, #tpu.memory_space<vmem>>
          %dma_start3A_1177 = arith.constant 0 : i32
          %dma_start3A_1178 = tpu.memref_slice %arg5[%run_scoped3A, %dma_start3A_1177] : memref<40x80xi32, #tpu.memory_space<vmem>> -> memref<1x80xi32, #tpu.memory_space<vmem>>
          %dma_start3A_1179 = tpu.memref_squeeze %dma_start3A_1178 : memref<1x80xi32, #tpu.memory_space<vmem>> -> memref<80xi32, #tpu.memory_space<vmem>>
          %dma_start3A_1180 = arith.constant 0 : i32
          %dma_start3A_1181 = arith.constant 0 : i32
          %dma_start3A_1182 = tpu.memref_slice %arg12[%dma_start3A_1180, %dma_start3A_1181] : memref<256x128xf32, #tpu.memory_space<vmem_shared>> -> memref<256x128xf32, #tpu.memory_space<vmem_shared>>
          tpu.enqueue_indirect_dma source(%dma_start3A_1176 : memref<80x128xf32, #tpu.memory_space<vmem>>) target(%dma_start3A_1182 : memref<256x128xf32, #tpu.memory_space<vmem_shared>>) offsets(%dma_start3A_1179 : memref<80xi32, #tpu.memory_space<vmem>>) semaphore(%run_scoped3A_1174 : memref<!tpu.dma_semaphore, #tpu.memory_space<semaphore_mem>>) {add = true}
          %dma_wait3A = arith.constant 80 : i32
          %dma_wait3A_1183 = arith.constant 0 : i32
          %dma_wait3A_1184 = tpu.memref_slice %arg7[%dma_wait3A, %dma_wait3A_1183] : memref<320x128xf32, #tpu.memory_space<vmem>> -> memref<80x128xf32, #tpu.memory_space<vmem>>
          %dma_wait3A_1185 = arith.constant 0 : i32
          %dma_wait3A_1186 = tpu.memref_slice %arg5[%run_scoped3A, %dma_wait3A_1185] : memref<40x80xi32, #tpu.memory_space<vmem>> -> memref<1x80xi32, #tpu.memory_space<vmem>>
          %dma_wait3A_1187 = tpu.memref_squeeze %dma_wait3A_1186 : memref<1x80xi32, #tpu.memory_space<vmem>> -> memref<80xi32, #tpu.memory_space<vmem>>
          %dma_wait3A_1188 = arith.constant 0 : i32
          %dma_wait3A_1189 = arith.constant 0 : i32
          %dma_wait3A_1190 = tpu.memref_slice %arg12[%dma_wait3A_1188, %dma_wait3A_1189] : memref<256x128xf32, #tpu.memory_space<vmem_shared>> -> memref<256x128xf32, #tpu.memory_space<vmem_shared>>
          tpu.wait_indirect_dma semaphore(%run_scoped3A_1174 : memref<!tpu.dma_semaphore, #tpu.memory_space<semaphore_mem>>) src(%dma_wait3A_1184 : memref<80x128xf32, #tpu.memory_space<vmem>>) dst(%dma_wait3A_1190 : memref<256x128xf32, #tpu.memory_space<vmem_shared>>)
          tpu.yield
        }) : () -> ()
      } else {
      }
      %add3A_1152 = arith.constant 960 : i32
      %add3A_1153 = arith.addi %mul3A_0, %add3A_1152 : i32
      %add3A_1154 = arith.constant 240 : i32
      %add3A_1155 = arith.addi %add3A_1153, %add3A_1154 : i32
      %le3A_1156 = arith.constant 50000 : i32
      %le3A_1157 = arith.cmpi sle, %add3A_1155, %le3A_1156 : i32
      %convert_element_type3A_1158 = arith.extui %le3A_1157 : i1 to i32
      %cond3A_1159 = arith.constant 0 : i32
      %cond3A_1160 = arith.cmpi ne, %convert_element_type3A_1158, %cond3A_1159 : i32
      scf.if %cond3A_1160 {
        %add3A_1170 = arith.constant 960 : i32
        %add3A_1171 = arith.addi %mul3A_0, %add3A_1170 : i32
        %add3A_1172 = arith.constant 160 : i32
        %add3A_1173 = arith.addi %add3A_1171, %add3A_1172 : i32
        "tpu.region"() ({
          %run_scoped3A_1174 = tpu.sem_alloc : memref<!tpu.dma_semaphore, #tpu.memory_space<semaphore_mem>>
          %dma_start3A = arith.constant 160 : i32
          %dma_start3A_1175 = arith.constant 0 : i32
          %dma_start3A_1176 = tpu.memref_slice %arg7[%dma_start3A, %dma_start3A_1175] : memref<320x128xf32, #tpu.memory_space<vmem>> -> memref<80x128xf32, #tpu.memory_space<vmem>>
          %dma_start3A_1177 = tpu.memref_slice %arg2[%add3A_1173, %mul3A_2] : memref<50000x256xf32, #tpu.memory_space<hbm>> -> memref<80x128xf32, #tpu.memory_space<hbm>>
          %dma_start3A_1178 = arith.constant 160 : i32
          %dma_start3A_1179 = arith.constant 0 : i32
          %dma_start3A_1180 = tpu.memref_slice %arg7[%dma_start3A_1178, %dma_start3A_1179] : memref<320x128xf32, #tpu.memory_space<vmem>> -> memref<80x128xf32, #tpu.memory_space<vmem>>
          %dma_start3A_1181 = tpu.memref_slice %arg2[%add3A_1173, %mul3A_2] : memref<50000x256xf32, #tpu.memory_space<hbm>> -> memref<80x128xf32, #tpu.memory_space<hbm>>
          tpu.enqueue_dma source(%dma_start3A_1181 : memref<80x128xf32, #tpu.memory_space<hbm>>) target(%dma_start3A_1180 : memref<80x128xf32, #tpu.memory_space<vmem>>) target_semaphore(%run_scoped3A_1174 : memref<!tpu.dma_semaphore, #tpu.memory_space<semaphore_mem>>)
          %dma_wait3A = arith.constant 160 : i32
          %dma_wait3A_1182 = arith.constant 0 : i32
          %dma_wait3A_1183 = tpu.memref_slice %arg7[%dma_wait3A, %dma_wait3A_1182] : memref<320x128xf32, #tpu.memory_space<vmem>> -> memref<80x128xf32, #tpu.memory_space<vmem>>
          %dma_wait3A_1184 = tpu.memref_slice %arg2[%add3A_1173, %mul3A_2] : memref<50000x256xf32, #tpu.memory_space<hbm>> -> memref<80x128xf32, #tpu.memory_space<hbm>>
          %dma_wait3A_1185 = arith.constant 160 : i32
          %dma_wait3A_1186 = arith.constant 0 : i32
          %dma_wait3A_1187 = tpu.memref_slice %arg7[%dma_wait3A_1185, %dma_wait3A_1186] : memref<320x128xf32, #tpu.memory_space<vmem>> -> memref<80x128xf32, #tpu.memory_space<vmem>>
          %dma_wait3A_1188 = tpu.memref_slice %arg2[%add3A_1173, %mul3A_2] : memref<50000x256xf32, #tpu.memory_space<hbm>> -> memref<80x128xf32, #tpu.memory_space<hbm>>
          tpu.wait_dma2 semaphore(%run_scoped3A_1174 : memref<!tpu.dma_semaphore, #tpu.memory_space<semaphore_mem>>) src(%dma_wait3A_1188 : memref<80x128xf32, #tpu.memory_space<hbm>>) dst(%dma_wait3A_1187 : memref<80x128xf32, #tpu.memory_space<vmem>>)
          tpu.yield
        }) : () -> ()
        %run_scoped3A = arith.constant 14 : i32
        "tpu.region"() ({
          %run_scoped3A_1174 = tpu.sem_alloc : memref<!tpu.dma_semaphore, #tpu.memory_space<semaphore_mem>>
          %dma_start3A = arith.constant 160 : i32
          %dma_start3A_1175 = arith.constant 0 : i32
          %dma_start3A_1176 = tpu.memref_slice %arg7[%dma_start3A, %dma_start3A_1175] : memref<320x128xf32, #tpu.memory_space<vmem>> -> memref<80x128xf32, #tpu.memory_space<vmem>>
          %dma_start3A_1177 = arith.constant 0 : i32
          %dma_start3A_1178 = tpu.memref_slice %arg5[%run_scoped3A, %dma_start3A_1177] : memref<40x80xi32, #tpu.memory_space<vmem>> -> memref<1x80xi32, #tpu.memory_space<vmem>>
          %dma_start3A_1179 = tpu.memref_squeeze %dma_start3A_1178 : memref<1x80xi32, #tpu.memory_space<vmem>> -> memref<80xi32, #tpu.memory_space<vmem>>
          %dma_start3A_1180 = arith.constant 0 : i32
          %dma_start3A_1181 = arith.constant 0 : i32
          %dma_start3A_1182 = tpu.memref_slice %arg12[%dma_start3A_1180, %dma_start3A_1181] : memref<256x128xf32, #tpu.memory_space<vmem_shared>> -> memref<256x128xf32, #tpu.memory_space<vmem_shared>>
          tpu.enqueue_indirect_dma source(%dma_start3A_1176 : memref<80x128xf32, #tpu.memory_space<vmem>>) target(%dma_start3A_1182 : memref<256x128xf32, #tpu.memory_space<vmem_shared>>) offsets(%dma_start3A_1179 : memref<80xi32, #tpu.memory_space<vmem>>) semaphore(%run_scoped3A_1174 : memref<!tpu.dma_semaphore, #tpu.memory_space<semaphore_mem>>) {add = true}
          %dma_wait3A = arith.constant 160 : i32
          %dma_wait3A_1183 = arith.constant 0 : i32
          %dma_wait3A_1184 = tpu.memref_slice %arg7[%dma_wait3A, %dma_wait3A_1183] : memref<320x128xf32, #tpu.memory_space<vmem>> -> memref<80x128xf32, #tpu.memory_space<vmem>>
          %dma_wait3A_1185 = arith.constant 0 : i32
          %dma_wait3A_1186 = tpu.memref_slice %arg5[%run_scoped3A, %dma_wait3A_1185] : memref<40x80xi32, #tpu.memory_space<vmem>> -> memref<1x80xi32, #tpu.memory_space<vmem>>
          %dma_wait3A_1187 = tpu.memref_squeeze %dma_wait3A_1186 : memref<1x80xi32, #tpu.memory_space<vmem>> -> memref<80xi32, #tpu.memory_space<vmem>>
          %dma_wait3A_1188 = arith.constant 0 : i32
          %dma_wait3A_1189 = arith.constant 0 : i32
          %dma_wait3A_1190 = tpu.memref_slice %arg12[%dma_wait3A_1188, %dma_wait3A_1189] : memref<256x128xf32, #tpu.memory_space<vmem_shared>> -> memref<256x128xf32, #tpu.memory_space<vmem_shared>>
          tpu.wait_indirect_dma semaphore(%run_scoped3A_1174 : memref<!tpu.dma_semaphore, #tpu.memory_space<semaphore_mem>>) src(%dma_wait3A_1184 : memref<80x128xf32, #tpu.memory_space<vmem>>) dst(%dma_wait3A_1190 : memref<256x128xf32, #tpu.memory_space<vmem_shared>>)
          tpu.yield
        }) : () -> ()
      } else {
      }
      %add3A_1161 = arith.constant 960 : i32
      %add3A_1162 = arith.addi %mul3A_0, %add3A_1161 : i32
      %add3A_1163 = arith.constant 320 : i32
      %add3A_1164 = arith.addi %add3A_1162, %add3A_1163 : i32
      %le3A_1165 = arith.constant 50000 : i32
      %le3A_1166 = arith.cmpi sle, %add3A_1164, %le3A_1165 : i32
      %convert_element_type3A_1167 = arith.extui %le3A_1166 : i1 to i32
      %cond3A_1168 = arith.constant 0 : i32
      %cond3A_1169 = arith.cmpi ne, %convert_element_type3A_1167, %cond3A_1168 : i32
      scf.if %cond3A_1169 {
        %add3A_1170 = arith.constant 960 : i32
        %add3A_1171 = arith.addi %mul3A_0, %add3A_1170 : i32
        %add3A_1172 = arith.constant 240 : i32
        %add3A_1173 = arith.addi %add3A_1171, %add3A_1172 : i32
        "tpu.region"() ({
          %run_scoped3A_1174 = tpu.sem_alloc : memref<!tpu.dma_semaphore, #tpu.memory_space<semaphore_mem>>
          %dma_start3A = arith.constant 240 : i32
          %dma_start3A_1175 = arith.constant 0 : i32
          %dma_start3A_1176 = tpu.memref_slice %arg7[%dma_start3A, %dma_start3A_1175] : memref<320x128xf32, #tpu.memory_space<vmem>> -> memref<80x128xf32, #tpu.memory_space<vmem>>
          %dma_start3A_1177 = tpu.memref_slice %arg2[%add3A_1173, %mul3A_2] : memref<50000x256xf32, #tpu.memory_space<hbm>> -> memref<80x128xf32, #tpu.memory_space<hbm>>
          %dma_start3A_1178 = arith.constant 240 : i32
          %dma_start3A_1179 = arith.constant 0 : i32
          %dma_start3A_1180 = tpu.memref_slice %arg7[%dma_start3A_1178, %dma_start3A_1179] : memref<320x128xf32, #tpu.memory_space<vmem>> -> memref<80x128xf32, #tpu.memory_space<vmem>>
          %dma_start3A_1181 = tpu.memref_slice %arg2[%add3A_1173, %mul3A_2] : memref<50000x256xf32, #tpu.memory_space<hbm>> -> memref<80x128xf32, #tpu.memory_space<hbm>>
          tpu.enqueue_dma source(%dma_start3A_1181 : memref<80x128xf32, #tpu.memory_space<hbm>>) target(%dma_start3A_1180 : memref<80x128xf32, #tpu.memory_space<vmem>>) target_semaphore(%run_scoped3A_1174 : memref<!tpu.dma_semaphore, #tpu.memory_space<semaphore_mem>>)
          %dma_wait3A = arith.constant 240 : i32
          %dma_wait3A_1182 = arith.constant 0 : i32
          %dma_wait3A_1183 = tpu.memref_slice %arg7[%dma_wait3A, %dma_wait3A_1182] : memref<320x128xf32, #tpu.memory_space<vmem>> -> memref<80x128xf32, #tpu.memory_space<vmem>>
          %dma_wait3A_1184 = tpu.memref_slice %arg2[%add3A_1173, %mul3A_2] : memref<50000x256xf32, #tpu.memory_space<hbm>> -> memref<80x128xf32, #tpu.memory_space<hbm>>
          %dma_wait3A_1185 = arith.constant 240 : i32
          %dma_wait3A_1186 = arith.constant 0 : i32
          %dma_wait3A_1187 = tpu.memref_slice %arg7[%dma_wait3A_1185, %dma_wait3A_1186] : memref<320x128xf32, #tpu.memory_space<vmem>> -> memref<80x128xf32, #tpu.memory_space<vmem>>
          %dma_wait3A_1188 = tpu.memref_slice %arg2[%add3A_1173, %mul3A_2] : memref<50000x256xf32, #tpu.memory_space<hbm>> -> memref<80x128xf32, #tpu.memory_space<hbm>>
          tpu.wait_dma2 semaphore(%run_scoped3A_1174 : memref<!tpu.dma_semaphore, #tpu.memory_space<semaphore_mem>>) src(%dma_wait3A_1188 : memref<80x128xf32, #tpu.memory_space<hbm>>) dst(%dma_wait3A_1187 : memref<80x128xf32, #tpu.memory_space<vmem>>)
          tpu.yield
        }) : () -> ()
        %run_scoped3A = arith.constant 15 : i32
        "tpu.region"() ({
          %run_scoped3A_1174 = tpu.sem_alloc : memref<!tpu.dma_semaphore, #tpu.memory_space<semaphore_mem>>
          %dma_start3A = arith.constant 240 : i32
          %dma_start3A_1175 = arith.constant 0 : i32
          %dma_start3A_1176 = tpu.memref_slice %arg7[%dma_start3A, %dma_start3A_1175] : memref<320x128xf32, #tpu.memory_space<vmem>> -> memref<80x128xf32, #tpu.memory_space<vmem>>
          %dma_start3A_1177 = arith.constant 0 : i32
          %dma_start3A_1178 = tpu.memref_slice %arg5[%run_scoped3A, %dma_start3A_1177] : memref<40x80xi32, #tpu.memory_space<vmem>> -> memref<1x80xi32, #tpu.memory_space<vmem>>
          %dma_start3A_1179 = tpu.memref_squeeze %dma_start3A_1178 : memref<1x80xi32, #tpu.memory_space<vmem>> -> memref<80xi32, #tpu.memory_space<vmem>>
          %dma_start3A_1180 = arith.constant 0 : i32
          %dma_start3A_1181 = arith.constant 0 : i32
          %dma_start3A_1182 = tpu.memref_slice %arg12[%dma_start3A_1180, %dma_start3A_1181] : memref<256x128xf32, #tpu.memory_space<vmem_shared>> -> memref<256x128xf32, #tpu.memory_space<vmem_shared>>
          tpu.enqueue_indirect_dma source(%dma_start3A_1176 : memref<80x128xf32, #tpu.memory_space<vmem>>) target(%dma_start3A_1182 : memref<256x128xf32, #tpu.memory_space<vmem_shared>>) offsets(%dma_start3A_1179 : memref<80xi32, #tpu.memory_space<vmem>>) semaphore(%run_scoped3A_1174 : memref<!tpu.dma_semaphore, #tpu.memory_space<semaphore_mem>>) {add = true}
          %dma_wait3A = arith.constant 240 : i32
          %dma_wait3A_1183 = arith.constant 0 : i32
          %dma_wait3A_1184 = tpu.memref_slice %arg7[%dma_wait3A, %dma_wait3A_1183] : memref<320x128xf32, #tpu.memory_space<vmem>> -> memref<80x128xf32, #tpu.memory_space<vmem>>
          %dma_wait3A_1185 = arith.constant 0 : i32
          %dma_wait3A_1186 = tpu.memref_slice %arg5[%run_scoped3A, %dma_wait3A_1185] : memref<40x80xi32, #tpu.memory_space<vmem>> -> memref<1x80xi32, #tpu.memory_space<vmem>>
          %dma_wait3A_1187 = tpu.memref_squeeze %dma_wait3A_1186 : memref<1x80xi32, #tpu.memory_space<vmem>> -> memref<80xi32, #tpu.memory_space<vmem>>
          %dma_wait3A_1188 = arith.constant 0 : i32
          %dma_wait3A_1189 = arith.constant 0 : i32
          %dma_wait3A_1190 = tpu.memref_slice %arg12[%dma_wait3A_1188, %dma_wait3A_1189] : memref<256x128xf32, #tpu.memory_space<vmem_shared>> -> memref<256x128xf32, #tpu.memory_space<vmem_shared>>
          tpu.wait_indirect_dma semaphore(%run_scoped3A_1174 : memref<!tpu.dma_semaphore, #tpu.memory_space<semaphore_mem>>) src(%dma_wait3A_1184 : memref<80x128xf32, #tpu.memory_space<vmem>>) dst(%dma_wait3A_1190 : memref<256x128xf32, #tpu.memory_space<vmem_shared>>)
          tpu.yield
        }) : () -> ()
      } else {
      }
    } else {
    }
    %add3A_922 = arith.constant 1600 : i32
    %add3A_923 = arith.addi %mul3A_0, %add3A_922 : i32
    %add3A_924 = arith.constant 320 : i32
    %add3A_925 = arith.addi %add3A_923, %add3A_924 : i32
    %le3A_926 = arith.constant 50000 : i32
    %le3A_927 = arith.cmpi sle, %add3A_925, %le3A_926 : i32
    %convert_element_type3A_928 = arith.extui %le3A_927 : i1 to i32
    %cond3A_929 = arith.constant 0 : i32
    %cond3A_930 = arith.cmpi ne, %convert_element_type3A_928, %cond3A_929 : i32
    scf.if %cond3A_930 {
      %add3A_1134 = arith.constant 1600 : i32
      %add3A_1135 = arith.addi %mul3A_0, %add3A_1134 : i32
      %dma_start3A = tpu.memref_slice %arg2[%add3A_1135, %mul3A_2] : memref<50000x256xf32, #tpu.memory_space<hbm>> -> memref<320x128xf32, #tpu.memory_space<hbm>>
      %dma_start3A_1136 = tpu.memref_slice %arg2[%add3A_1135, %mul3A_2] : memref<50000x256xf32, #tpu.memory_space<hbm>> -> memref<320x128xf32, #tpu.memory_space<hbm>>
      tpu.enqueue_dma source(%dma_start3A_1136 : memref<320x128xf32, #tpu.memory_space<hbm>>) target(%arg7 : memref<320x128xf32, #tpu.memory_space<vmem>>) target_semaphore(%arg10 : memref<!tpu.dma_semaphore, #tpu.memory_space<semaphore_mem>>)
    } else {
    }
    %add3A_931 = arith.constant 1280 : i32
    %add3A_932 = arith.addi %mul3A_0, %add3A_931 : i32
    %add3A_933 = arith.constant 320 : i32
    %add3A_934 = arith.addi %add3A_932, %add3A_933 : i32
    %le3A_935 = arith.constant 50000 : i32
    %le3A_936 = arith.cmpi sle, %add3A_934, %le3A_935 : i32
    %convert_element_type3A_937 = arith.extui %le3A_936 : i1 to i32
    %cond3A_938 = arith.constant 0 : i32
    %cond3A_939 = arith.cmpi ne, %convert_element_type3A_937, %cond3A_938 : i32
    scf.if %cond3A_939 {
      %add3A_1134 = arith.constant 1280 : i32
      %add3A_1135 = arith.addi %mul3A_0, %add3A_1134 : i32
      %dma_wait3A = tpu.memref_slice %arg2[%add3A_1135, %mul3A_2] : memref<50000x256xf32, #tpu.memory_space<hbm>> -> memref<320x128xf32, #tpu.memory_space<hbm>>
      %dma_wait3A_1136 = tpu.memref_slice %arg2[%add3A_1135, %mul3A_2] : memref<50000x256xf32, #tpu.memory_space<hbm>> -> memref<320x128xf32, #tpu.memory_space<hbm>>
      tpu.wait_dma2 semaphore(%arg9 : memref<!tpu.dma_semaphore, #tpu.memory_space<semaphore_mem>>) src(%dma_wait3A_1136 : memref<320x128xf32, #tpu.memory_space<hbm>>) dst(%arg6 : memref<320x128xf32, #tpu.memory_space<vmem>>)
      %dma_start3A = arith.constant 16 : i32
      %dma_start3A_1137 = arith.constant 0 : i32
      %dma_start3A_1138 = arith.constant 0 : i32
      %dma_start3A_1139 = tpu.memref_slice %arg6[%dma_start3A_1137, %dma_start3A_1138] : memref<320x128xf32, #tpu.memory_space<vmem>> -> memref<80x128xf32, #tpu.memory_space<vmem>>
      %dma_start3A_1140 = arith.constant 0 : i32
      %dma_start3A_1141 = tpu.memref_slice %arg5[%dma_start3A, %dma_start3A_1140] : memref<40x80xi32, #tpu.memory_space<vmem>> -> memref<1x80xi32, #tpu.memory_space<vmem>>
      %dma_start3A_1142 = tpu.memref_squeeze %dma_start3A_1141 : memref<1x80xi32, #tpu.memory_space<vmem>> -> memref<80xi32, #tpu.memory_space<vmem>>
      %dma_start3A_1143 = arith.constant 0 : i32
      %dma_start3A_1144 = arith.constant 0 : i32
      %dma_start3A_1145 = tpu.memref_slice %arg12[%dma_start3A_1143, %dma_start3A_1144] : memref<256x128xf32, #tpu.memory_space<vmem_shared>> -> memref<256x128xf32, #tpu.memory_space<vmem_shared>>
      tpu.enqueue_indirect_dma source(%dma_start3A_1139 : memref<80x128xf32, #tpu.memory_space<vmem>>) target(%dma_start3A_1145 : memref<256x128xf32, #tpu.memory_space<vmem_shared>>) offsets(%dma_start3A_1142 : memref<80xi32, #tpu.memory_space<vmem>>) semaphore(%arg11 : memref<!tpu.dma_semaphore, #tpu.memory_space<semaphore_mem>>) {add = true}
      %dma_start3A_1146 = arith.constant 17 : i32
      %dma_start3A_1147 = arith.constant 80 : i32
      %dma_start3A_1148 = arith.constant 0 : i32
      %dma_start3A_1149 = tpu.memref_slice %arg6[%dma_start3A_1147, %dma_start3A_1148] : memref<320x128xf32, #tpu.memory_space<vmem>> -> memref<80x128xf32, #tpu.memory_space<vmem>>
      %dma_start3A_1150 = arith.constant 0 : i32
      %dma_start3A_1151 = tpu.memref_slice %arg5[%dma_start3A_1146, %dma_start3A_1150] : memref<40x80xi32, #tpu.memory_space<vmem>> -> memref<1x80xi32, #tpu.memory_space<vmem>>
      %dma_start3A_1152 = tpu.memref_squeeze %dma_start3A_1151 : memref<1x80xi32, #tpu.memory_space<vmem>> -> memref<80xi32, #tpu.memory_space<vmem>>
      %dma_start3A_1153 = arith.constant 0 : i32
      %dma_start3A_1154 = arith.constant 0 : i32
      %dma_start3A_1155 = tpu.memref_slice %arg12[%dma_start3A_1153, %dma_start3A_1154] : memref<256x128xf32, #tpu.memory_space<vmem_shared>> -> memref<256x128xf32, #tpu.memory_space<vmem_shared>>
      tpu.enqueue_indirect_dma source(%dma_start3A_1149 : memref<80x128xf32, #tpu.memory_space<vmem>>) target(%dma_start3A_1155 : memref<256x128xf32, #tpu.memory_space<vmem_shared>>) offsets(%dma_start3A_1152 : memref<80xi32, #tpu.memory_space<vmem>>) semaphore(%arg11 : memref<!tpu.dma_semaphore, #tpu.memory_space<semaphore_mem>>) {add = true}
      %dma_start3A_1156 = arith.constant 18 : i32
      %dma_start3A_1157 = arith.constant 160 : i32
      %dma_start3A_1158 = arith.constant 0 : i32
      %dma_start3A_1159 = tpu.memref_slice %arg6[%dma_start3A_1157, %dma_start3A_1158] : memref<320x128xf32, #tpu.memory_space<vmem>> -> memref<80x128xf32, #tpu.memory_space<vmem>>
      %dma_start3A_1160 = arith.constant 0 : i32
      %dma_start3A_1161 = tpu.memref_slice %arg5[%dma_start3A_1156, %dma_start3A_1160] : memref<40x80xi32, #tpu.memory_space<vmem>> -> memref<1x80xi32, #tpu.memory_space<vmem>>
      %dma_start3A_1162 = tpu.memref_squeeze %dma_start3A_1161 : memref<1x80xi32, #tpu.memory_space<vmem>> -> memref<80xi32, #tpu.memory_space<vmem>>
      %dma_start3A_1163 = arith.constant 0 : i32
      %dma_start3A_1164 = arith.constant 0 : i32
      %dma_start3A_1165 = tpu.memref_slice %arg12[%dma_start3A_1163, %dma_start3A_1164] : memref<256x128xf32, #tpu.memory_space<vmem_shared>> -> memref<256x128xf32, #tpu.memory_space<vmem_shared>>
      tpu.enqueue_indirect_dma source(%dma_start3A_1159 : memref<80x128xf32, #tpu.memory_space<vmem>>) target(%dma_start3A_1165 : memref<256x128xf32, #tpu.memory_space<vmem_shared>>) offsets(%dma_start3A_1162 : memref<80xi32, #tpu.memory_space<vmem>>) semaphore(%arg11 : memref<!tpu.dma_semaphore, #tpu.memory_space<semaphore_mem>>) {add = true}
      %dma_start3A_1166 = arith.constant 19 : i32
      %dma_start3A_1167 = arith.constant 240 : i32
      %dma_start3A_1168 = arith.constant 0 : i32
      %dma_start3A_1169 = tpu.memref_slice %arg6[%dma_start3A_1167, %dma_start3A_1168] : memref<320x128xf32, #tpu.memory_space<vmem>> -> memref<80x128xf32, #tpu.memory_space<vmem>>
      %dma_start3A_1170 = arith.constant 0 : i32
      %dma_start3A_1171 = tpu.memref_slice %arg5[%dma_start3A_1166, %dma_start3A_1170] : memref<40x80xi32, #tpu.memory_space<vmem>> -> memref<1x80xi32, #tpu.memory_space<vmem>>
      %dma_start3A_1172 = tpu.memref_squeeze %dma_start3A_1171 : memref<1x80xi32, #tpu.memory_space<vmem>> -> memref<80xi32, #tpu.memory_space<vmem>>
      %dma_start3A_1173 = arith.constant 0 : i32
      %dma_start3A_1174 = arith.constant 0 : i32
      %dma_start3A_1175 = tpu.memref_slice %arg12[%dma_start3A_1173, %dma_start3A_1174] : memref<256x128xf32, #tpu.memory_space<vmem_shared>> -> memref<256x128xf32, #tpu.memory_space<vmem_shared>>
      tpu.enqueue_indirect_dma source(%dma_start3A_1169 : memref<80x128xf32, #tpu.memory_space<vmem>>) target(%dma_start3A_1175 : memref<256x128xf32, #tpu.memory_space<vmem_shared>>) offsets(%dma_start3A_1172 : memref<80xi32, #tpu.memory_space<vmem>>) semaphore(%arg11 : memref<!tpu.dma_semaphore, #tpu.memory_space<semaphore_mem>>) {add = true}
      %dma_wait3A_1176 = arith.constant 16 : i32
      %dma_wait3A_1177 = arith.constant 0 : i32
      %dma_wait3A_1178 = arith.constant 0 : i32
      %dma_wait3A_1179 = tpu.memref_slice %arg6[%dma_wait3A_1177, %dma_wait3A_1178] : memref<320x128xf32, #tpu.memory_space<vmem>> -> memref<80x128xf32, #tpu.memory_space<vmem>>
      %dma_wait3A_1180 = arith.constant 0 : i32
      %dma_wait3A_1181 = tpu.memref_slice %arg5[%dma_wait3A_1176, %dma_wait3A_1180] : memref<40x80xi32, #tpu.memory_space<vmem>> -> memref<1x80xi32, #tpu.memory_space<vmem>>
      %dma_wait3A_1182 = tpu.memref_squeeze %dma_wait3A_1181 : memref<1x80xi32, #tpu.memory_space<vmem>> -> memref<80xi32, #tpu.memory_space<vmem>>
      %dma_wait3A_1183 = arith.constant 0 : i32
      %dma_wait3A_1184 = arith.constant 0 : i32
      %dma_wait3A_1185 = tpu.memref_slice %arg12[%dma_wait3A_1183, %dma_wait3A_1184] : memref<256x128xf32, #tpu.memory_space<vmem_shared>> -> memref<256x128xf32, #tpu.memory_space<vmem_shared>>
      tpu.wait_indirect_dma semaphore(%arg11 : memref<!tpu.dma_semaphore, #tpu.memory_space<semaphore_mem>>) src(%dma_wait3A_1179 : memref<80x128xf32, #tpu.memory_space<vmem>>) dst(%dma_wait3A_1185 : memref<256x128xf32, #tpu.memory_space<vmem_shared>>)
      %dma_wait3A_1186 = arith.constant 17 : i32
      %dma_wait3A_1187 = arith.constant 80 : i32
      %dma_wait3A_1188 = arith.constant 0 : i32
      %dma_wait3A_1189 = tpu.memref_slice %arg6[%dma_wait3A_1187, %dma_wait3A_1188] : memref<320x128xf32, #tpu.memory_space<vmem>> -> memref<80x128xf32, #tpu.memory_space<vmem>>
      %dma_wait3A_1190 = arith.constant 0 : i32
      %dma_wait3A_1191 = tpu.memref_slice %arg5[%dma_wait3A_1186, %dma_wait3A_1190] : memref<40x80xi32, #tpu.memory_space<vmem>> -> memref<1x80xi32, #tpu.memory_space<vmem>>
      %dma_wait3A_1192 = tpu.memref_squeeze %dma_wait3A_1191 : memref<1x80xi32, #tpu.memory_space<vmem>> -> memref<80xi32, #tpu.memory_space<vmem>>
      %dma_wait3A_1193 = arith.constant 0 : i32
      %dma_wait3A_1194 = arith.constant 0 : i32
      %dma_wait3A_1195 = tpu.memref_slice %arg12[%dma_wait3A_1193, %dma_wait3A_1194] : memref<256x128xf32, #tpu.memory_space<vmem_shared>> -> memref<256x128xf32, #tpu.memory_space<vmem_shared>>
      tpu.wait_indirect_dma semaphore(%arg11 : memref<!tpu.dma_semaphore, #tpu.memory_space<semaphore_mem>>) src(%dma_wait3A_1189 : memref<80x128xf32, #tpu.memory_space<vmem>>) dst(%dma_wait3A_1195 : memref<256x128xf32, #tpu.memory_space<vmem_shared>>)
      %dma_wait3A_1196 = arith.constant 18 : i32
      %dma_wait3A_1197 = arith.constant 160 : i32
      %dma_wait3A_1198 = arith.constant 0 : i32
      %dma_wait3A_1199 = tpu.memref_slice %arg6[%dma_wait3A_1197, %dma_wait3A_1198] : memref<320x128xf32, #tpu.memory_space<vmem>> -> memref<80x128xf32, #tpu.memory_space<vmem>>
      %dma_wait3A_1200 = arith.constant 0 : i32
      %dma_wait3A_1201 = tpu.memref_slice %arg5[%dma_wait3A_1196, %dma_wait3A_1200] : memref<40x80xi32, #tpu.memory_space<vmem>> -> memref<1x80xi32, #tpu.memory_space<vmem>>
      %dma_wait3A_1202 = tpu.memref_squeeze %dma_wait3A_1201 : memref<1x80xi32, #tpu.memory_space<vmem>> -> memref<80xi32, #tpu.memory_space<vmem>>
      %dma_wait3A_1203 = arith.constant 0 : i32
      %dma_wait3A_1204 = arith.constant 0 : i32
      %dma_wait3A_1205 = tpu.memref_slice %arg12[%dma_wait3A_1203, %dma_wait3A_1204] : memref<256x128xf32, #tpu.memory_space<vmem_shared>> -> memref<256x128xf32, #tpu.memory_space<vmem_shared>>
      tpu.wait_indirect_dma semaphore(%arg11 : memref<!tpu.dma_semaphore, #tpu.memory_space<semaphore_mem>>) src(%dma_wait3A_1199 : memref<80x128xf32, #tpu.memory_space<vmem>>) dst(%dma_wait3A_1205 : memref<256x128xf32, #tpu.memory_space<vmem_shared>>)
      %dma_wait3A_1206 = arith.constant 19 : i32
      %dma_wait3A_1207 = arith.constant 240 : i32
      %dma_wait3A_1208 = arith.constant 0 : i32
      %dma_wait3A_1209 = tpu.memref_slice %arg6[%dma_wait3A_1207, %dma_wait3A_1208] : memref<320x128xf32, #tpu.memory_space<vmem>> -> memref<80x128xf32, #tpu.memory_space<vmem>>
      %dma_wait3A_1210 = arith.constant 0 : i32
      %dma_wait3A_1211 = tpu.memref_slice %arg5[%dma_wait3A_1206, %dma_wait3A_1210] : memref<40x80xi32, #tpu.memory_space<vmem>> -> memref<1x80xi32, #tpu.memory_space<vmem>>
      %dma_wait3A_1212 = tpu.memref_squeeze %dma_wait3A_1211 : memref<1x80xi32, #tpu.memory_space<vmem>> -> memref<80xi32, #tpu.memory_space<vmem>>
      %dma_wait3A_1213 = arith.constant 0 : i32
      %dma_wait3A_1214 = arith.constant 0 : i32
      %dma_wait3A_1215 = tpu.memref_slice %arg12[%dma_wait3A_1213, %dma_wait3A_1214] : memref<256x128xf32, #tpu.memory_space<vmem_shared>> -> memref<256x128xf32, #tpu.memory_space<vmem_shared>>
      tpu.wait_indirect_dma semaphore(%arg11 : memref<!tpu.dma_semaphore, #tpu.memory_space<semaphore_mem>>) src(%dma_wait3A_1209 : memref<80x128xf32, #tpu.memory_space<vmem>>) dst(%dma_wait3A_1215 : memref<256x128xf32, #tpu.memory_space<vmem_shared>>)
    } else {
    }
    %add3A_940 = arith.constant 1280 : i32
    %add3A_941 = arith.addi %mul3A_0, %add3A_940 : i32
    %add3A_942 = arith.constant 320 : i32
    %add3A_943 = arith.addi %add3A_941, %add3A_942 : i32
    %le3A_944 = arith.constant 50000 : i32
    %le3A_945 = arith.cmpi sle, %add3A_943, %le3A_944 : i32
    %not3A_946 = arith.constant true
    %not3A_947 = arith.xori %le3A_945, %not3A_946 : i1
    %add3A_948 = arith.constant 1280 : i32
    %add3A_949 = arith.addi %mul3A_0, %add3A_948 : i32
    %add3A_950 = arith.constant 80 : i32
    %add3A_951 = arith.addi %add3A_949, %add3A_950 : i32
    %le3A_952 = arith.constant 50000 : i32
    %le3A_953 = arith.cmpi sle, %add3A_951, %le3A_952 : i32
    %and3A_954 = arith.andi %not3A_947, %le3A_953 : i1
    %convert_element_type3A_955 = arith.extui %and3A_954 : i1 to i32
    %cond3A_956 = arith.constant 0 : i32
    %cond3A_957 = arith.cmpi ne, %convert_element_type3A_955, %cond3A_956 : i32
    scf.if %cond3A_957 {
      %add3A_1134 = arith.constant 1280 : i32
      %add3A_1135 = arith.addi %mul3A_0, %add3A_1134 : i32
      %add3A_1136 = arith.constant 80 : i32
      %add3A_1137 = arith.addi %add3A_1135, %add3A_1136 : i32
      %le3A_1138 = arith.constant 50000 : i32
      %le3A_1139 = arith.cmpi sle, %add3A_1137, %le3A_1138 : i32
      %convert_element_type3A_1140 = arith.extui %le3A_1139 : i1 to i32
      %cond3A_1141 = arith.constant 0 : i32
      %cond3A_1142 = arith.cmpi ne, %convert_element_type3A_1140, %cond3A_1141 : i32
      scf.if %cond3A_1142 {
        %add3A_1170 = arith.constant 1280 : i32
        %add3A_1171 = arith.addi %mul3A_0, %add3A_1170 : i32
        %add3A_1172 = arith.constant 0 : i32
        %add3A_1173 = arith.addi %add3A_1171, %add3A_1172 : i32
        "tpu.region"() ({
          %run_scoped3A_1174 = tpu.sem_alloc : memref<!tpu.dma_semaphore, #tpu.memory_space<semaphore_mem>>
          %dma_start3A = arith.constant 0 : i32
          %dma_start3A_1175 = arith.constant 0 : i32
          %dma_start3A_1176 = tpu.memref_slice %arg6[%dma_start3A, %dma_start3A_1175] : memref<320x128xf32, #tpu.memory_space<vmem>> -> memref<80x128xf32, #tpu.memory_space<vmem>>
          %dma_start3A_1177 = tpu.memref_slice %arg2[%add3A_1173, %mul3A_2] : memref<50000x256xf32, #tpu.memory_space<hbm>> -> memref<80x128xf32, #tpu.memory_space<hbm>>
          %dma_start3A_1178 = arith.constant 0 : i32
          %dma_start3A_1179 = arith.constant 0 : i32
          %dma_start3A_1180 = tpu.memref_slice %arg6[%dma_start3A_1178, %dma_start3A_1179] : memref<320x128xf32, #tpu.memory_space<vmem>> -> memref<80x128xf32, #tpu.memory_space<vmem>>
          %dma_start3A_1181 = tpu.memref_slice %arg2[%add3A_1173, %mul3A_2] : memref<50000x256xf32, #tpu.memory_space<hbm>> -> memref<80x128xf32, #tpu.memory_space<hbm>>
          tpu.enqueue_dma source(%dma_start3A_1181 : memref<80x128xf32, #tpu.memory_space<hbm>>) target(%dma_start3A_1180 : memref<80x128xf32, #tpu.memory_space<vmem>>) target_semaphore(%run_scoped3A_1174 : memref<!tpu.dma_semaphore, #tpu.memory_space<semaphore_mem>>)
          %dma_wait3A = arith.constant 0 : i32
          %dma_wait3A_1182 = arith.constant 0 : i32
          %dma_wait3A_1183 = tpu.memref_slice %arg6[%dma_wait3A, %dma_wait3A_1182] : memref<320x128xf32, #tpu.memory_space<vmem>> -> memref<80x128xf32, #tpu.memory_space<vmem>>
          %dma_wait3A_1184 = tpu.memref_slice %arg2[%add3A_1173, %mul3A_2] : memref<50000x256xf32, #tpu.memory_space<hbm>> -> memref<80x128xf32, #tpu.memory_space<hbm>>
          %dma_wait3A_1185 = arith.constant 0 : i32
          %dma_wait3A_1186 = arith.constant 0 : i32
          %dma_wait3A_1187 = tpu.memref_slice %arg6[%dma_wait3A_1185, %dma_wait3A_1186] : memref<320x128xf32, #tpu.memory_space<vmem>> -> memref<80x128xf32, #tpu.memory_space<vmem>>
          %dma_wait3A_1188 = tpu.memref_slice %arg2[%add3A_1173, %mul3A_2] : memref<50000x256xf32, #tpu.memory_space<hbm>> -> memref<80x128xf32, #tpu.memory_space<hbm>>
          tpu.wait_dma2 semaphore(%run_scoped3A_1174 : memref<!tpu.dma_semaphore, #tpu.memory_space<semaphore_mem>>) src(%dma_wait3A_1188 : memref<80x128xf32, #tpu.memory_space<hbm>>) dst(%dma_wait3A_1187 : memref<80x128xf32, #tpu.memory_space<vmem>>)
          tpu.yield
        }) : () -> ()
        %run_scoped3A = arith.constant 16 : i32
        "tpu.region"() ({
          %run_scoped3A_1174 = tpu.sem_alloc : memref<!tpu.dma_semaphore, #tpu.memory_space<semaphore_mem>>
          %dma_start3A = arith.constant 0 : i32
          %dma_start3A_1175 = arith.constant 0 : i32
          %dma_start3A_1176 = tpu.memref_slice %arg6[%dma_start3A, %dma_start3A_1175] : memref<320x128xf32, #tpu.memory_space<vmem>> -> memref<80x128xf32, #tpu.memory_space<vmem>>
          %dma_start3A_1177 = arith.constant 0 : i32
          %dma_start3A_1178 = tpu.memref_slice %arg5[%run_scoped3A, %dma_start3A_1177] : memref<40x80xi32, #tpu.memory_space<vmem>> -> memref<1x80xi32, #tpu.memory_space<vmem>>
          %dma_start3A_1179 = tpu.memref_squeeze %dma_start3A_1178 : memref<1x80xi32, #tpu.memory_space<vmem>> -> memref<80xi32, #tpu.memory_space<vmem>>
          %dma_start3A_1180 = arith.constant 0 : i32
          %dma_start3A_1181 = arith.constant 0 : i32
          %dma_start3A_1182 = tpu.memref_slice %arg12[%dma_start3A_1180, %dma_start3A_1181] : memref<256x128xf32, #tpu.memory_space<vmem_shared>> -> memref<256x128xf32, #tpu.memory_space<vmem_shared>>
          tpu.enqueue_indirect_dma source(%dma_start3A_1176 : memref<80x128xf32, #tpu.memory_space<vmem>>) target(%dma_start3A_1182 : memref<256x128xf32, #tpu.memory_space<vmem_shared>>) offsets(%dma_start3A_1179 : memref<80xi32, #tpu.memory_space<vmem>>) semaphore(%run_scoped3A_1174 : memref<!tpu.dma_semaphore, #tpu.memory_space<semaphore_mem>>) {add = true}
          %dma_wait3A = arith.constant 0 : i32
          %dma_wait3A_1183 = arith.constant 0 : i32
          %dma_wait3A_1184 = tpu.memref_slice %arg6[%dma_wait3A, %dma_wait3A_1183] : memref<320x128xf32, #tpu.memory_space<vmem>> -> memref<80x128xf32, #tpu.memory_space<vmem>>
          %dma_wait3A_1185 = arith.constant 0 : i32
          %dma_wait3A_1186 = tpu.memref_slice %arg5[%run_scoped3A, %dma_wait3A_1185] : memref<40x80xi32, #tpu.memory_space<vmem>> -> memref<1x80xi32, #tpu.memory_space<vmem>>
          %dma_wait3A_1187 = tpu.memref_squeeze %dma_wait3A_1186 : memref<1x80xi32, #tpu.memory_space<vmem>> -> memref<80xi32, #tpu.memory_space<vmem>>
          %dma_wait3A_1188 = arith.constant 0 : i32
          %dma_wait3A_1189 = arith.constant 0 : i32
          %dma_wait3A_1190 = tpu.memref_slice %arg12[%dma_wait3A_1188, %dma_wait3A_1189] : memref<256x128xf32, #tpu.memory_space<vmem_shared>> -> memref<256x128xf32, #tpu.memory_space<vmem_shared>>
          tpu.wait_indirect_dma semaphore(%run_scoped3A_1174 : memref<!tpu.dma_semaphore, #tpu.memory_space<semaphore_mem>>) src(%dma_wait3A_1184 : memref<80x128xf32, #tpu.memory_space<vmem>>) dst(%dma_wait3A_1190 : memref<256x128xf32, #tpu.memory_space<vmem_shared>>)
          tpu.yield
        }) : () -> ()
      } else {
      }
      %add3A_1143 = arith.constant 1280 : i32
      %add3A_1144 = arith.addi %mul3A_0, %add3A_1143 : i32
      %add3A_1145 = arith.constant 160 : i32
      %add3A_1146 = arith.addi %add3A_1144, %add3A_1145 : i32
      %le3A_1147 = arith.constant 50000 : i32
      %le3A_1148 = arith.cmpi sle, %add3A_1146, %le3A_1147 : i32
      %convert_element_type3A_1149 = arith.extui %le3A_1148 : i1 to i32
      %cond3A_1150 = arith.constant 0 : i32
      %cond3A_1151 = arith.cmpi ne, %convert_element_type3A_1149, %cond3A_1150 : i32
      scf.if %cond3A_1151 {
        %add3A_1170 = arith.constant 1280 : i32
        %add3A_1171 = arith.addi %mul3A_0, %add3A_1170 : i32
        %add3A_1172 = arith.constant 80 : i32
        %add3A_1173 = arith.addi %add3A_1171, %add3A_1172 : i32
        "tpu.region"() ({
          %run_scoped3A_1174 = tpu.sem_alloc : memref<!tpu.dma_semaphore, #tpu.memory_space<semaphore_mem>>
          %dma_start3A = arith.constant 80 : i32
          %dma_start3A_1175 = arith.constant 0 : i32
          %dma_start3A_1176 = tpu.memref_slice %arg6[%dma_start3A, %dma_start3A_1175] : memref<320x128xf32, #tpu.memory_space<vmem>> -> memref<80x128xf32, #tpu.memory_space<vmem>>
          %dma_start3A_1177 = tpu.memref_slice %arg2[%add3A_1173, %mul3A_2] : memref<50000x256xf32, #tpu.memory_space<hbm>> -> memref<80x128xf32, #tpu.memory_space<hbm>>
          %dma_start3A_1178 = arith.constant 80 : i32
          %dma_start3A_1179 = arith.constant 0 : i32
          %dma_start3A_1180 = tpu.memref_slice %arg6[%dma_start3A_1178, %dma_start3A_1179] : memref<320x128xf32, #tpu.memory_space<vmem>> -> memref<80x128xf32, #tpu.memory_space<vmem>>
          %dma_start3A_1181 = tpu.memref_slice %arg2[%add3A_1173, %mul3A_2] : memref<50000x256xf32, #tpu.memory_space<hbm>> -> memref<80x128xf32, #tpu.memory_space<hbm>>
          tpu.enqueue_dma source(%dma_start3A_1181 : memref<80x128xf32, #tpu.memory_space<hbm>>) target(%dma_start3A_1180 : memref<80x128xf32, #tpu.memory_space<vmem>>) target_semaphore(%run_scoped3A_1174 : memref<!tpu.dma_semaphore, #tpu.memory_space<semaphore_mem>>)
          %dma_wait3A = arith.constant 80 : i32
          %dma_wait3A_1182 = arith.constant 0 : i32
          %dma_wait3A_1183 = tpu.memref_slice %arg6[%dma_wait3A, %dma_wait3A_1182] : memref<320x128xf32, #tpu.memory_space<vmem>> -> memref<80x128xf32, #tpu.memory_space<vmem>>
          %dma_wait3A_1184 = tpu.memref_slice %arg2[%add3A_1173, %mul3A_2] : memref<50000x256xf32, #tpu.memory_space<hbm>> -> memref<80x128xf32, #tpu.memory_space<hbm>>
          %dma_wait3A_1185 = arith.constant 80 : i32
          %dma_wait3A_1186 = arith.constant 0 : i32
          %dma_wait3A_1187 = tpu.memref_slice %arg6[%dma_wait3A_1185, %dma_wait3A_1186] : memref<320x128xf32, #tpu.memory_space<vmem>> -> memref<80x128xf32, #tpu.memory_space<vmem>>
          %dma_wait3A_1188 = tpu.memref_slice %arg2[%add3A_1173, %mul3A_2] : memref<50000x256xf32, #tpu.memory_space<hbm>> -> memref<80x128xf32, #tpu.memory_space<hbm>>
          tpu.wait_dma2 semaphore(%run_scoped3A_1174 : memref<!tpu.dma_semaphore, #tpu.memory_space<semaphore_mem>>) src(%dma_wait3A_1188 : memref<80x128xf32, #tpu.memory_space<hbm>>) dst(%dma_wait3A_1187 : memref<80x128xf32, #tpu.memory_space<vmem>>)
          tpu.yield
        }) : () -> ()
        %run_scoped3A = arith.constant 17 : i32
        "tpu.region"() ({
          %run_scoped3A_1174 = tpu.sem_alloc : memref<!tpu.dma_semaphore, #tpu.memory_space<semaphore_mem>>
          %dma_start3A = arith.constant 80 : i32
          %dma_start3A_1175 = arith.constant 0 : i32
          %dma_start3A_1176 = tpu.memref_slice %arg6[%dma_start3A, %dma_start3A_1175] : memref<320x128xf32, #tpu.memory_space<vmem>> -> memref<80x128xf32, #tpu.memory_space<vmem>>
          %dma_start3A_1177 = arith.constant 0 : i32
          %dma_start3A_1178 = tpu.memref_slice %arg5[%run_scoped3A, %dma_start3A_1177] : memref<40x80xi32, #tpu.memory_space<vmem>> -> memref<1x80xi32, #tpu.memory_space<vmem>>
          %dma_start3A_1179 = tpu.memref_squeeze %dma_start3A_1178 : memref<1x80xi32, #tpu.memory_space<vmem>> -> memref<80xi32, #tpu.memory_space<vmem>>
          %dma_start3A_1180 = arith.constant 0 : i32
          %dma_start3A_1181 = arith.constant 0 : i32
          %dma_start3A_1182 = tpu.memref_slice %arg12[%dma_start3A_1180, %dma_start3A_1181] : memref<256x128xf32, #tpu.memory_space<vmem_shared>> -> memref<256x128xf32, #tpu.memory_space<vmem_shared>>
          tpu.enqueue_indirect_dma source(%dma_start3A_1176 : memref<80x128xf32, #tpu.memory_space<vmem>>) target(%dma_start3A_1182 : memref<256x128xf32, #tpu.memory_space<vmem_shared>>) offsets(%dma_start3A_1179 : memref<80xi32, #tpu.memory_space<vmem>>) semaphore(%run_scoped3A_1174 : memref<!tpu.dma_semaphore, #tpu.memory_space<semaphore_mem>>) {add = true}
          %dma_wait3A = arith.constant 80 : i32
          %dma_wait3A_1183 = arith.constant 0 : i32
          %dma_wait3A_1184 = tpu.memref_slice %arg6[%dma_wait3A, %dma_wait3A_1183] : memref<320x128xf32, #tpu.memory_space<vmem>> -> memref<80x128xf32, #tpu.memory_space<vmem>>
          %dma_wait3A_1185 = arith.constant 0 : i32
          %dma_wait3A_1186 = tpu.memref_slice %arg5[%run_scoped3A, %dma_wait3A_1185] : memref<40x80xi32, #tpu.memory_space<vmem>> -> memref<1x80xi32, #tpu.memory_space<vmem>>
          %dma_wait3A_1187 = tpu.memref_squeeze %dma_wait3A_1186 : memref<1x80xi32, #tpu.memory_space<vmem>> -> memref<80xi32, #tpu.memory_space<vmem>>
          %dma_wait3A_1188 = arith.constant 0 : i32
          %dma_wait3A_1189 = arith.constant 0 : i32
          %dma_wait3A_1190 = tpu.memref_slice %arg12[%dma_wait3A_1188, %dma_wait3A_1189] : memref<256x128xf32, #tpu.memory_space<vmem_shared>> -> memref<256x128xf32, #tpu.memory_space<vmem_shared>>
          tpu.wait_indirect_dma semaphore(%run_scoped3A_1174 : memref<!tpu.dma_semaphore, #tpu.memory_space<semaphore_mem>>) src(%dma_wait3A_1184 : memref<80x128xf32, #tpu.memory_space<vmem>>) dst(%dma_wait3A_1190 : memref<256x128xf32, #tpu.memory_space<vmem_shared>>)
          tpu.yield
        }) : () -> ()
      } else {
      }
      %add3A_1152 = arith.constant 1280 : i32
      %add3A_1153 = arith.addi %mul3A_0, %add3A_1152 : i32
      %add3A_1154 = arith.constant 240 : i32
      %add3A_1155 = arith.addi %add3A_1153, %add3A_1154 : i32
      %le3A_1156 = arith.constant 50000 : i32
      %le3A_1157 = arith.cmpi sle, %add3A_1155, %le3A_1156 : i32
      %convert_element_type3A_1158 = arith.extui %le3A_1157 : i1 to i32
      %cond3A_1159 = arith.constant 0 : i32
      %cond3A_1160 = arith.cmpi ne, %convert_element_type3A_1158, %cond3A_1159 : i32
      scf.if %cond3A_1160 {
        %add3A_1170 = arith.constant 1280 : i32
        %add3A_1171 = arith.addi %mul3A_0, %add3A_1170 : i32
        %add3A_1172 = arith.constant 160 : i32
        %add3A_1173 = arith.addi %add3A_1171, %add3A_1172 : i32
        "tpu.region"() ({
          %run_scoped3A_1174 = tpu.sem_alloc : memref<!tpu.dma_semaphore, #tpu.memory_space<semaphore_mem>>
          %dma_start3A = arith.constant 160 : i32
          %dma_start3A_1175 = arith.constant 0 : i32
          %dma_start3A_1176 = tpu.memref_slice %arg6[%dma_start3A, %dma_start3A_1175] : memref<320x128xf32, #tpu.memory_space<vmem>> -> memref<80x128xf32, #tpu.memory_space<vmem>>
          %dma_start3A_1177 = tpu.memref_slice %arg2[%add3A_1173, %mul3A_2] : memref<50000x256xf32, #tpu.memory_space<hbm>> -> memref<80x128xf32, #tpu.memory_space<hbm>>
          %dma_start3A_1178 = arith.constant 160 : i32
          %dma_start3A_1179 = arith.constant 0 : i32
          %dma_start3A_1180 = tpu.memref_slice %arg6[%dma_start3A_1178, %dma_start3A_1179] : memref<320x128xf32, #tpu.memory_space<vmem>> -> memref<80x128xf32, #tpu.memory_space<vmem>>
          %dma_start3A_1181 = tpu.memref_slice %arg2[%add3A_1173, %mul3A_2] : memref<50000x256xf32, #tpu.memory_space<hbm>> -> memref<80x128xf32, #tpu.memory_space<hbm>>
          tpu.enqueue_dma source(%dma_start3A_1181 : memref<80x128xf32, #tpu.memory_space<hbm>>) target(%dma_start3A_1180 : memref<80x128xf32, #tpu.memory_space<vmem>>) target_semaphore(%run_scoped3A_1174 : memref<!tpu.dma_semaphore, #tpu.memory_space<semaphore_mem>>)
          %dma_wait3A = arith.constant 160 : i32
          %dma_wait3A_1182 = arith.constant 0 : i32
          %dma_wait3A_1183 = tpu.memref_slice %arg6[%dma_wait3A, %dma_wait3A_1182] : memref<320x128xf32, #tpu.memory_space<vmem>> -> memref<80x128xf32, #tpu.memory_space<vmem>>
          %dma_wait3A_1184 = tpu.memref_slice %arg2[%add3A_1173, %mul3A_2] : memref<50000x256xf32, #tpu.memory_space<hbm>> -> memref<80x128xf32, #tpu.memory_space<hbm>>
          %dma_wait3A_1185 = arith.constant 160 : i32
          %dma_wait3A_1186 = arith.constant 0 : i32
          %dma_wait3A_1187 = tpu.memref_slice %arg6[%dma_wait3A_1185, %dma_wait3A_1186] : memref<320x128xf32, #tpu.memory_space<vmem>> -> memref<80x128xf32, #tpu.memory_space<vmem>>
          %dma_wait3A_1188 = tpu.memref_slice %arg2[%add3A_1173, %mul3A_2] : memref<50000x256xf32, #tpu.memory_space<hbm>> -> memref<80x128xf32, #tpu.memory_space<hbm>>
          tpu.wait_dma2 semaphore(%run_scoped3A_1174 : memref<!tpu.dma_semaphore, #tpu.memory_space<semaphore_mem>>) src(%dma_wait3A_1188 : memref<80x128xf32, #tpu.memory_space<hbm>>) dst(%dma_wait3A_1187 : memref<80x128xf32, #tpu.memory_space<vmem>>)
          tpu.yield
        }) : () -> ()
        %run_scoped3A = arith.constant 18 : i32
        "tpu.region"() ({
          %run_scoped3A_1174 = tpu.sem_alloc : memref<!tpu.dma_semaphore, #tpu.memory_space<semaphore_mem>>
          %dma_start3A = arith.constant 160 : i32
          %dma_start3A_1175 = arith.constant 0 : i32
          %dma_start3A_1176 = tpu.memref_slice %arg6[%dma_start3A, %dma_start3A_1175] : memref<320x128xf32, #tpu.memory_space<vmem>> -> memref<80x128xf32, #tpu.memory_space<vmem>>
          %dma_start3A_1177 = arith.constant 0 : i32
          %dma_start3A_1178 = tpu.memref_slice %arg5[%run_scoped3A, %dma_start3A_1177] : memref<40x80xi32, #tpu.memory_space<vmem>> -> memref<1x80xi32, #tpu.memory_space<vmem>>
          %dma_start3A_1179 = tpu.memref_squeeze %dma_start3A_1178 : memref<1x80xi32, #tpu.memory_space<vmem>> -> memref<80xi32, #tpu.memory_space<vmem>>
          %dma_start3A_1180 = arith.constant 0 : i32
          %dma_start3A_1181 = arith.constant 0 : i32
          %dma_start3A_1182 = tpu.memref_slice %arg12[%dma_start3A_1180, %dma_start3A_1181] : memref<256x128xf32, #tpu.memory_space<vmem_shared>> -> memref<256x128xf32, #tpu.memory_space<vmem_shared>>
          tpu.enqueue_indirect_dma source(%dma_start3A_1176 : memref<80x128xf32, #tpu.memory_space<vmem>>) target(%dma_start3A_1182 : memref<256x128xf32, #tpu.memory_space<vmem_shared>>) offsets(%dma_start3A_1179 : memref<80xi32, #tpu.memory_space<vmem>>) semaphore(%run_scoped3A_1174 : memref<!tpu.dma_semaphore, #tpu.memory_space<semaphore_mem>>) {add = true}
          %dma_wait3A = arith.constant 160 : i32
          %dma_wait3A_1183 = arith.constant 0 : i32
          %dma_wait3A_1184 = tpu.memref_slice %arg6[%dma_wait3A, %dma_wait3A_1183] : memref<320x128xf32, #tpu.memory_space<vmem>> -> memref<80x128xf32, #tpu.memory_space<vmem>>
          %dma_wait3A_1185 = arith.constant 0 : i32
          %dma_wait3A_1186 = tpu.memref_slice %arg5[%run_scoped3A, %dma_wait3A_1185] : memref<40x80xi32, #tpu.memory_space<vmem>> -> memref<1x80xi32, #tpu.memory_space<vmem>>
          %dma_wait3A_1187 = tpu.memref_squeeze %dma_wait3A_1186 : memref<1x80xi32, #tpu.memory_space<vmem>> -> memref<80xi32, #tpu.memory_space<vmem>>
          %dma_wait3A_1188 = arith.constant 0 : i32
          %dma_wait3A_1189 = arith.constant 0 : i32
          %dma_wait3A_1190 = tpu.memref_slice %arg12[%dma_wait3A_1188, %dma_wait3A_1189] : memref<256x128xf32, #tpu.memory_space<vmem_shared>> -> memref<256x128xf32, #tpu.memory_space<vmem_shared>>
          tpu.wait_indirect_dma semaphore(%run_scoped3A_1174 : memref<!tpu.dma_semaphore, #tpu.memory_space<semaphore_mem>>) src(%dma_wait3A_1184 : memref<80x128xf32, #tpu.memory_space<vmem>>) dst(%dma_wait3A_1190 : memref<256x128xf32, #tpu.memory_space<vmem_shared>>)
          tpu.yield
        }) : () -> ()
      } else {
      }
      %add3A_1161 = arith.constant 1280 : i32
      %add3A_1162 = arith.addi %mul3A_0, %add3A_1161 : i32
      %add3A_1163 = arith.constant 320 : i32
      %add3A_1164 = arith.addi %add3A_1162, %add3A_1163 : i32
      %le3A_1165 = arith.constant 50000 : i32
      %le3A_1166 = arith.cmpi sle, %add3A_1164, %le3A_1165 : i32
      %convert_element_type3A_1167 = arith.extui %le3A_1166 : i1 to i32
      %cond3A_1168 = arith.constant 0 : i32
      %cond3A_1169 = arith.cmpi ne, %convert_element_type3A_1167, %cond3A_1168 : i32
      scf.if %cond3A_1169 {
        %add3A_1170 = arith.constant 1280 : i32
        %add3A_1171 = arith.addi %mul3A_0, %add3A_1170 : i32
        %add3A_1172 = arith.constant 240 : i32
        %add3A_1173 = arith.addi %add3A_1171, %add3A_1172 : i32
        "tpu.region"() ({
          %run_scoped3A_1174 = tpu.sem_alloc : memref<!tpu.dma_semaphore, #tpu.memory_space<semaphore_mem>>
          %dma_start3A = arith.constant 240 : i32
          %dma_start3A_1175 = arith.constant 0 : i32
          %dma_start3A_1176 = tpu.memref_slice %arg6[%dma_start3A, %dma_start3A_1175] : memref<320x128xf32, #tpu.memory_space<vmem>> -> memref<80x128xf32, #tpu.memory_space<vmem>>
          %dma_start3A_1177 = tpu.memref_slice %arg2[%add3A_1173, %mul3A_2] : memref<50000x256xf32, #tpu.memory_space<hbm>> -> memref<80x128xf32, #tpu.memory_space<hbm>>
          %dma_start3A_1178 = arith.constant 240 : i32
          %dma_start3A_1179 = arith.constant 0 : i32
          %dma_start3A_1180 = tpu.memref_slice %arg6[%dma_start3A_1178, %dma_start3A_1179] : memref<320x128xf32, #tpu.memory_space<vmem>> -> memref<80x128xf32, #tpu.memory_space<vmem>>
          %dma_start3A_1181 = tpu.memref_slice %arg2[%add3A_1173, %mul3A_2] : memref<50000x256xf32, #tpu.memory_space<hbm>> -> memref<80x128xf32, #tpu.memory_space<hbm>>
          tpu.enqueue_dma source(%dma_start3A_1181 : memref<80x128xf32, #tpu.memory_space<hbm>>) target(%dma_start3A_1180 : memref<80x128xf32, #tpu.memory_space<vmem>>) target_semaphore(%run_scoped3A_1174 : memref<!tpu.dma_semaphore, #tpu.memory_space<semaphore_mem>>)
          %dma_wait3A = arith.constant 240 : i32
          %dma_wait3A_1182 = arith.constant 0 : i32
          %dma_wait3A_1183 = tpu.memref_slice %arg6[%dma_wait3A, %dma_wait3A_1182] : memref<320x128xf32, #tpu.memory_space<vmem>> -> memref<80x128xf32, #tpu.memory_space<vmem>>
          %dma_wait3A_1184 = tpu.memref_slice %arg2[%add3A_1173, %mul3A_2] : memref<50000x256xf32, #tpu.memory_space<hbm>> -> memref<80x128xf32, #tpu.memory_space<hbm>>
          %dma_wait3A_1185 = arith.constant 240 : i32
          %dma_wait3A_1186 = arith.constant 0 : i32
          %dma_wait3A_1187 = tpu.memref_slice %arg6[%dma_wait3A_1185, %dma_wait3A_1186] : memref<320x128xf32, #tpu.memory_space<vmem>> -> memref<80x128xf32, #tpu.memory_space<vmem>>
          %dma_wait3A_1188 = tpu.memref_slice %arg2[%add3A_1173, %mul3A_2] : memref<50000x256xf32, #tpu.memory_space<hbm>> -> memref<80x128xf32, #tpu.memory_space<hbm>>
          tpu.wait_dma2 semaphore(%run_scoped3A_1174 : memref<!tpu.dma_semaphore, #tpu.memory_space<semaphore_mem>>) src(%dma_wait3A_1188 : memref<80x128xf32, #tpu.memory_space<hbm>>) dst(%dma_wait3A_1187 : memref<80x128xf32, #tpu.memory_space<vmem>>)
          tpu.yield
        }) : () -> ()
        %run_scoped3A = arith.constant 19 : i32
        "tpu.region"() ({
          %run_scoped3A_1174 = tpu.sem_alloc : memref<!tpu.dma_semaphore, #tpu.memory_space<semaphore_mem>>
          %dma_start3A = arith.constant 240 : i32
          %dma_start3A_1175 = arith.constant 0 : i32
          %dma_start3A_1176 = tpu.memref_slice %arg6[%dma_start3A, %dma_start3A_1175] : memref<320x128xf32, #tpu.memory_space<vmem>> -> memref<80x128xf32, #tpu.memory_space<vmem>>
          %dma_start3A_1177 = arith.constant 0 : i32
          %dma_start3A_1178 = tpu.memref_slice %arg5[%run_scoped3A, %dma_start3A_1177] : memref<40x80xi32, #tpu.memory_space<vmem>> -> memref<1x80xi32, #tpu.memory_space<vmem>>
          %dma_start3A_1179 = tpu.memref_squeeze %dma_start3A_1178 : memref<1x80xi32, #tpu.memory_space<vmem>> -> memref<80xi32, #tpu.memory_space<vmem>>
          %dma_start3A_1180 = arith.constant 0 : i32
          %dma_start3A_1181 = arith.constant 0 : i32
          %dma_start3A_1182 = tpu.memref_slice %arg12[%dma_start3A_1180, %dma_start3A_1181] : memref<256x128xf32, #tpu.memory_space<vmem_shared>> -> memref<256x128xf32, #tpu.memory_space<vmem_shared>>
          tpu.enqueue_indirect_dma source(%dma_start3A_1176 : memref<80x128xf32, #tpu.memory_space<vmem>>) target(%dma_start3A_1182 : memref<256x128xf32, #tpu.memory_space<vmem_shared>>) offsets(%dma_start3A_1179 : memref<80xi32, #tpu.memory_space<vmem>>) semaphore(%run_scoped3A_1174 : memref<!tpu.dma_semaphore, #tpu.memory_space<semaphore_mem>>) {add = true}
          %dma_wait3A = arith.constant 240 : i32
          %dma_wait3A_1183 = arith.constant 0 : i32
          %dma_wait3A_1184 = tpu.memref_slice %arg6[%dma_wait3A, %dma_wait3A_1183] : memref<320x128xf32, #tpu.memory_space<vmem>> -> memref<80x128xf32, #tpu.memory_space<vmem>>
          %dma_wait3A_1185 = arith.constant 0 : i32
          %dma_wait3A_1186 = tpu.memref_slice %arg5[%run_scoped3A, %dma_wait3A_1185] : memref<40x80xi32, #tpu.memory_space<vmem>> -> memref<1x80xi32, #tpu.memory_space<vmem>>
          %dma_wait3A_1187 = tpu.memref_squeeze %dma_wait3A_1186 : memref<1x80xi32, #tpu.memory_space<vmem>> -> memref<80xi32, #tpu.memory_space<vmem>>
          %dma_wait3A_1188 = arith.constant 0 : i32
          %dma_wait3A_1189 = arith.constant 0 : i32
          %dma_wait3A_1190 = tpu.memref_slice %arg12[%dma_wait3A_1188, %dma_wait3A_1189] : memref<256x128xf32, #tpu.memory_space<vmem_shared>> -> memref<256x128xf32, #tpu.memory_space<vmem_shared>>
          tpu.wait_indirect_dma semaphore(%run_scoped3A_1174 : memref<!tpu.dma_semaphore, #tpu.memory_space<semaphore_mem>>) src(%dma_wait3A_1184 : memref<80x128xf32, #tpu.memory_space<vmem>>) dst(%dma_wait3A_1190 : memref<256x128xf32, #tpu.memory_space<vmem_shared>>)
          tpu.yield
        }) : () -> ()
      } else {
      }
    } else {
    }
    %add3A_958 = arith.constant 1920 : i32
    %add3A_959 = arith.addi %mul3A_0, %add3A_958 : i32
    %add3A_960 = arith.constant 320 : i32
    %add3A_961 = arith.addi %add3A_959, %add3A_960 : i32
    %le3A_962 = arith.constant 50000 : i32
    %le3A_963 = arith.cmpi sle, %add3A_961, %le3A_962 : i32
    %convert_element_type3A_964 = arith.extui %le3A_963 : i1 to i32
    %cond3A_965 = arith.constant 0 : i32
    %cond3A_966 = arith.cmpi ne, %convert_element_type3A_964, %cond3A_965 : i32
    scf.if %cond3A_966 {
      %add3A_1134 = arith.constant 1920 : i32
      %add3A_1135 = arith.addi %mul3A_0, %add3A_1134 : i32
      %dma_start3A = tpu.memref_slice %arg2[%add3A_1135, %mul3A_2] : memref<50000x256xf32, #tpu.memory_space<hbm>> -> memref<320x128xf32, #tpu.memory_space<hbm>>
      %dma_start3A_1136 = tpu.memref_slice %arg2[%add3A_1135, %mul3A_2] : memref<50000x256xf32, #tpu.memory_space<hbm>> -> memref<320x128xf32, #tpu.memory_space<hbm>>
      tpu.enqueue_dma source(%dma_start3A_1136 : memref<320x128xf32, #tpu.memory_space<hbm>>) target(%arg6 : memref<320x128xf32, #tpu.memory_space<vmem>>) target_semaphore(%arg9 : memref<!tpu.dma_semaphore, #tpu.memory_space<semaphore_mem>>)
    } else {
    }
    %add3A_967 = arith.constant 1600 : i32
    %add3A_968 = arith.addi %mul3A_0, %add3A_967 : i32
    %add3A_969 = arith.constant 320 : i32
    %add3A_970 = arith.addi %add3A_968, %add3A_969 : i32
    %le3A_971 = arith.constant 50000 : i32
    %le3A_972 = arith.cmpi sle, %add3A_970, %le3A_971 : i32
    %convert_element_type3A_973 = arith.extui %le3A_972 : i1 to i32
    %cond3A_974 = arith.constant 0 : i32
    %cond3A_975 = arith.cmpi ne, %convert_element_type3A_973, %cond3A_974 : i32
    scf.if %cond3A_975 {
      %add3A_1134 = arith.constant 1600 : i32
      %add3A_1135 = arith.addi %mul3A_0, %add3A_1134 : i32
      %dma_wait3A = tpu.memref_slice %arg2[%add3A_1135, %mul3A_2] : memref<50000x256xf32, #tpu.memory_space<hbm>> -> memref<320x128xf32, #tpu.memory_space<hbm>>
      %dma_wait3A_1136 = tpu.memref_slice %arg2[%add3A_1135, %mul3A_2] : memref<50000x256xf32, #tpu.memory_space<hbm>> -> memref<320x128xf32, #tpu.memory_space<hbm>>
      tpu.wait_dma2 semaphore(%arg10 : memref<!tpu.dma_semaphore, #tpu.memory_space<semaphore_mem>>) src(%dma_wait3A_1136 : memref<320x128xf32, #tpu.memory_space<hbm>>) dst(%arg7 : memref<320x128xf32, #tpu.memory_space<vmem>>)
      %dma_start3A = arith.constant 20 : i32
      %dma_start3A_1137 = arith.constant 0 : i32
      %dma_start3A_1138 = arith.constant 0 : i32
      %dma_start3A_1139 = tpu.memref_slice %arg7[%dma_start3A_1137, %dma_start3A_1138] : memref<320x128xf32, #tpu.memory_space<vmem>> -> memref<80x128xf32, #tpu.memory_space<vmem>>
      %dma_start3A_1140 = arith.constant 0 : i32
      %dma_start3A_1141 = tpu.memref_slice %arg5[%dma_start3A, %dma_start3A_1140] : memref<40x80xi32, #tpu.memory_space<vmem>> -> memref<1x80xi32, #tpu.memory_space<vmem>>
      %dma_start3A_1142 = tpu.memref_squeeze %dma_start3A_1141 : memref<1x80xi32, #tpu.memory_space<vmem>> -> memref<80xi32, #tpu.memory_space<vmem>>
      %dma_start3A_1143 = arith.constant 0 : i32
      %dma_start3A_1144 = arith.constant 0 : i32
      %dma_start3A_1145 = tpu.memref_slice %arg12[%dma_start3A_1143, %dma_start3A_1144] : memref<256x128xf32, #tpu.memory_space<vmem_shared>> -> memref<256x128xf32, #tpu.memory_space<vmem_shared>>
      tpu.enqueue_indirect_dma source(%dma_start3A_1139 : memref<80x128xf32, #tpu.memory_space<vmem>>) target(%dma_start3A_1145 : memref<256x128xf32, #tpu.memory_space<vmem_shared>>) offsets(%dma_start3A_1142 : memref<80xi32, #tpu.memory_space<vmem>>) semaphore(%arg11 : memref<!tpu.dma_semaphore, #tpu.memory_space<semaphore_mem>>) {add = true}
      %dma_start3A_1146 = arith.constant 21 : i32
      %dma_start3A_1147 = arith.constant 80 : i32
      %dma_start3A_1148 = arith.constant 0 : i32
      %dma_start3A_1149 = tpu.memref_slice %arg7[%dma_start3A_1147, %dma_start3A_1148] : memref<320x128xf32, #tpu.memory_space<vmem>> -> memref<80x128xf32, #tpu.memory_space<vmem>>
      %dma_start3A_1150 = arith.constant 0 : i32
      %dma_start3A_1151 = tpu.memref_slice %arg5[%dma_start3A_1146, %dma_start3A_1150] : memref<40x80xi32, #tpu.memory_space<vmem>> -> memref<1x80xi32, #tpu.memory_space<vmem>>
      %dma_start3A_1152 = tpu.memref_squeeze %dma_start3A_1151 : memref<1x80xi32, #tpu.memory_space<vmem>> -> memref<80xi32, #tpu.memory_space<vmem>>
      %dma_start3A_1153 = arith.constant 0 : i32
      %dma_start3A_1154 = arith.constant 0 : i32
      %dma_start3A_1155 = tpu.memref_slice %arg12[%dma_start3A_1153, %dma_start3A_1154] : memref<256x128xf32, #tpu.memory_space<vmem_shared>> -> memref<256x128xf32, #tpu.memory_space<vmem_shared>>
      tpu.enqueue_indirect_dma source(%dma_start3A_1149 : memref<80x128xf32, #tpu.memory_space<vmem>>) target(%dma_start3A_1155 : memref<256x128xf32, #tpu.memory_space<vmem_shared>>) offsets(%dma_start3A_1152 : memref<80xi32, #tpu.memory_space<vmem>>) semaphore(%arg11 : memref<!tpu.dma_semaphore, #tpu.memory_space<semaphore_mem>>) {add = true}
      %dma_start3A_1156 = arith.constant 22 : i32
      %dma_start3A_1157 = arith.constant 160 : i32
      %dma_start3A_1158 = arith.constant 0 : i32
      %dma_start3A_1159 = tpu.memref_slice %arg7[%dma_start3A_1157, %dma_start3A_1158] : memref<320x128xf32, #tpu.memory_space<vmem>> -> memref<80x128xf32, #tpu.memory_space<vmem>>
      %dma_start3A_1160 = arith.constant 0 : i32
      %dma_start3A_1161 = tpu.memref_slice %arg5[%dma_start3A_1156, %dma_start3A_1160] : memref<40x80xi32, #tpu.memory_space<vmem>> -> memref<1x80xi32, #tpu.memory_space<vmem>>
      %dma_start3A_1162 = tpu.memref_squeeze %dma_start3A_1161 : memref<1x80xi32, #tpu.memory_space<vmem>> -> memref<80xi32, #tpu.memory_space<vmem>>
      %dma_start3A_1163 = arith.constant 0 : i32
      %dma_start3A_1164 = arith.constant 0 : i32
      %dma_start3A_1165 = tpu.memref_slice %arg12[%dma_start3A_1163, %dma_start3A_1164] : memref<256x128xf32, #tpu.memory_space<vmem_shared>> -> memref<256x128xf32, #tpu.memory_space<vmem_shared>>
      tpu.enqueue_indirect_dma source(%dma_start3A_1159 : memref<80x128xf32, #tpu.memory_space<vmem>>) target(%dma_start3A_1165 : memref<256x128xf32, #tpu.memory_space<vmem_shared>>) offsets(%dma_start3A_1162 : memref<80xi32, #tpu.memory_space<vmem>>) semaphore(%arg11 : memref<!tpu.dma_semaphore, #tpu.memory_space<semaphore_mem>>) {add = true}
      %dma_start3A_1166 = arith.constant 23 : i32
      %dma_start3A_1167 = arith.constant 240 : i32
      %dma_start3A_1168 = arith.constant 0 : i32
      %dma_start3A_1169 = tpu.memref_slice %arg7[%dma_start3A_1167, %dma_start3A_1168] : memref<320x128xf32, #tpu.memory_space<vmem>> -> memref<80x128xf32, #tpu.memory_space<vmem>>
      %dma_start3A_1170 = arith.constant 0 : i32
      %dma_start3A_1171 = tpu.memref_slice %arg5[%dma_start3A_1166, %dma_start3A_1170] : memref<40x80xi32, #tpu.memory_space<vmem>> -> memref<1x80xi32, #tpu.memory_space<vmem>>
      %dma_start3A_1172 = tpu.memref_squeeze %dma_start3A_1171 : memref<1x80xi32, #tpu.memory_space<vmem>> -> memref<80xi32, #tpu.memory_space<vmem>>
      %dma_start3A_1173 = arith.constant 0 : i32
      %dma_start3A_1174 = arith.constant 0 : i32
      %dma_start3A_1175 = tpu.memref_slice %arg12[%dma_start3A_1173, %dma_start3A_1174] : memref<256x128xf32, #tpu.memory_space<vmem_shared>> -> memref<256x128xf32, #tpu.memory_space<vmem_shared>>
      tpu.enqueue_indirect_dma source(%dma_start3A_1169 : memref<80x128xf32, #tpu.memory_space<vmem>>) target(%dma_start3A_1175 : memref<256x128xf32, #tpu.memory_space<vmem_shared>>) offsets(%dma_start3A_1172 : memref<80xi32, #tpu.memory_space<vmem>>) semaphore(%arg11 : memref<!tpu.dma_semaphore, #tpu.memory_space<semaphore_mem>>) {add = true}
      %dma_wait3A_1176 = arith.constant 20 : i32
      %dma_wait3A_1177 = arith.constant 0 : i32
      %dma_wait3A_1178 = arith.constant 0 : i32
      %dma_wait3A_1179 = tpu.memref_slice %arg7[%dma_wait3A_1177, %dma_wait3A_1178] : memref<320x128xf32, #tpu.memory_space<vmem>> -> memref<80x128xf32, #tpu.memory_space<vmem>>
      %dma_wait3A_1180 = arith.constant 0 : i32
      %dma_wait3A_1181 = tpu.memref_slice %arg5[%dma_wait3A_1176, %dma_wait3A_1180] : memref<40x80xi32, #tpu.memory_space<vmem>> -> memref<1x80xi32, #tpu.memory_space<vmem>>
      %dma_wait3A_1182 = tpu.memref_squeeze %dma_wait3A_1181 : memref<1x80xi32, #tpu.memory_space<vmem>> -> memref<80xi32, #tpu.memory_space<vmem>>
      %dma_wait3A_1183 = arith.constant 0 : i32
      %dma_wait3A_1184 = arith.constant 0 : i32
      %dma_wait3A_1185 = tpu.memref_slice %arg12[%dma_wait3A_1183, %dma_wait3A_1184] : memref<256x128xf32, #tpu.memory_space<vmem_shared>> -> memref<256x128xf32, #tpu.memory_space<vmem_shared>>
      tpu.wait_indirect_dma semaphore(%arg11 : memref<!tpu.dma_semaphore, #tpu.memory_space<semaphore_mem>>) src(%dma_wait3A_1179 : memref<80x128xf32, #tpu.memory_space<vmem>>) dst(%dma_wait3A_1185 : memref<256x128xf32, #tpu.memory_space<vmem_shared>>)
      %dma_wait3A_1186 = arith.constant 21 : i32
      %dma_wait3A_1187 = arith.constant 80 : i32
      %dma_wait3A_1188 = arith.constant 0 : i32
      %dma_wait3A_1189 = tpu.memref_slice %arg7[%dma_wait3A_1187, %dma_wait3A_1188] : memref<320x128xf32, #tpu.memory_space<vmem>> -> memref<80x128xf32, #tpu.memory_space<vmem>>
      %dma_wait3A_1190 = arith.constant 0 : i32
      %dma_wait3A_1191 = tpu.memref_slice %arg5[%dma_wait3A_1186, %dma_wait3A_1190] : memref<40x80xi32, #tpu.memory_space<vmem>> -> memref<1x80xi32, #tpu.memory_space<vmem>>
      %dma_wait3A_1192 = tpu.memref_squeeze %dma_wait3A_1191 : memref<1x80xi32, #tpu.memory_space<vmem>> -> memref<80xi32, #tpu.memory_space<vmem>>
      %dma_wait3A_1193 = arith.constant 0 : i32
      %dma_wait3A_1194 = arith.constant 0 : i32
      %dma_wait3A_1195 = tpu.memref_slice %arg12[%dma_wait3A_1193, %dma_wait3A_1194] : memref<256x128xf32, #tpu.memory_space<vmem_shared>> -> memref<256x128xf32, #tpu.memory_space<vmem_shared>>
      tpu.wait_indirect_dma semaphore(%arg11 : memref<!tpu.dma_semaphore, #tpu.memory_space<semaphore_mem>>) src(%dma_wait3A_1189 : memref<80x128xf32, #tpu.memory_space<vmem>>) dst(%dma_wait3A_1195 : memref<256x128xf32, #tpu.memory_space<vmem_shared>>)
      %dma_wait3A_1196 = arith.constant 22 : i32
      %dma_wait3A_1197 = arith.constant 160 : i32
      %dma_wait3A_1198 = arith.constant 0 : i32
      %dma_wait3A_1199 = tpu.memref_slice %arg7[%dma_wait3A_1197, %dma_wait3A_1198] : memref<320x128xf32, #tpu.memory_space<vmem>> -> memref<80x128xf32, #tpu.memory_space<vmem>>
      %dma_wait3A_1200 = arith.constant 0 : i32
      %dma_wait3A_1201 = tpu.memref_slice %arg5[%dma_wait3A_1196, %dma_wait3A_1200] : memref<40x80xi32, #tpu.memory_space<vmem>> -> memref<1x80xi32, #tpu.memory_space<vmem>>
      %dma_wait3A_1202 = tpu.memref_squeeze %dma_wait3A_1201 : memref<1x80xi32, #tpu.memory_space<vmem>> -> memref<80xi32, #tpu.memory_space<vmem>>
      %dma_wait3A_1203 = arith.constant 0 : i32
      %dma_wait3A_1204 = arith.constant 0 : i32
      %dma_wait3A_1205 = tpu.memref_slice %arg12[%dma_wait3A_1203, %dma_wait3A_1204] : memref<256x128xf32, #tpu.memory_space<vmem_shared>> -> memref<256x128xf32, #tpu.memory_space<vmem_shared>>
      tpu.wait_indirect_dma semaphore(%arg11 : memref<!tpu.dma_semaphore, #tpu.memory_space<semaphore_mem>>) src(%dma_wait3A_1199 : memref<80x128xf32, #tpu.memory_space<vmem>>) dst(%dma_wait3A_1205 : memref<256x128xf32, #tpu.memory_space<vmem_shared>>)
      %dma_wait3A_1206 = arith.constant 23 : i32
      %dma_wait3A_1207 = arith.constant 240 : i32
      %dma_wait3A_1208 = arith.constant 0 : i32
      %dma_wait3A_1209 = tpu.memref_slice %arg7[%dma_wait3A_1207, %dma_wait3A_1208] : memref<320x128xf32, #tpu.memory_space<vmem>> -> memref<80x128xf32, #tpu.memory_space<vmem>>
      %dma_wait3A_1210 = arith.constant 0 : i32
      %dma_wait3A_1211 = tpu.memref_slice %arg5[%dma_wait3A_1206, %dma_wait3A_1210] : memref<40x80xi32, #tpu.memory_space<vmem>> -> memref<1x80xi32, #tpu.memory_space<vmem>>
      %dma_wait3A_1212 = tpu.memref_squeeze %dma_wait3A_1211 : memref<1x80xi32, #tpu.memory_space<vmem>> -> memref<80xi32, #tpu.memory_space<vmem>>
      %dma_wait3A_1213 = arith.constant 0 : i32
      %dma_wait3A_1214 = arith.constant 0 : i32
      %dma_wait3A_1215 = tpu.memref_slice %arg12[%dma_wait3A_1213, %dma_wait3A_1214] : memref<256x128xf32, #tpu.memory_space<vmem_shared>> -> memref<256x128xf32, #tpu.memory_space<vmem_shared>>
      tpu.wait_indirect_dma semaphore(%arg11 : memref<!tpu.dma_semaphore, #tpu.memory_space<semaphore_mem>>) src(%dma_wait3A_1209 : memref<80x128xf32, #tpu.memory_space<vmem>>) dst(%dma_wait3A_1215 : memref<256x128xf32, #tpu.memory_space<vmem_shared>>)
    } else {
    }
    %add3A_976 = arith.constant 1600 : i32
    %add3A_977 = arith.addi %mul3A_0, %add3A_976 : i32
    %add3A_978 = arith.constant 320 : i32
    %add3A_979 = arith.addi %add3A_977, %add3A_978 : i32
    %le3A_980 = arith.constant 50000 : i32
    %le3A_981 = arith.cmpi sle, %add3A_979, %le3A_980 : i32
    %not3A_982 = arith.constant true
    %not3A_983 = arith.xori %le3A_981, %not3A_982 : i1
    %add3A_984 = arith.constant 1600 : i32
    %add3A_985 = arith.addi %mul3A_0, %add3A_984 : i32
    %add3A_986 = arith.constant 80 : i32
    %add3A_987 = arith.addi %add3A_985, %add3A_986 : i32
    %le3A_988 = arith.constant 50000 : i32
    %le3A_989 = arith.cmpi sle, %add3A_987, %le3A_988 : i32
    %and3A_990 = arith.andi %not3A_983, %le3A_989 : i1
    %convert_element_type3A_991 = arith.extui %and3A_990 : i1 to i32
    %cond3A_992 = arith.constant 0 : i32
    %cond3A_993 = arith.cmpi ne, %convert_element_type3A_991, %cond3A_992 : i32
    scf.if %cond3A_993 {
      %add3A_1134 = arith.constant 1600 : i32
      %add3A_1135 = arith.addi %mul3A_0, %add3A_1134 : i32
      %add3A_1136 = arith.constant 80 : i32
      %add3A_1137 = arith.addi %add3A_1135, %add3A_1136 : i32
      %le3A_1138 = arith.constant 50000 : i32
      %le3A_1139 = arith.cmpi sle, %add3A_1137, %le3A_1138 : i32
      %convert_element_type3A_1140 = arith.extui %le3A_1139 : i1 to i32
      %cond3A_1141 = arith.constant 0 : i32
      %cond3A_1142 = arith.cmpi ne, %convert_element_type3A_1140, %cond3A_1141 : i32
      scf.if %cond3A_1142 {
        %add3A_1170 = arith.constant 1600 : i32
        %add3A_1171 = arith.addi %mul3A_0, %add3A_1170 : i32
        %add3A_1172 = arith.constant 0 : i32
        %add3A_1173 = arith.addi %add3A_1171, %add3A_1172 : i32
        "tpu.region"() ({
          %run_scoped3A_1174 = tpu.sem_alloc : memref<!tpu.dma_semaphore, #tpu.memory_space<semaphore_mem>>
          %dma_start3A = arith.constant 0 : i32
          %dma_start3A_1175 = arith.constant 0 : i32
          %dma_start3A_1176 = tpu.memref_slice %arg7[%dma_start3A, %dma_start3A_1175] : memref<320x128xf32, #tpu.memory_space<vmem>> -> memref<80x128xf32, #tpu.memory_space<vmem>>
          %dma_start3A_1177 = tpu.memref_slice %arg2[%add3A_1173, %mul3A_2] : memref<50000x256xf32, #tpu.memory_space<hbm>> -> memref<80x128xf32, #tpu.memory_space<hbm>>
          %dma_start3A_1178 = arith.constant 0 : i32
          %dma_start3A_1179 = arith.constant 0 : i32
          %dma_start3A_1180 = tpu.memref_slice %arg7[%dma_start3A_1178, %dma_start3A_1179] : memref<320x128xf32, #tpu.memory_space<vmem>> -> memref<80x128xf32, #tpu.memory_space<vmem>>
          %dma_start3A_1181 = tpu.memref_slice %arg2[%add3A_1173, %mul3A_2] : memref<50000x256xf32, #tpu.memory_space<hbm>> -> memref<80x128xf32, #tpu.memory_space<hbm>>
          tpu.enqueue_dma source(%dma_start3A_1181 : memref<80x128xf32, #tpu.memory_space<hbm>>) target(%dma_start3A_1180 : memref<80x128xf32, #tpu.memory_space<vmem>>) target_semaphore(%run_scoped3A_1174 : memref<!tpu.dma_semaphore, #tpu.memory_space<semaphore_mem>>)
          %dma_wait3A = arith.constant 0 : i32
          %dma_wait3A_1182 = arith.constant 0 : i32
          %dma_wait3A_1183 = tpu.memref_slice %arg7[%dma_wait3A, %dma_wait3A_1182] : memref<320x128xf32, #tpu.memory_space<vmem>> -> memref<80x128xf32, #tpu.memory_space<vmem>>
          %dma_wait3A_1184 = tpu.memref_slice %arg2[%add3A_1173, %mul3A_2] : memref<50000x256xf32, #tpu.memory_space<hbm>> -> memref<80x128xf32, #tpu.memory_space<hbm>>
          %dma_wait3A_1185 = arith.constant 0 : i32
          %dma_wait3A_1186 = arith.constant 0 : i32
          %dma_wait3A_1187 = tpu.memref_slice %arg7[%dma_wait3A_1185, %dma_wait3A_1186] : memref<320x128xf32, #tpu.memory_space<vmem>> -> memref<80x128xf32, #tpu.memory_space<vmem>>
          %dma_wait3A_1188 = tpu.memref_slice %arg2[%add3A_1173, %mul3A_2] : memref<50000x256xf32, #tpu.memory_space<hbm>> -> memref<80x128xf32, #tpu.memory_space<hbm>>
          tpu.wait_dma2 semaphore(%run_scoped3A_1174 : memref<!tpu.dma_semaphore, #tpu.memory_space<semaphore_mem>>) src(%dma_wait3A_1188 : memref<80x128xf32, #tpu.memory_space<hbm>>) dst(%dma_wait3A_1187 : memref<80x128xf32, #tpu.memory_space<vmem>>)
          tpu.yield
        }) : () -> ()
        %run_scoped3A = arith.constant 20 : i32
        "tpu.region"() ({
          %run_scoped3A_1174 = tpu.sem_alloc : memref<!tpu.dma_semaphore, #tpu.memory_space<semaphore_mem>>
          %dma_start3A = arith.constant 0 : i32
          %dma_start3A_1175 = arith.constant 0 : i32
          %dma_start3A_1176 = tpu.memref_slice %arg7[%dma_start3A, %dma_start3A_1175] : memref<320x128xf32, #tpu.memory_space<vmem>> -> memref<80x128xf32, #tpu.memory_space<vmem>>
          %dma_start3A_1177 = arith.constant 0 : i32
          %dma_start3A_1178 = tpu.memref_slice %arg5[%run_scoped3A, %dma_start3A_1177] : memref<40x80xi32, #tpu.memory_space<vmem>> -> memref<1x80xi32, #tpu.memory_space<vmem>>
          %dma_start3A_1179 = tpu.memref_squeeze %dma_start3A_1178 : memref<1x80xi32, #tpu.memory_space<vmem>> -> memref<80xi32, #tpu.memory_space<vmem>>
          %dma_start3A_1180 = arith.constant 0 : i32
          %dma_start3A_1181 = arith.constant 0 : i32
          %dma_start3A_1182 = tpu.memref_slice %arg12[%dma_start3A_1180, %dma_start3A_1181] : memref<256x128xf32, #tpu.memory_space<vmem_shared>> -> memref<256x128xf32, #tpu.memory_space<vmem_shared>>
          tpu.enqueue_indirect_dma source(%dma_start3A_1176 : memref<80x128xf32, #tpu.memory_space<vmem>>) target(%dma_start3A_1182 : memref<256x128xf32, #tpu.memory_space<vmem_shared>>) offsets(%dma_start3A_1179 : memref<80xi32, #tpu.memory_space<vmem>>) semaphore(%run_scoped3A_1174 : memref<!tpu.dma_semaphore, #tpu.memory_space<semaphore_mem>>) {add = true}
          %dma_wait3A = arith.constant 0 : i32
          %dma_wait3A_1183 = arith.constant 0 : i32
          %dma_wait3A_1184 = tpu.memref_slice %arg7[%dma_wait3A, %dma_wait3A_1183] : memref<320x128xf32, #tpu.memory_space<vmem>> -> memref<80x128xf32, #tpu.memory_space<vmem>>
          %dma_wait3A_1185 = arith.constant 0 : i32
          %dma_wait3A_1186 = tpu.memref_slice %arg5[%run_scoped3A, %dma_wait3A_1185] : memref<40x80xi32, #tpu.memory_space<vmem>> -> memref<1x80xi32, #tpu.memory_space<vmem>>
          %dma_wait3A_1187 = tpu.memref_squeeze %dma_wait3A_1186 : memref<1x80xi32, #tpu.memory_space<vmem>> -> memref<80xi32, #tpu.memory_space<vmem>>
          %dma_wait3A_1188 = arith.constant 0 : i32
          %dma_wait3A_1189 = arith.constant 0 : i32
          %dma_wait3A_1190 = tpu.memref_slice %arg12[%dma_wait3A_1188, %dma_wait3A_1189] : memref<256x128xf32, #tpu.memory_space<vmem_shared>> -> memref<256x128xf32, #tpu.memory_space<vmem_shared>>
          tpu.wait_indirect_dma semaphore(%run_scoped3A_1174 : memref<!tpu.dma_semaphore, #tpu.memory_space<semaphore_mem>>) src(%dma_wait3A_1184 : memref<80x128xf32, #tpu.memory_space<vmem>>) dst(%dma_wait3A_1190 : memref<256x128xf32, #tpu.memory_space<vmem_shared>>)
          tpu.yield
        }) : () -> ()
      } else {
      }
      %add3A_1143 = arith.constant 1600 : i32
      %add3A_1144 = arith.addi %mul3A_0, %add3A_1143 : i32
      %add3A_1145 = arith.constant 160 : i32
      %add3A_1146 = arith.addi %add3A_1144, %add3A_1145 : i32
      %le3A_1147 = arith.constant 50000 : i32
      %le3A_1148 = arith.cmpi sle, %add3A_1146, %le3A_1147 : i32
      %convert_element_type3A_1149 = arith.extui %le3A_1148 : i1 to i32
      %cond3A_1150 = arith.constant 0 : i32
      %cond3A_1151 = arith.cmpi ne, %convert_element_type3A_1149, %cond3A_1150 : i32
      scf.if %cond3A_1151 {
        %add3A_1170 = arith.constant 1600 : i32
        %add3A_1171 = arith.addi %mul3A_0, %add3A_1170 : i32
        %add3A_1172 = arith.constant 80 : i32
        %add3A_1173 = arith.addi %add3A_1171, %add3A_1172 : i32
        "tpu.region"() ({
          %run_scoped3A_1174 = tpu.sem_alloc : memref<!tpu.dma_semaphore, #tpu.memory_space<semaphore_mem>>
          %dma_start3A = arith.constant 80 : i32
          %dma_start3A_1175 = arith.constant 0 : i32
          %dma_start3A_1176 = tpu.memref_slice %arg7[%dma_start3A, %dma_start3A_1175] : memref<320x128xf32, #tpu.memory_space<vmem>> -> memref<80x128xf32, #tpu.memory_space<vmem>>
          %dma_start3A_1177 = tpu.memref_slice %arg2[%add3A_1173, %mul3A_2] : memref<50000x256xf32, #tpu.memory_space<hbm>> -> memref<80x128xf32, #tpu.memory_space<hbm>>
          %dma_start3A_1178 = arith.constant 80 : i32
          %dma_start3A_1179 = arith.constant 0 : i32
          %dma_start3A_1180 = tpu.memref_slice %arg7[%dma_start3A_1178, %dma_start3A_1179] : memref<320x128xf32, #tpu.memory_space<vmem>> -> memref<80x128xf32, #tpu.memory_space<vmem>>
          %dma_start3A_1181 = tpu.memref_slice %arg2[%add3A_1173, %mul3A_2] : memref<50000x256xf32, #tpu.memory_space<hbm>> -> memref<80x128xf32, #tpu.memory_space<hbm>>
          tpu.enqueue_dma source(%dma_start3A_1181 : memref<80x128xf32, #tpu.memory_space<hbm>>) target(%dma_start3A_1180 : memref<80x128xf32, #tpu.memory_space<vmem>>) target_semaphore(%run_scoped3A_1174 : memref<!tpu.dma_semaphore, #tpu.memory_space<semaphore_mem>>)
          %dma_wait3A = arith.constant 80 : i32
          %dma_wait3A_1182 = arith.constant 0 : i32
          %dma_wait3A_1183 = tpu.memref_slice %arg7[%dma_wait3A, %dma_wait3A_1182] : memref<320x128xf32, #tpu.memory_space<vmem>> -> memref<80x128xf32, #tpu.memory_space<vmem>>
          %dma_wait3A_1184 = tpu.memref_slice %arg2[%add3A_1173, %mul3A_2] : memref<50000x256xf32, #tpu.memory_space<hbm>> -> memref<80x128xf32, #tpu.memory_space<hbm>>
          %dma_wait3A_1185 = arith.constant 80 : i32
          %dma_wait3A_1186 = arith.constant 0 : i32
          %dma_wait3A_1187 = tpu.memref_slice %arg7[%dma_wait3A_1185, %dma_wait3A_1186] : memref<320x128xf32, #tpu.memory_space<vmem>> -> memref<80x128xf32, #tpu.memory_space<vmem>>
          %dma_wait3A_1188 = tpu.memref_slice %arg2[%add3A_1173, %mul3A_2] : memref<50000x256xf32, #tpu.memory_space<hbm>> -> memref<80x128xf32, #tpu.memory_space<hbm>>
          tpu.wait_dma2 semaphore(%run_scoped3A_1174 : memref<!tpu.dma_semaphore, #tpu.memory_space<semaphore_mem>>) src(%dma_wait3A_1188 : memref<80x128xf32, #tpu.memory_space<hbm>>) dst(%dma_wait3A_1187 : memref<80x128xf32, #tpu.memory_space<vmem>>)
          tpu.yield
        }) : () -> ()
        %run_scoped3A = arith.constant 21 : i32
        "tpu.region"() ({
          %run_scoped3A_1174 = tpu.sem_alloc : memref<!tpu.dma_semaphore, #tpu.memory_space<semaphore_mem>>
          %dma_start3A = arith.constant 80 : i32
          %dma_start3A_1175 = arith.constant 0 : i32
          %dma_start3A_1176 = tpu.memref_slice %arg7[%dma_start3A, %dma_start3A_1175] : memref<320x128xf32, #tpu.memory_space<vmem>> -> memref<80x128xf32, #tpu.memory_space<vmem>>
          %dma_start3A_1177 = arith.constant 0 : i32
          %dma_start3A_1178 = tpu.memref_slice %arg5[%run_scoped3A, %dma_start3A_1177] : memref<40x80xi32, #tpu.memory_space<vmem>> -> memref<1x80xi32, #tpu.memory_space<vmem>>
          %dma_start3A_1179 = tpu.memref_squeeze %dma_start3A_1178 : memref<1x80xi32, #tpu.memory_space<vmem>> -> memref<80xi32, #tpu.memory_space<vmem>>
          %dma_start3A_1180 = arith.constant 0 : i32
          %dma_start3A_1181 = arith.constant 0 : i32
          %dma_start3A_1182 = tpu.memref_slice %arg12[%dma_start3A_1180, %dma_start3A_1181] : memref<256x128xf32, #tpu.memory_space<vmem_shared>> -> memref<256x128xf32, #tpu.memory_space<vmem_shared>>
          tpu.enqueue_indirect_dma source(%dma_start3A_1176 : memref<80x128xf32, #tpu.memory_space<vmem>>) target(%dma_start3A_1182 : memref<256x128xf32, #tpu.memory_space<vmem_shared>>) offsets(%dma_start3A_1179 : memref<80xi32, #tpu.memory_space<vmem>>) semaphore(%run_scoped3A_1174 : memref<!tpu.dma_semaphore, #tpu.memory_space<semaphore_mem>>) {add = true}
          %dma_wait3A = arith.constant 80 : i32
          %dma_wait3A_1183 = arith.constant 0 : i32
          %dma_wait3A_1184 = tpu.memref_slice %arg7[%dma_wait3A, %dma_wait3A_1183] : memref<320x128xf32, #tpu.memory_space<vmem>> -> memref<80x128xf32, #tpu.memory_space<vmem>>
          %dma_wait3A_1185 = arith.constant 0 : i32
          %dma_wait3A_1186 = tpu.memref_slice %arg5[%run_scoped3A, %dma_wait3A_1185] : memref<40x80xi32, #tpu.memory_space<vmem>> -> memref<1x80xi32, #tpu.memory_space<vmem>>
          %dma_wait3A_1187 = tpu.memref_squeeze %dma_wait3A_1186 : memref<1x80xi32, #tpu.memory_space<vmem>> -> memref<80xi32, #tpu.memory_space<vmem>>
          %dma_wait3A_1188 = arith.constant 0 : i32
          %dma_wait3A_1189 = arith.constant 0 : i32
          %dma_wait3A_1190 = tpu.memref_slice %arg12[%dma_wait3A_1188, %dma_wait3A_1189] : memref<256x128xf32, #tpu.memory_space<vmem_shared>> -> memref<256x128xf32, #tpu.memory_space<vmem_shared>>
          tpu.wait_indirect_dma semaphore(%run_scoped3A_1174 : memref<!tpu.dma_semaphore, #tpu.memory_space<semaphore_mem>>) src(%dma_wait3A_1184 : memref<80x128xf32, #tpu.memory_space<vmem>>) dst(%dma_wait3A_1190 : memref<256x128xf32, #tpu.memory_space<vmem_shared>>)
          tpu.yield
        }) : () -> ()
      } else {
      }
      %add3A_1152 = arith.constant 1600 : i32
      %add3A_1153 = arith.addi %mul3A_0, %add3A_1152 : i32
      %add3A_1154 = arith.constant 240 : i32
      %add3A_1155 = arith.addi %add3A_1153, %add3A_1154 : i32
      %le3A_1156 = arith.constant 50000 : i32
      %le3A_1157 = arith.cmpi sle, %add3A_1155, %le3A_1156 : i32
      %convert_element_type3A_1158 = arith.extui %le3A_1157 : i1 to i32
      %cond3A_1159 = arith.constant 0 : i32
      %cond3A_1160 = arith.cmpi ne, %convert_element_type3A_1158, %cond3A_1159 : i32
      scf.if %cond3A_1160 {
        %add3A_1170 = arith.constant 1600 : i32
        %add3A_1171 = arith.addi %mul3A_0, %add3A_1170 : i32
        %add3A_1172 = arith.constant 160 : i32
        %add3A_1173 = arith.addi %add3A_1171, %add3A_1172 : i32
        "tpu.region"() ({
          %run_scoped3A_1174 = tpu.sem_alloc : memref<!tpu.dma_semaphore, #tpu.memory_space<semaphore_mem>>
          %dma_start3A = arith.constant 160 : i32
          %dma_start3A_1175 = arith.constant 0 : i32
          %dma_start3A_1176 = tpu.memref_slice %arg7[%dma_start3A, %dma_start3A_1175] : memref<320x128xf32, #tpu.memory_space<vmem>> -> memref<80x128xf32, #tpu.memory_space<vmem>>
          %dma_start3A_1177 = tpu.memref_slice %arg2[%add3A_1173, %mul3A_2] : memref<50000x256xf32, #tpu.memory_space<hbm>> -> memref<80x128xf32, #tpu.memory_space<hbm>>
          %dma_start3A_1178 = arith.constant 160 : i32
          %dma_start3A_1179 = arith.constant 0 : i32
          %dma_start3A_1180 = tpu.memref_slice %arg7[%dma_start3A_1178, %dma_start3A_1179] : memref<320x128xf32, #tpu.memory_space<vmem>> -> memref<80x128xf32, #tpu.memory_space<vmem>>
          %dma_start3A_1181 = tpu.memref_slice %arg2[%add3A_1173, %mul3A_2] : memref<50000x256xf32, #tpu.memory_space<hbm>> -> memref<80x128xf32, #tpu.memory_space<hbm>>
          tpu.enqueue_dma source(%dma_start3A_1181 : memref<80x128xf32, #tpu.memory_space<hbm>>) target(%dma_start3A_1180 : memref<80x128xf32, #tpu.memory_space<vmem>>) target_semaphore(%run_scoped3A_1174 : memref<!tpu.dma_semaphore, #tpu.memory_space<semaphore_mem>>)
          %dma_wait3A = arith.constant 160 : i32
          %dma_wait3A_1182 = arith.constant 0 : i32
          %dma_wait3A_1183 = tpu.memref_slice %arg7[%dma_wait3A, %dma_wait3A_1182] : memref<320x128xf32, #tpu.memory_space<vmem>> -> memref<80x128xf32, #tpu.memory_space<vmem>>
          %dma_wait3A_1184 = tpu.memref_slice %arg2[%add3A_1173, %mul3A_2] : memref<50000x256xf32, #tpu.memory_space<hbm>> -> memref<80x128xf32, #tpu.memory_space<hbm>>
          %dma_wait3A_1185 = arith.constant 160 : i32
          %dma_wait3A_1186 = arith.constant 0 : i32
          %dma_wait3A_1187 = tpu.memref_slice %arg7[%dma_wait3A_1185, %dma_wait3A_1186] : memref<320x128xf32, #tpu.memory_space<vmem>> -> memref<80x128xf32, #tpu.memory_space<vmem>>
          %dma_wait3A_1188 = tpu.memref_slice %arg2[%add3A_1173, %mul3A_2] : memref<50000x256xf32, #tpu.memory_space<hbm>> -> memref<80x128xf32, #tpu.memory_space<hbm>>
          tpu.wait_dma2 semaphore(%run_scoped3A_1174 : memref<!tpu.dma_semaphore, #tpu.memory_space<semaphore_mem>>) src(%dma_wait3A_1188 : memref<80x128xf32, #tpu.memory_space<hbm>>) dst(%dma_wait3A_1187 : memref<80x128xf32, #tpu.memory_space<vmem>>)
          tpu.yield
        }) : () -> ()
        %run_scoped3A = arith.constant 22 : i32
        "tpu.region"() ({
          %run_scoped3A_1174 = tpu.sem_alloc : memref<!tpu.dma_semaphore, #tpu.memory_space<semaphore_mem>>
          %dma_start3A = arith.constant 160 : i32
          %dma_start3A_1175 = arith.constant 0 : i32
          %dma_start3A_1176 = tpu.memref_slice %arg7[%dma_start3A, %dma_start3A_1175] : memref<320x128xf32, #tpu.memory_space<vmem>> -> memref<80x128xf32, #tpu.memory_space<vmem>>
          %dma_start3A_1177 = arith.constant 0 : i32
          %dma_start3A_1178 = tpu.memref_slice %arg5[%run_scoped3A, %dma_start3A_1177] : memref<40x80xi32, #tpu.memory_space<vmem>> -> memref<1x80xi32, #tpu.memory_space<vmem>>
          %dma_start3A_1179 = tpu.memref_squeeze %dma_start3A_1178 : memref<1x80xi32, #tpu.memory_space<vmem>> -> memref<80xi32, #tpu.memory_space<vmem>>
          %dma_start3A_1180 = arith.constant 0 : i32
          %dma_start3A_1181 = arith.constant 0 : i32
          %dma_start3A_1182 = tpu.memref_slice %arg12[%dma_start3A_1180, %dma_start3A_1181] : memref<256x128xf32, #tpu.memory_space<vmem_shared>> -> memref<256x128xf32, #tpu.memory_space<vmem_shared>>
          tpu.enqueue_indirect_dma source(%dma_start3A_1176 : memref<80x128xf32, #tpu.memory_space<vmem>>) target(%dma_start3A_1182 : memref<256x128xf32, #tpu.memory_space<vmem_shared>>) offsets(%dma_start3A_1179 : memref<80xi32, #tpu.memory_space<vmem>>) semaphore(%run_scoped3A_1174 : memref<!tpu.dma_semaphore, #tpu.memory_space<semaphore_mem>>) {add = true}
          %dma_wait3A = arith.constant 160 : i32
          %dma_wait3A_1183 = arith.constant 0 : i32
          %dma_wait3A_1184 = tpu.memref_slice %arg7[%dma_wait3A, %dma_wait3A_1183] : memref<320x128xf32, #tpu.memory_space<vmem>> -> memref<80x128xf32, #tpu.memory_space<vmem>>
          %dma_wait3A_1185 = arith.constant 0 : i32
          %dma_wait3A_1186 = tpu.memref_slice %arg5[%run_scoped3A, %dma_wait3A_1185] : memref<40x80xi32, #tpu.memory_space<vmem>> -> memref<1x80xi32, #tpu.memory_space<vmem>>
          %dma_wait3A_1187 = tpu.memref_squeeze %dma_wait3A_1186 : memref<1x80xi32, #tpu.memory_space<vmem>> -> memref<80xi32, #tpu.memory_space<vmem>>
          %dma_wait3A_1188 = arith.constant 0 : i32
          %dma_wait3A_1189 = arith.constant 0 : i32
          %dma_wait3A_1190 = tpu.memref_slice %arg12[%dma_wait3A_1188, %dma_wait3A_1189] : memref<256x128xf32, #tpu.memory_space<vmem_shared>> -> memref<256x128xf32, #tpu.memory_space<vmem_shared>>
          tpu.wait_indirect_dma semaphore(%run_scoped3A_1174 : memref<!tpu.dma_semaphore, #tpu.memory_space<semaphore_mem>>) src(%dma_wait3A_1184 : memref<80x128xf32, #tpu.memory_space<vmem>>) dst(%dma_wait3A_1190 : memref<256x128xf32, #tpu.memory_space<vmem_shared>>)
          tpu.yield
        }) : () -> ()
      } else {
      }
      %add3A_1161 = arith.constant 1600 : i32
      %add3A_1162 = arith.addi %mul3A_0, %add3A_1161 : i32
      %add3A_1163 = arith.constant 320 : i32
      %add3A_1164 = arith.addi %add3A_1162, %add3A_1163 : i32
      %le3A_1165 = arith.constant 50000 : i32
      %le3A_1166 = arith.cmpi sle, %add3A_1164, %le3A_1165 : i32
      %convert_element_type3A_1167 = arith.extui %le3A_1166 : i1 to i32
      %cond3A_1168 = arith.constant 0 : i32
      %cond3A_1169 = arith.cmpi ne, %convert_element_type3A_1167, %cond3A_1168 : i32
      scf.if %cond3A_1169 {
        %add3A_1170 = arith.constant 1600 : i32
        %add3A_1171 = arith.addi %mul3A_0, %add3A_1170 : i32
        %add3A_1172 = arith.constant 240 : i32
        %add3A_1173 = arith.addi %add3A_1171, %add3A_1172 : i32
        "tpu.region"() ({
          %run_scoped3A_1174 = tpu.sem_alloc : memref<!tpu.dma_semaphore, #tpu.memory_space<semaphore_mem>>
          %dma_start3A = arith.constant 240 : i32
          %dma_start3A_1175 = arith.constant 0 : i32
          %dma_start3A_1176 = tpu.memref_slice %arg7[%dma_start3A, %dma_start3A_1175] : memref<320x128xf32, #tpu.memory_space<vmem>> -> memref<80x128xf32, #tpu.memory_space<vmem>>
          %dma_start3A_1177 = tpu.memref_slice %arg2[%add3A_1173, %mul3A_2] : memref<50000x256xf32, #tpu.memory_space<hbm>> -> memref<80x128xf32, #tpu.memory_space<hbm>>
          %dma_start3A_1178 = arith.constant 240 : i32
          %dma_start3A_1179 = arith.constant 0 : i32
          %dma_start3A_1180 = tpu.memref_slice %arg7[%dma_start3A_1178, %dma_start3A_1179] : memref<320x128xf32, #tpu.memory_space<vmem>> -> memref<80x128xf32, #tpu.memory_space<vmem>>
          %dma_start3A_1181 = tpu.memref_slice %arg2[%add3A_1173, %mul3A_2] : memref<50000x256xf32, #tpu.memory_space<hbm>> -> memref<80x128xf32, #tpu.memory_space<hbm>>
          tpu.enqueue_dma source(%dma_start3A_1181 : memref<80x128xf32, #tpu.memory_space<hbm>>) target(%dma_start3A_1180 : memref<80x128xf32, #tpu.memory_space<vmem>>) target_semaphore(%run_scoped3A_1174 : memref<!tpu.dma_semaphore, #tpu.memory_space<semaphore_mem>>)
          %dma_wait3A = arith.constant 240 : i32
          %dma_wait3A_1182 = arith.constant 0 : i32
          %dma_wait3A_1183 = tpu.memref_slice %arg7[%dma_wait3A, %dma_wait3A_1182] : memref<320x128xf32, #tpu.memory_space<vmem>> -> memref<80x128xf32, #tpu.memory_space<vmem>>
          %dma_wait3A_1184 = tpu.memref_slice %arg2[%add3A_1173, %mul3A_2] : memref<50000x256xf32, #tpu.memory_space<hbm>> -> memref<80x128xf32, #tpu.memory_space<hbm>>
          %dma_wait3A_1185 = arith.constant 240 : i32
          %dma_wait3A_1186 = arith.constant 0 : i32
          %dma_wait3A_1187 = tpu.memref_slice %arg7[%dma_wait3A_1185, %dma_wait3A_1186] : memref<320x128xf32, #tpu.memory_space<vmem>> -> memref<80x128xf32, #tpu.memory_space<vmem>>
          %dma_wait3A_1188 = tpu.memref_slice %arg2[%add3A_1173, %mul3A_2] : memref<50000x256xf32, #tpu.memory_space<hbm>> -> memref<80x128xf32, #tpu.memory_space<hbm>>
          tpu.wait_dma2 semaphore(%run_scoped3A_1174 : memref<!tpu.dma_semaphore, #tpu.memory_space<semaphore_mem>>) src(%dma_wait3A_1188 : memref<80x128xf32, #tpu.memory_space<hbm>>) dst(%dma_wait3A_1187 : memref<80x128xf32, #tpu.memory_space<vmem>>)
          tpu.yield
        }) : () -> ()
        %run_scoped3A = arith.constant 23 : i32
        "tpu.region"() ({
          %run_scoped3A_1174 = tpu.sem_alloc : memref<!tpu.dma_semaphore, #tpu.memory_space<semaphore_mem>>
          %dma_start3A = arith.constant 240 : i32
          %dma_start3A_1175 = arith.constant 0 : i32
          %dma_start3A_1176 = tpu.memref_slice %arg7[%dma_start3A, %dma_start3A_1175] : memref<320x128xf32, #tpu.memory_space<vmem>> -> memref<80x128xf32, #tpu.memory_space<vmem>>
          %dma_start3A_1177 = arith.constant 0 : i32
          %dma_start3A_1178 = tpu.memref_slice %arg5[%run_scoped3A, %dma_start3A_1177] : memref<40x80xi32, #tpu.memory_space<vmem>> -> memref<1x80xi32, #tpu.memory_space<vmem>>
          %dma_start3A_1179 = tpu.memref_squeeze %dma_start3A_1178 : memref<1x80xi32, #tpu.memory_space<vmem>> -> memref<80xi32, #tpu.memory_space<vmem>>
          %dma_start3A_1180 = arith.constant 0 : i32
          %dma_start3A_1181 = arith.constant 0 : i32
          %dma_start3A_1182 = tpu.memref_slice %arg12[%dma_start3A_1180, %dma_start3A_1181] : memref<256x128xf32, #tpu.memory_space<vmem_shared>> -> memref<256x128xf32, #tpu.memory_space<vmem_shared>>
          tpu.enqueue_indirect_dma source(%dma_start3A_1176 : memref<80x128xf32, #tpu.memory_space<vmem>>) target(%dma_start3A_1182 : memref<256x128xf32, #tpu.memory_space<vmem_shared>>) offsets(%dma_start3A_1179 : memref<80xi32, #tpu.memory_space<vmem>>) semaphore(%run_scoped3A_1174 : memref<!tpu.dma_semaphore, #tpu.memory_space<semaphore_mem>>) {add = true}
          %dma_wait3A = arith.constant 240 : i32
          %dma_wait3A_1183 = arith.constant 0 : i32
          %dma_wait3A_1184 = tpu.memref_slice %arg7[%dma_wait3A, %dma_wait3A_1183] : memref<320x128xf32, #tpu.memory_space<vmem>> -> memref<80x128xf32, #tpu.memory_space<vmem>>
          %dma_wait3A_1185 = arith.constant 0 : i32
          %dma_wait3A_1186 = tpu.memref_slice %arg5[%run_scoped3A, %dma_wait3A_1185] : memref<40x80xi32, #tpu.memory_space<vmem>> -> memref<1x80xi32, #tpu.memory_space<vmem>>
          %dma_wait3A_1187 = tpu.memref_squeeze %dma_wait3A_1186 : memref<1x80xi32, #tpu.memory_space<vmem>> -> memref<80xi32, #tpu.memory_space<vmem>>
          %dma_wait3A_1188 = arith.constant 0 : i32
          %dma_wait3A_1189 = arith.constant 0 : i32
          %dma_wait3A_1190 = tpu.memref_slice %arg12[%dma_wait3A_1188, %dma_wait3A_1189] : memref<256x128xf32, #tpu.memory_space<vmem_shared>> -> memref<256x128xf32, #tpu.memory_space<vmem_shared>>
          tpu.wait_indirect_dma semaphore(%run_scoped3A_1174 : memref<!tpu.dma_semaphore, #tpu.memory_space<semaphore_mem>>) src(%dma_wait3A_1184 : memref<80x128xf32, #tpu.memory_space<vmem>>) dst(%dma_wait3A_1190 : memref<256x128xf32, #tpu.memory_space<vmem_shared>>)
          tpu.yield
        }) : () -> ()
      } else {
      }
    } else {
    }
    %add3A_994 = arith.constant 2240 : i32
    %add3A_995 = arith.addi %mul3A_0, %add3A_994 : i32
    %add3A_996 = arith.constant 320 : i32
    %add3A_997 = arith.addi %add3A_995, %add3A_996 : i32
    %le3A_998 = arith.constant 50000 : i32
    %le3A_999 = arith.cmpi sle, %add3A_997, %le3A_998 : i32
    %convert_element_type3A_1000 = arith.extui %le3A_999 : i1 to i32
    %cond3A_1001 = arith.constant 0 : i32
    %cond3A_1002 = arith.cmpi ne, %convert_element_type3A_1000, %cond3A_1001 : i32
    scf.if %cond3A_1002 {
      %add3A_1134 = arith.constant 2240 : i32
      %add3A_1135 = arith.addi %mul3A_0, %add3A_1134 : i32
      %dma_start3A = tpu.memref_slice %arg2[%add3A_1135, %mul3A_2] : memref<50000x256xf32, #tpu.memory_space<hbm>> -> memref<320x128xf32, #tpu.memory_space<hbm>>
      %dma_start3A_1136 = tpu.memref_slice %arg2[%add3A_1135, %mul3A_2] : memref<50000x256xf32, #tpu.memory_space<hbm>> -> memref<320x128xf32, #tpu.memory_space<hbm>>
      tpu.enqueue_dma source(%dma_start3A_1136 : memref<320x128xf32, #tpu.memory_space<hbm>>) target(%arg7 : memref<320x128xf32, #tpu.memory_space<vmem>>) target_semaphore(%arg10 : memref<!tpu.dma_semaphore, #tpu.memory_space<semaphore_mem>>)
    } else {
    }
    %add3A_1003 = arith.constant 1920 : i32
    %add3A_1004 = arith.addi %mul3A_0, %add3A_1003 : i32
    %add3A_1005 = arith.constant 320 : i32
    %add3A_1006 = arith.addi %add3A_1004, %add3A_1005 : i32
    %le3A_1007 = arith.constant 50000 : i32
    %le3A_1008 = arith.cmpi sle, %add3A_1006, %le3A_1007 : i32
    %convert_element_type3A_1009 = arith.extui %le3A_1008 : i1 to i32
    %cond3A_1010 = arith.constant 0 : i32
    %cond3A_1011 = arith.cmpi ne, %convert_element_type3A_1009, %cond3A_1010 : i32
    scf.if %cond3A_1011 {
      %add3A_1134 = arith.constant 1920 : i32
      %add3A_1135 = arith.addi %mul3A_0, %add3A_1134 : i32
      %dma_wait3A = tpu.memref_slice %arg2[%add3A_1135, %mul3A_2] : memref<50000x256xf32, #tpu.memory_space<hbm>> -> memref<320x128xf32, #tpu.memory_space<hbm>>
      %dma_wait3A_1136 = tpu.memref_slice %arg2[%add3A_1135, %mul3A_2] : memref<50000x256xf32, #tpu.memory_space<hbm>> -> memref<320x128xf32, #tpu.memory_space<hbm>>
      tpu.wait_dma2 semaphore(%arg9 : memref<!tpu.dma_semaphore, #tpu.memory_space<semaphore_mem>>) src(%dma_wait3A_1136 : memref<320x128xf32, #tpu.memory_space<hbm>>) dst(%arg6 : memref<320x128xf32, #tpu.memory_space<vmem>>)
      %dma_start3A = arith.constant 24 : i32
      %dma_start3A_1137 = arith.constant 0 : i32
      %dma_start3A_1138 = arith.constant 0 : i32
      %dma_start3A_1139 = tpu.memref_slice %arg6[%dma_start3A_1137, %dma_start3A_1138] : memref<320x128xf32, #tpu.memory_space<vmem>> -> memref<80x128xf32, #tpu.memory_space<vmem>>
      %dma_start3A_1140 = arith.constant 0 : i32
      %dma_start3A_1141 = tpu.memref_slice %arg5[%dma_start3A, %dma_start3A_1140] : memref<40x80xi32, #tpu.memory_space<vmem>> -> memref<1x80xi32, #tpu.memory_space<vmem>>
      %dma_start3A_1142 = tpu.memref_squeeze %dma_start3A_1141 : memref<1x80xi32, #tpu.memory_space<vmem>> -> memref<80xi32, #tpu.memory_space<vmem>>
      %dma_start3A_1143 = arith.constant 0 : i32
      %dma_start3A_1144 = arith.constant 0 : i32
      %dma_start3A_1145 = tpu.memref_slice %arg12[%dma_start3A_1143, %dma_start3A_1144] : memref<256x128xf32, #tpu.memory_space<vmem_shared>> -> memref<256x128xf32, #tpu.memory_space<vmem_shared>>
      tpu.enqueue_indirect_dma source(%dma_start3A_1139 : memref<80x128xf32, #tpu.memory_space<vmem>>) target(%dma_start3A_1145 : memref<256x128xf32, #tpu.memory_space<vmem_shared>>) offsets(%dma_start3A_1142 : memref<80xi32, #tpu.memory_space<vmem>>) semaphore(%arg11 : memref<!tpu.dma_semaphore, #tpu.memory_space<semaphore_mem>>) {add = true}
      %dma_start3A_1146 = arith.constant 25 : i32
      %dma_start3A_1147 = arith.constant 80 : i32
      %dma_start3A_1148 = arith.constant 0 : i32
      %dma_start3A_1149 = tpu.memref_slice %arg6[%dma_start3A_1147, %dma_start3A_1148] : memref<320x128xf32, #tpu.memory_space<vmem>> -> memref<80x128xf32, #tpu.memory_space<vmem>>
      %dma_start3A_1150 = arith.constant 0 : i32
      %dma_start3A_1151 = tpu.memref_slice %arg5[%dma_start3A_1146, %dma_start3A_1150] : memref<40x80xi32, #tpu.memory_space<vmem>> -> memref<1x80xi32, #tpu.memory_space<vmem>>
      %dma_start3A_1152 = tpu.memref_squeeze %dma_start3A_1151 : memref<1x80xi32, #tpu.memory_space<vmem>> -> memref<80xi32, #tpu.memory_space<vmem>>
      %dma_start3A_1153 = arith.constant 0 : i32
      %dma_start3A_1154 = arith.constant 0 : i32
      %dma_start3A_1155 = tpu.memref_slice %arg12[%dma_start3A_1153, %dma_start3A_1154] : memref<256x128xf32, #tpu.memory_space<vmem_shared>> -> memref<256x128xf32, #tpu.memory_space<vmem_shared>>
      tpu.enqueue_indirect_dma source(%dma_start3A_1149 : memref<80x128xf32, #tpu.memory_space<vmem>>) target(%dma_start3A_1155 : memref<256x128xf32, #tpu.memory_space<vmem_shared>>) offsets(%dma_start3A_1152 : memref<80xi32, #tpu.memory_space<vmem>>) semaphore(%arg11 : memref<!tpu.dma_semaphore, #tpu.memory_space<semaphore_mem>>) {add = true}
      %dma_start3A_1156 = arith.constant 26 : i32
      %dma_start3A_1157 = arith.constant 160 : i32
      %dma_start3A_1158 = arith.constant 0 : i32
      %dma_start3A_1159 = tpu.memref_slice %arg6[%dma_start3A_1157, %dma_start3A_1158] : memref<320x128xf32, #tpu.memory_space<vmem>> -> memref<80x128xf32, #tpu.memory_space<vmem>>
      %dma_start3A_1160 = arith.constant 0 : i32
      %dma_start3A_1161 = tpu.memref_slice %arg5[%dma_start3A_1156, %dma_start3A_1160] : memref<40x80xi32, #tpu.memory_space<vmem>> -> memref<1x80xi32, #tpu.memory_space<vmem>>
      %dma_start3A_1162 = tpu.memref_squeeze %dma_start3A_1161 : memref<1x80xi32, #tpu.memory_space<vmem>> -> memref<80xi32, #tpu.memory_space<vmem>>
      %dma_start3A_1163 = arith.constant 0 : i32
      %dma_start3A_1164 = arith.constant 0 : i32
      %dma_start3A_1165 = tpu.memref_slice %arg12[%dma_start3A_1163, %dma_start3A_1164] : memref<256x128xf32, #tpu.memory_space<vmem_shared>> -> memref<256x128xf32, #tpu.memory_space<vmem_shared>>
      tpu.enqueue_indirect_dma source(%dma_start3A_1159 : memref<80x128xf32, #tpu.memory_space<vmem>>) target(%dma_start3A_1165 : memref<256x128xf32, #tpu.memory_space<vmem_shared>>) offsets(%dma_start3A_1162 : memref<80xi32, #tpu.memory_space<vmem>>) semaphore(%arg11 : memref<!tpu.dma_semaphore, #tpu.memory_space<semaphore_mem>>) {add = true}
      %dma_start3A_1166 = arith.constant 27 : i32
      %dma_start3A_1167 = arith.constant 240 : i32
      %dma_start3A_1168 = arith.constant 0 : i32
      %dma_start3A_1169 = tpu.memref_slice %arg6[%dma_start3A_1167, %dma_start3A_1168] : memref<320x128xf32, #tpu.memory_space<vmem>> -> memref<80x128xf32, #tpu.memory_space<vmem>>
      %dma_start3A_1170 = arith.constant 0 : i32
      %dma_start3A_1171 = tpu.memref_slice %arg5[%dma_start3A_1166, %dma_start3A_1170] : memref<40x80xi32, #tpu.memory_space<vmem>> -> memref<1x80xi32, #tpu.memory_space<vmem>>
      %dma_start3A_1172 = tpu.memref_squeeze %dma_start3A_1171 : memref<1x80xi32, #tpu.memory_space<vmem>> -> memref<80xi32, #tpu.memory_space<vmem>>
      %dma_start3A_1173 = arith.constant 0 : i32
      %dma_start3A_1174 = arith.constant 0 : i32
      %dma_start3A_1175 = tpu.memref_slice %arg12[%dma_start3A_1173, %dma_start3A_1174] : memref<256x128xf32, #tpu.memory_space<vmem_shared>> -> memref<256x128xf32, #tpu.memory_space<vmem_shared>>
      tpu.enqueue_indirect_dma source(%dma_start3A_1169 : memref<80x128xf32, #tpu.memory_space<vmem>>) target(%dma_start3A_1175 : memref<256x128xf32, #tpu.memory_space<vmem_shared>>) offsets(%dma_start3A_1172 : memref<80xi32, #tpu.memory_space<vmem>>) semaphore(%arg11 : memref<!tpu.dma_semaphore, #tpu.memory_space<semaphore_mem>>) {add = true}
      %dma_wait3A_1176 = arith.constant 24 : i32
      %dma_wait3A_1177 = arith.constant 0 : i32
      %dma_wait3A_1178 = arith.constant 0 : i32
      %dma_wait3A_1179 = tpu.memref_slice %arg6[%dma_wait3A_1177, %dma_wait3A_1178] : memref<320x128xf32, #tpu.memory_space<vmem>> -> memref<80x128xf32, #tpu.memory_space<vmem>>
      %dma_wait3A_1180 = arith.constant 0 : i32
      %dma_wait3A_1181 = tpu.memref_slice %arg5[%dma_wait3A_1176, %dma_wait3A_1180] : memref<40x80xi32, #tpu.memory_space<vmem>> -> memref<1x80xi32, #tpu.memory_space<vmem>>
      %dma_wait3A_1182 = tpu.memref_squeeze %dma_wait3A_1181 : memref<1x80xi32, #tpu.memory_space<vmem>> -> memref<80xi32, #tpu.memory_space<vmem>>
      %dma_wait3A_1183 = arith.constant 0 : i32
      %dma_wait3A_1184 = arith.constant 0 : i32
      %dma_wait3A_1185 = tpu.memref_slice %arg12[%dma_wait3A_1183, %dma_wait3A_1184] : memref<256x128xf32, #tpu.memory_space<vmem_shared>> -> memref<256x128xf32, #tpu.memory_space<vmem_shared>>
      tpu.wait_indirect_dma semaphore(%arg11 : memref<!tpu.dma_semaphore, #tpu.memory_space<semaphore_mem>>) src(%dma_wait3A_1179 : memref<80x128xf32, #tpu.memory_space<vmem>>) dst(%dma_wait3A_1185 : memref<256x128xf32, #tpu.memory_space<vmem_shared>>)
      %dma_wait3A_1186 = arith.constant 25 : i32
      %dma_wait3A_1187 = arith.constant 80 : i32
      %dma_wait3A_1188 = arith.constant 0 : i32
      %dma_wait3A_1189 = tpu.memref_slice %arg6[%dma_wait3A_1187, %dma_wait3A_1188] : memref<320x128xf32, #tpu.memory_space<vmem>> -> memref<80x128xf32, #tpu.memory_space<vmem>>
      %dma_wait3A_1190 = arith.constant 0 : i32
      %dma_wait3A_1191 = tpu.memref_slice %arg5[%dma_wait3A_1186, %dma_wait3A_1190] : memref<40x80xi32, #tpu.memory_space<vmem>> -> memref<1x80xi32, #tpu.memory_space<vmem>>
      %dma_wait3A_1192 = tpu.memref_squeeze %dma_wait3A_1191 : memref<1x80xi32, #tpu.memory_space<vmem>> -> memref<80xi32, #tpu.memory_space<vmem>>
      %dma_wait3A_1193 = arith.constant 0 : i32
      %dma_wait3A_1194 = arith.constant 0 : i32
      %dma_wait3A_1195 = tpu.memref_slice %arg12[%dma_wait3A_1193, %dma_wait3A_1194] : memref<256x128xf32, #tpu.memory_space<vmem_shared>> -> memref<256x128xf32, #tpu.memory_space<vmem_shared>>
      tpu.wait_indirect_dma semaphore(%arg11 : memref<!tpu.dma_semaphore, #tpu.memory_space<semaphore_mem>>) src(%dma_wait3A_1189 : memref<80x128xf32, #tpu.memory_space<vmem>>) dst(%dma_wait3A_1195 : memref<256x128xf32, #tpu.memory_space<vmem_shared>>)
      %dma_wait3A_1196 = arith.constant 26 : i32
      %dma_wait3A_1197 = arith.constant 160 : i32
      %dma_wait3A_1198 = arith.constant 0 : i32
      %dma_wait3A_1199 = tpu.memref_slice %arg6[%dma_wait3A_1197, %dma_wait3A_1198] : memref<320x128xf32, #tpu.memory_space<vmem>> -> memref<80x128xf32, #tpu.memory_space<vmem>>
      %dma_wait3A_1200 = arith.constant 0 : i32
      %dma_wait3A_1201 = tpu.memref_slice %arg5[%dma_wait3A_1196, %dma_wait3A_1200] : memref<40x80xi32, #tpu.memory_space<vmem>> -> memref<1x80xi32, #tpu.memory_space<vmem>>
      %dma_wait3A_1202 = tpu.memref_squeeze %dma_wait3A_1201 : memref<1x80xi32, #tpu.memory_space<vmem>> -> memref<80xi32, #tpu.memory_space<vmem>>
      %dma_wait3A_1203 = arith.constant 0 : i32
      %dma_wait3A_1204 = arith.constant 0 : i32
      %dma_wait3A_1205 = tpu.memref_slice %arg12[%dma_wait3A_1203, %dma_wait3A_1204] : memref<256x128xf32, #tpu.memory_space<vmem_shared>> -> memref<256x128xf32, #tpu.memory_space<vmem_shared>>
      tpu.wait_indirect_dma semaphore(%arg11 : memref<!tpu.dma_semaphore, #tpu.memory_space<semaphore_mem>>) src(%dma_wait3A_1199 : memref<80x128xf32, #tpu.memory_space<vmem>>) dst(%dma_wait3A_1205 : memref<256x128xf32, #tpu.memory_space<vmem_shared>>)
      %dma_wait3A_1206 = arith.constant 27 : i32
      %dma_wait3A_1207 = arith.constant 240 : i32
      %dma_wait3A_1208 = arith.constant 0 : i32
      %dma_wait3A_1209 = tpu.memref_slice %arg6[%dma_wait3A_1207, %dma_wait3A_1208] : memref<320x128xf32, #tpu.memory_space<vmem>> -> memref<80x128xf32, #tpu.memory_space<vmem>>
      %dma_wait3A_1210 = arith.constant 0 : i32
      %dma_wait3A_1211 = tpu.memref_slice %arg5[%dma_wait3A_1206, %dma_wait3A_1210] : memref<40x80xi32, #tpu.memory_space<vmem>> -> memref<1x80xi32, #tpu.memory_space<vmem>>
      %dma_wait3A_1212 = tpu.memref_squeeze %dma_wait3A_1211 : memref<1x80xi32, #tpu.memory_space<vmem>> -> memref<80xi32, #tpu.memory_space<vmem>>
      %dma_wait3A_1213 = arith.constant 0 : i32
      %dma_wait3A_1214 = arith.constant 0 : i32
      %dma_wait3A_1215 = tpu.memref_slice %arg12[%dma_wait3A_1213, %dma_wait3A_1214] : memref<256x128xf32, #tpu.memory_space<vmem_shared>> -> memref<256x128xf32, #tpu.memory_space<vmem_shared>>
      tpu.wait_indirect_dma semaphore(%arg11 : memref<!tpu.dma_semaphore, #tpu.memory_space<semaphore_mem>>) src(%dma_wait3A_1209 : memref<80x128xf32, #tpu.memory_space<vmem>>) dst(%dma_wait3A_1215 : memref<256x128xf32, #tpu.memory_space<vmem_shared>>)
    } else {
    }
    %add3A_1012 = arith.constant 1920 : i32
    %add3A_1013 = arith.addi %mul3A_0, %add3A_1012 : i32
    %add3A_1014 = arith.constant 320 : i32
    %add3A_1015 = arith.addi %add3A_1013, %add3A_1014 : i32
    %le3A_1016 = arith.constant 50000 : i32
    %le3A_1017 = arith.cmpi sle, %add3A_1015, %le3A_1016 : i32
    %not3A_1018 = arith.constant true
    %not3A_1019 = arith.xori %le3A_1017, %not3A_1018 : i1
    %add3A_1020 = arith.constant 1920 : i32
    %add3A_1021 = arith.addi %mul3A_0, %add3A_1020 : i32
    %add3A_1022 = arith.constant 80 : i32
    %add3A_1023 = arith.addi %add3A_1021, %add3A_1022 : i32
    %le3A_1024 = arith.constant 50000 : i32
    %le3A_1025 = arith.cmpi sle, %add3A_1023, %le3A_1024 : i32
    %and3A_1026 = arith.andi %not3A_1019, %le3A_1025 : i1
    %convert_element_type3A_1027 = arith.extui %and3A_1026 : i1 to i32
    %cond3A_1028 = arith.constant 0 : i32
    %cond3A_1029 = arith.cmpi ne, %convert_element_type3A_1027, %cond3A_1028 : i32
    scf.if %cond3A_1029 {
      %add3A_1134 = arith.constant 1920 : i32
      %add3A_1135 = arith.addi %mul3A_0, %add3A_1134 : i32
      %add3A_1136 = arith.constant 80 : i32
      %add3A_1137 = arith.addi %add3A_1135, %add3A_1136 : i32
      %le3A_1138 = arith.constant 50000 : i32
      %le3A_1139 = arith.cmpi sle, %add3A_1137, %le3A_1138 : i32
      %convert_element_type3A_1140 = arith.extui %le3A_1139 : i1 to i32
      %cond3A_1141 = arith.constant 0 : i32
      %cond3A_1142 = arith.cmpi ne, %convert_element_type3A_1140, %cond3A_1141 : i32
      scf.if %cond3A_1142 {
        %add3A_1170 = arith.constant 1920 : i32
        %add3A_1171 = arith.addi %mul3A_0, %add3A_1170 : i32
        %add3A_1172 = arith.constant 0 : i32
        %add3A_1173 = arith.addi %add3A_1171, %add3A_1172 : i32
        "tpu.region"() ({
          %run_scoped3A_1174 = tpu.sem_alloc : memref<!tpu.dma_semaphore, #tpu.memory_space<semaphore_mem>>
          %dma_start3A = arith.constant 0 : i32
          %dma_start3A_1175 = arith.constant 0 : i32
          %dma_start3A_1176 = tpu.memref_slice %arg6[%dma_start3A, %dma_start3A_1175] : memref<320x128xf32, #tpu.memory_space<vmem>> -> memref<80x128xf32, #tpu.memory_space<vmem>>
          %dma_start3A_1177 = tpu.memref_slice %arg2[%add3A_1173, %mul3A_2] : memref<50000x256xf32, #tpu.memory_space<hbm>> -> memref<80x128xf32, #tpu.memory_space<hbm>>
          %dma_start3A_1178 = arith.constant 0 : i32
          %dma_start3A_1179 = arith.constant 0 : i32
          %dma_start3A_1180 = tpu.memref_slice %arg6[%dma_start3A_1178, %dma_start3A_1179] : memref<320x128xf32, #tpu.memory_space<vmem>> -> memref<80x128xf32, #tpu.memory_space<vmem>>
          %dma_start3A_1181 = tpu.memref_slice %arg2[%add3A_1173, %mul3A_2] : memref<50000x256xf32, #tpu.memory_space<hbm>> -> memref<80x128xf32, #tpu.memory_space<hbm>>
          tpu.enqueue_dma source(%dma_start3A_1181 : memref<80x128xf32, #tpu.memory_space<hbm>>) target(%dma_start3A_1180 : memref<80x128xf32, #tpu.memory_space<vmem>>) target_semaphore(%run_scoped3A_1174 : memref<!tpu.dma_semaphore, #tpu.memory_space<semaphore_mem>>)
          %dma_wait3A = arith.constant 0 : i32
          %dma_wait3A_1182 = arith.constant 0 : i32
          %dma_wait3A_1183 = tpu.memref_slice %arg6[%dma_wait3A, %dma_wait3A_1182] : memref<320x128xf32, #tpu.memory_space<vmem>> -> memref<80x128xf32, #tpu.memory_space<vmem>>
          %dma_wait3A_1184 = tpu.memref_slice %arg2[%add3A_1173, %mul3A_2] : memref<50000x256xf32, #tpu.memory_space<hbm>> -> memref<80x128xf32, #tpu.memory_space<hbm>>
          %dma_wait3A_1185 = arith.constant 0 : i32
          %dma_wait3A_1186 = arith.constant 0 : i32
          %dma_wait3A_1187 = tpu.memref_slice %arg6[%dma_wait3A_1185, %dma_wait3A_1186] : memref<320x128xf32, #tpu.memory_space<vmem>> -> memref<80x128xf32, #tpu.memory_space<vmem>>
          %dma_wait3A_1188 = tpu.memref_slice %arg2[%add3A_1173, %mul3A_2] : memref<50000x256xf32, #tpu.memory_space<hbm>> -> memref<80x128xf32, #tpu.memory_space<hbm>>
          tpu.wait_dma2 semaphore(%run_scoped3A_1174 : memref<!tpu.dma_semaphore, #tpu.memory_space<semaphore_mem>>) src(%dma_wait3A_1188 : memref<80x128xf32, #tpu.memory_space<hbm>>) dst(%dma_wait3A_1187 : memref<80x128xf32, #tpu.memory_space<vmem>>)
          tpu.yield
        }) : () -> ()
        %run_scoped3A = arith.constant 24 : i32
        "tpu.region"() ({
          %run_scoped3A_1174 = tpu.sem_alloc : memref<!tpu.dma_semaphore, #tpu.memory_space<semaphore_mem>>
          %dma_start3A = arith.constant 0 : i32
          %dma_start3A_1175 = arith.constant 0 : i32
          %dma_start3A_1176 = tpu.memref_slice %arg6[%dma_start3A, %dma_start3A_1175] : memref<320x128xf32, #tpu.memory_space<vmem>> -> memref<80x128xf32, #tpu.memory_space<vmem>>
          %dma_start3A_1177 = arith.constant 0 : i32
          %dma_start3A_1178 = tpu.memref_slice %arg5[%run_scoped3A, %dma_start3A_1177] : memref<40x80xi32, #tpu.memory_space<vmem>> -> memref<1x80xi32, #tpu.memory_space<vmem>>
          %dma_start3A_1179 = tpu.memref_squeeze %dma_start3A_1178 : memref<1x80xi32, #tpu.memory_space<vmem>> -> memref<80xi32, #tpu.memory_space<vmem>>
          %dma_start3A_1180 = arith.constant 0 : i32
          %dma_start3A_1181 = arith.constant 0 : i32
          %dma_start3A_1182 = tpu.memref_slice %arg12[%dma_start3A_1180, %dma_start3A_1181] : memref<256x128xf32, #tpu.memory_space<vmem_shared>> -> memref<256x128xf32, #tpu.memory_space<vmem_shared>>
          tpu.enqueue_indirect_dma source(%dma_start3A_1176 : memref<80x128xf32, #tpu.memory_space<vmem>>) target(%dma_start3A_1182 : memref<256x128xf32, #tpu.memory_space<vmem_shared>>) offsets(%dma_start3A_1179 : memref<80xi32, #tpu.memory_space<vmem>>) semaphore(%run_scoped3A_1174 : memref<!tpu.dma_semaphore, #tpu.memory_space<semaphore_mem>>) {add = true}
          %dma_wait3A = arith.constant 0 : i32
          %dma_wait3A_1183 = arith.constant 0 : i32
          %dma_wait3A_1184 = tpu.memref_slice %arg6[%dma_wait3A, %dma_wait3A_1183] : memref<320x128xf32, #tpu.memory_space<vmem>> -> memref<80x128xf32, #tpu.memory_space<vmem>>
          %dma_wait3A_1185 = arith.constant 0 : i32
          %dma_wait3A_1186 = tpu.memref_slice %arg5[%run_scoped3A, %dma_wait3A_1185] : memref<40x80xi32, #tpu.memory_space<vmem>> -> memref<1x80xi32, #tpu.memory_space<vmem>>
          %dma_wait3A_1187 = tpu.memref_squeeze %dma_wait3A_1186 : memref<1x80xi32, #tpu.memory_space<vmem>> -> memref<80xi32, #tpu.memory_space<vmem>>
          %dma_wait3A_1188 = arith.constant 0 : i32
          %dma_wait3A_1189 = arith.constant 0 : i32
          %dma_wait3A_1190 = tpu.memref_slice %arg12[%dma_wait3A_1188, %dma_wait3A_1189] : memref<256x128xf32, #tpu.memory_space<vmem_shared>> -> memref<256x128xf32, #tpu.memory_space<vmem_shared>>
          tpu.wait_indirect_dma semaphore(%run_scoped3A_1174 : memref<!tpu.dma_semaphore, #tpu.memory_space<semaphore_mem>>) src(%dma_wait3A_1184 : memref<80x128xf32, #tpu.memory_space<vmem>>) dst(%dma_wait3A_1190 : memref<256x128xf32, #tpu.memory_space<vmem_shared>>)
          tpu.yield
        }) : () -> ()
      } else {
      }
      %add3A_1143 = arith.constant 1920 : i32
      %add3A_1144 = arith.addi %mul3A_0, %add3A_1143 : i32
      %add3A_1145 = arith.constant 160 : i32
      %add3A_1146 = arith.addi %add3A_1144, %add3A_1145 : i32
      %le3A_1147 = arith.constant 50000 : i32
      %le3A_1148 = arith.cmpi sle, %add3A_1146, %le3A_1147 : i32
      %convert_element_type3A_1149 = arith.extui %le3A_1148 : i1 to i32
      %cond3A_1150 = arith.constant 0 : i32
      %cond3A_1151 = arith.cmpi ne, %convert_element_type3A_1149, %cond3A_1150 : i32
      scf.if %cond3A_1151 {
        %add3A_1170 = arith.constant 1920 : i32
        %add3A_1171 = arith.addi %mul3A_0, %add3A_1170 : i32
        %add3A_1172 = arith.constant 80 : i32
        %add3A_1173 = arith.addi %add3A_1171, %add3A_1172 : i32
        "tpu.region"() ({
          %run_scoped3A_1174 = tpu.sem_alloc : memref<!tpu.dma_semaphore, #tpu.memory_space<semaphore_mem>>
          %dma_start3A = arith.constant 80 : i32
          %dma_start3A_1175 = arith.constant 0 : i32
          %dma_start3A_1176 = tpu.memref_slice %arg6[%dma_start3A, %dma_start3A_1175] : memref<320x128xf32, #tpu.memory_space<vmem>> -> memref<80x128xf32, #tpu.memory_space<vmem>>
          %dma_start3A_1177 = tpu.memref_slice %arg2[%add3A_1173, %mul3A_2] : memref<50000x256xf32, #tpu.memory_space<hbm>> -> memref<80x128xf32, #tpu.memory_space<hbm>>
          %dma_start3A_1178 = arith.constant 80 : i32
          %dma_start3A_1179 = arith.constant 0 : i32
          %dma_start3A_1180 = tpu.memref_slice %arg6[%dma_start3A_1178, %dma_start3A_1179] : memref<320x128xf32, #tpu.memory_space<vmem>> -> memref<80x128xf32, #tpu.memory_space<vmem>>
          %dma_start3A_1181 = tpu.memref_slice %arg2[%add3A_1173, %mul3A_2] : memref<50000x256xf32, #tpu.memory_space<hbm>> -> memref<80x128xf32, #tpu.memory_space<hbm>>
          tpu.enqueue_dma source(%dma_start3A_1181 : memref<80x128xf32, #tpu.memory_space<hbm>>) target(%dma_start3A_1180 : memref<80x128xf32, #tpu.memory_space<vmem>>) target_semaphore(%run_scoped3A_1174 : memref<!tpu.dma_semaphore, #tpu.memory_space<semaphore_mem>>)
          %dma_wait3A = arith.constant 80 : i32
          %dma_wait3A_1182 = arith.constant 0 : i32
          %dma_wait3A_1183 = tpu.memref_slice %arg6[%dma_wait3A, %dma_wait3A_1182] : memref<320x128xf32, #tpu.memory_space<vmem>> -> memref<80x128xf32, #tpu.memory_space<vmem>>
          %dma_wait3A_1184 = tpu.memref_slice %arg2[%add3A_1173, %mul3A_2] : memref<50000x256xf32, #tpu.memory_space<hbm>> -> memref<80x128xf32, #tpu.memory_space<hbm>>
          %dma_wait3A_1185 = arith.constant 80 : i32
          %dma_wait3A_1186 = arith.constant 0 : i32
          %dma_wait3A_1187 = tpu.memref_slice %arg6[%dma_wait3A_1185, %dma_wait3A_1186] : memref<320x128xf32, #tpu.memory_space<vmem>> -> memref<80x128xf32, #tpu.memory_space<vmem>>
          %dma_wait3A_1188 = tpu.memref_slice %arg2[%add3A_1173, %mul3A_2] : memref<50000x256xf32, #tpu.memory_space<hbm>> -> memref<80x128xf32, #tpu.memory_space<hbm>>
          tpu.wait_dma2 semaphore(%run_scoped3A_1174 : memref<!tpu.dma_semaphore, #tpu.memory_space<semaphore_mem>>) src(%dma_wait3A_1188 : memref<80x128xf32, #tpu.memory_space<hbm>>) dst(%dma_wait3A_1187 : memref<80x128xf32, #tpu.memory_space<vmem>>)
          tpu.yield
        }) : () -> ()
        %run_scoped3A = arith.constant 25 : i32
        "tpu.region"() ({
          %run_scoped3A_1174 = tpu.sem_alloc : memref<!tpu.dma_semaphore, #tpu.memory_space<semaphore_mem>>
          %dma_start3A = arith.constant 80 : i32
          %dma_start3A_1175 = arith.constant 0 : i32
          %dma_start3A_1176 = tpu.memref_slice %arg6[%dma_start3A, %dma_start3A_1175] : memref<320x128xf32, #tpu.memory_space<vmem>> -> memref<80x128xf32, #tpu.memory_space<vmem>>
          %dma_start3A_1177 = arith.constant 0 : i32
          %dma_start3A_1178 = tpu.memref_slice %arg5[%run_scoped3A, %dma_start3A_1177] : memref<40x80xi32, #tpu.memory_space<vmem>> -> memref<1x80xi32, #tpu.memory_space<vmem>>
          %dma_start3A_1179 = tpu.memref_squeeze %dma_start3A_1178 : memref<1x80xi32, #tpu.memory_space<vmem>> -> memref<80xi32, #tpu.memory_space<vmem>>
          %dma_start3A_1180 = arith.constant 0 : i32
          %dma_start3A_1181 = arith.constant 0 : i32
          %dma_start3A_1182 = tpu.memref_slice %arg12[%dma_start3A_1180, %dma_start3A_1181] : memref<256x128xf32, #tpu.memory_space<vmem_shared>> -> memref<256x128xf32, #tpu.memory_space<vmem_shared>>
          tpu.enqueue_indirect_dma source(%dma_start3A_1176 : memref<80x128xf32, #tpu.memory_space<vmem>>) target(%dma_start3A_1182 : memref<256x128xf32, #tpu.memory_space<vmem_shared>>) offsets(%dma_start3A_1179 : memref<80xi32, #tpu.memory_space<vmem>>) semaphore(%run_scoped3A_1174 : memref<!tpu.dma_semaphore, #tpu.memory_space<semaphore_mem>>) {add = true}
          %dma_wait3A = arith.constant 80 : i32
          %dma_wait3A_1183 = arith.constant 0 : i32
          %dma_wait3A_1184 = tpu.memref_slice %arg6[%dma_wait3A, %dma_wait3A_1183] : memref<320x128xf32, #tpu.memory_space<vmem>> -> memref<80x128xf32, #tpu.memory_space<vmem>>
          %dma_wait3A_1185 = arith.constant 0 : i32
          %dma_wait3A_1186 = tpu.memref_slice %arg5[%run_scoped3A, %dma_wait3A_1185] : memref<40x80xi32, #tpu.memory_space<vmem>> -> memref<1x80xi32, #tpu.memory_space<vmem>>
          %dma_wait3A_1187 = tpu.memref_squeeze %dma_wait3A_1186 : memref<1x80xi32, #tpu.memory_space<vmem>> -> memref<80xi32, #tpu.memory_space<vmem>>
          %dma_wait3A_1188 = arith.constant 0 : i32
          %dma_wait3A_1189 = arith.constant 0 : i32
          %dma_wait3A_1190 = tpu.memref_slice %arg12[%dma_wait3A_1188, %dma_wait3A_1189] : memref<256x128xf32, #tpu.memory_space<vmem_shared>> -> memref<256x128xf32, #tpu.memory_space<vmem_shared>>
          tpu.wait_indirect_dma semaphore(%run_scoped3A_1174 : memref<!tpu.dma_semaphore, #tpu.memory_space<semaphore_mem>>) src(%dma_wait3A_1184 : memref<80x128xf32, #tpu.memory_space<vmem>>) dst(%dma_wait3A_1190 : memref<256x128xf32, #tpu.memory_space<vmem_shared>>)
          tpu.yield
        }) : () -> ()
      } else {
      }
      %add3A_1152 = arith.constant 1920 : i32
      %add3A_1153 = arith.addi %mul3A_0, %add3A_1152 : i32
      %add3A_1154 = arith.constant 240 : i32
      %add3A_1155 = arith.addi %add3A_1153, %add3A_1154 : i32
      %le3A_1156 = arith.constant 50000 : i32
      %le3A_1157 = arith.cmpi sle, %add3A_1155, %le3A_1156 : i32
      %convert_element_type3A_1158 = arith.extui %le3A_1157 : i1 to i32
      %cond3A_1159 = arith.constant 0 : i32
      %cond3A_1160 = arith.cmpi ne, %convert_element_type3A_1158, %cond3A_1159 : i32
      scf.if %cond3A_1160 {
        %add3A_1170 = arith.constant 1920 : i32
        %add3A_1171 = arith.addi %mul3A_0, %add3A_1170 : i32
        %add3A_1172 = arith.constant 160 : i32
        %add3A_1173 = arith.addi %add3A_1171, %add3A_1172 : i32
        "tpu.region"() ({
          %run_scoped3A_1174 = tpu.sem_alloc : memref<!tpu.dma_semaphore, #tpu.memory_space<semaphore_mem>>
          %dma_start3A = arith.constant 160 : i32
          %dma_start3A_1175 = arith.constant 0 : i32
          %dma_start3A_1176 = tpu.memref_slice %arg6[%dma_start3A, %dma_start3A_1175] : memref<320x128xf32, #tpu.memory_space<vmem>> -> memref<80x128xf32, #tpu.memory_space<vmem>>
          %dma_start3A_1177 = tpu.memref_slice %arg2[%add3A_1173, %mul3A_2] : memref<50000x256xf32, #tpu.memory_space<hbm>> -> memref<80x128xf32, #tpu.memory_space<hbm>>
          %dma_start3A_1178 = arith.constant 160 : i32
          %dma_start3A_1179 = arith.constant 0 : i32
          %dma_start3A_1180 = tpu.memref_slice %arg6[%dma_start3A_1178, %dma_start3A_1179] : memref<320x128xf32, #tpu.memory_space<vmem>> -> memref<80x128xf32, #tpu.memory_space<vmem>>
          %dma_start3A_1181 = tpu.memref_slice %arg2[%add3A_1173, %mul3A_2] : memref<50000x256xf32, #tpu.memory_space<hbm>> -> memref<80x128xf32, #tpu.memory_space<hbm>>
          tpu.enqueue_dma source(%dma_start3A_1181 : memref<80x128xf32, #tpu.memory_space<hbm>>) target(%dma_start3A_1180 : memref<80x128xf32, #tpu.memory_space<vmem>>) target_semaphore(%run_scoped3A_1174 : memref<!tpu.dma_semaphore, #tpu.memory_space<semaphore_mem>>)
          %dma_wait3A = arith.constant 160 : i32
          %dma_wait3A_1182 = arith.constant 0 : i32
          %dma_wait3A_1183 = tpu.memref_slice %arg6[%dma_wait3A, %dma_wait3A_1182] : memref<320x128xf32, #tpu.memory_space<vmem>> -> memref<80x128xf32, #tpu.memory_space<vmem>>
          %dma_wait3A_1184 = tpu.memref_slice %arg2[%add3A_1173, %mul3A_2] : memref<50000x256xf32, #tpu.memory_space<hbm>> -> memref<80x128xf32, #tpu.memory_space<hbm>>
          %dma_wait3A_1185 = arith.constant 160 : i32
          %dma_wait3A_1186 = arith.constant 0 : i32
          %dma_wait3A_1187 = tpu.memref_slice %arg6[%dma_wait3A_1185, %dma_wait3A_1186] : memref<320x128xf32, #tpu.memory_space<vmem>> -> memref<80x128xf32, #tpu.memory_space<vmem>>
          %dma_wait3A_1188 = tpu.memref_slice %arg2[%add3A_1173, %mul3A_2] : memref<50000x256xf32, #tpu.memory_space<hbm>> -> memref<80x128xf32, #tpu.memory_space<hbm>>
          tpu.wait_dma2 semaphore(%run_scoped3A_1174 : memref<!tpu.dma_semaphore, #tpu.memory_space<semaphore_mem>>) src(%dma_wait3A_1188 : memref<80x128xf32, #tpu.memory_space<hbm>>) dst(%dma_wait3A_1187 : memref<80x128xf32, #tpu.memory_space<vmem>>)
          tpu.yield
        }) : () -> ()
        %run_scoped3A = arith.constant 26 : i32
        "tpu.region"() ({
          %run_scoped3A_1174 = tpu.sem_alloc : memref<!tpu.dma_semaphore, #tpu.memory_space<semaphore_mem>>
          %dma_start3A = arith.constant 160 : i32
          %dma_start3A_1175 = arith.constant 0 : i32
          %dma_start3A_1176 = tpu.memref_slice %arg6[%dma_start3A, %dma_start3A_1175] : memref<320x128xf32, #tpu.memory_space<vmem>> -> memref<80x128xf32, #tpu.memory_space<vmem>>
          %dma_start3A_1177 = arith.constant 0 : i32
          %dma_start3A_1178 = tpu.memref_slice %arg5[%run_scoped3A, %dma_start3A_1177] : memref<40x80xi32, #tpu.memory_space<vmem>> -> memref<1x80xi32, #tpu.memory_space<vmem>>
          %dma_start3A_1179 = tpu.memref_squeeze %dma_start3A_1178 : memref<1x80xi32, #tpu.memory_space<vmem>> -> memref<80xi32, #tpu.memory_space<vmem>>
          %dma_start3A_1180 = arith.constant 0 : i32
          %dma_start3A_1181 = arith.constant 0 : i32
          %dma_start3A_1182 = tpu.memref_slice %arg12[%dma_start3A_1180, %dma_start3A_1181] : memref<256x128xf32, #tpu.memory_space<vmem_shared>> -> memref<256x128xf32, #tpu.memory_space<vmem_shared>>
          tpu.enqueue_indirect_dma source(%dma_start3A_1176 : memref<80x128xf32, #tpu.memory_space<vmem>>) target(%dma_start3A_1182 : memref<256x128xf32, #tpu.memory_space<vmem_shared>>) offsets(%dma_start3A_1179 : memref<80xi32, #tpu.memory_space<vmem>>) semaphore(%run_scoped3A_1174 : memref<!tpu.dma_semaphore, #tpu.memory_space<semaphore_mem>>) {add = true}
          %dma_wait3A = arith.constant 160 : i32
          %dma_wait3A_1183 = arith.constant 0 : i32
          %dma_wait3A_1184 = tpu.memref_slice %arg6[%dma_wait3A, %dma_wait3A_1183] : memref<320x128xf32, #tpu.memory_space<vmem>> -> memref<80x128xf32, #tpu.memory_space<vmem>>
          %dma_wait3A_1185 = arith.constant 0 : i32
          %dma_wait3A_1186 = tpu.memref_slice %arg5[%run_scoped3A, %dma_wait3A_1185] : memref<40x80xi32, #tpu.memory_space<vmem>> -> memref<1x80xi32, #tpu.memory_space<vmem>>
          %dma_wait3A_1187 = tpu.memref_squeeze %dma_wait3A_1186 : memref<1x80xi32, #tpu.memory_space<vmem>> -> memref<80xi32, #tpu.memory_space<vmem>>
          %dma_wait3A_1188 = arith.constant 0 : i32
          %dma_wait3A_1189 = arith.constant 0 : i32
          %dma_wait3A_1190 = tpu.memref_slice %arg12[%dma_wait3A_1188, %dma_wait3A_1189] : memref<256x128xf32, #tpu.memory_space<vmem_shared>> -> memref<256x128xf32, #tpu.memory_space<vmem_shared>>
          tpu.wait_indirect_dma semaphore(%run_scoped3A_1174 : memref<!tpu.dma_semaphore, #tpu.memory_space<semaphore_mem>>) src(%dma_wait3A_1184 : memref<80x128xf32, #tpu.memory_space<vmem>>) dst(%dma_wait3A_1190 : memref<256x128xf32, #tpu.memory_space<vmem_shared>>)
          tpu.yield
        }) : () -> ()
      } else {
      }
      %add3A_1161 = arith.constant 1920 : i32
      %add3A_1162 = arith.addi %mul3A_0, %add3A_1161 : i32
      %add3A_1163 = arith.constant 320 : i32
      %add3A_1164 = arith.addi %add3A_1162, %add3A_1163 : i32
      %le3A_1165 = arith.constant 50000 : i32
      %le3A_1166 = arith.cmpi sle, %add3A_1164, %le3A_1165 : i32
      %convert_element_type3A_1167 = arith.extui %le3A_1166 : i1 to i32
      %cond3A_1168 = arith.constant 0 : i32
      %cond3A_1169 = arith.cmpi ne, %convert_element_type3A_1167, %cond3A_1168 : i32
      scf.if %cond3A_1169 {
        %add3A_1170 = arith.constant 1920 : i32
        %add3A_1171 = arith.addi %mul3A_0, %add3A_1170 : i32
        %add3A_1172 = arith.constant 240 : i32
        %add3A_1173 = arith.addi %add3A_1171, %add3A_1172 : i32
        "tpu.region"() ({
          %run_scoped3A_1174 = tpu.sem_alloc : memref<!tpu.dma_semaphore, #tpu.memory_space<semaphore_mem>>
          %dma_start3A = arith.constant 240 : i32
          %dma_start3A_1175 = arith.constant 0 : i32
          %dma_start3A_1176 = tpu.memref_slice %arg6[%dma_start3A, %dma_start3A_1175] : memref<320x128xf32, #tpu.memory_space<vmem>> -> memref<80x128xf32, #tpu.memory_space<vmem>>
          %dma_start3A_1177 = tpu.memref_slice %arg2[%add3A_1173, %mul3A_2] : memref<50000x256xf32, #tpu.memory_space<hbm>> -> memref<80x128xf32, #tpu.memory_space<hbm>>
          %dma_start3A_1178 = arith.constant 240 : i32
          %dma_start3A_1179 = arith.constant 0 : i32
          %dma_start3A_1180 = tpu.memref_slice %arg6[%dma_start3A_1178, %dma_start3A_1179] : memref<320x128xf32, #tpu.memory_space<vmem>> -> memref<80x128xf32, #tpu.memory_space<vmem>>
          %dma_start3A_1181 = tpu.memref_slice %arg2[%add3A_1173, %mul3A_2] : memref<50000x256xf32, #tpu.memory_space<hbm>> -> memref<80x128xf32, #tpu.memory_space<hbm>>
          tpu.enqueue_dma source(%dma_start3A_1181 : memref<80x128xf32, #tpu.memory_space<hbm>>) target(%dma_start3A_1180 : memref<80x128xf32, #tpu.memory_space<vmem>>) target_semaphore(%run_scoped3A_1174 : memref<!tpu.dma_semaphore, #tpu.memory_space<semaphore_mem>>)
          %dma_wait3A = arith.constant 240 : i32
          %dma_wait3A_1182 = arith.constant 0 : i32
          %dma_wait3A_1183 = tpu.memref_slice %arg6[%dma_wait3A, %dma_wait3A_1182] : memref<320x128xf32, #tpu.memory_space<vmem>> -> memref<80x128xf32, #tpu.memory_space<vmem>>
          %dma_wait3A_1184 = tpu.memref_slice %arg2[%add3A_1173, %mul3A_2] : memref<50000x256xf32, #tpu.memory_space<hbm>> -> memref<80x128xf32, #tpu.memory_space<hbm>>
          %dma_wait3A_1185 = arith.constant 240 : i32
          %dma_wait3A_1186 = arith.constant 0 : i32
          %dma_wait3A_1187 = tpu.memref_slice %arg6[%dma_wait3A_1185, %dma_wait3A_1186] : memref<320x128xf32, #tpu.memory_space<vmem>> -> memref<80x128xf32, #tpu.memory_space<vmem>>
          %dma_wait3A_1188 = tpu.memref_slice %arg2[%add3A_1173, %mul3A_2] : memref<50000x256xf32, #tpu.memory_space<hbm>> -> memref<80x128xf32, #tpu.memory_space<hbm>>
          tpu.wait_dma2 semaphore(%run_scoped3A_1174 : memref<!tpu.dma_semaphore, #tpu.memory_space<semaphore_mem>>) src(%dma_wait3A_1188 : memref<80x128xf32, #tpu.memory_space<hbm>>) dst(%dma_wait3A_1187 : memref<80x128xf32, #tpu.memory_space<vmem>>)
          tpu.yield
        }) : () -> ()
        %run_scoped3A = arith.constant 27 : i32
        "tpu.region"() ({
          %run_scoped3A_1174 = tpu.sem_alloc : memref<!tpu.dma_semaphore, #tpu.memory_space<semaphore_mem>>
          %dma_start3A = arith.constant 240 : i32
          %dma_start3A_1175 = arith.constant 0 : i32
          %dma_start3A_1176 = tpu.memref_slice %arg6[%dma_start3A, %dma_start3A_1175] : memref<320x128xf32, #tpu.memory_space<vmem>> -> memref<80x128xf32, #tpu.memory_space<vmem>>
          %dma_start3A_1177 = arith.constant 0 : i32
          %dma_start3A_1178 = tpu.memref_slice %arg5[%run_scoped3A, %dma_start3A_1177] : memref<40x80xi32, #tpu.memory_space<vmem>> -> memref<1x80xi32, #tpu.memory_space<vmem>>
          %dma_start3A_1179 = tpu.memref_squeeze %dma_start3A_1178 : memref<1x80xi32, #tpu.memory_space<vmem>> -> memref<80xi32, #tpu.memory_space<vmem>>
          %dma_start3A_1180 = arith.constant 0 : i32
          %dma_start3A_1181 = arith.constant 0 : i32
          %dma_start3A_1182 = tpu.memref_slice %arg12[%dma_start3A_1180, %dma_start3A_1181] : memref<256x128xf32, #tpu.memory_space<vmem_shared>> -> memref<256x128xf32, #tpu.memory_space<vmem_shared>>
          tpu.enqueue_indirect_dma source(%dma_start3A_1176 : memref<80x128xf32, #tpu.memory_space<vmem>>) target(%dma_start3A_1182 : memref<256x128xf32, #tpu.memory_space<vmem_shared>>) offsets(%dma_start3A_1179 : memref<80xi32, #tpu.memory_space<vmem>>) semaphore(%run_scoped3A_1174 : memref<!tpu.dma_semaphore, #tpu.memory_space<semaphore_mem>>) {add = true}
          %dma_wait3A = arith.constant 240 : i32
          %dma_wait3A_1183 = arith.constant 0 : i32
          %dma_wait3A_1184 = tpu.memref_slice %arg6[%dma_wait3A, %dma_wait3A_1183] : memref<320x128xf32, #tpu.memory_space<vmem>> -> memref<80x128xf32, #tpu.memory_space<vmem>>
          %dma_wait3A_1185 = arith.constant 0 : i32
          %dma_wait3A_1186 = tpu.memref_slice %arg5[%run_scoped3A, %dma_wait3A_1185] : memref<40x80xi32, #tpu.memory_space<vmem>> -> memref<1x80xi32, #tpu.memory_space<vmem>>
          %dma_wait3A_1187 = tpu.memref_squeeze %dma_wait3A_1186 : memref<1x80xi32, #tpu.memory_space<vmem>> -> memref<80xi32, #tpu.memory_space<vmem>>
          %dma_wait3A_1188 = arith.constant 0 : i32
          %dma_wait3A_1189 = arith.constant 0 : i32
          %dma_wait3A_1190 = tpu.memref_slice %arg12[%dma_wait3A_1188, %dma_wait3A_1189] : memref<256x128xf32, #tpu.memory_space<vmem_shared>> -> memref<256x128xf32, #tpu.memory_space<vmem_shared>>
          tpu.wait_indirect_dma semaphore(%run_scoped3A_1174 : memref<!tpu.dma_semaphore, #tpu.memory_space<semaphore_mem>>) src(%dma_wait3A_1184 : memref<80x128xf32, #tpu.memory_space<vmem>>) dst(%dma_wait3A_1190 : memref<256x128xf32, #tpu.memory_space<vmem_shared>>)
          tpu.yield
        }) : () -> ()
      } else {
      }
    } else {
    }
    %add3A_1030 = arith.constant 2560 : i32
    %add3A_1031 = arith.addi %mul3A_0, %add3A_1030 : i32
    %add3A_1032 = arith.constant 320 : i32
    %add3A_1033 = arith.addi %add3A_1031, %add3A_1032 : i32
    %le3A_1034 = arith.constant 50000 : i32
    %le3A_1035 = arith.cmpi sle, %add3A_1033, %le3A_1034 : i32
    %convert_element_type3A_1036 = arith.extui %le3A_1035 : i1 to i32
    %cond3A_1037 = arith.constant 0 : i32
    %cond3A_1038 = arith.cmpi ne, %convert_element_type3A_1036, %cond3A_1037 : i32
    scf.if %cond3A_1038 {
      %add3A_1134 = arith.constant 2560 : i32
      %add3A_1135 = arith.addi %mul3A_0, %add3A_1134 : i32
      %dma_start3A = tpu.memref_slice %arg2[%add3A_1135, %mul3A_2] : memref<50000x256xf32, #tpu.memory_space<hbm>> -> memref<320x128xf32, #tpu.memory_space<hbm>>
      %dma_start3A_1136 = tpu.memref_slice %arg2[%add3A_1135, %mul3A_2] : memref<50000x256xf32, #tpu.memory_space<hbm>> -> memref<320x128xf32, #tpu.memory_space<hbm>>
      tpu.enqueue_dma source(%dma_start3A_1136 : memref<320x128xf32, #tpu.memory_space<hbm>>) target(%arg6 : memref<320x128xf32, #tpu.memory_space<vmem>>) target_semaphore(%arg9 : memref<!tpu.dma_semaphore, #tpu.memory_space<semaphore_mem>>)
    } else {
    }
    %add3A_1039 = arith.constant 2240 : i32
    %add3A_1040 = arith.addi %mul3A_0, %add3A_1039 : i32
    %add3A_1041 = arith.constant 320 : i32
    %add3A_1042 = arith.addi %add3A_1040, %add3A_1041 : i32
    %le3A_1043 = arith.constant 50000 : i32
    %le3A_1044 = arith.cmpi sle, %add3A_1042, %le3A_1043 : i32
    %convert_element_type3A_1045 = arith.extui %le3A_1044 : i1 to i32
    %cond3A_1046 = arith.constant 0 : i32
    %cond3A_1047 = arith.cmpi ne, %convert_element_type3A_1045, %cond3A_1046 : i32
    scf.if %cond3A_1047 {
      %add3A_1134 = arith.constant 2240 : i32
      %add3A_1135 = arith.addi %mul3A_0, %add3A_1134 : i32
      %dma_wait3A = tpu.memref_slice %arg2[%add3A_1135, %mul3A_2] : memref<50000x256xf32, #tpu.memory_space<hbm>> -> memref<320x128xf32, #tpu.memory_space<hbm>>
      %dma_wait3A_1136 = tpu.memref_slice %arg2[%add3A_1135, %mul3A_2] : memref<50000x256xf32, #tpu.memory_space<hbm>> -> memref<320x128xf32, #tpu.memory_space<hbm>>
      tpu.wait_dma2 semaphore(%arg10 : memref<!tpu.dma_semaphore, #tpu.memory_space<semaphore_mem>>) src(%dma_wait3A_1136 : memref<320x128xf32, #tpu.memory_space<hbm>>) dst(%arg7 : memref<320x128xf32, #tpu.memory_space<vmem>>)
      %dma_start3A = arith.constant 28 : i32
      %dma_start3A_1137 = arith.constant 0 : i32
      %dma_start3A_1138 = arith.constant 0 : i32
      %dma_start3A_1139 = tpu.memref_slice %arg7[%dma_start3A_1137, %dma_start3A_1138] : memref<320x128xf32, #tpu.memory_space<vmem>> -> memref<80x128xf32, #tpu.memory_space<vmem>>
      %dma_start3A_1140 = arith.constant 0 : i32
      %dma_start3A_1141 = tpu.memref_slice %arg5[%dma_start3A, %dma_start3A_1140] : memref<40x80xi32, #tpu.memory_space<vmem>> -> memref<1x80xi32, #tpu.memory_space<vmem>>
      %dma_start3A_1142 = tpu.memref_squeeze %dma_start3A_1141 : memref<1x80xi32, #tpu.memory_space<vmem>> -> memref<80xi32, #tpu.memory_space<vmem>>
      %dma_start3A_1143 = arith.constant 0 : i32
      %dma_start3A_1144 = arith.constant 0 : i32
      %dma_start3A_1145 = tpu.memref_slice %arg12[%dma_start3A_1143, %dma_start3A_1144] : memref<256x128xf32, #tpu.memory_space<vmem_shared>> -> memref<256x128xf32, #tpu.memory_space<vmem_shared>>
      tpu.enqueue_indirect_dma source(%dma_start3A_1139 : memref<80x128xf32, #tpu.memory_space<vmem>>) target(%dma_start3A_1145 : memref<256x128xf32, #tpu.memory_space<vmem_shared>>) offsets(%dma_start3A_1142 : memref<80xi32, #tpu.memory_space<vmem>>) semaphore(%arg11 : memref<!tpu.dma_semaphore, #tpu.memory_space<semaphore_mem>>) {add = true}
      %dma_start3A_1146 = arith.constant 29 : i32
      %dma_start3A_1147 = arith.constant 80 : i32
      %dma_start3A_1148 = arith.constant 0 : i32
      %dma_start3A_1149 = tpu.memref_slice %arg7[%dma_start3A_1147, %dma_start3A_1148] : memref<320x128xf32, #tpu.memory_space<vmem>> -> memref<80x128xf32, #tpu.memory_space<vmem>>
      %dma_start3A_1150 = arith.constant 0 : i32
      %dma_start3A_1151 = tpu.memref_slice %arg5[%dma_start3A_1146, %dma_start3A_1150] : memref<40x80xi32, #tpu.memory_space<vmem>> -> memref<1x80xi32, #tpu.memory_space<vmem>>
      %dma_start3A_1152 = tpu.memref_squeeze %dma_start3A_1151 : memref<1x80xi32, #tpu.memory_space<vmem>> -> memref<80xi32, #tpu.memory_space<vmem>>
      %dma_start3A_1153 = arith.constant 0 : i32
      %dma_start3A_1154 = arith.constant 0 : i32
      %dma_start3A_1155 = tpu.memref_slice %arg12[%dma_start3A_1153, %dma_start3A_1154] : memref<256x128xf32, #tpu.memory_space<vmem_shared>> -> memref<256x128xf32, #tpu.memory_space<vmem_shared>>
      tpu.enqueue_indirect_dma source(%dma_start3A_1149 : memref<80x128xf32, #tpu.memory_space<vmem>>) target(%dma_start3A_1155 : memref<256x128xf32, #tpu.memory_space<vmem_shared>>) offsets(%dma_start3A_1152 : memref<80xi32, #tpu.memory_space<vmem>>) semaphore(%arg11 : memref<!tpu.dma_semaphore, #tpu.memory_space<semaphore_mem>>) {add = true}
      %dma_start3A_1156 = arith.constant 30 : i32
      %dma_start3A_1157 = arith.constant 160 : i32
      %dma_start3A_1158 = arith.constant 0 : i32
      %dma_start3A_1159 = tpu.memref_slice %arg7[%dma_start3A_1157, %dma_start3A_1158] : memref<320x128xf32, #tpu.memory_space<vmem>> -> memref<80x128xf32, #tpu.memory_space<vmem>>
      %dma_start3A_1160 = arith.constant 0 : i32
      %dma_start3A_1161 = tpu.memref_slice %arg5[%dma_start3A_1156, %dma_start3A_1160] : memref<40x80xi32, #tpu.memory_space<vmem>> -> memref<1x80xi32, #tpu.memory_space<vmem>>
      %dma_start3A_1162 = tpu.memref_squeeze %dma_start3A_1161 : memref<1x80xi32, #tpu.memory_space<vmem>> -> memref<80xi32, #tpu.memory_space<vmem>>
      %dma_start3A_1163 = arith.constant 0 : i32
      %dma_start3A_1164 = arith.constant 0 : i32
      %dma_start3A_1165 = tpu.memref_slice %arg12[%dma_start3A_1163, %dma_start3A_1164] : memref<256x128xf32, #tpu.memory_space<vmem_shared>> -> memref<256x128xf32, #tpu.memory_space<vmem_shared>>
      tpu.enqueue_indirect_dma source(%dma_start3A_1159 : memref<80x128xf32, #tpu.memory_space<vmem>>) target(%dma_start3A_1165 : memref<256x128xf32, #tpu.memory_space<vmem_shared>>) offsets(%dma_start3A_1162 : memref<80xi32, #tpu.memory_space<vmem>>) semaphore(%arg11 : memref<!tpu.dma_semaphore, #tpu.memory_space<semaphore_mem>>) {add = true}
      %dma_start3A_1166 = arith.constant 31 : i32
      %dma_start3A_1167 = arith.constant 240 : i32
      %dma_start3A_1168 = arith.constant 0 : i32
      %dma_start3A_1169 = tpu.memref_slice %arg7[%dma_start3A_1167, %dma_start3A_1168] : memref<320x128xf32, #tpu.memory_space<vmem>> -> memref<80x128xf32, #tpu.memory_space<vmem>>
      %dma_start3A_1170 = arith.constant 0 : i32
      %dma_start3A_1171 = tpu.memref_slice %arg5[%dma_start3A_1166, %dma_start3A_1170] : memref<40x80xi32, #tpu.memory_space<vmem>> -> memref<1x80xi32, #tpu.memory_space<vmem>>
      %dma_start3A_1172 = tpu.memref_squeeze %dma_start3A_1171 : memref<1x80xi32, #tpu.memory_space<vmem>> -> memref<80xi32, #tpu.memory_space<vmem>>
      %dma_start3A_1173 = arith.constant 0 : i32
      %dma_start3A_1174 = arith.constant 0 : i32
      %dma_start3A_1175 = tpu.memref_slice %arg12[%dma_start3A_1173, %dma_start3A_1174] : memref<256x128xf32, #tpu.memory_space<vmem_shared>> -> memref<256x128xf32, #tpu.memory_space<vmem_shared>>
      tpu.enqueue_indirect_dma source(%dma_start3A_1169 : memref<80x128xf32, #tpu.memory_space<vmem>>) target(%dma_start3A_1175 : memref<256x128xf32, #tpu.memory_space<vmem_shared>>) offsets(%dma_start3A_1172 : memref<80xi32, #tpu.memory_space<vmem>>) semaphore(%arg11 : memref<!tpu.dma_semaphore, #tpu.memory_space<semaphore_mem>>) {add = true}
      %dma_wait3A_1176 = arith.constant 28 : i32
      %dma_wait3A_1177 = arith.constant 0 : i32
      %dma_wait3A_1178 = arith.constant 0 : i32
      %dma_wait3A_1179 = tpu.memref_slice %arg7[%dma_wait3A_1177, %dma_wait3A_1178] : memref<320x128xf32, #tpu.memory_space<vmem>> -> memref<80x128xf32, #tpu.memory_space<vmem>>
      %dma_wait3A_1180 = arith.constant 0 : i32
      %dma_wait3A_1181 = tpu.memref_slice %arg5[%dma_wait3A_1176, %dma_wait3A_1180] : memref<40x80xi32, #tpu.memory_space<vmem>> -> memref<1x80xi32, #tpu.memory_space<vmem>>
      %dma_wait3A_1182 = tpu.memref_squeeze %dma_wait3A_1181 : memref<1x80xi32, #tpu.memory_space<vmem>> -> memref<80xi32, #tpu.memory_space<vmem>>
      %dma_wait3A_1183 = arith.constant 0 : i32
      %dma_wait3A_1184 = arith.constant 0 : i32
      %dma_wait3A_1185 = tpu.memref_slice %arg12[%dma_wait3A_1183, %dma_wait3A_1184] : memref<256x128xf32, #tpu.memory_space<vmem_shared>> -> memref<256x128xf32, #tpu.memory_space<vmem_shared>>
      tpu.wait_indirect_dma semaphore(%arg11 : memref<!tpu.dma_semaphore, #tpu.memory_space<semaphore_mem>>) src(%dma_wait3A_1179 : memref<80x128xf32, #tpu.memory_space<vmem>>) dst(%dma_wait3A_1185 : memref<256x128xf32, #tpu.memory_space<vmem_shared>>)
      %dma_wait3A_1186 = arith.constant 29 : i32
      %dma_wait3A_1187 = arith.constant 80 : i32
      %dma_wait3A_1188 = arith.constant 0 : i32
      %dma_wait3A_1189 = tpu.memref_slice %arg7[%dma_wait3A_1187, %dma_wait3A_1188] : memref<320x128xf32, #tpu.memory_space<vmem>> -> memref<80x128xf32, #tpu.memory_space<vmem>>
      %dma_wait3A_1190 = arith.constant 0 : i32
      %dma_wait3A_1191 = tpu.memref_slice %arg5[%dma_wait3A_1186, %dma_wait3A_1190] : memref<40x80xi32, #tpu.memory_space<vmem>> -> memref<1x80xi32, #tpu.memory_space<vmem>>
      %dma_wait3A_1192 = tpu.memref_squeeze %dma_wait3A_1191 : memref<1x80xi32, #tpu.memory_space<vmem>> -> memref<80xi32, #tpu.memory_space<vmem>>
      %dma_wait3A_1193 = arith.constant 0 : i32
      %dma_wait3A_1194 = arith.constant 0 : i32
      %dma_wait3A_1195 = tpu.memref_slice %arg12[%dma_wait3A_1193, %dma_wait3A_1194] : memref<256x128xf32, #tpu.memory_space<vmem_shared>> -> memref<256x128xf32, #tpu.memory_space<vmem_shared>>
      tpu.wait_indirect_dma semaphore(%arg11 : memref<!tpu.dma_semaphore, #tpu.memory_space<semaphore_mem>>) src(%dma_wait3A_1189 : memref<80x128xf32, #tpu.memory_space<vmem>>) dst(%dma_wait3A_1195 : memref<256x128xf32, #tpu.memory_space<vmem_shared>>)
      %dma_wait3A_1196 = arith.constant 30 : i32
      %dma_wait3A_1197 = arith.constant 160 : i32
      %dma_wait3A_1198 = arith.constant 0 : i32
      %dma_wait3A_1199 = tpu.memref_slice %arg7[%dma_wait3A_1197, %dma_wait3A_1198] : memref<320x128xf32, #tpu.memory_space<vmem>> -> memref<80x128xf32, #tpu.memory_space<vmem>>
      %dma_wait3A_1200 = arith.constant 0 : i32
      %dma_wait3A_1201 = tpu.memref_slice %arg5[%dma_wait3A_1196, %dma_wait3A_1200] : memref<40x80xi32, #tpu.memory_space<vmem>> -> memref<1x80xi32, #tpu.memory_space<vmem>>
      %dma_wait3A_1202 = tpu.memref_squeeze %dma_wait3A_1201 : memref<1x80xi32, #tpu.memory_space<vmem>> -> memref<80xi32, #tpu.memory_space<vmem>>
      %dma_wait3A_1203 = arith.constant 0 : i32
      %dma_wait3A_1204 = arith.constant 0 : i32
      %dma_wait3A_1205 = tpu.memref_slice %arg12[%dma_wait3A_1203, %dma_wait3A_1204] : memref<256x128xf32, #tpu.memory_space<vmem_shared>> -> memref<256x128xf32, #tpu.memory_space<vmem_shared>>
      tpu.wait_indirect_dma semaphore(%arg11 : memref<!tpu.dma_semaphore, #tpu.memory_space<semaphore_mem>>) src(%dma_wait3A_1199 : memref<80x128xf32, #tpu.memory_space<vmem>>) dst(%dma_wait3A_1205 : memref<256x128xf32, #tpu.memory_space<vmem_shared>>)
      %dma_wait3A_1206 = arith.constant 31 : i32
      %dma_wait3A_1207 = arith.constant 240 : i32
      %dma_wait3A_1208 = arith.constant 0 : i32
      %dma_wait3A_1209 = tpu.memref_slice %arg7[%dma_wait3A_1207, %dma_wait3A_1208] : memref<320x128xf32, #tpu.memory_space<vmem>> -> memref<80x128xf32, #tpu.memory_space<vmem>>
      %dma_wait3A_1210 = arith.constant 0 : i32
      %dma_wait3A_1211 = tpu.memref_slice %arg5[%dma_wait3A_1206, %dma_wait3A_1210] : memref<40x80xi32, #tpu.memory_space<vmem>> -> memref<1x80xi32, #tpu.memory_space<vmem>>
      %dma_wait3A_1212 = tpu.memref_squeeze %dma_wait3A_1211 : memref<1x80xi32, #tpu.memory_space<vmem>> -> memref<80xi32, #tpu.memory_space<vmem>>
      %dma_wait3A_1213 = arith.constant 0 : i32
      %dma_wait3A_1214 = arith.constant 0 : i32
      %dma_wait3A_1215 = tpu.memref_slice %arg12[%dma_wait3A_1213, %dma_wait3A_1214] : memref<256x128xf32, #tpu.memory_space<vmem_shared>> -> memref<256x128xf32, #tpu.memory_space<vmem_shared>>
      tpu.wait_indirect_dma semaphore(%arg11 : memref<!tpu.dma_semaphore, #tpu.memory_space<semaphore_mem>>) src(%dma_wait3A_1209 : memref<80x128xf32, #tpu.memory_space<vmem>>) dst(%dma_wait3A_1215 : memref<256x128xf32, #tpu.memory_space<vmem_shared>>)
    } else {
    }
    %add3A_1048 = arith.constant 2240 : i32
    %add3A_1049 = arith.addi %mul3A_0, %add3A_1048 : i32
    %add3A_1050 = arith.constant 320 : i32
    %add3A_1051 = arith.addi %add3A_1049, %add3A_1050 : i32
    %le3A_1052 = arith.constant 50000 : i32
    %le3A_1053 = arith.cmpi sle, %add3A_1051, %le3A_1052 : i32
    %not3A_1054 = arith.constant true
    %not3A_1055 = arith.xori %le3A_1053, %not3A_1054 : i1
    %add3A_1056 = arith.constant 2240 : i32
    %add3A_1057 = arith.addi %mul3A_0, %add3A_1056 : i32
    %add3A_1058 = arith.constant 80 : i32
    %add3A_1059 = arith.addi %add3A_1057, %add3A_1058 : i32
    %le3A_1060 = arith.constant 50000 : i32
    %le3A_1061 = arith.cmpi sle, %add3A_1059, %le3A_1060 : i32
    %and3A_1062 = arith.andi %not3A_1055, %le3A_1061 : i1
    %convert_element_type3A_1063 = arith.extui %and3A_1062 : i1 to i32
    %cond3A_1064 = arith.constant 0 : i32
    %cond3A_1065 = arith.cmpi ne, %convert_element_type3A_1063, %cond3A_1064 : i32
    scf.if %cond3A_1065 {
      %add3A_1134 = arith.constant 2240 : i32
      %add3A_1135 = arith.addi %mul3A_0, %add3A_1134 : i32
      %add3A_1136 = arith.constant 80 : i32
      %add3A_1137 = arith.addi %add3A_1135, %add3A_1136 : i32
      %le3A_1138 = arith.constant 50000 : i32
      %le3A_1139 = arith.cmpi sle, %add3A_1137, %le3A_1138 : i32
      %convert_element_type3A_1140 = arith.extui %le3A_1139 : i1 to i32
      %cond3A_1141 = arith.constant 0 : i32
      %cond3A_1142 = arith.cmpi ne, %convert_element_type3A_1140, %cond3A_1141 : i32
      scf.if %cond3A_1142 {
        %add3A_1170 = arith.constant 2240 : i32
        %add3A_1171 = arith.addi %mul3A_0, %add3A_1170 : i32
        %add3A_1172 = arith.constant 0 : i32
        %add3A_1173 = arith.addi %add3A_1171, %add3A_1172 : i32
        "tpu.region"() ({
          %run_scoped3A_1174 = tpu.sem_alloc : memref<!tpu.dma_semaphore, #tpu.memory_space<semaphore_mem>>
          %dma_start3A = arith.constant 0 : i32
          %dma_start3A_1175 = arith.constant 0 : i32
          %dma_start3A_1176 = tpu.memref_slice %arg7[%dma_start3A, %dma_start3A_1175] : memref<320x128xf32, #tpu.memory_space<vmem>> -> memref<80x128xf32, #tpu.memory_space<vmem>>
          %dma_start3A_1177 = tpu.memref_slice %arg2[%add3A_1173, %mul3A_2] : memref<50000x256xf32, #tpu.memory_space<hbm>> -> memref<80x128xf32, #tpu.memory_space<hbm>>
          %dma_start3A_1178 = arith.constant 0 : i32
          %dma_start3A_1179 = arith.constant 0 : i32
          %dma_start3A_1180 = tpu.memref_slice %arg7[%dma_start3A_1178, %dma_start3A_1179] : memref<320x128xf32, #tpu.memory_space<vmem>> -> memref<80x128xf32, #tpu.memory_space<vmem>>
          %dma_start3A_1181 = tpu.memref_slice %arg2[%add3A_1173, %mul3A_2] : memref<50000x256xf32, #tpu.memory_space<hbm>> -> memref<80x128xf32, #tpu.memory_space<hbm>>
          tpu.enqueue_dma source(%dma_start3A_1181 : memref<80x128xf32, #tpu.memory_space<hbm>>) target(%dma_start3A_1180 : memref<80x128xf32, #tpu.memory_space<vmem>>) target_semaphore(%run_scoped3A_1174 : memref<!tpu.dma_semaphore, #tpu.memory_space<semaphore_mem>>)
          %dma_wait3A = arith.constant 0 : i32
          %dma_wait3A_1182 = arith.constant 0 : i32
          %dma_wait3A_1183 = tpu.memref_slice %arg7[%dma_wait3A, %dma_wait3A_1182] : memref<320x128xf32, #tpu.memory_space<vmem>> -> memref<80x128xf32, #tpu.memory_space<vmem>>
          %dma_wait3A_1184 = tpu.memref_slice %arg2[%add3A_1173, %mul3A_2] : memref<50000x256xf32, #tpu.memory_space<hbm>> -> memref<80x128xf32, #tpu.memory_space<hbm>>
          %dma_wait3A_1185 = arith.constant 0 : i32
          %dma_wait3A_1186 = arith.constant 0 : i32
          %dma_wait3A_1187 = tpu.memref_slice %arg7[%dma_wait3A_1185, %dma_wait3A_1186] : memref<320x128xf32, #tpu.memory_space<vmem>> -> memref<80x128xf32, #tpu.memory_space<vmem>>
          %dma_wait3A_1188 = tpu.memref_slice %arg2[%add3A_1173, %mul3A_2] : memref<50000x256xf32, #tpu.memory_space<hbm>> -> memref<80x128xf32, #tpu.memory_space<hbm>>
          tpu.wait_dma2 semaphore(%run_scoped3A_1174 : memref<!tpu.dma_semaphore, #tpu.memory_space<semaphore_mem>>) src(%dma_wait3A_1188 : memref<80x128xf32, #tpu.memory_space<hbm>>) dst(%dma_wait3A_1187 : memref<80x128xf32, #tpu.memory_space<vmem>>)
          tpu.yield
        }) : () -> ()
        %run_scoped3A = arith.constant 28 : i32
        "tpu.region"() ({
          %run_scoped3A_1174 = tpu.sem_alloc : memref<!tpu.dma_semaphore, #tpu.memory_space<semaphore_mem>>
          %dma_start3A = arith.constant 0 : i32
          %dma_start3A_1175 = arith.constant 0 : i32
          %dma_start3A_1176 = tpu.memref_slice %arg7[%dma_start3A, %dma_start3A_1175] : memref<320x128xf32, #tpu.memory_space<vmem>> -> memref<80x128xf32, #tpu.memory_space<vmem>>
          %dma_start3A_1177 = arith.constant 0 : i32
          %dma_start3A_1178 = tpu.memref_slice %arg5[%run_scoped3A, %dma_start3A_1177] : memref<40x80xi32, #tpu.memory_space<vmem>> -> memref<1x80xi32, #tpu.memory_space<vmem>>
          %dma_start3A_1179 = tpu.memref_squeeze %dma_start3A_1178 : memref<1x80xi32, #tpu.memory_space<vmem>> -> memref<80xi32, #tpu.memory_space<vmem>>
          %dma_start3A_1180 = arith.constant 0 : i32
          %dma_start3A_1181 = arith.constant 0 : i32
          %dma_start3A_1182 = tpu.memref_slice %arg12[%dma_start3A_1180, %dma_start3A_1181] : memref<256x128xf32, #tpu.memory_space<vmem_shared>> -> memref<256x128xf32, #tpu.memory_space<vmem_shared>>
          tpu.enqueue_indirect_dma source(%dma_start3A_1176 : memref<80x128xf32, #tpu.memory_space<vmem>>) target(%dma_start3A_1182 : memref<256x128xf32, #tpu.memory_space<vmem_shared>>) offsets(%dma_start3A_1179 : memref<80xi32, #tpu.memory_space<vmem>>) semaphore(%run_scoped3A_1174 : memref<!tpu.dma_semaphore, #tpu.memory_space<semaphore_mem>>) {add = true}
          %dma_wait3A = arith.constant 0 : i32
          %dma_wait3A_1183 = arith.constant 0 : i32
          %dma_wait3A_1184 = tpu.memref_slice %arg7[%dma_wait3A, %dma_wait3A_1183] : memref<320x128xf32, #tpu.memory_space<vmem>> -> memref<80x128xf32, #tpu.memory_space<vmem>>
          %dma_wait3A_1185 = arith.constant 0 : i32
          %dma_wait3A_1186 = tpu.memref_slice %arg5[%run_scoped3A, %dma_wait3A_1185] : memref<40x80xi32, #tpu.memory_space<vmem>> -> memref<1x80xi32, #tpu.memory_space<vmem>>
          %dma_wait3A_1187 = tpu.memref_squeeze %dma_wait3A_1186 : memref<1x80xi32, #tpu.memory_space<vmem>> -> memref<80xi32, #tpu.memory_space<vmem>>
          %dma_wait3A_1188 = arith.constant 0 : i32
          %dma_wait3A_1189 = arith.constant 0 : i32
          %dma_wait3A_1190 = tpu.memref_slice %arg12[%dma_wait3A_1188, %dma_wait3A_1189] : memref<256x128xf32, #tpu.memory_space<vmem_shared>> -> memref<256x128xf32, #tpu.memory_space<vmem_shared>>
          tpu.wait_indirect_dma semaphore(%run_scoped3A_1174 : memref<!tpu.dma_semaphore, #tpu.memory_space<semaphore_mem>>) src(%dma_wait3A_1184 : memref<80x128xf32, #tpu.memory_space<vmem>>) dst(%dma_wait3A_1190 : memref<256x128xf32, #tpu.memory_space<vmem_shared>>)
          tpu.yield
        }) : () -> ()
      } else {
      }
      %add3A_1143 = arith.constant 2240 : i32
      %add3A_1144 = arith.addi %mul3A_0, %add3A_1143 : i32
      %add3A_1145 = arith.constant 160 : i32
      %add3A_1146 = arith.addi %add3A_1144, %add3A_1145 : i32
      %le3A_1147 = arith.constant 50000 : i32
      %le3A_1148 = arith.cmpi sle, %add3A_1146, %le3A_1147 : i32
      %convert_element_type3A_1149 = arith.extui %le3A_1148 : i1 to i32
      %cond3A_1150 = arith.constant 0 : i32
      %cond3A_1151 = arith.cmpi ne, %convert_element_type3A_1149, %cond3A_1150 : i32
      scf.if %cond3A_1151 {
        %add3A_1170 = arith.constant 2240 : i32
        %add3A_1171 = arith.addi %mul3A_0, %add3A_1170 : i32
        %add3A_1172 = arith.constant 80 : i32
        %add3A_1173 = arith.addi %add3A_1171, %add3A_1172 : i32
        "tpu.region"() ({
          %run_scoped3A_1174 = tpu.sem_alloc : memref<!tpu.dma_semaphore, #tpu.memory_space<semaphore_mem>>
          %dma_start3A = arith.constant 80 : i32
          %dma_start3A_1175 = arith.constant 0 : i32
          %dma_start3A_1176 = tpu.memref_slice %arg7[%dma_start3A, %dma_start3A_1175] : memref<320x128xf32, #tpu.memory_space<vmem>> -> memref<80x128xf32, #tpu.memory_space<vmem>>
          %dma_start3A_1177 = tpu.memref_slice %arg2[%add3A_1173, %mul3A_2] : memref<50000x256xf32, #tpu.memory_space<hbm>> -> memref<80x128xf32, #tpu.memory_space<hbm>>
          %dma_start3A_1178 = arith.constant 80 : i32
          %dma_start3A_1179 = arith.constant 0 : i32
          %dma_start3A_1180 = tpu.memref_slice %arg7[%dma_start3A_1178, %dma_start3A_1179] : memref<320x128xf32, #tpu.memory_space<vmem>> -> memref<80x128xf32, #tpu.memory_space<vmem>>
          %dma_start3A_1181 = tpu.memref_slice %arg2[%add3A_1173, %mul3A_2] : memref<50000x256xf32, #tpu.memory_space<hbm>> -> memref<80x128xf32, #tpu.memory_space<hbm>>
          tpu.enqueue_dma source(%dma_start3A_1181 : memref<80x128xf32, #tpu.memory_space<hbm>>) target(%dma_start3A_1180 : memref<80x128xf32, #tpu.memory_space<vmem>>) target_semaphore(%run_scoped3A_1174 : memref<!tpu.dma_semaphore, #tpu.memory_space<semaphore_mem>>)
          %dma_wait3A = arith.constant 80 : i32
          %dma_wait3A_1182 = arith.constant 0 : i32
          %dma_wait3A_1183 = tpu.memref_slice %arg7[%dma_wait3A, %dma_wait3A_1182] : memref<320x128xf32, #tpu.memory_space<vmem>> -> memref<80x128xf32, #tpu.memory_space<vmem>>
          %dma_wait3A_1184 = tpu.memref_slice %arg2[%add3A_1173, %mul3A_2] : memref<50000x256xf32, #tpu.memory_space<hbm>> -> memref<80x128xf32, #tpu.memory_space<hbm>>
          %dma_wait3A_1185 = arith.constant 80 : i32
          %dma_wait3A_1186 = arith.constant 0 : i32
          %dma_wait3A_1187 = tpu.memref_slice %arg7[%dma_wait3A_1185, %dma_wait3A_1186] : memref<320x128xf32, #tpu.memory_space<vmem>> -> memref<80x128xf32, #tpu.memory_space<vmem>>
          %dma_wait3A_1188 = tpu.memref_slice %arg2[%add3A_1173, %mul3A_2] : memref<50000x256xf32, #tpu.memory_space<hbm>> -> memref<80x128xf32, #tpu.memory_space<hbm>>
          tpu.wait_dma2 semaphore(%run_scoped3A_1174 : memref<!tpu.dma_semaphore, #tpu.memory_space<semaphore_mem>>) src(%dma_wait3A_1188 : memref<80x128xf32, #tpu.memory_space<hbm>>) dst(%dma_wait3A_1187 : memref<80x128xf32, #tpu.memory_space<vmem>>)
          tpu.yield
        }) : () -> ()
        %run_scoped3A = arith.constant 29 : i32
        "tpu.region"() ({
          %run_scoped3A_1174 = tpu.sem_alloc : memref<!tpu.dma_semaphore, #tpu.memory_space<semaphore_mem>>
          %dma_start3A = arith.constant 80 : i32
          %dma_start3A_1175 = arith.constant 0 : i32
          %dma_start3A_1176 = tpu.memref_slice %arg7[%dma_start3A, %dma_start3A_1175] : memref<320x128xf32, #tpu.memory_space<vmem>> -> memref<80x128xf32, #tpu.memory_space<vmem>>
          %dma_start3A_1177 = arith.constant 0 : i32
          %dma_start3A_1178 = tpu.memref_slice %arg5[%run_scoped3A, %dma_start3A_1177] : memref<40x80xi32, #tpu.memory_space<vmem>> -> memref<1x80xi32, #tpu.memory_space<vmem>>
          %dma_start3A_1179 = tpu.memref_squeeze %dma_start3A_1178 : memref<1x80xi32, #tpu.memory_space<vmem>> -> memref<80xi32, #tpu.memory_space<vmem>>
          %dma_start3A_1180 = arith.constant 0 : i32
          %dma_start3A_1181 = arith.constant 0 : i32
          %dma_start3A_1182 = tpu.memref_slice %arg12[%dma_start3A_1180, %dma_start3A_1181] : memref<256x128xf32, #tpu.memory_space<vmem_shared>> -> memref<256x128xf32, #tpu.memory_space<vmem_shared>>
          tpu.enqueue_indirect_dma source(%dma_start3A_1176 : memref<80x128xf32, #tpu.memory_space<vmem>>) target(%dma_start3A_1182 : memref<256x128xf32, #tpu.memory_space<vmem_shared>>) offsets(%dma_start3A_1179 : memref<80xi32, #tpu.memory_space<vmem>>) semaphore(%run_scoped3A_1174 : memref<!tpu.dma_semaphore, #tpu.memory_space<semaphore_mem>>) {add = true}
          %dma_wait3A = arith.constant 80 : i32
          %dma_wait3A_1183 = arith.constant 0 : i32
          %dma_wait3A_1184 = tpu.memref_slice %arg7[%dma_wait3A, %dma_wait3A_1183] : memref<320x128xf32, #tpu.memory_space<vmem>> -> memref<80x128xf32, #tpu.memory_space<vmem>>
          %dma_wait3A_1185 = arith.constant 0 : i32
          %dma_wait3A_1186 = tpu.memref_slice %arg5[%run_scoped3A, %dma_wait3A_1185] : memref<40x80xi32, #tpu.memory_space<vmem>> -> memref<1x80xi32, #tpu.memory_space<vmem>>
          %dma_wait3A_1187 = tpu.memref_squeeze %dma_wait3A_1186 : memref<1x80xi32, #tpu.memory_space<vmem>> -> memref<80xi32, #tpu.memory_space<vmem>>
          %dma_wait3A_1188 = arith.constant 0 : i32
          %dma_wait3A_1189 = arith.constant 0 : i32
          %dma_wait3A_1190 = tpu.memref_slice %arg12[%dma_wait3A_1188, %dma_wait3A_1189] : memref<256x128xf32, #tpu.memory_space<vmem_shared>> -> memref<256x128xf32, #tpu.memory_space<vmem_shared>>
          tpu.wait_indirect_dma semaphore(%run_scoped3A_1174 : memref<!tpu.dma_semaphore, #tpu.memory_space<semaphore_mem>>) src(%dma_wait3A_1184 : memref<80x128xf32, #tpu.memory_space<vmem>>) dst(%dma_wait3A_1190 : memref<256x128xf32, #tpu.memory_space<vmem_shared>>)
          tpu.yield
        }) : () -> ()
      } else {
      }
      %add3A_1152 = arith.constant 2240 : i32
      %add3A_1153 = arith.addi %mul3A_0, %add3A_1152 : i32
      %add3A_1154 = arith.constant 240 : i32
      %add3A_1155 = arith.addi %add3A_1153, %add3A_1154 : i32
      %le3A_1156 = arith.constant 50000 : i32
      %le3A_1157 = arith.cmpi sle, %add3A_1155, %le3A_1156 : i32
      %convert_element_type3A_1158 = arith.extui %le3A_1157 : i1 to i32
      %cond3A_1159 = arith.constant 0 : i32
      %cond3A_1160 = arith.cmpi ne, %convert_element_type3A_1158, %cond3A_1159 : i32
      scf.if %cond3A_1160 {
        %add3A_1170 = arith.constant 2240 : i32
        %add3A_1171 = arith.addi %mul3A_0, %add3A_1170 : i32
        %add3A_1172 = arith.constant 160 : i32
        %add3A_1173 = arith.addi %add3A_1171, %add3A_1172 : i32
        "tpu.region"() ({
          %run_scoped3A_1174 = tpu.sem_alloc : memref<!tpu.dma_semaphore, #tpu.memory_space<semaphore_mem>>
          %dma_start3A = arith.constant 160 : i32
          %dma_start3A_1175 = arith.constant 0 : i32
          %dma_start3A_1176 = tpu.memref_slice %arg7[%dma_start3A, %dma_start3A_1175] : memref<320x128xf32, #tpu.memory_space<vmem>> -> memref<80x128xf32, #tpu.memory_space<vmem>>
          %dma_start3A_1177 = tpu.memref_slice %arg2[%add3A_1173, %mul3A_2] : memref<50000x256xf32, #tpu.memory_space<hbm>> -> memref<80x128xf32, #tpu.memory_space<hbm>>
          %dma_start3A_1178 = arith.constant 160 : i32
          %dma_start3A_1179 = arith.constant 0 : i32
          %dma_start3A_1180 = tpu.memref_slice %arg7[%dma_start3A_1178, %dma_start3A_1179] : memref<320x128xf32, #tpu.memory_space<vmem>> -> memref<80x128xf32, #tpu.memory_space<vmem>>
          %dma_start3A_1181 = tpu.memref_slice %arg2[%add3A_1173, %mul3A_2] : memref<50000x256xf32, #tpu.memory_space<hbm>> -> memref<80x128xf32, #tpu.memory_space<hbm>>
          tpu.enqueue_dma source(%dma_start3A_1181 : memref<80x128xf32, #tpu.memory_space<hbm>>) target(%dma_start3A_1180 : memref<80x128xf32, #tpu.memory_space<vmem>>) target_semaphore(%run_scoped3A_1174 : memref<!tpu.dma_semaphore, #tpu.memory_space<semaphore_mem>>)
          %dma_wait3A = arith.constant 160 : i32
          %dma_wait3A_1182 = arith.constant 0 : i32
          %dma_wait3A_1183 = tpu.memref_slice %arg7[%dma_wait3A, %dma_wait3A_1182] : memref<320x128xf32, #tpu.memory_space<vmem>> -> memref<80x128xf32, #tpu.memory_space<vmem>>
          %dma_wait3A_1184 = tpu.memref_slice %arg2[%add3A_1173, %mul3A_2] : memref<50000x256xf32, #tpu.memory_space<hbm>> -> memref<80x128xf32, #tpu.memory_space<hbm>>
          %dma_wait3A_1185 = arith.constant 160 : i32
          %dma_wait3A_1186 = arith.constant 0 : i32
          %dma_wait3A_1187 = tpu.memref_slice %arg7[%dma_wait3A_1185, %dma_wait3A_1186] : memref<320x128xf32, #tpu.memory_space<vmem>> -> memref<80x128xf32, #tpu.memory_space<vmem>>
          %dma_wait3A_1188 = tpu.memref_slice %arg2[%add3A_1173, %mul3A_2] : memref<50000x256xf32, #tpu.memory_space<hbm>> -> memref<80x128xf32, #tpu.memory_space<hbm>>
          tpu.wait_dma2 semaphore(%run_scoped3A_1174 : memref<!tpu.dma_semaphore, #tpu.memory_space<semaphore_mem>>) src(%dma_wait3A_1188 : memref<80x128xf32, #tpu.memory_space<hbm>>) dst(%dma_wait3A_1187 : memref<80x128xf32, #tpu.memory_space<vmem>>)
          tpu.yield
        }) : () -> ()
        %run_scoped3A = arith.constant 30 : i32
        "tpu.region"() ({
          %run_scoped3A_1174 = tpu.sem_alloc : memref<!tpu.dma_semaphore, #tpu.memory_space<semaphore_mem>>
          %dma_start3A = arith.constant 160 : i32
          %dma_start3A_1175 = arith.constant 0 : i32
          %dma_start3A_1176 = tpu.memref_slice %arg7[%dma_start3A, %dma_start3A_1175] : memref<320x128xf32, #tpu.memory_space<vmem>> -> memref<80x128xf32, #tpu.memory_space<vmem>>
          %dma_start3A_1177 = arith.constant 0 : i32
          %dma_start3A_1178 = tpu.memref_slice %arg5[%run_scoped3A, %dma_start3A_1177] : memref<40x80xi32, #tpu.memory_space<vmem>> -> memref<1x80xi32, #tpu.memory_space<vmem>>
          %dma_start3A_1179 = tpu.memref_squeeze %dma_start3A_1178 : memref<1x80xi32, #tpu.memory_space<vmem>> -> memref<80xi32, #tpu.memory_space<vmem>>
          %dma_start3A_1180 = arith.constant 0 : i32
          %dma_start3A_1181 = arith.constant 0 : i32
          %dma_start3A_1182 = tpu.memref_slice %arg12[%dma_start3A_1180, %dma_start3A_1181] : memref<256x128xf32, #tpu.memory_space<vmem_shared>> -> memref<256x128xf32, #tpu.memory_space<vmem_shared>>
          tpu.enqueue_indirect_dma source(%dma_start3A_1176 : memref<80x128xf32, #tpu.memory_space<vmem>>) target(%dma_start3A_1182 : memref<256x128xf32, #tpu.memory_space<vmem_shared>>) offsets(%dma_start3A_1179 : memref<80xi32, #tpu.memory_space<vmem>>) semaphore(%run_scoped3A_1174 : memref<!tpu.dma_semaphore, #tpu.memory_space<semaphore_mem>>) {add = true}
          %dma_wait3A = arith.constant 160 : i32
          %dma_wait3A_1183 = arith.constant 0 : i32
          %dma_wait3A_1184 = tpu.memref_slice %arg7[%dma_wait3A, %dma_wait3A_1183] : memref<320x128xf32, #tpu.memory_space<vmem>> -> memref<80x128xf32, #tpu.memory_space<vmem>>
          %dma_wait3A_1185 = arith.constant 0 : i32
          %dma_wait3A_1186 = tpu.memref_slice %arg5[%run_scoped3A, %dma_wait3A_1185] : memref<40x80xi32, #tpu.memory_space<vmem>> -> memref<1x80xi32, #tpu.memory_space<vmem>>
          %dma_wait3A_1187 = tpu.memref_squeeze %dma_wait3A_1186 : memref<1x80xi32, #tpu.memory_space<vmem>> -> memref<80xi32, #tpu.memory_space<vmem>>
          %dma_wait3A_1188 = arith.constant 0 : i32
          %dma_wait3A_1189 = arith.constant 0 : i32
          %dma_wait3A_1190 = tpu.memref_slice %arg12[%dma_wait3A_1188, %dma_wait3A_1189] : memref<256x128xf32, #tpu.memory_space<vmem_shared>> -> memref<256x128xf32, #tpu.memory_space<vmem_shared>>
          tpu.wait_indirect_dma semaphore(%run_scoped3A_1174 : memref<!tpu.dma_semaphore, #tpu.memory_space<semaphore_mem>>) src(%dma_wait3A_1184 : memref<80x128xf32, #tpu.memory_space<vmem>>) dst(%dma_wait3A_1190 : memref<256x128xf32, #tpu.memory_space<vmem_shared>>)
          tpu.yield
        }) : () -> ()
      } else {
      }
      %add3A_1161 = arith.constant 2240 : i32
      %add3A_1162 = arith.addi %mul3A_0, %add3A_1161 : i32
      %add3A_1163 = arith.constant 320 : i32
      %add3A_1164 = arith.addi %add3A_1162, %add3A_1163 : i32
      %le3A_1165 = arith.constant 50000 : i32
      %le3A_1166 = arith.cmpi sle, %add3A_1164, %le3A_1165 : i32
      %convert_element_type3A_1167 = arith.extui %le3A_1166 : i1 to i32
      %cond3A_1168 = arith.constant 0 : i32
      %cond3A_1169 = arith.cmpi ne, %convert_element_type3A_1167, %cond3A_1168 : i32
      scf.if %cond3A_1169 {
        %add3A_1170 = arith.constant 2240 : i32
        %add3A_1171 = arith.addi %mul3A_0, %add3A_1170 : i32
        %add3A_1172 = arith.constant 240 : i32
        %add3A_1173 = arith.addi %add3A_1171, %add3A_1172 : i32
        "tpu.region"() ({
          %run_scoped3A_1174 = tpu.sem_alloc : memref<!tpu.dma_semaphore, #tpu.memory_space<semaphore_mem>>
          %dma_start3A = arith.constant 240 : i32
          %dma_start3A_1175 = arith.constant 0 : i32
          %dma_start3A_1176 = tpu.memref_slice %arg7[%dma_start3A, %dma_start3A_1175] : memref<320x128xf32, #tpu.memory_space<vmem>> -> memref<80x128xf32, #tpu.memory_space<vmem>>
          %dma_start3A_1177 = tpu.memref_slice %arg2[%add3A_1173, %mul3A_2] : memref<50000x256xf32, #tpu.memory_space<hbm>> -> memref<80x128xf32, #tpu.memory_space<hbm>>
          %dma_start3A_1178 = arith.constant 240 : i32
          %dma_start3A_1179 = arith.constant 0 : i32
          %dma_start3A_1180 = tpu.memref_slice %arg7[%dma_start3A_1178, %dma_start3A_1179] : memref<320x128xf32, #tpu.memory_space<vmem>> -> memref<80x128xf32, #tpu.memory_space<vmem>>
          %dma_start3A_1181 = tpu.memref_slice %arg2[%add3A_1173, %mul3A_2] : memref<50000x256xf32, #tpu.memory_space<hbm>> -> memref<80x128xf32, #tpu.memory_space<hbm>>
          tpu.enqueue_dma source(%dma_start3A_1181 : memref<80x128xf32, #tpu.memory_space<hbm>>) target(%dma_start3A_1180 : memref<80x128xf32, #tpu.memory_space<vmem>>) target_semaphore(%run_scoped3A_1174 : memref<!tpu.dma_semaphore, #tpu.memory_space<semaphore_mem>>)
          %dma_wait3A = arith.constant 240 : i32
          %dma_wait3A_1182 = arith.constant 0 : i32
          %dma_wait3A_1183 = tpu.memref_slice %arg7[%dma_wait3A, %dma_wait3A_1182] : memref<320x128xf32, #tpu.memory_space<vmem>> -> memref<80x128xf32, #tpu.memory_space<vmem>>
          %dma_wait3A_1184 = tpu.memref_slice %arg2[%add3A_1173, %mul3A_2] : memref<50000x256xf32, #tpu.memory_space<hbm>> -> memref<80x128xf32, #tpu.memory_space<hbm>>
          %dma_wait3A_1185 = arith.constant 240 : i32
          %dma_wait3A_1186 = arith.constant 0 : i32
          %dma_wait3A_1187 = tpu.memref_slice %arg7[%dma_wait3A_1185, %dma_wait3A_1186] : memref<320x128xf32, #tpu.memory_space<vmem>> -> memref<80x128xf32, #tpu.memory_space<vmem>>
          %dma_wait3A_1188 = tpu.memref_slice %arg2[%add3A_1173, %mul3A_2] : memref<50000x256xf32, #tpu.memory_space<hbm>> -> memref<80x128xf32, #tpu.memory_space<hbm>>
          tpu.wait_dma2 semaphore(%run_scoped3A_1174 : memref<!tpu.dma_semaphore, #tpu.memory_space<semaphore_mem>>) src(%dma_wait3A_1188 : memref<80x128xf32, #tpu.memory_space<hbm>>) dst(%dma_wait3A_1187 : memref<80x128xf32, #tpu.memory_space<vmem>>)
          tpu.yield
        }) : () -> ()
        %run_scoped3A = arith.constant 31 : i32
        "tpu.region"() ({
          %run_scoped3A_1174 = tpu.sem_alloc : memref<!tpu.dma_semaphore, #tpu.memory_space<semaphore_mem>>
          %dma_start3A = arith.constant 240 : i32
          %dma_start3A_1175 = arith.constant 0 : i32
          %dma_start3A_1176 = tpu.memref_slice %arg7[%dma_start3A, %dma_start3A_1175] : memref<320x128xf32, #tpu.memory_space<vmem>> -> memref<80x128xf32, #tpu.memory_space<vmem>>
          %dma_start3A_1177 = arith.constant 0 : i32
          %dma_start3A_1178 = tpu.memref_slice %arg5[%run_scoped3A, %dma_start3A_1177] : memref<40x80xi32, #tpu.memory_space<vmem>> -> memref<1x80xi32, #tpu.memory_space<vmem>>
          %dma_start3A_1179 = tpu.memref_squeeze %dma_start3A_1178 : memref<1x80xi32, #tpu.memory_space<vmem>> -> memref<80xi32, #tpu.memory_space<vmem>>
          %dma_start3A_1180 = arith.constant 0 : i32
          %dma_start3A_1181 = arith.constant 0 : i32
          %dma_start3A_1182 = tpu.memref_slice %arg12[%dma_start3A_1180, %dma_start3A_1181] : memref<256x128xf32, #tpu.memory_space<vmem_shared>> -> memref<256x128xf32, #tpu.memory_space<vmem_shared>>
          tpu.enqueue_indirect_dma source(%dma_start3A_1176 : memref<80x128xf32, #tpu.memory_space<vmem>>) target(%dma_start3A_1182 : memref<256x128xf32, #tpu.memory_space<vmem_shared>>) offsets(%dma_start3A_1179 : memref<80xi32, #tpu.memory_space<vmem>>) semaphore(%run_scoped3A_1174 : memref<!tpu.dma_semaphore, #tpu.memory_space<semaphore_mem>>) {add = true}
          %dma_wait3A = arith.constant 240 : i32
          %dma_wait3A_1183 = arith.constant 0 : i32
          %dma_wait3A_1184 = tpu.memref_slice %arg7[%dma_wait3A, %dma_wait3A_1183] : memref<320x128xf32, #tpu.memory_space<vmem>> -> memref<80x128xf32, #tpu.memory_space<vmem>>
          %dma_wait3A_1185 = arith.constant 0 : i32
          %dma_wait3A_1186 = tpu.memref_slice %arg5[%run_scoped3A, %dma_wait3A_1185] : memref<40x80xi32, #tpu.memory_space<vmem>> -> memref<1x80xi32, #tpu.memory_space<vmem>>
          %dma_wait3A_1187 = tpu.memref_squeeze %dma_wait3A_1186 : memref<1x80xi32, #tpu.memory_space<vmem>> -> memref<80xi32, #tpu.memory_space<vmem>>
          %dma_wait3A_1188 = arith.constant 0 : i32
          %dma_wait3A_1189 = arith.constant 0 : i32
          %dma_wait3A_1190 = tpu.memref_slice %arg12[%dma_wait3A_1188, %dma_wait3A_1189] : memref<256x128xf32, #tpu.memory_space<vmem_shared>> -> memref<256x128xf32, #tpu.memory_space<vmem_shared>>
          tpu.wait_indirect_dma semaphore(%run_scoped3A_1174 : memref<!tpu.dma_semaphore, #tpu.memory_space<semaphore_mem>>) src(%dma_wait3A_1184 : memref<80x128xf32, #tpu.memory_space<vmem>>) dst(%dma_wait3A_1190 : memref<256x128xf32, #tpu.memory_space<vmem_shared>>)
          tpu.yield
        }) : () -> ()
      } else {
      }
    } else {
    }
    %add3A_1066 = arith.constant 2880 : i32
    %add3A_1067 = arith.addi %mul3A_0, %add3A_1066 : i32
    %add3A_1068 = arith.constant 320 : i32
    %add3A_1069 = arith.addi %add3A_1067, %add3A_1068 : i32
    %le3A_1070 = arith.constant 50000 : i32
    %le3A_1071 = arith.cmpi sle, %add3A_1069, %le3A_1070 : i32
    %convert_element_type3A_1072 = arith.extui %le3A_1071 : i1 to i32
    %cond3A_1073 = arith.constant 0 : i32
    %cond3A_1074 = arith.cmpi ne, %convert_element_type3A_1072, %cond3A_1073 : i32
    scf.if %cond3A_1074 {
      %add3A_1134 = arith.constant 2880 : i32
      %add3A_1135 = arith.addi %mul3A_0, %add3A_1134 : i32
      %dma_start3A = tpu.memref_slice %arg2[%add3A_1135, %mul3A_2] : memref<50000x256xf32, #tpu.memory_space<hbm>> -> memref<320x128xf32, #tpu.memory_space<hbm>>
      %dma_start3A_1136 = tpu.memref_slice %arg2[%add3A_1135, %mul3A_2] : memref<50000x256xf32, #tpu.memory_space<hbm>> -> memref<320x128xf32, #tpu.memory_space<hbm>>
      tpu.enqueue_dma source(%dma_start3A_1136 : memref<320x128xf32, #tpu.memory_space<hbm>>) target(%arg7 : memref<320x128xf32, #tpu.memory_space<vmem>>) target_semaphore(%arg10 : memref<!tpu.dma_semaphore, #tpu.memory_space<semaphore_mem>>)
    } else {
    }
    %add3A_1075 = arith.constant 2560 : i32
    %add3A_1076 = arith.addi %mul3A_0, %add3A_1075 : i32
    %add3A_1077 = arith.constant 320 : i32
    %add3A_1078 = arith.addi %add3A_1076, %add3A_1077 : i32
    %le3A_1079 = arith.constant 50000 : i32
    %le3A_1080 = arith.cmpi sle, %add3A_1078, %le3A_1079 : i32
    %convert_element_type3A_1081 = arith.extui %le3A_1080 : i1 to i32
    %cond3A_1082 = arith.constant 0 : i32
    %cond3A_1083 = arith.cmpi ne, %convert_element_type3A_1081, %cond3A_1082 : i32
    scf.if %cond3A_1083 {
      %add3A_1134 = arith.constant 2560 : i32
      %add3A_1135 = arith.addi %mul3A_0, %add3A_1134 : i32
      %dma_wait3A = tpu.memref_slice %arg2[%add3A_1135, %mul3A_2] : memref<50000x256xf32, #tpu.memory_space<hbm>> -> memref<320x128xf32, #tpu.memory_space<hbm>>
      %dma_wait3A_1136 = tpu.memref_slice %arg2[%add3A_1135, %mul3A_2] : memref<50000x256xf32, #tpu.memory_space<hbm>> -> memref<320x128xf32, #tpu.memory_space<hbm>>
      tpu.wait_dma2 semaphore(%arg9 : memref<!tpu.dma_semaphore, #tpu.memory_space<semaphore_mem>>) src(%dma_wait3A_1136 : memref<320x128xf32, #tpu.memory_space<hbm>>) dst(%arg6 : memref<320x128xf32, #tpu.memory_space<vmem>>)
      %dma_start3A = arith.constant 32 : i32
      %dma_start3A_1137 = arith.constant 0 : i32
      %dma_start3A_1138 = arith.constant 0 : i32
      %dma_start3A_1139 = tpu.memref_slice %arg6[%dma_start3A_1137, %dma_start3A_1138] : memref<320x128xf32, #tpu.memory_space<vmem>> -> memref<80x128xf32, #tpu.memory_space<vmem>>
      %dma_start3A_1140 = arith.constant 0 : i32
      %dma_start3A_1141 = tpu.memref_slice %arg5[%dma_start3A, %dma_start3A_1140] : memref<40x80xi32, #tpu.memory_space<vmem>> -> memref<1x80xi32, #tpu.memory_space<vmem>>
      %dma_start3A_1142 = tpu.memref_squeeze %dma_start3A_1141 : memref<1x80xi32, #tpu.memory_space<vmem>> -> memref<80xi32, #tpu.memory_space<vmem>>
      %dma_start3A_1143 = arith.constant 0 : i32
      %dma_start3A_1144 = arith.constant 0 : i32
      %dma_start3A_1145 = tpu.memref_slice %arg12[%dma_start3A_1143, %dma_start3A_1144] : memref<256x128xf32, #tpu.memory_space<vmem_shared>> -> memref<256x128xf32, #tpu.memory_space<vmem_shared>>
      tpu.enqueue_indirect_dma source(%dma_start3A_1139 : memref<80x128xf32, #tpu.memory_space<vmem>>) target(%dma_start3A_1145 : memref<256x128xf32, #tpu.memory_space<vmem_shared>>) offsets(%dma_start3A_1142 : memref<80xi32, #tpu.memory_space<vmem>>) semaphore(%arg11 : memref<!tpu.dma_semaphore, #tpu.memory_space<semaphore_mem>>) {add = true}
      %dma_start3A_1146 = arith.constant 33 : i32
      %dma_start3A_1147 = arith.constant 80 : i32
      %dma_start3A_1148 = arith.constant 0 : i32
      %dma_start3A_1149 = tpu.memref_slice %arg6[%dma_start3A_1147, %dma_start3A_1148] : memref<320x128xf32, #tpu.memory_space<vmem>> -> memref<80x128xf32, #tpu.memory_space<vmem>>
      %dma_start3A_1150 = arith.constant 0 : i32
      %dma_start3A_1151 = tpu.memref_slice %arg5[%dma_start3A_1146, %dma_start3A_1150] : memref<40x80xi32, #tpu.memory_space<vmem>> -> memref<1x80xi32, #tpu.memory_space<vmem>>
      %dma_start3A_1152 = tpu.memref_squeeze %dma_start3A_1151 : memref<1x80xi32, #tpu.memory_space<vmem>> -> memref<80xi32, #tpu.memory_space<vmem>>
      %dma_start3A_1153 = arith.constant 0 : i32
      %dma_start3A_1154 = arith.constant 0 : i32
      %dma_start3A_1155 = tpu.memref_slice %arg12[%dma_start3A_1153, %dma_start3A_1154] : memref<256x128xf32, #tpu.memory_space<vmem_shared>> -> memref<256x128xf32, #tpu.memory_space<vmem_shared>>
      tpu.enqueue_indirect_dma source(%dma_start3A_1149 : memref<80x128xf32, #tpu.memory_space<vmem>>) target(%dma_start3A_1155 : memref<256x128xf32, #tpu.memory_space<vmem_shared>>) offsets(%dma_start3A_1152 : memref<80xi32, #tpu.memory_space<vmem>>) semaphore(%arg11 : memref<!tpu.dma_semaphore, #tpu.memory_space<semaphore_mem>>) {add = true}
      %dma_start3A_1156 = arith.constant 34 : i32
      %dma_start3A_1157 = arith.constant 160 : i32
      %dma_start3A_1158 = arith.constant 0 : i32
      %dma_start3A_1159 = tpu.memref_slice %arg6[%dma_start3A_1157, %dma_start3A_1158] : memref<320x128xf32, #tpu.memory_space<vmem>> -> memref<80x128xf32, #tpu.memory_space<vmem>>
      %dma_start3A_1160 = arith.constant 0 : i32
      %dma_start3A_1161 = tpu.memref_slice %arg5[%dma_start3A_1156, %dma_start3A_1160] : memref<40x80xi32, #tpu.memory_space<vmem>> -> memref<1x80xi32, #tpu.memory_space<vmem>>
      %dma_start3A_1162 = tpu.memref_squeeze %dma_start3A_1161 : memref<1x80xi32, #tpu.memory_space<vmem>> -> memref<80xi32, #tpu.memory_space<vmem>>
      %dma_start3A_1163 = arith.constant 0 : i32
      %dma_start3A_1164 = arith.constant 0 : i32
      %dma_start3A_1165 = tpu.memref_slice %arg12[%dma_start3A_1163, %dma_start3A_1164] : memref<256x128xf32, #tpu.memory_space<vmem_shared>> -> memref<256x128xf32, #tpu.memory_space<vmem_shared>>
      tpu.enqueue_indirect_dma source(%dma_start3A_1159 : memref<80x128xf32, #tpu.memory_space<vmem>>) target(%dma_start3A_1165 : memref<256x128xf32, #tpu.memory_space<vmem_shared>>) offsets(%dma_start3A_1162 : memref<80xi32, #tpu.memory_space<vmem>>) semaphore(%arg11 : memref<!tpu.dma_semaphore, #tpu.memory_space<semaphore_mem>>) {add = true}
      %dma_start3A_1166 = arith.constant 35 : i32
      %dma_start3A_1167 = arith.constant 240 : i32
      %dma_start3A_1168 = arith.constant 0 : i32
      %dma_start3A_1169 = tpu.memref_slice %arg6[%dma_start3A_1167, %dma_start3A_1168] : memref<320x128xf32, #tpu.memory_space<vmem>> -> memref<80x128xf32, #tpu.memory_space<vmem>>
      %dma_start3A_1170 = arith.constant 0 : i32
      %dma_start3A_1171 = tpu.memref_slice %arg5[%dma_start3A_1166, %dma_start3A_1170] : memref<40x80xi32, #tpu.memory_space<vmem>> -> memref<1x80xi32, #tpu.memory_space<vmem>>
      %dma_start3A_1172 = tpu.memref_squeeze %dma_start3A_1171 : memref<1x80xi32, #tpu.memory_space<vmem>> -> memref<80xi32, #tpu.memory_space<vmem>>
      %dma_start3A_1173 = arith.constant 0 : i32
      %dma_start3A_1174 = arith.constant 0 : i32
      %dma_start3A_1175 = tpu.memref_slice %arg12[%dma_start3A_1173, %dma_start3A_1174] : memref<256x128xf32, #tpu.memory_space<vmem_shared>> -> memref<256x128xf32, #tpu.memory_space<vmem_shared>>
      tpu.enqueue_indirect_dma source(%dma_start3A_1169 : memref<80x128xf32, #tpu.memory_space<vmem>>) target(%dma_start3A_1175 : memref<256x128xf32, #tpu.memory_space<vmem_shared>>) offsets(%dma_start3A_1172 : memref<80xi32, #tpu.memory_space<vmem>>) semaphore(%arg11 : memref<!tpu.dma_semaphore, #tpu.memory_space<semaphore_mem>>) {add = true}
      %dma_wait3A_1176 = arith.constant 32 : i32
      %dma_wait3A_1177 = arith.constant 0 : i32
      %dma_wait3A_1178 = arith.constant 0 : i32
      %dma_wait3A_1179 = tpu.memref_slice %arg6[%dma_wait3A_1177, %dma_wait3A_1178] : memref<320x128xf32, #tpu.memory_space<vmem>> -> memref<80x128xf32, #tpu.memory_space<vmem>>
      %dma_wait3A_1180 = arith.constant 0 : i32
      %dma_wait3A_1181 = tpu.memref_slice %arg5[%dma_wait3A_1176, %dma_wait3A_1180] : memref<40x80xi32, #tpu.memory_space<vmem>> -> memref<1x80xi32, #tpu.memory_space<vmem>>
      %dma_wait3A_1182 = tpu.memref_squeeze %dma_wait3A_1181 : memref<1x80xi32, #tpu.memory_space<vmem>> -> memref<80xi32, #tpu.memory_space<vmem>>
      %dma_wait3A_1183 = arith.constant 0 : i32
      %dma_wait3A_1184 = arith.constant 0 : i32
      %dma_wait3A_1185 = tpu.memref_slice %arg12[%dma_wait3A_1183, %dma_wait3A_1184] : memref<256x128xf32, #tpu.memory_space<vmem_shared>> -> memref<256x128xf32, #tpu.memory_space<vmem_shared>>
      tpu.wait_indirect_dma semaphore(%arg11 : memref<!tpu.dma_semaphore, #tpu.memory_space<semaphore_mem>>) src(%dma_wait3A_1179 : memref<80x128xf32, #tpu.memory_space<vmem>>) dst(%dma_wait3A_1185 : memref<256x128xf32, #tpu.memory_space<vmem_shared>>)
      %dma_wait3A_1186 = arith.constant 33 : i32
      %dma_wait3A_1187 = arith.constant 80 : i32
      %dma_wait3A_1188 = arith.constant 0 : i32
      %dma_wait3A_1189 = tpu.memref_slice %arg6[%dma_wait3A_1187, %dma_wait3A_1188] : memref<320x128xf32, #tpu.memory_space<vmem>> -> memref<80x128xf32, #tpu.memory_space<vmem>>
      %dma_wait3A_1190 = arith.constant 0 : i32
      %dma_wait3A_1191 = tpu.memref_slice %arg5[%dma_wait3A_1186, %dma_wait3A_1190] : memref<40x80xi32, #tpu.memory_space<vmem>> -> memref<1x80xi32, #tpu.memory_space<vmem>>
      %dma_wait3A_1192 = tpu.memref_squeeze %dma_wait3A_1191 : memref<1x80xi32, #tpu.memory_space<vmem>> -> memref<80xi32, #tpu.memory_space<vmem>>
      %dma_wait3A_1193 = arith.constant 0 : i32
      %dma_wait3A_1194 = arith.constant 0 : i32
      %dma_wait3A_1195 = tpu.memref_slice %arg12[%dma_wait3A_1193, %dma_wait3A_1194] : memref<256x128xf32, #tpu.memory_space<vmem_shared>> -> memref<256x128xf32, #tpu.memory_space<vmem_shared>>
      tpu.wait_indirect_dma semaphore(%arg11 : memref<!tpu.dma_semaphore, #tpu.memory_space<semaphore_mem>>) src(%dma_wait3A_1189 : memref<80x128xf32, #tpu.memory_space<vmem>>) dst(%dma_wait3A_1195 : memref<256x128xf32, #tpu.memory_space<vmem_shared>>)
      %dma_wait3A_1196 = arith.constant 34 : i32
      %dma_wait3A_1197 = arith.constant 160 : i32
      %dma_wait3A_1198 = arith.constant 0 : i32
      %dma_wait3A_1199 = tpu.memref_slice %arg6[%dma_wait3A_1197, %dma_wait3A_1198] : memref<320x128xf32, #tpu.memory_space<vmem>> -> memref<80x128xf32, #tpu.memory_space<vmem>>
      %dma_wait3A_1200 = arith.constant 0 : i32
      %dma_wait3A_1201 = tpu.memref_slice %arg5[%dma_wait3A_1196, %dma_wait3A_1200] : memref<40x80xi32, #tpu.memory_space<vmem>> -> memref<1x80xi32, #tpu.memory_space<vmem>>
      %dma_wait3A_1202 = tpu.memref_squeeze %dma_wait3A_1201 : memref<1x80xi32, #tpu.memory_space<vmem>> -> memref<80xi32, #tpu.memory_space<vmem>>
      %dma_wait3A_1203 = arith.constant 0 : i32
      %dma_wait3A_1204 = arith.constant 0 : i32
      %dma_wait3A_1205 = tpu.memref_slice %arg12[%dma_wait3A_1203, %dma_wait3A_1204] : memref<256x128xf32, #tpu.memory_space<vmem_shared>> -> memref<256x128xf32, #tpu.memory_space<vmem_shared>>
      tpu.wait_indirect_dma semaphore(%arg11 : memref<!tpu.dma_semaphore, #tpu.memory_space<semaphore_mem>>) src(%dma_wait3A_1199 : memref<80x128xf32, #tpu.memory_space<vmem>>) dst(%dma_wait3A_1205 : memref<256x128xf32, #tpu.memory_space<vmem_shared>>)
      %dma_wait3A_1206 = arith.constant 35 : i32
      %dma_wait3A_1207 = arith.constant 240 : i32
      %dma_wait3A_1208 = arith.constant 0 : i32
      %dma_wait3A_1209 = tpu.memref_slice %arg6[%dma_wait3A_1207, %dma_wait3A_1208] : memref<320x128xf32, #tpu.memory_space<vmem>> -> memref<80x128xf32, #tpu.memory_space<vmem>>
      %dma_wait3A_1210 = arith.constant 0 : i32
      %dma_wait3A_1211 = tpu.memref_slice %arg5[%dma_wait3A_1206, %dma_wait3A_1210] : memref<40x80xi32, #tpu.memory_space<vmem>> -> memref<1x80xi32, #tpu.memory_space<vmem>>
      %dma_wait3A_1212 = tpu.memref_squeeze %dma_wait3A_1211 : memref<1x80xi32, #tpu.memory_space<vmem>> -> memref<80xi32, #tpu.memory_space<vmem>>
      %dma_wait3A_1213 = arith.constant 0 : i32
      %dma_wait3A_1214 = arith.constant 0 : i32
      %dma_wait3A_1215 = tpu.memref_slice %arg12[%dma_wait3A_1213, %dma_wait3A_1214] : memref<256x128xf32, #tpu.memory_space<vmem_shared>> -> memref<256x128xf32, #tpu.memory_space<vmem_shared>>
      tpu.wait_indirect_dma semaphore(%arg11 : memref<!tpu.dma_semaphore, #tpu.memory_space<semaphore_mem>>) src(%dma_wait3A_1209 : memref<80x128xf32, #tpu.memory_space<vmem>>) dst(%dma_wait3A_1215 : memref<256x128xf32, #tpu.memory_space<vmem_shared>>)
    } else {
    }
    %add3A_1084 = arith.constant 2560 : i32
    %add3A_1085 = arith.addi %mul3A_0, %add3A_1084 : i32
    %add3A_1086 = arith.constant 320 : i32
    %add3A_1087 = arith.addi %add3A_1085, %add3A_1086 : i32
    %le3A_1088 = arith.constant 50000 : i32
    %le3A_1089 = arith.cmpi sle, %add3A_1087, %le3A_1088 : i32
    %not3A_1090 = arith.constant true
    %not3A_1091 = arith.xori %le3A_1089, %not3A_1090 : i1
    %add3A_1092 = arith.constant 2560 : i32
    %add3A_1093 = arith.addi %mul3A_0, %add3A_1092 : i32
    %add3A_1094 = arith.constant 80 : i32
    %add3A_1095 = arith.addi %add3A_1093, %add3A_1094 : i32
    %le3A_1096 = arith.constant 50000 : i32
    %le3A_1097 = arith.cmpi sle, %add3A_1095, %le3A_1096 : i32
    %and3A_1098 = arith.andi %not3A_1091, %le3A_1097 : i1
    %convert_element_type3A_1099 = arith.extui %and3A_1098 : i1 to i32
    %cond3A_1100 = arith.constant 0 : i32
    %cond3A_1101 = arith.cmpi ne, %convert_element_type3A_1099, %cond3A_1100 : i32
    scf.if %cond3A_1101 {
      %add3A_1134 = arith.constant 2560 : i32
      %add3A_1135 = arith.addi %mul3A_0, %add3A_1134 : i32
      %add3A_1136 = arith.constant 80 : i32
      %add3A_1137 = arith.addi %add3A_1135, %add3A_1136 : i32
      %le3A_1138 = arith.constant 50000 : i32
      %le3A_1139 = arith.cmpi sle, %add3A_1137, %le3A_1138 : i32
      %convert_element_type3A_1140 = arith.extui %le3A_1139 : i1 to i32
      %cond3A_1141 = arith.constant 0 : i32
      %cond3A_1142 = arith.cmpi ne, %convert_element_type3A_1140, %cond3A_1141 : i32
      scf.if %cond3A_1142 {
        %add3A_1170 = arith.constant 2560 : i32
        %add3A_1171 = arith.addi %mul3A_0, %add3A_1170 : i32
        %add3A_1172 = arith.constant 0 : i32
        %add3A_1173 = arith.addi %add3A_1171, %add3A_1172 : i32
        "tpu.region"() ({
          %run_scoped3A_1174 = tpu.sem_alloc : memref<!tpu.dma_semaphore, #tpu.memory_space<semaphore_mem>>
          %dma_start3A = arith.constant 0 : i32
          %dma_start3A_1175 = arith.constant 0 : i32
          %dma_start3A_1176 = tpu.memref_slice %arg6[%dma_start3A, %dma_start3A_1175] : memref<320x128xf32, #tpu.memory_space<vmem>> -> memref<80x128xf32, #tpu.memory_space<vmem>>
          %dma_start3A_1177 = tpu.memref_slice %arg2[%add3A_1173, %mul3A_2] : memref<50000x256xf32, #tpu.memory_space<hbm>> -> memref<80x128xf32, #tpu.memory_space<hbm>>
          %dma_start3A_1178 = arith.constant 0 : i32
          %dma_start3A_1179 = arith.constant 0 : i32
          %dma_start3A_1180 = tpu.memref_slice %arg6[%dma_start3A_1178, %dma_start3A_1179] : memref<320x128xf32, #tpu.memory_space<vmem>> -> memref<80x128xf32, #tpu.memory_space<vmem>>
          %dma_start3A_1181 = tpu.memref_slice %arg2[%add3A_1173, %mul3A_2] : memref<50000x256xf32, #tpu.memory_space<hbm>> -> memref<80x128xf32, #tpu.memory_space<hbm>>
          tpu.enqueue_dma source(%dma_start3A_1181 : memref<80x128xf32, #tpu.memory_space<hbm>>) target(%dma_start3A_1180 : memref<80x128xf32, #tpu.memory_space<vmem>>) target_semaphore(%run_scoped3A_1174 : memref<!tpu.dma_semaphore, #tpu.memory_space<semaphore_mem>>)
          %dma_wait3A = arith.constant 0 : i32
          %dma_wait3A_1182 = arith.constant 0 : i32
          %dma_wait3A_1183 = tpu.memref_slice %arg6[%dma_wait3A, %dma_wait3A_1182] : memref<320x128xf32, #tpu.memory_space<vmem>> -> memref<80x128xf32, #tpu.memory_space<vmem>>
          %dma_wait3A_1184 = tpu.memref_slice %arg2[%add3A_1173, %mul3A_2] : memref<50000x256xf32, #tpu.memory_space<hbm>> -> memref<80x128xf32, #tpu.memory_space<hbm>>
          %dma_wait3A_1185 = arith.constant 0 : i32
          %dma_wait3A_1186 = arith.constant 0 : i32
          %dma_wait3A_1187 = tpu.memref_slice %arg6[%dma_wait3A_1185, %dma_wait3A_1186] : memref<320x128xf32, #tpu.memory_space<vmem>> -> memref<80x128xf32, #tpu.memory_space<vmem>>
          %dma_wait3A_1188 = tpu.memref_slice %arg2[%add3A_1173, %mul3A_2] : memref<50000x256xf32, #tpu.memory_space<hbm>> -> memref<80x128xf32, #tpu.memory_space<hbm>>
          tpu.wait_dma2 semaphore(%run_scoped3A_1174 : memref<!tpu.dma_semaphore, #tpu.memory_space<semaphore_mem>>) src(%dma_wait3A_1188 : memref<80x128xf32, #tpu.memory_space<hbm>>) dst(%dma_wait3A_1187 : memref<80x128xf32, #tpu.memory_space<vmem>>)
          tpu.yield
        }) : () -> ()
        %run_scoped3A = arith.constant 32 : i32
        "tpu.region"() ({
          %run_scoped3A_1174 = tpu.sem_alloc : memref<!tpu.dma_semaphore, #tpu.memory_space<semaphore_mem>>
          %dma_start3A = arith.constant 0 : i32
          %dma_start3A_1175 = arith.constant 0 : i32
          %dma_start3A_1176 = tpu.memref_slice %arg6[%dma_start3A, %dma_start3A_1175] : memref<320x128xf32, #tpu.memory_space<vmem>> -> memref<80x128xf32, #tpu.memory_space<vmem>>
          %dma_start3A_1177 = arith.constant 0 : i32
          %dma_start3A_1178 = tpu.memref_slice %arg5[%run_scoped3A, %dma_start3A_1177] : memref<40x80xi32, #tpu.memory_space<vmem>> -> memref<1x80xi32, #tpu.memory_space<vmem>>
          %dma_start3A_1179 = tpu.memref_squeeze %dma_start3A_1178 : memref<1x80xi32, #tpu.memory_space<vmem>> -> memref<80xi32, #tpu.memory_space<vmem>>
          %dma_start3A_1180 = arith.constant 0 : i32
          %dma_start3A_1181 = arith.constant 0 : i32
          %dma_start3A_1182 = tpu.memref_slice %arg12[%dma_start3A_1180, %dma_start3A_1181] : memref<256x128xf32, #tpu.memory_space<vmem_shared>> -> memref<256x128xf32, #tpu.memory_space<vmem_shared>>
          tpu.enqueue_indirect_dma source(%dma_start3A_1176 : memref<80x128xf32, #tpu.memory_space<vmem>>) target(%dma_start3A_1182 : memref<256x128xf32, #tpu.memory_space<vmem_shared>>) offsets(%dma_start3A_1179 : memref<80xi32, #tpu.memory_space<vmem>>) semaphore(%run_scoped3A_1174 : memref<!tpu.dma_semaphore, #tpu.memory_space<semaphore_mem>>) {add = true}
          %dma_wait3A = arith.constant 0 : i32
          %dma_wait3A_1183 = arith.constant 0 : i32
          %dma_wait3A_1184 = tpu.memref_slice %arg6[%dma_wait3A, %dma_wait3A_1183] : memref<320x128xf32, #tpu.memory_space<vmem>> -> memref<80x128xf32, #tpu.memory_space<vmem>>
          %dma_wait3A_1185 = arith.constant 0 : i32
          %dma_wait3A_1186 = tpu.memref_slice %arg5[%run_scoped3A, %dma_wait3A_1185] : memref<40x80xi32, #tpu.memory_space<vmem>> -> memref<1x80xi32, #tpu.memory_space<vmem>>
          %dma_wait3A_1187 = tpu.memref_squeeze %dma_wait3A_1186 : memref<1x80xi32, #tpu.memory_space<vmem>> -> memref<80xi32, #tpu.memory_space<vmem>>
          %dma_wait3A_1188 = arith.constant 0 : i32
          %dma_wait3A_1189 = arith.constant 0 : i32
          %dma_wait3A_1190 = tpu.memref_slice %arg12[%dma_wait3A_1188, %dma_wait3A_1189] : memref<256x128xf32, #tpu.memory_space<vmem_shared>> -> memref<256x128xf32, #tpu.memory_space<vmem_shared>>
          tpu.wait_indirect_dma semaphore(%run_scoped3A_1174 : memref<!tpu.dma_semaphore, #tpu.memory_space<semaphore_mem>>) src(%dma_wait3A_1184 : memref<80x128xf32, #tpu.memory_space<vmem>>) dst(%dma_wait3A_1190 : memref<256x128xf32, #tpu.memory_space<vmem_shared>>)
          tpu.yield
        }) : () -> ()
      } else {
      }
      %add3A_1143 = arith.constant 2560 : i32
      %add3A_1144 = arith.addi %mul3A_0, %add3A_1143 : i32
      %add3A_1145 = arith.constant 160 : i32
      %add3A_1146 = arith.addi %add3A_1144, %add3A_1145 : i32
      %le3A_1147 = arith.constant 50000 : i32
      %le3A_1148 = arith.cmpi sle, %add3A_1146, %le3A_1147 : i32
      %convert_element_type3A_1149 = arith.extui %le3A_1148 : i1 to i32
      %cond3A_1150 = arith.constant 0 : i32
      %cond3A_1151 = arith.cmpi ne, %convert_element_type3A_1149, %cond3A_1150 : i32
      scf.if %cond3A_1151 {
        %add3A_1170 = arith.constant 2560 : i32
        %add3A_1171 = arith.addi %mul3A_0, %add3A_1170 : i32
        %add3A_1172 = arith.constant 80 : i32
        %add3A_1173 = arith.addi %add3A_1171, %add3A_1172 : i32
        "tpu.region"() ({
          %run_scoped3A_1174 = tpu.sem_alloc : memref<!tpu.dma_semaphore, #tpu.memory_space<semaphore_mem>>
          %dma_start3A = arith.constant 80 : i32
          %dma_start3A_1175 = arith.constant 0 : i32
          %dma_start3A_1176 = tpu.memref_slice %arg6[%dma_start3A, %dma_start3A_1175] : memref<320x128xf32, #tpu.memory_space<vmem>> -> memref<80x128xf32, #tpu.memory_space<vmem>>
          %dma_start3A_1177 = tpu.memref_slice %arg2[%add3A_1173, %mul3A_2] : memref<50000x256xf32, #tpu.memory_space<hbm>> -> memref<80x128xf32, #tpu.memory_space<hbm>>
          %dma_start3A_1178 = arith.constant 80 : i32
          %dma_start3A_1179 = arith.constant 0 : i32
          %dma_start3A_1180 = tpu.memref_slice %arg6[%dma_start3A_1178, %dma_start3A_1179] : memref<320x128xf32, #tpu.memory_space<vmem>> -> memref<80x128xf32, #tpu.memory_space<vmem>>
          %dma_start3A_1181 = tpu.memref_slice %arg2[%add3A_1173, %mul3A_2] : memref<50000x256xf32, #tpu.memory_space<hbm>> -> memref<80x128xf32, #tpu.memory_space<hbm>>
          tpu.enqueue_dma source(%dma_start3A_1181 : memref<80x128xf32, #tpu.memory_space<hbm>>) target(%dma_start3A_1180 : memref<80x128xf32, #tpu.memory_space<vmem>>) target_semaphore(%run_scoped3A_1174 : memref<!tpu.dma_semaphore, #tpu.memory_space<semaphore_mem>>)
          %dma_wait3A = arith.constant 80 : i32
          %dma_wait3A_1182 = arith.constant 0 : i32
          %dma_wait3A_1183 = tpu.memref_slice %arg6[%dma_wait3A, %dma_wait3A_1182] : memref<320x128xf32, #tpu.memory_space<vmem>> -> memref<80x128xf32, #tpu.memory_space<vmem>>
          %dma_wait3A_1184 = tpu.memref_slice %arg2[%add3A_1173, %mul3A_2] : memref<50000x256xf32, #tpu.memory_space<hbm>> -> memref<80x128xf32, #tpu.memory_space<hbm>>
          %dma_wait3A_1185 = arith.constant 80 : i32
          %dma_wait3A_1186 = arith.constant 0 : i32
          %dma_wait3A_1187 = tpu.memref_slice %arg6[%dma_wait3A_1185, %dma_wait3A_1186] : memref<320x128xf32, #tpu.memory_space<vmem>> -> memref<80x128xf32, #tpu.memory_space<vmem>>
          %dma_wait3A_1188 = tpu.memref_slice %arg2[%add3A_1173, %mul3A_2] : memref<50000x256xf32, #tpu.memory_space<hbm>> -> memref<80x128xf32, #tpu.memory_space<hbm>>
          tpu.wait_dma2 semaphore(%run_scoped3A_1174 : memref<!tpu.dma_semaphore, #tpu.memory_space<semaphore_mem>>) src(%dma_wait3A_1188 : memref<80x128xf32, #tpu.memory_space<hbm>>) dst(%dma_wait3A_1187 : memref<80x128xf32, #tpu.memory_space<vmem>>)
          tpu.yield
        }) : () -> ()
        %run_scoped3A = arith.constant 33 : i32
        "tpu.region"() ({
          %run_scoped3A_1174 = tpu.sem_alloc : memref<!tpu.dma_semaphore, #tpu.memory_space<semaphore_mem>>
          %dma_start3A = arith.constant 80 : i32
          %dma_start3A_1175 = arith.constant 0 : i32
          %dma_start3A_1176 = tpu.memref_slice %arg6[%dma_start3A, %dma_start3A_1175] : memref<320x128xf32, #tpu.memory_space<vmem>> -> memref<80x128xf32, #tpu.memory_space<vmem>>
          %dma_start3A_1177 = arith.constant 0 : i32
          %dma_start3A_1178 = tpu.memref_slice %arg5[%run_scoped3A, %dma_start3A_1177] : memref<40x80xi32, #tpu.memory_space<vmem>> -> memref<1x80xi32, #tpu.memory_space<vmem>>
          %dma_start3A_1179 = tpu.memref_squeeze %dma_start3A_1178 : memref<1x80xi32, #tpu.memory_space<vmem>> -> memref<80xi32, #tpu.memory_space<vmem>>
          %dma_start3A_1180 = arith.constant 0 : i32
          %dma_start3A_1181 = arith.constant 0 : i32
          %dma_start3A_1182 = tpu.memref_slice %arg12[%dma_start3A_1180, %dma_start3A_1181] : memref<256x128xf32, #tpu.memory_space<vmem_shared>> -> memref<256x128xf32, #tpu.memory_space<vmem_shared>>
          tpu.enqueue_indirect_dma source(%dma_start3A_1176 : memref<80x128xf32, #tpu.memory_space<vmem>>) target(%dma_start3A_1182 : memref<256x128xf32, #tpu.memory_space<vmem_shared>>) offsets(%dma_start3A_1179 : memref<80xi32, #tpu.memory_space<vmem>>) semaphore(%run_scoped3A_1174 : memref<!tpu.dma_semaphore, #tpu.memory_space<semaphore_mem>>) {add = true}
          %dma_wait3A = arith.constant 80 : i32
          %dma_wait3A_1183 = arith.constant 0 : i32
          %dma_wait3A_1184 = tpu.memref_slice %arg6[%dma_wait3A, %dma_wait3A_1183] : memref<320x128xf32, #tpu.memory_space<vmem>> -> memref<80x128xf32, #tpu.memory_space<vmem>>
          %dma_wait3A_1185 = arith.constant 0 : i32
          %dma_wait3A_1186 = tpu.memref_slice %arg5[%run_scoped3A, %dma_wait3A_1185] : memref<40x80xi32, #tpu.memory_space<vmem>> -> memref<1x80xi32, #tpu.memory_space<vmem>>
          %dma_wait3A_1187 = tpu.memref_squeeze %dma_wait3A_1186 : memref<1x80xi32, #tpu.memory_space<vmem>> -> memref<80xi32, #tpu.memory_space<vmem>>
          %dma_wait3A_1188 = arith.constant 0 : i32
          %dma_wait3A_1189 = arith.constant 0 : i32
          %dma_wait3A_1190 = tpu.memref_slice %arg12[%dma_wait3A_1188, %dma_wait3A_1189] : memref<256x128xf32, #tpu.memory_space<vmem_shared>> -> memref<256x128xf32, #tpu.memory_space<vmem_shared>>
          tpu.wait_indirect_dma semaphore(%run_scoped3A_1174 : memref<!tpu.dma_semaphore, #tpu.memory_space<semaphore_mem>>) src(%dma_wait3A_1184 : memref<80x128xf32, #tpu.memory_space<vmem>>) dst(%dma_wait3A_1190 : memref<256x128xf32, #tpu.memory_space<vmem_shared>>)
          tpu.yield
        }) : () -> ()
      } else {
      }
      %add3A_1152 = arith.constant 2560 : i32
      %add3A_1153 = arith.addi %mul3A_0, %add3A_1152 : i32
      %add3A_1154 = arith.constant 240 : i32
      %add3A_1155 = arith.addi %add3A_1153, %add3A_1154 : i32
      %le3A_1156 = arith.constant 50000 : i32
      %le3A_1157 = arith.cmpi sle, %add3A_1155, %le3A_1156 : i32
      %convert_element_type3A_1158 = arith.extui %le3A_1157 : i1 to i32
      %cond3A_1159 = arith.constant 0 : i32
      %cond3A_1160 = arith.cmpi ne, %convert_element_type3A_1158, %cond3A_1159 : i32
      scf.if %cond3A_1160 {
        %add3A_1170 = arith.constant 2560 : i32
        %add3A_1171 = arith.addi %mul3A_0, %add3A_1170 : i32
        %add3A_1172 = arith.constant 160 : i32
        %add3A_1173 = arith.addi %add3A_1171, %add3A_1172 : i32
        "tpu.region"() ({
          %run_scoped3A_1174 = tpu.sem_alloc : memref<!tpu.dma_semaphore, #tpu.memory_space<semaphore_mem>>
          %dma_start3A = arith.constant 160 : i32
          %dma_start3A_1175 = arith.constant 0 : i32
          %dma_start3A_1176 = tpu.memref_slice %arg6[%dma_start3A, %dma_start3A_1175] : memref<320x128xf32, #tpu.memory_space<vmem>> -> memref<80x128xf32, #tpu.memory_space<vmem>>
          %dma_start3A_1177 = tpu.memref_slice %arg2[%add3A_1173, %mul3A_2] : memref<50000x256xf32, #tpu.memory_space<hbm>> -> memref<80x128xf32, #tpu.memory_space<hbm>>
          %dma_start3A_1178 = arith.constant 160 : i32
          %dma_start3A_1179 = arith.constant 0 : i32
          %dma_start3A_1180 = tpu.memref_slice %arg6[%dma_start3A_1178, %dma_start3A_1179] : memref<320x128xf32, #tpu.memory_space<vmem>> -> memref<80x128xf32, #tpu.memory_space<vmem>>
          %dma_start3A_1181 = tpu.memref_slice %arg2[%add3A_1173, %mul3A_2] : memref<50000x256xf32, #tpu.memory_space<hbm>> -> memref<80x128xf32, #tpu.memory_space<hbm>>
          tpu.enqueue_dma source(%dma_start3A_1181 : memref<80x128xf32, #tpu.memory_space<hbm>>) target(%dma_start3A_1180 : memref<80x128xf32, #tpu.memory_space<vmem>>) target_semaphore(%run_scoped3A_1174 : memref<!tpu.dma_semaphore, #tpu.memory_space<semaphore_mem>>)
          %dma_wait3A = arith.constant 160 : i32
          %dma_wait3A_1182 = arith.constant 0 : i32
          %dma_wait3A_1183 = tpu.memref_slice %arg6[%dma_wait3A, %dma_wait3A_1182] : memref<320x128xf32, #tpu.memory_space<vmem>> -> memref<80x128xf32, #tpu.memory_space<vmem>>
          %dma_wait3A_1184 = tpu.memref_slice %arg2[%add3A_1173, %mul3A_2] : memref<50000x256xf32, #tpu.memory_space<hbm>> -> memref<80x128xf32, #tpu.memory_space<hbm>>
          %dma_wait3A_1185 = arith.constant 160 : i32
          %dma_wait3A_1186 = arith.constant 0 : i32
          %dma_wait3A_1187 = tpu.memref_slice %arg6[%dma_wait3A_1185, %dma_wait3A_1186] : memref<320x128xf32, #tpu.memory_space<vmem>> -> memref<80x128xf32, #tpu.memory_space<vmem>>
          %dma_wait3A_1188 = tpu.memref_slice %arg2[%add3A_1173, %mul3A_2] : memref<50000x256xf32, #tpu.memory_space<hbm>> -> memref<80x128xf32, #tpu.memory_space<hbm>>
          tpu.wait_dma2 semaphore(%run_scoped3A_1174 : memref<!tpu.dma_semaphore, #tpu.memory_space<semaphore_mem>>) src(%dma_wait3A_1188 : memref<80x128xf32, #tpu.memory_space<hbm>>) dst(%dma_wait3A_1187 : memref<80x128xf32, #tpu.memory_space<vmem>>)
          tpu.yield
        }) : () -> ()
        %run_scoped3A = arith.constant 34 : i32
        "tpu.region"() ({
          %run_scoped3A_1174 = tpu.sem_alloc : memref<!tpu.dma_semaphore, #tpu.memory_space<semaphore_mem>>
          %dma_start3A = arith.constant 160 : i32
          %dma_start3A_1175 = arith.constant 0 : i32
          %dma_start3A_1176 = tpu.memref_slice %arg6[%dma_start3A, %dma_start3A_1175] : memref<320x128xf32, #tpu.memory_space<vmem>> -> memref<80x128xf32, #tpu.memory_space<vmem>>
          %dma_start3A_1177 = arith.constant 0 : i32
          %dma_start3A_1178 = tpu.memref_slice %arg5[%run_scoped3A, %dma_start3A_1177] : memref<40x80xi32, #tpu.memory_space<vmem>> -> memref<1x80xi32, #tpu.memory_space<vmem>>
          %dma_start3A_1179 = tpu.memref_squeeze %dma_start3A_1178 : memref<1x80xi32, #tpu.memory_space<vmem>> -> memref<80xi32, #tpu.memory_space<vmem>>
          %dma_start3A_1180 = arith.constant 0 : i32
          %dma_start3A_1181 = arith.constant 0 : i32
          %dma_start3A_1182 = tpu.memref_slice %arg12[%dma_start3A_1180, %dma_start3A_1181] : memref<256x128xf32, #tpu.memory_space<vmem_shared>> -> memref<256x128xf32, #tpu.memory_space<vmem_shared>>
          tpu.enqueue_indirect_dma source(%dma_start3A_1176 : memref<80x128xf32, #tpu.memory_space<vmem>>) target(%dma_start3A_1182 : memref<256x128xf32, #tpu.memory_space<vmem_shared>>) offsets(%dma_start3A_1179 : memref<80xi32, #tpu.memory_space<vmem>>) semaphore(%run_scoped3A_1174 : memref<!tpu.dma_semaphore, #tpu.memory_space<semaphore_mem>>) {add = true}
          %dma_wait3A = arith.constant 160 : i32
          %dma_wait3A_1183 = arith.constant 0 : i32
          %dma_wait3A_1184 = tpu.memref_slice %arg6[%dma_wait3A, %dma_wait3A_1183] : memref<320x128xf32, #tpu.memory_space<vmem>> -> memref<80x128xf32, #tpu.memory_space<vmem>>
          %dma_wait3A_1185 = arith.constant 0 : i32
          %dma_wait3A_1186 = tpu.memref_slice %arg5[%run_scoped3A, %dma_wait3A_1185] : memref<40x80xi32, #tpu.memory_space<vmem>> -> memref<1x80xi32, #tpu.memory_space<vmem>>
          %dma_wait3A_1187 = tpu.memref_squeeze %dma_wait3A_1186 : memref<1x80xi32, #tpu.memory_space<vmem>> -> memref<80xi32, #tpu.memory_space<vmem>>
          %dma_wait3A_1188 = arith.constant 0 : i32
          %dma_wait3A_1189 = arith.constant 0 : i32
          %dma_wait3A_1190 = tpu.memref_slice %arg12[%dma_wait3A_1188, %dma_wait3A_1189] : memref<256x128xf32, #tpu.memory_space<vmem_shared>> -> memref<256x128xf32, #tpu.memory_space<vmem_shared>>
          tpu.wait_indirect_dma semaphore(%run_scoped3A_1174 : memref<!tpu.dma_semaphore, #tpu.memory_space<semaphore_mem>>) src(%dma_wait3A_1184 : memref<80x128xf32, #tpu.memory_space<vmem>>) dst(%dma_wait3A_1190 : memref<256x128xf32, #tpu.memory_space<vmem_shared>>)
          tpu.yield
        }) : () -> ()
      } else {
      }
      %add3A_1161 = arith.constant 2560 : i32
      %add3A_1162 = arith.addi %mul3A_0, %add3A_1161 : i32
      %add3A_1163 = arith.constant 320 : i32
      %add3A_1164 = arith.addi %add3A_1162, %add3A_1163 : i32
      %le3A_1165 = arith.constant 50000 : i32
      %le3A_1166 = arith.cmpi sle, %add3A_1164, %le3A_1165 : i32
      %convert_element_type3A_1167 = arith.extui %le3A_1166 : i1 to i32
      %cond3A_1168 = arith.constant 0 : i32
      %cond3A_1169 = arith.cmpi ne, %convert_element_type3A_1167, %cond3A_1168 : i32
      scf.if %cond3A_1169 {
        %add3A_1170 = arith.constant 2560 : i32
        %add3A_1171 = arith.addi %mul3A_0, %add3A_1170 : i32
        %add3A_1172 = arith.constant 240 : i32
        %add3A_1173 = arith.addi %add3A_1171, %add3A_1172 : i32
        "tpu.region"() ({
          %run_scoped3A_1174 = tpu.sem_alloc : memref<!tpu.dma_semaphore, #tpu.memory_space<semaphore_mem>>
          %dma_start3A = arith.constant 240 : i32
          %dma_start3A_1175 = arith.constant 0 : i32
          %dma_start3A_1176 = tpu.memref_slice %arg6[%dma_start3A, %dma_start3A_1175] : memref<320x128xf32, #tpu.memory_space<vmem>> -> memref<80x128xf32, #tpu.memory_space<vmem>>
          %dma_start3A_1177 = tpu.memref_slice %arg2[%add3A_1173, %mul3A_2] : memref<50000x256xf32, #tpu.memory_space<hbm>> -> memref<80x128xf32, #tpu.memory_space<hbm>>
          %dma_start3A_1178 = arith.constant 240 : i32
          %dma_start3A_1179 = arith.constant 0 : i32
          %dma_start3A_1180 = tpu.memref_slice %arg6[%dma_start3A_1178, %dma_start3A_1179] : memref<320x128xf32, #tpu.memory_space<vmem>> -> memref<80x128xf32, #tpu.memory_space<vmem>>
          %dma_start3A_1181 = tpu.memref_slice %arg2[%add3A_1173, %mul3A_2] : memref<50000x256xf32, #tpu.memory_space<hbm>> -> memref<80x128xf32, #tpu.memory_space<hbm>>
          tpu.enqueue_dma source(%dma_start3A_1181 : memref<80x128xf32, #tpu.memory_space<hbm>>) target(%dma_start3A_1180 : memref<80x128xf32, #tpu.memory_space<vmem>>) target_semaphore(%run_scoped3A_1174 : memref<!tpu.dma_semaphore, #tpu.memory_space<semaphore_mem>>)
          %dma_wait3A = arith.constant 240 : i32
          %dma_wait3A_1182 = arith.constant 0 : i32
          %dma_wait3A_1183 = tpu.memref_slice %arg6[%dma_wait3A, %dma_wait3A_1182] : memref<320x128xf32, #tpu.memory_space<vmem>> -> memref<80x128xf32, #tpu.memory_space<vmem>>
          %dma_wait3A_1184 = tpu.memref_slice %arg2[%add3A_1173, %mul3A_2] : memref<50000x256xf32, #tpu.memory_space<hbm>> -> memref<80x128xf32, #tpu.memory_space<hbm>>
          %dma_wait3A_1185 = arith.constant 240 : i32
          %dma_wait3A_1186 = arith.constant 0 : i32
          %dma_wait3A_1187 = tpu.memref_slice %arg6[%dma_wait3A_1185, %dma_wait3A_1186] : memref<320x128xf32, #tpu.memory_space<vmem>> -> memref<80x128xf32, #tpu.memory_space<vmem>>
          %dma_wait3A_1188 = tpu.memref_slice %arg2[%add3A_1173, %mul3A_2] : memref<50000x256xf32, #tpu.memory_space<hbm>> -> memref<80x128xf32, #tpu.memory_space<hbm>>
          tpu.wait_dma2 semaphore(%run_scoped3A_1174 : memref<!tpu.dma_semaphore, #tpu.memory_space<semaphore_mem>>) src(%dma_wait3A_1188 : memref<80x128xf32, #tpu.memory_space<hbm>>) dst(%dma_wait3A_1187 : memref<80x128xf32, #tpu.memory_space<vmem>>)
          tpu.yield
        }) : () -> ()
        %run_scoped3A = arith.constant 35 : i32
        "tpu.region"() ({
          %run_scoped3A_1174 = tpu.sem_alloc : memref<!tpu.dma_semaphore, #tpu.memory_space<semaphore_mem>>
          %dma_start3A = arith.constant 240 : i32
          %dma_start3A_1175 = arith.constant 0 : i32
          %dma_start3A_1176 = tpu.memref_slice %arg6[%dma_start3A, %dma_start3A_1175] : memref<320x128xf32, #tpu.memory_space<vmem>> -> memref<80x128xf32, #tpu.memory_space<vmem>>
          %dma_start3A_1177 = arith.constant 0 : i32
          %dma_start3A_1178 = tpu.memref_slice %arg5[%run_scoped3A, %dma_start3A_1177] : memref<40x80xi32, #tpu.memory_space<vmem>> -> memref<1x80xi32, #tpu.memory_space<vmem>>
          %dma_start3A_1179 = tpu.memref_squeeze %dma_start3A_1178 : memref<1x80xi32, #tpu.memory_space<vmem>> -> memref<80xi32, #tpu.memory_space<vmem>>
          %dma_start3A_1180 = arith.constant 0 : i32
          %dma_start3A_1181 = arith.constant 0 : i32
          %dma_start3A_1182 = tpu.memref_slice %arg12[%dma_start3A_1180, %dma_start3A_1181] : memref<256x128xf32, #tpu.memory_space<vmem_shared>> -> memref<256x128xf32, #tpu.memory_space<vmem_shared>>
          tpu.enqueue_indirect_dma source(%dma_start3A_1176 : memref<80x128xf32, #tpu.memory_space<vmem>>) target(%dma_start3A_1182 : memref<256x128xf32, #tpu.memory_space<vmem_shared>>) offsets(%dma_start3A_1179 : memref<80xi32, #tpu.memory_space<vmem>>) semaphore(%run_scoped3A_1174 : memref<!tpu.dma_semaphore, #tpu.memory_space<semaphore_mem>>) {add = true}
          %dma_wait3A = arith.constant 240 : i32
          %dma_wait3A_1183 = arith.constant 0 : i32
          %dma_wait3A_1184 = tpu.memref_slice %arg6[%dma_wait3A, %dma_wait3A_1183] : memref<320x128xf32, #tpu.memory_space<vmem>> -> memref<80x128xf32, #tpu.memory_space<vmem>>
          %dma_wait3A_1185 = arith.constant 0 : i32
          %dma_wait3A_1186 = tpu.memref_slice %arg5[%run_scoped3A, %dma_wait3A_1185] : memref<40x80xi32, #tpu.memory_space<vmem>> -> memref<1x80xi32, #tpu.memory_space<vmem>>
          %dma_wait3A_1187 = tpu.memref_squeeze %dma_wait3A_1186 : memref<1x80xi32, #tpu.memory_space<vmem>> -> memref<80xi32, #tpu.memory_space<vmem>>
          %dma_wait3A_1188 = arith.constant 0 : i32
          %dma_wait3A_1189 = arith.constant 0 : i32
          %dma_wait3A_1190 = tpu.memref_slice %arg12[%dma_wait3A_1188, %dma_wait3A_1189] : memref<256x128xf32, #tpu.memory_space<vmem_shared>> -> memref<256x128xf32, #tpu.memory_space<vmem_shared>>
          tpu.wait_indirect_dma semaphore(%run_scoped3A_1174 : memref<!tpu.dma_semaphore, #tpu.memory_space<semaphore_mem>>) src(%dma_wait3A_1184 : memref<80x128xf32, #tpu.memory_space<vmem>>) dst(%dma_wait3A_1190 : memref<256x128xf32, #tpu.memory_space<vmem_shared>>)
          tpu.yield
        }) : () -> ()
      } else {
      }
    } else {
    }
    %add3A_1102 = arith.constant 2880 : i32
    %add3A_1103 = arith.addi %mul3A_0, %add3A_1102 : i32
    %add3A_1104 = arith.constant 320 : i32
    %add3A_1105 = arith.addi %add3A_1103, %add3A_1104 : i32
    %le3A_1106 = arith.constant 50000 : i32
    %le3A_1107 = arith.cmpi sle, %add3A_1105, %le3A_1106 : i32
    %convert_element_type3A_1108 = arith.extui %le3A_1107 : i1 to i32
    %cond3A_1109 = arith.constant 0 : i32
    %cond3A_1110 = arith.cmpi ne, %convert_element_type3A_1108, %cond3A_1109 : i32
    scf.if %cond3A_1110 {
      %add3A_1134 = arith.constant 2880 : i32
      %add3A_1135 = arith.addi %mul3A_0, %add3A_1134 : i32
      %dma_wait3A = tpu.memref_slice %arg2[%add3A_1135, %mul3A_2] : memref<50000x256xf32, #tpu.memory_space<hbm>> -> memref<320x128xf32, #tpu.memory_space<hbm>>
      %dma_wait3A_1136 = tpu.memref_slice %arg2[%add3A_1135, %mul3A_2] : memref<50000x256xf32, #tpu.memory_space<hbm>> -> memref<320x128xf32, #tpu.memory_space<hbm>>
      tpu.wait_dma2 semaphore(%arg10 : memref<!tpu.dma_semaphore, #tpu.memory_space<semaphore_mem>>) src(%dma_wait3A_1136 : memref<320x128xf32, #tpu.memory_space<hbm>>) dst(%arg7 : memref<320x128xf32, #tpu.memory_space<vmem>>)
      %dma_start3A = arith.constant 36 : i32
      %dma_start3A_1137 = arith.constant 0 : i32
      %dma_start3A_1138 = arith.constant 0 : i32
      %dma_start3A_1139 = tpu.memref_slice %arg7[%dma_start3A_1137, %dma_start3A_1138] : memref<320x128xf32, #tpu.memory_space<vmem>> -> memref<80x128xf32, #tpu.memory_space<vmem>>
      %dma_start3A_1140 = arith.constant 0 : i32
      %dma_start3A_1141 = tpu.memref_slice %arg5[%dma_start3A, %dma_start3A_1140] : memref<40x80xi32, #tpu.memory_space<vmem>> -> memref<1x80xi32, #tpu.memory_space<vmem>>
      %dma_start3A_1142 = tpu.memref_squeeze %dma_start3A_1141 : memref<1x80xi32, #tpu.memory_space<vmem>> -> memref<80xi32, #tpu.memory_space<vmem>>
      %dma_start3A_1143 = arith.constant 0 : i32
      %dma_start3A_1144 = arith.constant 0 : i32
      %dma_start3A_1145 = tpu.memref_slice %arg12[%dma_start3A_1143, %dma_start3A_1144] : memref<256x128xf32, #tpu.memory_space<vmem_shared>> -> memref<256x128xf32, #tpu.memory_space<vmem_shared>>
      tpu.enqueue_indirect_dma source(%dma_start3A_1139 : memref<80x128xf32, #tpu.memory_space<vmem>>) target(%dma_start3A_1145 : memref<256x128xf32, #tpu.memory_space<vmem_shared>>) offsets(%dma_start3A_1142 : memref<80xi32, #tpu.memory_space<vmem>>) semaphore(%arg11 : memref<!tpu.dma_semaphore, #tpu.memory_space<semaphore_mem>>) {add = true}
      %dma_start3A_1146 = arith.constant 37 : i32
      %dma_start3A_1147 = arith.constant 80 : i32
      %dma_start3A_1148 = arith.constant 0 : i32
      %dma_start3A_1149 = tpu.memref_slice %arg7[%dma_start3A_1147, %dma_start3A_1148] : memref<320x128xf32, #tpu.memory_space<vmem>> -> memref<80x128xf32, #tpu.memory_space<vmem>>
      %dma_start3A_1150 = arith.constant 0 : i32
      %dma_start3A_1151 = tpu.memref_slice %arg5[%dma_start3A_1146, %dma_start3A_1150] : memref<40x80xi32, #tpu.memory_space<vmem>> -> memref<1x80xi32, #tpu.memory_space<vmem>>
      %dma_start3A_1152 = tpu.memref_squeeze %dma_start3A_1151 : memref<1x80xi32, #tpu.memory_space<vmem>> -> memref<80xi32, #tpu.memory_space<vmem>>
      %dma_start3A_1153 = arith.constant 0 : i32
      %dma_start3A_1154 = arith.constant 0 : i32
      %dma_start3A_1155 = tpu.memref_slice %arg12[%dma_start3A_1153, %dma_start3A_1154] : memref<256x128xf32, #tpu.memory_space<vmem_shared>> -> memref<256x128xf32, #tpu.memory_space<vmem_shared>>
      tpu.enqueue_indirect_dma source(%dma_start3A_1149 : memref<80x128xf32, #tpu.memory_space<vmem>>) target(%dma_start3A_1155 : memref<256x128xf32, #tpu.memory_space<vmem_shared>>) offsets(%dma_start3A_1152 : memref<80xi32, #tpu.memory_space<vmem>>) semaphore(%arg11 : memref<!tpu.dma_semaphore, #tpu.memory_space<semaphore_mem>>) {add = true}
      %dma_start3A_1156 = arith.constant 38 : i32
      %dma_start3A_1157 = arith.constant 160 : i32
      %dma_start3A_1158 = arith.constant 0 : i32
      %dma_start3A_1159 = tpu.memref_slice %arg7[%dma_start3A_1157, %dma_start3A_1158] : memref<320x128xf32, #tpu.memory_space<vmem>> -> memref<80x128xf32, #tpu.memory_space<vmem>>
      %dma_start3A_1160 = arith.constant 0 : i32
      %dma_start3A_1161 = tpu.memref_slice %arg5[%dma_start3A_1156, %dma_start3A_1160] : memref<40x80xi32, #tpu.memory_space<vmem>> -> memref<1x80xi32, #tpu.memory_space<vmem>>
      %dma_start3A_1162 = tpu.memref_squeeze %dma_start3A_1161 : memref<1x80xi32, #tpu.memory_space<vmem>> -> memref<80xi32, #tpu.memory_space<vmem>>
      %dma_start3A_1163 = arith.constant 0 : i32
      %dma_start3A_1164 = arith.constant 0 : i32
      %dma_start3A_1165 = tpu.memref_slice %arg12[%dma_start3A_1163, %dma_start3A_1164] : memref<256x128xf32, #tpu.memory_space<vmem_shared>> -> memref<256x128xf32, #tpu.memory_space<vmem_shared>>
      tpu.enqueue_indirect_dma source(%dma_start3A_1159 : memref<80x128xf32, #tpu.memory_space<vmem>>) target(%dma_start3A_1165 : memref<256x128xf32, #tpu.memory_space<vmem_shared>>) offsets(%dma_start3A_1162 : memref<80xi32, #tpu.memory_space<vmem>>) semaphore(%arg11 : memref<!tpu.dma_semaphore, #tpu.memory_space<semaphore_mem>>) {add = true}
      %dma_start3A_1166 = arith.constant 39 : i32
      %dma_start3A_1167 = arith.constant 240 : i32
      %dma_start3A_1168 = arith.constant 0 : i32
      %dma_start3A_1169 = tpu.memref_slice %arg7[%dma_start3A_1167, %dma_start3A_1168] : memref<320x128xf32, #tpu.memory_space<vmem>> -> memref<80x128xf32, #tpu.memory_space<vmem>>
      %dma_start3A_1170 = arith.constant 0 : i32
      %dma_start3A_1171 = tpu.memref_slice %arg5[%dma_start3A_1166, %dma_start3A_1170] : memref<40x80xi32, #tpu.memory_space<vmem>> -> memref<1x80xi32, #tpu.memory_space<vmem>>
      %dma_start3A_1172 = tpu.memref_squeeze %dma_start3A_1171 : memref<1x80xi32, #tpu.memory_space<vmem>> -> memref<80xi32, #tpu.memory_space<vmem>>
      %dma_start3A_1173 = arith.constant 0 : i32
      %dma_start3A_1174 = arith.constant 0 : i32
      %dma_start3A_1175 = tpu.memref_slice %arg12[%dma_start3A_1173, %dma_start3A_1174] : memref<256x128xf32, #tpu.memory_space<vmem_shared>> -> memref<256x128xf32, #tpu.memory_space<vmem_shared>>
      tpu.enqueue_indirect_dma source(%dma_start3A_1169 : memref<80x128xf32, #tpu.memory_space<vmem>>) target(%dma_start3A_1175 : memref<256x128xf32, #tpu.memory_space<vmem_shared>>) offsets(%dma_start3A_1172 : memref<80xi32, #tpu.memory_space<vmem>>) semaphore(%arg11 : memref<!tpu.dma_semaphore, #tpu.memory_space<semaphore_mem>>) {add = true}
      %dma_wait3A_1176 = arith.constant 36 : i32
      %dma_wait3A_1177 = arith.constant 0 : i32
      %dma_wait3A_1178 = arith.constant 0 : i32
      %dma_wait3A_1179 = tpu.memref_slice %arg7[%dma_wait3A_1177, %dma_wait3A_1178] : memref<320x128xf32, #tpu.memory_space<vmem>> -> memref<80x128xf32, #tpu.memory_space<vmem>>
      %dma_wait3A_1180 = arith.constant 0 : i32
      %dma_wait3A_1181 = tpu.memref_slice %arg5[%dma_wait3A_1176, %dma_wait3A_1180] : memref<40x80xi32, #tpu.memory_space<vmem>> -> memref<1x80xi32, #tpu.memory_space<vmem>>
      %dma_wait3A_1182 = tpu.memref_squeeze %dma_wait3A_1181 : memref<1x80xi32, #tpu.memory_space<vmem>> -> memref<80xi32, #tpu.memory_space<vmem>>
      %dma_wait3A_1183 = arith.constant 0 : i32
      %dma_wait3A_1184 = arith.constant 0 : i32
      %dma_wait3A_1185 = tpu.memref_slice %arg12[%dma_wait3A_1183, %dma_wait3A_1184] : memref<256x128xf32, #tpu.memory_space<vmem_shared>> -> memref<256x128xf32, #tpu.memory_space<vmem_shared>>
      tpu.wait_indirect_dma semaphore(%arg11 : memref<!tpu.dma_semaphore, #tpu.memory_space<semaphore_mem>>) src(%dma_wait3A_1179 : memref<80x128xf32, #tpu.memory_space<vmem>>) dst(%dma_wait3A_1185 : memref<256x128xf32, #tpu.memory_space<vmem_shared>>)
      %dma_wait3A_1186 = arith.constant 37 : i32
      %dma_wait3A_1187 = arith.constant 80 : i32
      %dma_wait3A_1188 = arith.constant 0 : i32
      %dma_wait3A_1189 = tpu.memref_slice %arg7[%dma_wait3A_1187, %dma_wait3A_1188] : memref<320x128xf32, #tpu.memory_space<vmem>> -> memref<80x128xf32, #tpu.memory_space<vmem>>
      %dma_wait3A_1190 = arith.constant 0 : i32
      %dma_wait3A_1191 = tpu.memref_slice %arg5[%dma_wait3A_1186, %dma_wait3A_1190] : memref<40x80xi32, #tpu.memory_space<vmem>> -> memref<1x80xi32, #tpu.memory_space<vmem>>
      %dma_wait3A_1192 = tpu.memref_squeeze %dma_wait3A_1191 : memref<1x80xi32, #tpu.memory_space<vmem>> -> memref<80xi32, #tpu.memory_space<vmem>>
      %dma_wait3A_1193 = arith.constant 0 : i32
      %dma_wait3A_1194 = arith.constant 0 : i32
      %dma_wait3A_1195 = tpu.memref_slice %arg12[%dma_wait3A_1193, %dma_wait3A_1194] : memref<256x128xf32, #tpu.memory_space<vmem_shared>> -> memref<256x128xf32, #tpu.memory_space<vmem_shared>>
      tpu.wait_indirect_dma semaphore(%arg11 : memref<!tpu.dma_semaphore, #tpu.memory_space<semaphore_mem>>) src(%dma_wait3A_1189 : memref<80x128xf32, #tpu.memory_space<vmem>>) dst(%dma_wait3A_1195 : memref<256x128xf32, #tpu.memory_space<vmem_shared>>)
      %dma_wait3A_1196 = arith.constant 38 : i32
      %dma_wait3A_1197 = arith.constant 160 : i32
      %dma_wait3A_1198 = arith.constant 0 : i32
      %dma_wait3A_1199 = tpu.memref_slice %arg7[%dma_wait3A_1197, %dma_wait3A_1198] : memref<320x128xf32, #tpu.memory_space<vmem>> -> memref<80x128xf32, #tpu.memory_space<vmem>>
      %dma_wait3A_1200 = arith.constant 0 : i32
      %dma_wait3A_1201 = tpu.memref_slice %arg5[%dma_wait3A_1196, %dma_wait3A_1200] : memref<40x80xi32, #tpu.memory_space<vmem>> -> memref<1x80xi32, #tpu.memory_space<vmem>>
      %dma_wait3A_1202 = tpu.memref_squeeze %dma_wait3A_1201 : memref<1x80xi32, #tpu.memory_space<vmem>> -> memref<80xi32, #tpu.memory_space<vmem>>
      %dma_wait3A_1203 = arith.constant 0 : i32
      %dma_wait3A_1204 = arith.constant 0 : i32
      %dma_wait3A_1205 = tpu.memref_slice %arg12[%dma_wait3A_1203, %dma_wait3A_1204] : memref<256x128xf32, #tpu.memory_space<vmem_shared>> -> memref<256x128xf32, #tpu.memory_space<vmem_shared>>
      tpu.wait_indirect_dma semaphore(%arg11 : memref<!tpu.dma_semaphore, #tpu.memory_space<semaphore_mem>>) src(%dma_wait3A_1199 : memref<80x128xf32, #tpu.memory_space<vmem>>) dst(%dma_wait3A_1205 : memref<256x128xf32, #tpu.memory_space<vmem_shared>>)
      %dma_wait3A_1206 = arith.constant 39 : i32
      %dma_wait3A_1207 = arith.constant 240 : i32
      %dma_wait3A_1208 = arith.constant 0 : i32
      %dma_wait3A_1209 = tpu.memref_slice %arg7[%dma_wait3A_1207, %dma_wait3A_1208] : memref<320x128xf32, #tpu.memory_space<vmem>> -> memref<80x128xf32, #tpu.memory_space<vmem>>
      %dma_wait3A_1210 = arith.constant 0 : i32
      %dma_wait3A_1211 = tpu.memref_slice %arg5[%dma_wait3A_1206, %dma_wait3A_1210] : memref<40x80xi32, #tpu.memory_space<vmem>> -> memref<1x80xi32, #tpu.memory_space<vmem>>
      %dma_wait3A_1212 = tpu.memref_squeeze %dma_wait3A_1211 : memref<1x80xi32, #tpu.memory_space<vmem>> -> memref<80xi32, #tpu.memory_space<vmem>>
      %dma_wait3A_1213 = arith.constant 0 : i32
      %dma_wait3A_1214 = arith.constant 0 : i32
      %dma_wait3A_1215 = tpu.memref_slice %arg12[%dma_wait3A_1213, %dma_wait3A_1214] : memref<256x128xf32, #tpu.memory_space<vmem_shared>> -> memref<256x128xf32, #tpu.memory_space<vmem_shared>>
      tpu.wait_indirect_dma semaphore(%arg11 : memref<!tpu.dma_semaphore, #tpu.memory_space<semaphore_mem>>) src(%dma_wait3A_1209 : memref<80x128xf32, #tpu.memory_space<vmem>>) dst(%dma_wait3A_1215 : memref<256x128xf32, #tpu.memory_space<vmem_shared>>)
    } else {
    }
    %add3A_1111 = arith.constant 2880 : i32
    %add3A_1112 = arith.addi %mul3A_0, %add3A_1111 : i32
    %add3A_1113 = arith.constant 320 : i32
    %add3A_1114 = arith.addi %add3A_1112, %add3A_1113 : i32
    %le3A_1115 = arith.constant 50000 : i32
    %le3A_1116 = arith.cmpi sle, %add3A_1114, %le3A_1115 : i32
    %not3A_1117 = arith.constant true
    %not3A_1118 = arith.xori %le3A_1116, %not3A_1117 : i1
    %add3A_1119 = arith.constant 2880 : i32
    %add3A_1120 = arith.addi %mul3A_0, %add3A_1119 : i32
    %add3A_1121 = arith.constant 80 : i32
    %add3A_1122 = arith.addi %add3A_1120, %add3A_1121 : i32
    %le3A_1123 = arith.constant 50000 : i32
    %le3A_1124 = arith.cmpi sle, %add3A_1122, %le3A_1123 : i32
    %and3A_1125 = arith.andi %not3A_1118, %le3A_1124 : i1
    %convert_element_type3A_1126 = arith.extui %and3A_1125 : i1 to i32
    %cond3A_1127 = arith.constant 0 : i32
    %cond3A_1128 = arith.cmpi ne, %convert_element_type3A_1126, %cond3A_1127 : i32
    scf.if %cond3A_1128 {
      %add3A_1134 = arith.constant 2880 : i32
      %add3A_1135 = arith.addi %mul3A_0, %add3A_1134 : i32
      %add3A_1136 = arith.constant 80 : i32
      %add3A_1137 = arith.addi %add3A_1135, %add3A_1136 : i32
      %le3A_1138 = arith.constant 50000 : i32
      %le3A_1139 = arith.cmpi sle, %add3A_1137, %le3A_1138 : i32
      %convert_element_type3A_1140 = arith.extui %le3A_1139 : i1 to i32
      %cond3A_1141 = arith.constant 0 : i32
      %cond3A_1142 = arith.cmpi ne, %convert_element_type3A_1140, %cond3A_1141 : i32
      scf.if %cond3A_1142 {
        %add3A_1170 = arith.constant 2880 : i32
        %add3A_1171 = arith.addi %mul3A_0, %add3A_1170 : i32
        %add3A_1172 = arith.constant 0 : i32
        %add3A_1173 = arith.addi %add3A_1171, %add3A_1172 : i32
        "tpu.region"() ({
          %run_scoped3A_1174 = tpu.sem_alloc : memref<!tpu.dma_semaphore, #tpu.memory_space<semaphore_mem>>
          %dma_start3A = arith.constant 0 : i32
          %dma_start3A_1175 = arith.constant 0 : i32
          %dma_start3A_1176 = tpu.memref_slice %arg7[%dma_start3A, %dma_start3A_1175] : memref<320x128xf32, #tpu.memory_space<vmem>> -> memref<80x128xf32, #tpu.memory_space<vmem>>
          %dma_start3A_1177 = tpu.memref_slice %arg2[%add3A_1173, %mul3A_2] : memref<50000x256xf32, #tpu.memory_space<hbm>> -> memref<80x128xf32, #tpu.memory_space<hbm>>
          %dma_start3A_1178 = arith.constant 0 : i32
          %dma_start3A_1179 = arith.constant 0 : i32
          %dma_start3A_1180 = tpu.memref_slice %arg7[%dma_start3A_1178, %dma_start3A_1179] : memref<320x128xf32, #tpu.memory_space<vmem>> -> memref<80x128xf32, #tpu.memory_space<vmem>>
          %dma_start3A_1181 = tpu.memref_slice %arg2[%add3A_1173, %mul3A_2] : memref<50000x256xf32, #tpu.memory_space<hbm>> -> memref<80x128xf32, #tpu.memory_space<hbm>>
          tpu.enqueue_dma source(%dma_start3A_1181 : memref<80x128xf32, #tpu.memory_space<hbm>>) target(%dma_start3A_1180 : memref<80x128xf32, #tpu.memory_space<vmem>>) target_semaphore(%run_scoped3A_1174 : memref<!tpu.dma_semaphore, #tpu.memory_space<semaphore_mem>>)
          %dma_wait3A = arith.constant 0 : i32
          %dma_wait3A_1182 = arith.constant 0 : i32
          %dma_wait3A_1183 = tpu.memref_slice %arg7[%dma_wait3A, %dma_wait3A_1182] : memref<320x128xf32, #tpu.memory_space<vmem>> -> memref<80x128xf32, #tpu.memory_space<vmem>>
          %dma_wait3A_1184 = tpu.memref_slice %arg2[%add3A_1173, %mul3A_2] : memref<50000x256xf32, #tpu.memory_space<hbm>> -> memref<80x128xf32, #tpu.memory_space<hbm>>
          %dma_wait3A_1185 = arith.constant 0 : i32
          %dma_wait3A_1186 = arith.constant 0 : i32
          %dma_wait3A_1187 = tpu.memref_slice %arg7[%dma_wait3A_1185, %dma_wait3A_1186] : memref<320x128xf32, #tpu.memory_space<vmem>> -> memref<80x128xf32, #tpu.memory_space<vmem>>
          %dma_wait3A_1188 = tpu.memref_slice %arg2[%add3A_1173, %mul3A_2] : memref<50000x256xf32, #tpu.memory_space<hbm>> -> memref<80x128xf32, #tpu.memory_space<hbm>>
          tpu.wait_dma2 semaphore(%run_scoped3A_1174 : memref<!tpu.dma_semaphore, #tpu.memory_space<semaphore_mem>>) src(%dma_wait3A_1188 : memref<80x128xf32, #tpu.memory_space<hbm>>) dst(%dma_wait3A_1187 : memref<80x128xf32, #tpu.memory_space<vmem>>)
          tpu.yield
        }) : () -> ()
        %run_scoped3A = arith.constant 36 : i32
        "tpu.region"() ({
          %run_scoped3A_1174 = tpu.sem_alloc : memref<!tpu.dma_semaphore, #tpu.memory_space<semaphore_mem>>
          %dma_start3A = arith.constant 0 : i32
          %dma_start3A_1175 = arith.constant 0 : i32
          %dma_start3A_1176 = tpu.memref_slice %arg7[%dma_start3A, %dma_start3A_1175] : memref<320x128xf32, #tpu.memory_space<vmem>> -> memref<80x128xf32, #tpu.memory_space<vmem>>
          %dma_start3A_1177 = arith.constant 0 : i32
          %dma_start3A_1178 = tpu.memref_slice %arg5[%run_scoped3A, %dma_start3A_1177] : memref<40x80xi32, #tpu.memory_space<vmem>> -> memref<1x80xi32, #tpu.memory_space<vmem>>
          %dma_start3A_1179 = tpu.memref_squeeze %dma_start3A_1178 : memref<1x80xi32, #tpu.memory_space<vmem>> -> memref<80xi32, #tpu.memory_space<vmem>>
          %dma_start3A_1180 = arith.constant 0 : i32
          %dma_start3A_1181 = arith.constant 0 : i32
          %dma_start3A_1182 = tpu.memref_slice %arg12[%dma_start3A_1180, %dma_start3A_1181] : memref<256x128xf32, #tpu.memory_space<vmem_shared>> -> memref<256x128xf32, #tpu.memory_space<vmem_shared>>
          tpu.enqueue_indirect_dma source(%dma_start3A_1176 : memref<80x128xf32, #tpu.memory_space<vmem>>) target(%dma_start3A_1182 : memref<256x128xf32, #tpu.memory_space<vmem_shared>>) offsets(%dma_start3A_1179 : memref<80xi32, #tpu.memory_space<vmem>>) semaphore(%run_scoped3A_1174 : memref<!tpu.dma_semaphore, #tpu.memory_space<semaphore_mem>>) {add = true}
          %dma_wait3A = arith.constant 0 : i32
          %dma_wait3A_1183 = arith.constant 0 : i32
          %dma_wait3A_1184 = tpu.memref_slice %arg7[%dma_wait3A, %dma_wait3A_1183] : memref<320x128xf32, #tpu.memory_space<vmem>> -> memref<80x128xf32, #tpu.memory_space<vmem>>
          %dma_wait3A_1185 = arith.constant 0 : i32
          %dma_wait3A_1186 = tpu.memref_slice %arg5[%run_scoped3A, %dma_wait3A_1185] : memref<40x80xi32, #tpu.memory_space<vmem>> -> memref<1x80xi32, #tpu.memory_space<vmem>>
          %dma_wait3A_1187 = tpu.memref_squeeze %dma_wait3A_1186 : memref<1x80xi32, #tpu.memory_space<vmem>> -> memref<80xi32, #tpu.memory_space<vmem>>
          %dma_wait3A_1188 = arith.constant 0 : i32
          %dma_wait3A_1189 = arith.constant 0 : i32
          %dma_wait3A_1190 = tpu.memref_slice %arg12[%dma_wait3A_1188, %dma_wait3A_1189] : memref<256x128xf32, #tpu.memory_space<vmem_shared>> -> memref<256x128xf32, #tpu.memory_space<vmem_shared>>
          tpu.wait_indirect_dma semaphore(%run_scoped3A_1174 : memref<!tpu.dma_semaphore, #tpu.memory_space<semaphore_mem>>) src(%dma_wait3A_1184 : memref<80x128xf32, #tpu.memory_space<vmem>>) dst(%dma_wait3A_1190 : memref<256x128xf32, #tpu.memory_space<vmem_shared>>)
          tpu.yield
        }) : () -> ()
      } else {
      }
      %add3A_1143 = arith.constant 2880 : i32
      %add3A_1144 = arith.addi %mul3A_0, %add3A_1143 : i32
      %add3A_1145 = arith.constant 160 : i32
      %add3A_1146 = arith.addi %add3A_1144, %add3A_1145 : i32
      %le3A_1147 = arith.constant 50000 : i32
      %le3A_1148 = arith.cmpi sle, %add3A_1146, %le3A_1147 : i32
      %convert_element_type3A_1149 = arith.extui %le3A_1148 : i1 to i32
      %cond3A_1150 = arith.constant 0 : i32
      %cond3A_1151 = arith.cmpi ne, %convert_element_type3A_1149, %cond3A_1150 : i32
      scf.if %cond3A_1151 {
        %add3A_1170 = arith.constant 2880 : i32
        %add3A_1171 = arith.addi %mul3A_0, %add3A_1170 : i32
        %add3A_1172 = arith.constant 80 : i32
        %add3A_1173 = arith.addi %add3A_1171, %add3A_1172 : i32
        "tpu.region"() ({
          %run_scoped3A_1174 = tpu.sem_alloc : memref<!tpu.dma_semaphore, #tpu.memory_space<semaphore_mem>>
          %dma_start3A = arith.constant 80 : i32
          %dma_start3A_1175 = arith.constant 0 : i32
          %dma_start3A_1176 = tpu.memref_slice %arg7[%dma_start3A, %dma_start3A_1175] : memref<320x128xf32, #tpu.memory_space<vmem>> -> memref<80x128xf32, #tpu.memory_space<vmem>>
          %dma_start3A_1177 = tpu.memref_slice %arg2[%add3A_1173, %mul3A_2] : memref<50000x256xf32, #tpu.memory_space<hbm>> -> memref<80x128xf32, #tpu.memory_space<hbm>>
          %dma_start3A_1178 = arith.constant 80 : i32
          %dma_start3A_1179 = arith.constant 0 : i32
          %dma_start3A_1180 = tpu.memref_slice %arg7[%dma_start3A_1178, %dma_start3A_1179] : memref<320x128xf32, #tpu.memory_space<vmem>> -> memref<80x128xf32, #tpu.memory_space<vmem>>
          %dma_start3A_1181 = tpu.memref_slice %arg2[%add3A_1173, %mul3A_2] : memref<50000x256xf32, #tpu.memory_space<hbm>> -> memref<80x128xf32, #tpu.memory_space<hbm>>
          tpu.enqueue_dma source(%dma_start3A_1181 : memref<80x128xf32, #tpu.memory_space<hbm>>) target(%dma_start3A_1180 : memref<80x128xf32, #tpu.memory_space<vmem>>) target_semaphore(%run_scoped3A_1174 : memref<!tpu.dma_semaphore, #tpu.memory_space<semaphore_mem>>)
          %dma_wait3A = arith.constant 80 : i32
          %dma_wait3A_1182 = arith.constant 0 : i32
          %dma_wait3A_1183 = tpu.memref_slice %arg7[%dma_wait3A, %dma_wait3A_1182] : memref<320x128xf32, #tpu.memory_space<vmem>> -> memref<80x128xf32, #tpu.memory_space<vmem>>
          %dma_wait3A_1184 = tpu.memref_slice %arg2[%add3A_1173, %mul3A_2] : memref<50000x256xf32, #tpu.memory_space<hbm>> -> memref<80x128xf32, #tpu.memory_space<hbm>>
          %dma_wait3A_1185 = arith.constant 80 : i32
          %dma_wait3A_1186 = arith.constant 0 : i32
          %dma_wait3A_1187 = tpu.memref_slice %arg7[%dma_wait3A_1185, %dma_wait3A_1186] : memref<320x128xf32, #tpu.memory_space<vmem>> -> memref<80x128xf32, #tpu.memory_space<vmem>>
          %dma_wait3A_1188 = tpu.memref_slice %arg2[%add3A_1173, %mul3A_2] : memref<50000x256xf32, #tpu.memory_space<hbm>> -> memref<80x128xf32, #tpu.memory_space<hbm>>
          tpu.wait_dma2 semaphore(%run_scoped3A_1174 : memref<!tpu.dma_semaphore, #tpu.memory_space<semaphore_mem>>) src(%dma_wait3A_1188 : memref<80x128xf32, #tpu.memory_space<hbm>>) dst(%dma_wait3A_1187 : memref<80x128xf32, #tpu.memory_space<vmem>>)
          tpu.yield
        }) : () -> ()
        %run_scoped3A = arith.constant 37 : i32
        "tpu.region"() ({
          %run_scoped3A_1174 = tpu.sem_alloc : memref<!tpu.dma_semaphore, #tpu.memory_space<semaphore_mem>>
          %dma_start3A = arith.constant 80 : i32
          %dma_start3A_1175 = arith.constant 0 : i32
          %dma_start3A_1176 = tpu.memref_slice %arg7[%dma_start3A, %dma_start3A_1175] : memref<320x128xf32, #tpu.memory_space<vmem>> -> memref<80x128xf32, #tpu.memory_space<vmem>>
          %dma_start3A_1177 = arith.constant 0 : i32
          %dma_start3A_1178 = tpu.memref_slice %arg5[%run_scoped3A, %dma_start3A_1177] : memref<40x80xi32, #tpu.memory_space<vmem>> -> memref<1x80xi32, #tpu.memory_space<vmem>>
          %dma_start3A_1179 = tpu.memref_squeeze %dma_start3A_1178 : memref<1x80xi32, #tpu.memory_space<vmem>> -> memref<80xi32, #tpu.memory_space<vmem>>
          %dma_start3A_1180 = arith.constant 0 : i32
          %dma_start3A_1181 = arith.constant 0 : i32
          %dma_start3A_1182 = tpu.memref_slice %arg12[%dma_start3A_1180, %dma_start3A_1181] : memref<256x128xf32, #tpu.memory_space<vmem_shared>> -> memref<256x128xf32, #tpu.memory_space<vmem_shared>>
          tpu.enqueue_indirect_dma source(%dma_start3A_1176 : memref<80x128xf32, #tpu.memory_space<vmem>>) target(%dma_start3A_1182 : memref<256x128xf32, #tpu.memory_space<vmem_shared>>) offsets(%dma_start3A_1179 : memref<80xi32, #tpu.memory_space<vmem>>) semaphore(%run_scoped3A_1174 : memref<!tpu.dma_semaphore, #tpu.memory_space<semaphore_mem>>) {add = true}
          %dma_wait3A = arith.constant 80 : i32
          %dma_wait3A_1183 = arith.constant 0 : i32
          %dma_wait3A_1184 = tpu.memref_slice %arg7[%dma_wait3A, %dma_wait3A_1183] : memref<320x128xf32, #tpu.memory_space<vmem>> -> memref<80x128xf32, #tpu.memory_space<vmem>>
          %dma_wait3A_1185 = arith.constant 0 : i32
          %dma_wait3A_1186 = tpu.memref_slice %arg5[%run_scoped3A, %dma_wait3A_1185] : memref<40x80xi32, #tpu.memory_space<vmem>> -> memref<1x80xi32, #tpu.memory_space<vmem>>
          %dma_wait3A_1187 = tpu.memref_squeeze %dma_wait3A_1186 : memref<1x80xi32, #tpu.memory_space<vmem>> -> memref<80xi32, #tpu.memory_space<vmem>>
          %dma_wait3A_1188 = arith.constant 0 : i32
          %dma_wait3A_1189 = arith.constant 0 : i32
          %dma_wait3A_1190 = tpu.memref_slice %arg12[%dma_wait3A_1188, %dma_wait3A_1189] : memref<256x128xf32, #tpu.memory_space<vmem_shared>> -> memref<256x128xf32, #tpu.memory_space<vmem_shared>>
          tpu.wait_indirect_dma semaphore(%run_scoped3A_1174 : memref<!tpu.dma_semaphore, #tpu.memory_space<semaphore_mem>>) src(%dma_wait3A_1184 : memref<80x128xf32, #tpu.memory_space<vmem>>) dst(%dma_wait3A_1190 : memref<256x128xf32, #tpu.memory_space<vmem_shared>>)
          tpu.yield
        }) : () -> ()
      } else {
      }
      %add3A_1152 = arith.constant 2880 : i32
      %add3A_1153 = arith.addi %mul3A_0, %add3A_1152 : i32
      %add3A_1154 = arith.constant 240 : i32
      %add3A_1155 = arith.addi %add3A_1153, %add3A_1154 : i32
      %le3A_1156 = arith.constant 50000 : i32
      %le3A_1157 = arith.cmpi sle, %add3A_1155, %le3A_1156 : i32
      %convert_element_type3A_1158 = arith.extui %le3A_1157 : i1 to i32
      %cond3A_1159 = arith.constant 0 : i32
      %cond3A_1160 = arith.cmpi ne, %convert_element_type3A_1158, %cond3A_1159 : i32
      scf.if %cond3A_1160 {
        %add3A_1170 = arith.constant 2880 : i32
        %add3A_1171 = arith.addi %mul3A_0, %add3A_1170 : i32
        %add3A_1172 = arith.constant 160 : i32
        %add3A_1173 = arith.addi %add3A_1171, %add3A_1172 : i32
        "tpu.region"() ({
          %run_scoped3A_1174 = tpu.sem_alloc : memref<!tpu.dma_semaphore, #tpu.memory_space<semaphore_mem>>
          %dma_start3A = arith.constant 160 : i32
          %dma_start3A_1175 = arith.constant 0 : i32
          %dma_start3A_1176 = tpu.memref_slice %arg7[%dma_start3A, %dma_start3A_1175] : memref<320x128xf32, #tpu.memory_space<vmem>> -> memref<80x128xf32, #tpu.memory_space<vmem>>
          %dma_start3A_1177 = tpu.memref_slice %arg2[%add3A_1173, %mul3A_2] : memref<50000x256xf32, #tpu.memory_space<hbm>> -> memref<80x128xf32, #tpu.memory_space<hbm>>
          %dma_start3A_1178 = arith.constant 160 : i32
          %dma_start3A_1179 = arith.constant 0 : i32
          %dma_start3A_1180 = tpu.memref_slice %arg7[%dma_start3A_1178, %dma_start3A_1179] : memref<320x128xf32, #tpu.memory_space<vmem>> -> memref<80x128xf32, #tpu.memory_space<vmem>>
          %dma_start3A_1181 = tpu.memref_slice %arg2[%add3A_1173, %mul3A_2] : memref<50000x256xf32, #tpu.memory_space<hbm>> -> memref<80x128xf32, #tpu.memory_space<hbm>>
          tpu.enqueue_dma source(%dma_start3A_1181 : memref<80x128xf32, #tpu.memory_space<hbm>>) target(%dma_start3A_1180 : memref<80x128xf32, #tpu.memory_space<vmem>>) target_semaphore(%run_scoped3A_1174 : memref<!tpu.dma_semaphore, #tpu.memory_space<semaphore_mem>>)
          %dma_wait3A = arith.constant 160 : i32
          %dma_wait3A_1182 = arith.constant 0 : i32
          %dma_wait3A_1183 = tpu.memref_slice %arg7[%dma_wait3A, %dma_wait3A_1182] : memref<320x128xf32, #tpu.memory_space<vmem>> -> memref<80x128xf32, #tpu.memory_space<vmem>>
          %dma_wait3A_1184 = tpu.memref_slice %arg2[%add3A_1173, %mul3A_2] : memref<50000x256xf32, #tpu.memory_space<hbm>> -> memref<80x128xf32, #tpu.memory_space<hbm>>
          %dma_wait3A_1185 = arith.constant 160 : i32
          %dma_wait3A_1186 = arith.constant 0 : i32
          %dma_wait3A_1187 = tpu.memref_slice %arg7[%dma_wait3A_1185, %dma_wait3A_1186] : memref<320x128xf32, #tpu.memory_space<vmem>> -> memref<80x128xf32, #tpu.memory_space<vmem>>
          %dma_wait3A_1188 = tpu.memref_slice %arg2[%add3A_1173, %mul3A_2] : memref<50000x256xf32, #tpu.memory_space<hbm>> -> memref<80x128xf32, #tpu.memory_space<hbm>>
          tpu.wait_dma2 semaphore(%run_scoped3A_1174 : memref<!tpu.dma_semaphore, #tpu.memory_space<semaphore_mem>>) src(%dma_wait3A_1188 : memref<80x128xf32, #tpu.memory_space<hbm>>) dst(%dma_wait3A_1187 : memref<80x128xf32, #tpu.memory_space<vmem>>)
          tpu.yield
        }) : () -> ()
        %run_scoped3A = arith.constant 38 : i32
        "tpu.region"() ({
          %run_scoped3A_1174 = tpu.sem_alloc : memref<!tpu.dma_semaphore, #tpu.memory_space<semaphore_mem>>
          %dma_start3A = arith.constant 160 : i32
          %dma_start3A_1175 = arith.constant 0 : i32
          %dma_start3A_1176 = tpu.memref_slice %arg7[%dma_start3A, %dma_start3A_1175] : memref<320x128xf32, #tpu.memory_space<vmem>> -> memref<80x128xf32, #tpu.memory_space<vmem>>
          %dma_start3A_1177 = arith.constant 0 : i32
          %dma_start3A_1178 = tpu.memref_slice %arg5[%run_scoped3A, %dma_start3A_1177] : memref<40x80xi32, #tpu.memory_space<vmem>> -> memref<1x80xi32, #tpu.memory_space<vmem>>
          %dma_start3A_1179 = tpu.memref_squeeze %dma_start3A_1178 : memref<1x80xi32, #tpu.memory_space<vmem>> -> memref<80xi32, #tpu.memory_space<vmem>>
          %dma_start3A_1180 = arith.constant 0 : i32
          %dma_start3A_1181 = arith.constant 0 : i32
          %dma_start3A_1182 = tpu.memref_slice %arg12[%dma_start3A_1180, %dma_start3A_1181] : memref<256x128xf32, #tpu.memory_space<vmem_shared>> -> memref<256x128xf32, #tpu.memory_space<vmem_shared>>
          tpu.enqueue_indirect_dma source(%dma_start3A_1176 : memref<80x128xf32, #tpu.memory_space<vmem>>) target(%dma_start3A_1182 : memref<256x128xf32, #tpu.memory_space<vmem_shared>>) offsets(%dma_start3A_1179 : memref<80xi32, #tpu.memory_space<vmem>>) semaphore(%run_scoped3A_1174 : memref<!tpu.dma_semaphore, #tpu.memory_space<semaphore_mem>>) {add = true}
          %dma_wait3A = arith.constant 160 : i32
          %dma_wait3A_1183 = arith.constant 0 : i32
          %dma_wait3A_1184 = tpu.memref_slice %arg7[%dma_wait3A, %dma_wait3A_1183] : memref<320x128xf32, #tpu.memory_space<vmem>> -> memref<80x128xf32, #tpu.memory_space<vmem>>
          %dma_wait3A_1185 = arith.constant 0 : i32
          %dma_wait3A_1186 = tpu.memref_slice %arg5[%run_scoped3A, %dma_wait3A_1185] : memref<40x80xi32, #tpu.memory_space<vmem>> -> memref<1x80xi32, #tpu.memory_space<vmem>>
          %dma_wait3A_1187 = tpu.memref_squeeze %dma_wait3A_1186 : memref<1x80xi32, #tpu.memory_space<vmem>> -> memref<80xi32, #tpu.memory_space<vmem>>
          %dma_wait3A_1188 = arith.constant 0 : i32
          %dma_wait3A_1189 = arith.constant 0 : i32
          %dma_wait3A_1190 = tpu.memref_slice %arg12[%dma_wait3A_1188, %dma_wait3A_1189] : memref<256x128xf32, #tpu.memory_space<vmem_shared>> -> memref<256x128xf32, #tpu.memory_space<vmem_shared>>
          tpu.wait_indirect_dma semaphore(%run_scoped3A_1174 : memref<!tpu.dma_semaphore, #tpu.memory_space<semaphore_mem>>) src(%dma_wait3A_1184 : memref<80x128xf32, #tpu.memory_space<vmem>>) dst(%dma_wait3A_1190 : memref<256x128xf32, #tpu.memory_space<vmem_shared>>)
          tpu.yield
        }) : () -> ()
      } else {
      }
      %add3A_1161 = arith.constant 2880 : i32
      %add3A_1162 = arith.addi %mul3A_0, %add3A_1161 : i32
      %add3A_1163 = arith.constant 320 : i32
      %add3A_1164 = arith.addi %add3A_1162, %add3A_1163 : i32
      %le3A_1165 = arith.constant 50000 : i32
      %le3A_1166 = arith.cmpi sle, %add3A_1164, %le3A_1165 : i32
      %convert_element_type3A_1167 = arith.extui %le3A_1166 : i1 to i32
      %cond3A_1168 = arith.constant 0 : i32
      %cond3A_1169 = arith.cmpi ne, %convert_element_type3A_1167, %cond3A_1168 : i32
      scf.if %cond3A_1169 {
        %add3A_1170 = arith.constant 2880 : i32
        %add3A_1171 = arith.addi %mul3A_0, %add3A_1170 : i32
        %add3A_1172 = arith.constant 240 : i32
        %add3A_1173 = arith.addi %add3A_1171, %add3A_1172 : i32
        "tpu.region"() ({
          %run_scoped3A_1174 = tpu.sem_alloc : memref<!tpu.dma_semaphore, #tpu.memory_space<semaphore_mem>>
          %dma_start3A = arith.constant 240 : i32
          %dma_start3A_1175 = arith.constant 0 : i32
          %dma_start3A_1176 = tpu.memref_slice %arg7[%dma_start3A, %dma_start3A_1175] : memref<320x128xf32, #tpu.memory_space<vmem>> -> memref<80x128xf32, #tpu.memory_space<vmem>>
          %dma_start3A_1177 = tpu.memref_slice %arg2[%add3A_1173, %mul3A_2] : memref<50000x256xf32, #tpu.memory_space<hbm>> -> memref<80x128xf32, #tpu.memory_space<hbm>>
          %dma_start3A_1178 = arith.constant 240 : i32
          %dma_start3A_1179 = arith.constant 0 : i32
          %dma_start3A_1180 = tpu.memref_slice %arg7[%dma_start3A_1178, %dma_start3A_1179] : memref<320x128xf32, #tpu.memory_space<vmem>> -> memref<80x128xf32, #tpu.memory_space<vmem>>
          %dma_start3A_1181 = tpu.memref_slice %arg2[%add3A_1173, %mul3A_2] : memref<50000x256xf32, #tpu.memory_space<hbm>> -> memref<80x128xf32, #tpu.memory_space<hbm>>
          tpu.enqueue_dma source(%dma_start3A_1181 : memref<80x128xf32, #tpu.memory_space<hbm>>) target(%dma_start3A_1180 : memref<80x128xf32, #tpu.memory_space<vmem>>) target_semaphore(%run_scoped3A_1174 : memref<!tpu.dma_semaphore, #tpu.memory_space<semaphore_mem>>)
          %dma_wait3A = arith.constant 240 : i32
          %dma_wait3A_1182 = arith.constant 0 : i32
          %dma_wait3A_1183 = tpu.memref_slice %arg7[%dma_wait3A, %dma_wait3A_1182] : memref<320x128xf32, #tpu.memory_space<vmem>> -> memref<80x128xf32, #tpu.memory_space<vmem>>
          %dma_wait3A_1184 = tpu.memref_slice %arg2[%add3A_1173, %mul3A_2] : memref<50000x256xf32, #tpu.memory_space<hbm>> -> memref<80x128xf32, #tpu.memory_space<hbm>>
          %dma_wait3A_1185 = arith.constant 240 : i32
          %dma_wait3A_1186 = arith.constant 0 : i32
          %dma_wait3A_1187 = tpu.memref_slice %arg7[%dma_wait3A_1185, %dma_wait3A_1186] : memref<320x128xf32, #tpu.memory_space<vmem>> -> memref<80x128xf32, #tpu.memory_space<vmem>>
          %dma_wait3A_1188 = tpu.memref_slice %arg2[%add3A_1173, %mul3A_2] : memref<50000x256xf32, #tpu.memory_space<hbm>> -> memref<80x128xf32, #tpu.memory_space<hbm>>
          tpu.wait_dma2 semaphore(%run_scoped3A_1174 : memref<!tpu.dma_semaphore, #tpu.memory_space<semaphore_mem>>) src(%dma_wait3A_1188 : memref<80x128xf32, #tpu.memory_space<hbm>>) dst(%dma_wait3A_1187 : memref<80x128xf32, #tpu.memory_space<vmem>>)
          tpu.yield
        }) : () -> ()
        %run_scoped3A = arith.constant 39 : i32
        "tpu.region"() ({
          %run_scoped3A_1174 = tpu.sem_alloc : memref<!tpu.dma_semaphore, #tpu.memory_space<semaphore_mem>>
          %dma_start3A = arith.constant 240 : i32
          %dma_start3A_1175 = arith.constant 0 : i32
          %dma_start3A_1176 = tpu.memref_slice %arg7[%dma_start3A, %dma_start3A_1175] : memref<320x128xf32, #tpu.memory_space<vmem>> -> memref<80x128xf32, #tpu.memory_space<vmem>>
          %dma_start3A_1177 = arith.constant 0 : i32
          %dma_start3A_1178 = tpu.memref_slice %arg5[%run_scoped3A, %dma_start3A_1177] : memref<40x80xi32, #tpu.memory_space<vmem>> -> memref<1x80xi32, #tpu.memory_space<vmem>>
          %dma_start3A_1179 = tpu.memref_squeeze %dma_start3A_1178 : memref<1x80xi32, #tpu.memory_space<vmem>> -> memref<80xi32, #tpu.memory_space<vmem>>
          %dma_start3A_1180 = arith.constant 0 : i32
          %dma_start3A_1181 = arith.constant 0 : i32
          %dma_start3A_1182 = tpu.memref_slice %arg12[%dma_start3A_1180, %dma_start3A_1181] : memref<256x128xf32, #tpu.memory_space<vmem_shared>> -> memref<256x128xf32, #tpu.memory_space<vmem_shared>>
          tpu.enqueue_indirect_dma source(%dma_start3A_1176 : memref<80x128xf32, #tpu.memory_space<vmem>>) target(%dma_start3A_1182 : memref<256x128xf32, #tpu.memory_space<vmem_shared>>) offsets(%dma_start3A_1179 : memref<80xi32, #tpu.memory_space<vmem>>) semaphore(%run_scoped3A_1174 : memref<!tpu.dma_semaphore, #tpu.memory_space<semaphore_mem>>) {add = true}
          %dma_wait3A = arith.constant 240 : i32
          %dma_wait3A_1183 = arith.constant 0 : i32
          %dma_wait3A_1184 = tpu.memref_slice %arg7[%dma_wait3A, %dma_wait3A_1183] : memref<320x128xf32, #tpu.memory_space<vmem>> -> memref<80x128xf32, #tpu.memory_space<vmem>>
          %dma_wait3A_1185 = arith.constant 0 : i32
          %dma_wait3A_1186 = tpu.memref_slice %arg5[%run_scoped3A, %dma_wait3A_1185] : memref<40x80xi32, #tpu.memory_space<vmem>> -> memref<1x80xi32, #tpu.memory_space<vmem>>
          %dma_wait3A_1187 = tpu.memref_squeeze %dma_wait3A_1186 : memref<1x80xi32, #tpu.memory_space<vmem>> -> memref<80xi32, #tpu.memory_space<vmem>>
          %dma_wait3A_1188 = arith.constant 0 : i32
          %dma_wait3A_1189 = arith.constant 0 : i32
          %dma_wait3A_1190 = tpu.memref_slice %arg12[%dma_wait3A_1188, %dma_wait3A_1189] : memref<256x128xf32, #tpu.memory_space<vmem_shared>> -> memref<256x128xf32, #tpu.memory_space<vmem_shared>>
          tpu.wait_indirect_dma semaphore(%run_scoped3A_1174 : memref<!tpu.dma_semaphore, #tpu.memory_space<semaphore_mem>>) src(%dma_wait3A_1184 : memref<80x128xf32, #tpu.memory_space<vmem>>) dst(%dma_wait3A_1190 : memref<256x128xf32, #tpu.memory_space<vmem_shared>>)
          tpu.yield
        }) : () -> ()
      } else {
      }
    } else {
    }
    %barrier3A_1129 = arith.constant 0 : index
    tpu.barrier barrier_id(%barrier3A_1129)
    %mul3A_1130 = arith.constant 16 : i32
    %mul3A_1131 = arith.muli %arg1, %mul3A_1130 : i32
    %mul3A_1132 = arith.constant 16 : i32
    %mul3A_1133 = arith.muli %arg1, %mul3A_1132 : i32
    "tpu.region"() ({
      %run_scoped3A = tpu.sem_alloc : memref<!tpu.dma_semaphore, #tpu.memory_space<semaphore_mem>>
      %dma_start3A = tpu.memref_slice %arg4[%mul3A_1133, %mul3A_2] : memref<256x256xf32, #tpu.memory_space<hbm>> -> memref<16x128xf32, #tpu.memory_space<hbm>>
      %dma_start3A_1134 = arith.constant 0 : i32
      %dma_start3A_1135 = tpu.memref_slice %arg12[%mul3A_1131, %dma_start3A_1134] : memref<256x128xf32, #tpu.memory_space<vmem_shared>> -> memref<16x128xf32, #tpu.memory_space<vmem_shared>>
      tpu.enqueue_dma source(%dma_start3A_1135 : memref<16x128xf32, #tpu.memory_space<vmem_shared>>) target(%dma_start3A : memref<16x128xf32, #tpu.memory_space<hbm>>) target_semaphore(%run_scoped3A : memref<!tpu.dma_semaphore, #tpu.memory_space<semaphore_mem>>)
      %dma_wait3A = tpu.memref_slice %arg4[%mul3A_1133, %mul3A_2] : memref<256x256xf32, #tpu.memory_space<hbm>> -> memref<16x128xf32, #tpu.memory_space<hbm>>
      %dma_wait3A_1136 = arith.constant 0 : i32
      %dma_wait3A_1137 = tpu.memref_slice %arg12[%mul3A_1131, %dma_wait3A_1136] : memref<256x128xf32, #tpu.memory_space<vmem_shared>> -> memref<16x128xf32, #tpu.memory_space<vmem_shared>>
      tpu.wait_dma2 semaphore(%run_scoped3A : memref<!tpu.dma_semaphore, #tpu.memory_space<semaphore_mem>>) src(%dma_wait3A_1137 : memref<16x128xf32, #tpu.memory_space<vmem_shared>>) dst(%dma_wait3A : memref<16x128xf32, #tpu.memory_space<hbm>>)
      tpu.yield
    }) : () -> ()
    return
  }
}

module attributes {stable_mosaic.version = 14 : i64} {
  func.func @_counts_body(%arg0: i32, %arg1: memref<1x1024xi32, #tpu.memory_space<vmem>>, %arg2: memref<16x16xf32, #tpu.memory_space<vmem>>, %arg3: memref<16x16xf32, #tpu.memory_space<vmem>>) attributes {dimension_semantics = [#tpu.dimension_semantics<arbitrary>], iteration_bounds = array<i64: 50>, scalar_prefetch = 0 : i64, scratch_operands = 1 : i64, tpu.core_type = #tpu.core_type<tc>, window_params = [{transform_indices = @transform_0, window_bounds = array<i64: 1, 1024>}, {pipeline_mode = #tpu.pipeline_mode<synchronous>, transform_indices = @transform_1, window_bounds = array<i64: 16, 16>}]} {
    %eq3A = arith.constant 0 : i32
    %eq3A_0 = arith.cmpi eq, %arg0, %eq3A : i32
    %convert_element_type3A = arith.extui %eq3A_0 : i1 to i32
    %cond3A = arith.constant 0 : i32
    %cond3A_1 = arith.cmpi ne, %convert_element_type3A, %cond3A : i32
    scf.if %cond3A_1 {
      %broadcast_in_dim3A = arith.constant 0.000000e+00 : f32
      %broadcast_in_dim3A_29 = vector.broadcast %broadcast_in_dim3A : f32 to vector<16x16xf32>
      %swap3A_30 = arith.constant 0 : index
      %swap3A_31 = arith.constant 0 : index
      %swap3A_32 = vector.load %arg3[%swap3A_30, %swap3A_31] : memref<16x16xf32, #tpu.memory_space<vmem>>, vector<16x16xf32>
      tpu.vector_store %arg3[%swap3A_30, %swap3A_31], %broadcast_in_dim3A_29 {strides = array<i32>} : memref<16x16xf32, #tpu.memory_space<vmem>>, vector<16x16xf32>,
    } else {
    }
    %get3A = arith.constant 0 : index
    %get3A_2 = arith.constant 0 : index
    %get3A_3 = vector.load %arg1[%get3A, %get3A_2] : memref<1x1024xi32, #tpu.memory_space<vmem>>, vector<1x1024xi32>
    %iota3A = tpu.iota {dimensions = array<i32: 0>} : vector<16x1xi32>
    %shift_right_arithmetic3A = arith.constant 4 : i32
    %shift_right_arithmetic3A_4 = vector.broadcast %shift_right_arithmetic3A : i32 to vector<1x1024xi32>
    %shift_right_arithmetic3A_5 = arith.shrsi %get3A_3, %shift_right_arithmetic3A_4 : vector<1x1024xi32>
    %eq3A_6 = vector.broadcast %shift_right_arithmetic3A_5 : vector<1x1024xi32> to vector<16x1024xi32>
    %eq3A_7 = vector.broadcast %iota3A : vector<16x1xi32> to vector<16x1024xi32>
    %eq3A_8 = arith.cmpi eq, %eq3A_6, %eq3A_7 : vector<16x1024xi32>
    %convert_element_type3A_9 = arith.extui %eq3A_8 : vector<16x1024xi1> to vector<16x1024xi32>
    %convert_element_type3A_10 = arith.sitofp %convert_element_type3A_9 : vector<16x1024xi32> to vector<16x1024xf32>
    %and3A = arith.constant 15 : i32
    %and3A_11 = vector.broadcast %and3A : i32 to vector<1x1024xi32>
    %and3A_12 = arith.andi %get3A_3, %and3A_11 : vector<1x1024xi32>
    %eq3A_13 = vector.broadcast %and3A_12 : vector<1x1024xi32> to vector<16x1024xi32>
    %eq3A_14 = vector.broadcast %iota3A : vector<16x1xi32> to vector<16x1024xi32>
    %eq3A_15 = arith.cmpi eq, %eq3A_13, %eq3A_14 : vector<16x1024xi32>
    %convert_element_type3A_16 = arith.extui %eq3A_15 : vector<16x1024xi1> to vector<16x1024xi32>
    %convert_element_type3A_17 = arith.sitofp %convert_element_type3A_16 : vector<16x1024xi32> to vector<16x1024xf32>
    %get3A_18 = arith.constant 0 : index
    %get3A_19 = arith.constant 0 : index
    %get3A_20 = vector.load %arg3[%get3A_18, %get3A_19] : memref<16x16xf32, #tpu.memory_space<vmem>>, vector<16x16xf32>
    %dot_general3A = arith.constant dense<0.000000e+00> : vector<16x16xf32>
    %dot_general3A_21 = tpu.matmul %convert_element_type3A_10, %convert_element_type3A_17, %dot_general3A {dimension_numbers = #tpu.dot_dimension_numbers<[1], [1], [0], [0], [0, 0, 1, 0], [], []>, transpose_lhs_hint = false} : vector<16x1024xf32>, vector<16x1024xf32>, vector<16x16xf32> -> vector<16x16xf32>
    %add3A = arith.addf %get3A_20, %dot_general3A_21 : vector<16x16xf32>
    %swap3A = arith.constant 0 : index
    %swap3A_22 = arith.constant 0 : index
    %swap3A_23 = vector.load %arg3[%swap3A, %swap3A_22] : memref<16x16xf32, #tpu.memory_space<vmem>>, vector<16x16xf32>
    tpu.vector_store %arg3[%swap3A, %swap3A_22], %add3A {strides = array<i32>} : memref<16x16xf32, #tpu.memory_space<vmem>>, vector<16x16xf32>,
    %eq3A_24 = arith.constant 49 : i32
    %eq3A_25 = arith.cmpi eq, %arg0, %eq3A_24 : i32
    %convert_element_type3A_26 = arith.extui %eq3A_25 : i1 to i32
    %cond3A_27 = arith.constant 0 : i32
    %cond3A_28 = arith.cmpi ne, %convert_element_type3A_26, %cond3A_27 : i32
    scf.if %cond3A_28 {
      %get3A_29 = arith.constant 0 : index
      %get3A_30 = arith.constant 0 : index
      %get3A_31 = vector.load %arg3[%get3A_29, %get3A_30] : memref<16x16xf32, #tpu.memory_space<vmem>>, vector<16x16xf32>
      %swap3A_32 = arith.constant 0 : index
      %swap3A_33 = arith.constant 0 : index
      %swap3A_34 = vector.load %arg2[%swap3A_32, %swap3A_33] : memref<16x16xf32, #tpu.memory_space<vmem>>, vector<16x16xf32>
      tpu.vector_store %arg2[%swap3A_32, %swap3A_33], %get3A_31 {strides = array<i32>} : memref<16x16xf32, #tpu.memory_space<vmem>>, vector<16x16xf32>,
    } else {
    }
    return
  }
  func.func @transform_0(%arg0: i32) -> (i32, i32) {
    %c0_i32 = arith.constant 0 : i32
    %c0_i32_0 = arith.constant 0 : i32
    return %c0_i32, %arg0 : i32, i32
  }
  func.func @transform_1(%arg0: i32) -> (i32, i32) {
    %c0_i32 = arith.constant 0 : i32
    %c0_i32_0 = arith.constant 0 : i32
    %c0_i32_1 = arith.constant 0 : i32
    return %c0_i32, %c0_i32_0 : i32, i32
  }
}

module attributes {stable_mosaic.version = 14 : i64} {
  func.func @_scale_body(%arg0: memref<256x256xf32, #tpu.memory_space<vmem>>, %arg1: memref<256x1xf32, #tpu.memory_space<vmem>>, %arg2: memref<256x256xf32, #tpu.memory_space<vmem>>) attributes {dimension_semantics = [], scalar_prefetch = 0 : i64, scratch_operands = 0 : i64, tpu.core_type = #tpu.core_type<tc>} {
    %get3A = arith.constant 0 : index
    %get3A_0 = arith.constant 0 : index
    %get3A_1 = vector.load %arg1[%get3A, %get3A_0] : memref<256x1xf32, #tpu.memory_space<vmem>>, vector<256x1xf32>
    %max3A = arith.constant 1.000000e+00 : f32
    %max3A_2 = vector.broadcast %max3A : f32 to vector<256x1xf32>
    %max3A_3 = arith.maximumf %get3A_1, %max3A_2 : vector<256x1xf32>
    %div3A = arith.constant 1.000000e+00 : f32
    %div3A_4 = vector.broadcast %div3A : f32 to vector<256x1xf32>
    %div3A_5 = arith.divf %div3A_4, %max3A_3 : vector<256x1xf32>
    %get3A_6 = arith.constant 0 : index
    %get3A_7 = arith.constant 0 : index
    %get3A_8 = vector.load %arg0[%get3A_6, %get3A_7] : memref<256x256xf32, #tpu.memory_space<vmem>>, vector<256x256xf32>
    %mul3A = vector.broadcast %div3A_5 : vector<256x1xf32> to vector<256x256xf32>
    %mul3A_9 = arith.mulf %get3A_8, %mul3A : vector<256x256xf32>
    %swap3A = arith.constant 0 : index
    %swap3A_10 = arith.constant 0 : index
    %swap3A_11 = vector.load %arg2[%swap3A, %swap3A_10] : memref<256x256xf32, #tpu.memory_space<vmem>>, vector<256x256xf32>
    tpu.vector_store %arg2[%swap3A, %swap3A_10], %mul3A_9 {strides = array<i32>} : memref<256x256xf32, #tpu.memory_space<vmem>>, vector<256x256xf32>,
    return
  }
}

</mosaic_0001>

<sc_bundles>
// kernel: kernel.5.cloned.1.call-start
scs
__scs_entry_jumppad:
0x0: {  	(pc) =	sbr.rel $0x88, $3  }
0x1: {  	(tag) =	ssettag $0x0;
	lr =	simm.s32 $0x1  }
0x2: {  	[smem:$0x3F9F] =	sst lr;
	_ =	strace $0xD0000000  }
0x3: {  	_ = 	snop  }
0x4: {  	_ = 	snop  }
0x5: {  	_ = 	snop  }
0x6: {  	_ = 	snop  }
0x7: {  	_ = 	snop  }
__scs_overlays_trampoline_lowered:
0x8: {  	[smem:$0x3FAE] =	sst s0  }
0x9: {  	[smem:$0x3FAF] =	sst s1  }
0xa: {  	[smem:$0x3FB0] =	sst s2  }
0xb: {  	[smem:$0x3FB1] =	sst s3  }
0xc: {  	[smem:$0x3FB2] =	sst s4  }
0xd: {  	[smem:$0x3FB3] =	sst s5  }
0xe: {  	[smem:$0x3FB4] =	sst s6  }
0xf: {  	[smem:$0x3FB5] =	sst s7  }
0x10: {  	[smem:$0x3FB6] =	sst s8  }
0x11: {  	[smem:$0x3FB7] =	sst s9;
	s0 =	simm.s32 @!p0 $0x0  }
0x12: {  	s1 =	sld [smem:$0x3F9D];
	s0 =	simm.s32 @p0 $0x1  }
0x13: {  	[smem:$0x3FB8] =	sst s0;
	s0 =	simm.s32 @!p1 $0x0  }
0x14: {  	s2 =	sld [smem:$0x3F9C];
	s0 =	simm.s32 @p1 $0x1  }
0x15: {  	[smem:$0x3FB9] =	sst s0;
	s0 =	simm.s32 @!p2 $0x0  }
0x16: {  	s3 =	sld [smem:$0x3FDB];
	s0 =	simm.s32 @p2 $0x1  }
0x17: {  	s4 =	simm.s32 $0x1BF5;
	[smem:$0x3FBB] =	sst s0  }
0x18: {  	s0 =	sld [smem:$0x3F9E];
	_ =	swait.ge [sflag:s4], $0x0  }
0x19: {  	s7 =	sld [smem:$0x3F9F]  }
0x1a: {  	s8 =	sadd.s32 $0xFFFFE003, lr  }
0x1b: {  	s9 =	sadd.s32 $0xFFFFFEF7, lr;
	s5 =	simm.s32 $0xFFFFFFFF;
	p2 =	slt.u32 s8, $0xFFFFF086  }
0x1c: {  	p1 =	slt.u32 s9, $0xF7A;
	s5 =	simm.s32 @!p2 $0x0  }
0x1d: {  	s5 =	simm.s32 @p1 $0x1;
	p0 =	seq.s32 s7, s2  }
0x1e: {  	s7 =	smul.u32 @!p0 $0xF7A, s2;
	p2 =	seq.s32 @!p0 s5, $0x0  }
0x1f: {  	s9 =	smul.u32 $0xF7A, s1;
	s8 =	simm.s32 @!p0 $0x1BF5;
	p2 =	por !p2, p0  }
0x20: {  	[sflag:s8] =	ssyncset.s32 @!p0 $0xFFFFF086;
	s6 =	sadd.s32 @!p0 s3, s7;
	s7 =	simm.s32 @!p0 $0x108  }
0x21: {  	s3 =	sadd.s32 s3, s9;
	s6 =	sadd.s32 @!p0 $0x88, s6;
	s7 =	simm.s32 @p2 $0x1082  }
0x22: {  	[simem:s7], [sflag:s8] =	dma.local @!p0 [hbm:s6], $0xF7A  }
0x23: {  	s9 =	sor.u32 $0xD0000000, s2;
	s6 =	simm.s32 $0x108;
	_ =	swait.ge @!p0 [sflag:s8], $0x0  }
0x24: {  	s3 =	sadd.s32 $0x88, s3;
	s6 =	simm.s32 @!p1 $0x1082;
	[sflag:s4] =	ssyncset.s32 $0xFFFFF086  }
0x25: {  	[simem:s6], [sflag:s4] =	dma.local [hbm:s3], $0xF7A  }
0x26: {  	[smem:$0x3F9F] =	sst s1;
	(tag) =	ssettag s2;
	_ =	strace s9  }
0x27: {  	s1 =	sld [smem:$0x3FAF]  }
0x28: {  	s2 =	sld [smem:$0x3FB0]  }
0x29: {  	s4 =	sld [smem:$0x3FB2]  }
0x2a: {  	p0 =	seq.s32 s5, $0x0;
	s5 =	sld [smem:$0x3FB3]  }
0x2b: {  	s6 =	sld [smem:$0x3FB4]  }
0x2c: {  	s7 =	sld [smem:$0x3FB5]  }
0x2d: {  	s3 =	simm.s32 $0x108;
	s8 =	sld [smem:$0x3FB6]  }
0x2e: {  	s3 =	simm.s32 @!p0 $0x1082;
	s9 =	sld [smem:$0x3FB7]  }
0x2f: {  	lr =	sadd.s32 s0, s3;
	s0 =	sld [smem:$0x3FAE]  }
0x30: {  	s3 =	sld [smem:$0x3FB1]  }
0x31: {  	[smem:$0x3FBA] =	sst s10  }
0x32: {  	s10 =	sld [smem:$0x3FB8];
	_ =	sdelay $0x3  }
0x33: {  	p0 =	seq.s32 s10, $0x1;
	s10 =	sld [smem:$0x3FBA];
	_ =	sdelay $0x3  }
0x34: {  	[smem:$0x3FBA] =	sst s10  }
0x35: {  	s10 =	sld [smem:$0x3FB9];
	_ =	sdelay $0x3  }
0x36: {  	p1 =	seq.s32 s10, $0x1;
	s10 =	sld [smem:$0x3FBA];
	_ =	sdelay $0x3  }
0x37: {  	[smem:$0x3FBA] =	sst s10  }
0x38: {  	s10 =	sld [smem:$0x3FBB]  }
0x39: {  	_ = 	snop;
	(pc) =	sbr.ind lr, $3  }
0x3a: {  	_ = 	snop  }
0x3b: {  	_ = 	snop  }
0x3c: {  	p2 =	seq.s32 s10, $0x1;
	s10 =	sld [smem:$0x3FBA]  }
0x3d: {  	_ =	shalt  }
0x3e: {  	_ =	shalt  }
0x3f: {  	_ =	shalt  }
0x40: {  	_ =	shalt  }
0x41: {  	_ =	shalt  }
0x42: {  	_ =	shalt  }
0x43: {  	_ =	shalt  }
0x44: {  	_ =	shalt  }
0x45: {  	_ =	shalt  }
0x46: {  	_ =	shalt  }
0x47: {  	_ =	shalt  }
0x48: {  	_ =	shalt  }
0x49: {  	_ =	shalt  }
0x4a: {  	_ =	shalt  }
0x4b: {  	_ =	shalt  }
0x4c: {  	_ =	shalt  }
0x4d: {  	_ =	shalt  }
0x4e: {  	_ =	shalt  }
0x4f: {  	_ =	shalt  }
0x50: {  	_ =	shalt  }
0x51: {  	_ =	shalt  }
0x52: {  	_ =	shalt  }
0x53: {  	_ =	shalt  }
0x54: {  	_ =	shalt  }
0x55: {  	_ =	shalt  }
0x56: {  	_ =	shalt  }
0x57: {  	_ =	shalt  }
0x58: {  	_ =	shalt  }
0x59: {  	_ =	shalt  }
0x5a: {  	_ =	shalt  }
0x5b: {  	_ =	shalt  }
0x5c: {  	_ =	shalt  }
0x5d: {  	_ =	shalt  }
0x5e: {  	_ =	shalt  }
0x5f: {  	_ =	shalt  }
0x60: {  	_ =	shalt  }
0x61: {  	_ =	shalt  }
0x62: {  	_ =	shalt  }
0x63: {  	_ =	shalt  }
0x64: {  	_ =	shalt  }
0x65: {  	_ =	shalt  }
0x66: {  	_ =	shalt  }
0x67: {  	_ =	shalt  }
0x68: {  	_ =	shalt  }
0x69: {  	_ =	shalt  }
0x6a: {  	_ =	shalt  }
0x6b: {  	_ =	shalt  }
0x6c: {  	_ =	shalt  }
0x6d: {  	_ =	shalt  }
0x6e: {  	_ =	shalt  }
0x6f: {  	_ =	shalt  }
0x70: {  	_ =	shalt  }
0x71: {  	_ =	shalt  }
0x72: {  	_ =	shalt  }
0x73: {  	_ =	shalt  }
0x74: {  	_ =	shalt  }
0x75: {  	_ =	shalt  }
0x76: {  	_ =	shalt  }
0x77: {  	_ =	shalt  }
0x78: {  	_ =	shalt  }
0x79: {  	_ =	shalt  }
0x7a: {  	_ =	shalt  }
0x7b: {  	_ =	shalt  }
0x7c: {  	_ =	shalt  }
0x7d: {  	_ =	shalt  }
0x7e: {  	_ =	shalt  }
0x7f: {  	_ =	shalt  }
0x80: {  	_ =	shalt  }
0x81: {  	_ =	shalt  }
0x82: {  	_ =	shalt  }
0x83: {  	_ =	shalt  }
0x84: {  	_ =	shalt  }
0x85: {  	_ =	shalt  }
0x86: {  	_ =	shalt  }
0x87: {  	_ =	shalt  }
.Lfunc_end0:
.L_simem_size_0:
called_computation_lowered:
.L_overlay_start_0:
0x88: {  	s2 =	sld [smem:$0x3FD9]  }
0x89: {  	s3 =	sld [smem:$0x3FFE];
	_ =	sdelay $0x1  }
0x8a: {  	s1 =	srdreg.scid  }
0x8b: {  	s0 =	sand.u32 $0x1, s1  }
0x8c: {  	s17 =	sshll.u32 s0, $0xA;
	s2 =	sadd.s32 s3, s2  }
0x8d: {  	s2 =	sadd.s32 s2, s17  }
0x8e: {  	[smem:$0x3FC6] =	sst s2  }
0x8f: {  	_ = 	snop  }
0x90: {  	s2 =	sld [smem:$0x3FC9]  }
0x91: {  	s18 =	sld [smem:$0x3FD0];
	(tm) =	ssettm $0x1  }
0x92: {  	s4 =	sld [smem:$0x3FFB];
	_ =	sdelay $0x3  }
0x93: {  	_ =	strace s4  }
0x94: {  	s4 =	sld [smem:$0x3FFC];
	_ =	sdelay $0x3  }
0x95: {  	_ =	strace s4  }
0x96: {  	s4 =	sld [smem:$0x3FFD];
	_ =	sdelay $0x3  }
0x97: {  	_ =	strace s4  }
0x98: {  	_ =	strace $0x8FFFFFFF  }
0x99: {  	s19 =	sld [smem:$0x3FDB];
	_ =	sdelay $0x1  }
0x9a: {  	s5 =	simm.s32 $_scs_section_size  }
0x9b: {  	s6 =	simm.s32 $_size__tile_overlayer_lowered;
	s7 =	simm.s32 $_tile_overlayer_lowered  }
0x9c: {  	s22 =	simm.s32 $0x1BFF;
	s21 =	sshll.u32 s7, $0x1;
	s4 =	sadd.s32 s5, s19  }
0x9d: {  	s8 =	simm.s32 $0x0;
	s20 =	sshll.u32 s6, $0x1;
	s6 =	sadd.s32 s21, s4  }
0x9e: {  	[timem:s8], [sflag:s22] =	dma.local [hbm:s6], s20  }
0x9f: {  	_ =	swait.ge [sflag:s22], s20  }
0xa0: {  	s5 =	ssub.s32 $0x0, s20;
	[sflag:s22] =	ssyncset.done $0x0  }
0xa1: {  	[sflag:s22] =	ssyncadd.s32 s5;
	_ =	sdelay $0x1  }
0xa2: {  	s23 =	simm.s32 $0x1B8B  }
0xa3: {  	_ =	swait.ge [sflag:s23], $0x1  }
0xa4: {  	[sflag:s23] =	ssyncset.done $0x0  }
0xa5: {  	s25 =	simm.s32 $0x1B8E;
	s24 =	sld [smem:$0x3FFE];
	[sflag:s23] =	ssyncadd.s32 $0xFFFFFFFF  }
0xa6: {  	s26 =	simm.s32 $execute0_lowered;
	[smem:$0x3FD2] =	sst s25  }
0xa7: {  	s6 =	sshll.u32 s26, $0x1;
	_ =	strace $0x80000046;
	[dreg:$0x1] =	wrdreg $0xFFFFFFFF  }
0xa8: {  	s28 =	simm.s32 $_size_execute0_lowered;
	s4 =	sadd.s32 s4, s6;
	[dreg:$0x0] =	wrdreg $0x0  }
0xa9: {  	s6 =	sshll.u32 s28, $0x1;
	[dreg:$0x2] =	wrdreg s4  }
0xaa: {  	[dreg:$0x3] =	wrdreg s6  }
0xab: {  	[dreg:$0x4] =	wrdreg $0xC0  }
0xac: {  	_ =	task [dreg:s8], $0x5FFFF  }
0xad: {  	[dreg:$0x1] =	wrdreg $0xFFFFFFFF  }
0xae: {  	[dreg:$0x0] =	wrdreg $0x60  }
0xaf: {  	[dreg:$0x2] =	wrdreg s2  }
0xb0: {  	[dreg:$0x3] =	wrdreg s24  }
0xb1: {  	[dreg:$0x4] =	wrdreg s18  }
0xb2: {  	[dreg:$0x5] =	wrdreg $0x15C000  }
0xb3: {  	[dreg:$0x6] =	wrdreg $0x9  }
0xb4: {  	_ =	task.clear_ibuf [dreg:s8], $0x7FFFF;
	_ =	strace $0x90000046  }
0xb5: {  	s29 =	simm.s32 $0x9;
	_ =	strace $0x80000048  }
0xb6: {  	_ =	swait.ge [sflag:s29], $0x1  }
0xb7: {  	[sflag:s29] =	ssyncadd.s32 $0xFFFFFFFF  }
0xb8: {  	_ =	strace $0x90000048  }
0xb9: {  	_ =	sfence  }
0xba: {  	s30 =	sld [smem:$0x0];
	_ =	sdelay $0x2  }
0xbb: {  	s31 =	sshll.u32 s1, $0xD;
	s1 =	sshrl.u32 s1, $0x2  }
0xbc: {  	s3 =	sand.u32 $0x4000, s31;
	s1 =	sadd.s32 s1, s30  }
0xbd: {  	s0 =	sor.u32 s3, s0;
	s1 =	sshll.u32 s1, $0x11  }
0xbe: {  	s0 =	sor.u32 s1, s0  }
0xbf: {  	s0 =	sadd.s32 $0x8F2B, s0  }
0xc0: {  	[sflag:s0] =	ssyncadd.remote.s32 $0x1  }
0xc1: {  	_ =	sfence.sel $0xFFFF  }
0xc2: {  	[dreg:$0x0] =	wrdreg $0xFFFFFFFF;
	(pc) =	sbr.abs _section_cstart, $3  }
0xc3: {  	[dreg:$0x1] =	wrdreg $0xFFFFFFFF  }
0xc4: {  	_ =	task.clear_ibuf [dreg:s8], $0x2FFFF;
	_ =	strace $0x9FFFFFFF  }
0xc5: {  	(tm) =	ssettm $0x7FFFFFFF  }
tec
execute0_lowered:
.L_overlay_start_1:
0x0: {  	(tag) =	ssettag $0x1  }
0x1: {  	s5 =	stileid.u32  }
0x2: {  	s0 =	srdreg.scid;
	s11 =	rddreg [dreg:$0x0]  }
0x3: {  	s3 =	rddreg [dreg:$0x1];
	s30 =	simm.s32 $0x4;
	s1 =	smul.u32 $0x280, s5  }
0x4: {  	s31 =	simm.s32 $0x400;
	s12 =	sand.u32 $0x1, s0;
	s2 =	smul.u32 $0xC8000, s5  }
0x5: {  	s29 =	simm.s32 $0x8C00;
	s10 =	smul.u32 $0xC80, s5;
	s0 =	ssub.s32 $0x2, s12  }
0x6: {  	s13 =	sshll.u32 s12, $0xA;
	s12 =	sshll.u32 s12, $0x7;
	s4 =	sshrl.u32 s0, $0x1  }
0x7: {  	s1 =	sadd.s32 s1, s3;
	s14 =	sor.u32 s13, s2;
	s0 =	ssub.s32 s0, s4  }
0x8: {  	s2 =	sshrl.u32 s14, $0x3;
	s16 =	sadd.s32 $0x14000, s14;
	s18 =	sadd.s32 $0x28000, s14  }
0x9: {  	s19 =	sadd.s32 $0x3C000, s14;
	s21 =	sadd.s32 $0x50000, s14;
	s6 =	sadd.s32 $0x64000, s14  }
0xa: {  	s7 =	sadd.s32 $0x78000, s14;
	s8 =	sadd.s32 $0x8C000, s14;
	s9 =	sadd.s32 $0xA0000, s14  }
0xb: {  	s15 =	sadd.s32 $0x91000, s14;
	s2 =	sadd.s32 s11, s2;
	s17 =	sshrl.u32 s16, $0x3  }
0xc: {  	s3 =	sshrl.u32 s18, $0x3;
	s4 =	sshrl.u32 s19, $0x3;
	s5 =	sshrl.u32 s21, $0x3  }
0xd: {  	s6 =	sshrl.u32 s6, $0x3;
	s7 =	sshrl.u32 s7, $0x3;
	s8 =	sshrl.u32 s8, $0x3  }
0xe: {  	s9 =	sshrl.u32 s9, $0x3;
	s15 =	sshrl.u32 s15, $0x3;
	s16 =	sadd.s32 $0x96000, s14  }
0xf: {  	s19 =	sadd.s32 $0xA5000, s14;
	s28 =	smax.u32 s0, $0x1;
	s0 =	simm.s32 $0xDC00  }
0x10: {  	[dreg:$0x5] =	wrdreg s2;
	s2 =	sadd.s32 s11, s17;
	s20 =	sadd.s32 s11, s3  }
0x11: {  	s22 =	sadd.s32 s11, s4;
	s23 =	sadd.s32 s11, s5;
	[dreg:$0x6] =	wrdreg s2  }
0x12: {  	s5 =	stileid.u32;
	s6 =	sadd.s32 s11, s6;
	[dreg:$0x7] =	wrdreg s20  }
0x13: {  	s7 =	sadd.s32 s11, s7;
	s24 =	sadd.s32 s11, s8;
	[dreg:$0x8] =	wrdreg s22  }
0x14: {  	s25 =	sadd.s32 s11, s9;
	s26 =	sadd.s32 s11, s15;
	[dreg:$0x9] =	wrdreg s23  }
0x15: {  	s3 =	sadd.s32 $0x9B000, s14;
	s9 =	sadd.s32 $0xB4000, s14;
	[dreg:$0xa] =	wrdreg s24  }
0x16: {  	s21 =	sshrl.u32 s19, $0x3;
	s15 =	simm.s32 $0x6400;
	[dreg:$0xb] =	wrdreg s25  }
0x17: {  	[dreg:$0xc] =	wrdreg s26;
	s2 =	sshrl.u32 s16, $0x3;
	s8 =	sshrl.u32 s3, $0x3  }
0x18: {  	s18 =	sshrl.u32 s9, $0x3;
	s22 =	sadd.s32 $0xAA000, s14;
	s23 =	sadd.s32 s11, s21  }
0x19: {  	s25 =	sadd.s32 $0xAF000, s14;
	s3 =	sadd.s32 $0xB9000, s14;
	s9 =	sshll.u32 s5, $0xC  }
0x1a: {  	p3 =	seq.s32 s5, $0xF;
	s16 =	simm.s32 $0x3;
	s4 =	sadd.s32 s11, s2  }
0x1b: {  	s17 =	sadd.s32 s11, s8;
	s20 =	sadd.s32 s11, s18;
	[dreg:$0x10] =	wrdreg s23  }
0x1c: {  	s24 =	sshrl.u32 s22, $0x3;
	s2 =	sshrl.u32 s25, $0x3;
	s22 =	rddreg [dreg:$0x2]  }
0x1d: {  	s8 =	sshrl.u32 s3, $0x3;
	s13 =	sor.u32 s13, s9;
	[dreg:$0xd] =	wrdreg s4  }
0x1e: {  	s9 =	simm.s32 $0x0;
	s23 =	sadd.s32 $0xFFFF46A0, s10;
	[dreg:$0xe] =	wrdreg s17  }
0x1f: {  	s25 =	sshll.u32 s5, $0xB;
	[dreg:$0xf] =	wrdreg s20;
	s26 =	sadd.s32 s11, s24  }
0x20: {  	s4 =	sadd.s32 s11, s2;
	s17 =	sadd.s32 $0xBE000, s14;
	[smem:$0x7FF] =	sst s9  }
0x21: {  	s14 =	sadd.s32 $0xC3000, s14;
	p0 =	sgt.u32 s23, $0xEF;
	s23 =	rddreg [dreg:$0x3]  }
0x22: {  	s18 =	sadd.s32 s11, s8;
	s13 =	sshrl.u32 s13, $0x3;
	[dreg:$0x11] =	wrdreg s26  }
0x23: {  	s24 =	sadd.s32 $0xFFFF47E0, s10;
	s10 =	sadd.s32 $0xFFFF4920, s10;
	[dreg:$0x12] =	wrdreg s4  }
0x24: {  	[dreg:$0x13] =	wrdreg s18;
	s19 =	sshrl.u32 s17, $0x3;
	s14 =	sshrl.u32 s14, $0x3  }
0x25: {  	s8 =	sadd.s32 s22, s13;
	p1 =	sgt.u32 s24, $0xEF;
	p2 =	sgt.u32 s10, $0xEF  }
0x26: {  	s24 =	sadd.s32 s25, s23;
	s25 =	sadd.s32 $0x800, s1;
	s22 =	simm.s32 $0x800  }
0x27: {  	s17 =	simm.s32 $0x1400;
	s18 =	simm.s32 $0xB400;
	s10 =	simm.s32 $0x50  }
0x28: {  	s13 =	simm.s32 $0x10400;
	s1 =	simm.s32 $0x12C00;
	s20 =	sadd.s32 s11, s19  }
.Ltmp0:
0x29: {  	s21 =	sadd.s32 s11, s14;
	s11 =	sadd.s32 s12, s11;
	(pc) =	sbr.rel .LBB2_1-.Ltmp0, $4  }
0x2a: {  	s19 =	simm.s32 $0x1;
	s12 =	simm.s32 $0x3C00;
	[dreg:$0x14] =	wrdreg s20  }
0x2b: {  	s14 =	simm.s32 $0x100;
	[dreg:$0x15] =	wrdreg s21;
	s26 =	sadd.s32 $0x186000, s11  }
0x2c: {  	s20 =	simm.s32 $0x15400;
	s11 =	simm.s32 $0x80;
	s21 =	simm.s32 $0x180  }
0x2d: {  	v0 =	vimm.f32 $0.0e+00;
	_ =	strace $0x80000047;
	[dreg:$0x16] =	wrdreg s26;
	s26 =	simm.s32 $0x2  }
.LBB2_7:
0x2e: {  	s2 =	rddreg [dreg:$0x16]  }
0x2f: {  	[tilespmem:s17], [sflag:$0x4] =	stream.strided.gather [hbm4b:s2+s31], $0x2800, s22, s31, $0x38;
	[tilespmem:$0x16400] =	vst v63  }
0x30: {  	_ =	swait.ge [sflag:s30], $0x2800  }
0x31: {  	[sflag:s30] =	ssyncset.done $0x0  }
0x32: {  	s4 =	simm.s32 $0xC00;
	[sflag:s30] =	ssyncadd.s32 $0xFFFFD800  }
0x33: {  	[spmem:s23] =	stream.indirect.scatter.add.f32 [tilespmem:s17], [sflag:$0x4], $0x80, s4, s10, $0xb8;
	[tilespmem:$0x16400] =	vst v63  }
.LBB2_4:
0x34: {  	_ =	swait.ge [sflag:s30], $0x2800  }
0x35: {  	[sflag:s30] =	ssyncset.done $0x0  }
0x36: {  	[sflag:s30] =	ssyncadd.s32 $0xFFFFD800  }
.LBB2_5:
0x37: {  	s2 =	sshll.u32 s5, $0x6;
	s28 =	sadd.s32 $0xFFFFFFFF, s28  }
0x38: {  	[bflag:$0x0] =	sbarrier.arrive $0xFFFF;
	s3 =	sshrl.u32 s24, $0x3;
	p4 =	sne.s32 s28, $0x0  }
.Ltmp1:
0x39: {  	s4 =	simm.s32 $0x8;
	s2 =	sor.u32 $0x1C04, s2;
	(pc) =	sbr.rel @!p4 .LBB2_6-.Ltmp1, $4  }
0x3a: {  	[hbm:s8@s14], [sflag:s2] =	dma.strided [spmem:s3@s11], $0x100, s4, $0x10   }
0x3b: {  	_ =	swait.ge [sflag:s30], $0x100  }
0x3c: {  	[sflag:s30] =	ssyncset.done $0x0  }
0x3d: {  	[sflag:s30] =	ssyncadd.s32 $0xFFFFFF00  }
.LBB2_1:
0x3e: {  	[tilespmem:$0x15400] =	vst v0  }
0x3f: {  	[tilespmem:$0x15410] =	vst v0  }
0x40: {  	[tilespmem:$0x15420] =	vst v0  }
0x41: {  	[tilespmem:$0x15430] =	vst v0  }
0x42: {  	[tilespmem:$0x15440] =	vst v0  }
0x43: {  	[tilespmem:$0x15450] =	vst v0  }
0x44: {  	[tilespmem:$0x15460] =	vst v0  }
0x45: {  	[tilespmem:$0x15470] =	vst v0  }
0x46: {  	[tilespmem:$0x15480] =	vst v0  }
0x47: {  	[tilespmem:$0x15490] =	vst v0  }
0x48: {  	[tilespmem:$0x154A0] =	vst v0  }
0x49: {  	[tilespmem:$0x154B0] =	vst v0  }
0x4a: {  	[tilespmem:$0x154C0] =	vst v0  }
0x4b: {  	[tilespmem:$0x154D0] =	vst v0  }
0x4c: {  	[tilespmem:$0x154E0] =	vst v0  }
0x4d: {  	[tilespmem:$0x154F0] =	vst v0  }
0x4e: {  	[tilespmem:$0x15500] =	vst v0  }
0x4f: {  	[tilespmem:$0x15510] =	vst v0  }
0x50: {  	[tilespmem:$0x15520] =	vst v0  }
0x51: {  	[tilespmem:$0x15530] =	vst v0  }
0x52: {  	[tilespmem:$0x15540] =	vst v0  }
0x53: {  	[tilespmem:$0x15550] =	vst v0  }
0x54: {  	[tilespmem:$0x15560] =	vst v0  }
0x55: {  	[tilespmem:$0x15570] =	vst v0  }
0x56: {  	[tilespmem:$0x15580] =	vst v0  }
0x57: {  	[tilespmem:$0x15590] =	vst v0  }
0x58: {  	[tilespmem:$0x155A0] =	vst v0  }
0x59: {  	[tilespmem:$0x155B0] =	vst v0  }
0x5a: {  	[tilespmem:$0x155C0] =	vst v0  }
0x5b: {  	[tilespmem:$0x155D0] =	vst v0  }
0x5c: {  	[tilespmem:$0x155E0] =	vst v0  }
0x5d: {  	[tilespmem:$0x155F0] =	vst v0  }
0x5e: {  	[tilespmem:$0x15600] =	vst v0  }
0x5f: {  	[tilespmem:$0x15610] =	vst v0  }
0x60: {  	[tilespmem:$0x15620] =	vst v0  }
0x61: {  	[tilespmem:$0x15630] =	vst v0  }
0x62: {  	[tilespmem:$0x15640] =	vst v0  }
0x63: {  	[tilespmem:$0x15650] =	vst v0  }
0x64: {  	[tilespmem:$0x15660] =	vst v0  }
0x65: {  	[tilespmem:$0x15670] =	vst v0  }
0x66: {  	[tilespmem:$0x15680] =	vst v0  }
0x67: {  	[tilespmem:$0x15690] =	vst v0  }
0x68: {  	[tilespmem:$0x156A0] =	vst v0  }
0x69: {  	[tilespmem:$0x156B0] =	vst v0  }
0x6a: {  	[tilespmem:$0x156C0] =	vst v0  }
0x6b: {  	[tilespmem:$0x156D0] =	vst v0  }
0x6c: {  	[tilespmem:$0x156E0] =	vst v0  }
0x6d: {  	[tilespmem:$0x156F0] =	vst v0  }
0x6e: {  	[tilespmem:$0x15700] =	vst v0  }
0x6f: {  	[tilespmem:$0x15710] =	vst v0  }
0x70: {  	[tilespmem:$0x15720] =	vst v0  }
0x71: {  	[tilespmem:$0x15730] =	vst v0  }
0x72: {  	[tilespmem:$0x15740] =	vst v0  }
0x73: {  	[tilespmem:$0x15750] =	vst v0  }
0x74: {  	[tilespmem:$0x15760] =	vst v0  }
0x75: {  	[tilespmem:$0x15770] =	vst v0  }
0x76: {  	[tilespmem:$0x15780] =	vst v0  }
0x77: {  	[tilespmem:$0x15790] =	vst v0  }
0x78: {  	[tilespmem:$0x157A0] =	vst v0  }
0x79: {  	[tilespmem:$0x157B0] =	vst v0  }
0x7a: {  	[tilespmem:$0x157C0] =	vst v0  }
0x7b: {  	[tilespmem:$0x157D0] =	vst v0  }
0x7c: {  	[tilespmem:$0x157E0] =	vst v0  }
0x7d: {  	[tilespmem:$0x157F0] =	vst v0  }
0x7e: {  	[tilespmem:$0x15800] =	vst v0  }
0x7f: {  	[tilespmem:$0x15810] =	vst v0  }
0x80: {  	[tilespmem:$0x15820] =	vst v0  }
0x81: {  	[tilespmem:$0x15830] =	vst v0  }
0x82: {  	[tilespmem:$0x15840] =	vst v0  }
0x83: {  	[tilespmem:$0x15850] =	vst v0  }
0x84: {  	[tilespmem:$0x15860] =	vst v0  }
0x85: {  	[tilespmem:$0x15870] =	vst v0  }
0x86: {  	[tilespmem:$0x15880] =	vst v0  }
0x87: {  	[tilespmem:$0x15890] =	vst v0  }
0x88: {  	[tilespmem:$0x158A0] =	vst v0  }
0x89: {  	[tilespmem:$0x158B0] =	vst v0  }
0x8a: {  	[tilespmem:$0x158C0] =	vst v0  }
0x8b: {  	[tilespmem:$0x158D0] =	vst v0  }
0x8c: {  	[tilespmem:$0x158E0] =	vst v0  }
0x8d: {  	[tilespmem:$0x158F0] =	vst v0  }
0x8e: {  	[tilespmem:$0x15900] =	vst v0  }
0x8f: {  	[tilespmem:$0x15910] =	vst v0  }
0x90: {  	[tilespmem:$0x15920] =	vst v0  }
0x91: {  	[tilespmem:$0x15930] =	vst v0  }
0x92: {  	[tilespmem:$0x15940] =	vst v0  }
0x93: {  	[tilespmem:$0x15950] =	vst v0  }
0x94: {  	[tilespmem:$0x15960] =	vst v0  }
0x95: {  	[tilespmem:$0x15970] =	vst v0  }
0x96: {  	[tilespmem:$0x15980] =	vst v0  }
0x97: {  	[tilespmem:$0x15990] =	vst v0  }
0x98: {  	[tilespmem:$0x159A0] =	vst v0  }
0x99: {  	[tilespmem:$0x159B0] =	vst v0  }
0x9a: {  	[tilespmem:$0x159C0] =	vst v0  }
0x9b: {  	[tilespmem:$0x159D0] =	vst v0  }
0x9c: {  	[tilespmem:$0x159E0] =	vst v0  }
0x9d: {  	[tilespmem:$0x159F0] =	vst v0  }
0x9e: {  	[tilespmem:$0x15A00] =	vst v0  }
0x9f: {  	[tilespmem:$0x15A10] =	vst v0  }
0xa0: {  	[tilespmem:$0x15A20] =	vst v0  }
0xa1: {  	[tilespmem:$0x15A30] =	vst v0  }
0xa2: {  	[tilespmem:$0x15A40] =	vst v0  }
0xa3: {  	[tilespmem:$0x15A50] =	vst v0  }
0xa4: {  	[tilespmem:$0x15A60] =	vst v0  }
0xa5: {  	[tilespmem:$0x15A70] =	vst v0  }
0xa6: {  	[tilespmem:$0x15A80] =	vst v0  }
0xa7: {  	[tilespmem:$0x15A90] =	vst v0  }
0xa8: {  	[tilespmem:$0x15AA0] =	vst v0  }
0xa9: {  	[tilespmem:$0x15AB0] =	vst v0  }
0xaa: {  	[tilespmem:$0x15AC0] =	vst v0  }
0xab: {  	[tilespmem:$0x15AD0] =	vst v0  }
0xac: {  	[tilespmem:$0x15AE0] =	vst v0  }
0xad: {  	[tilespmem:$0x15AF0] =	vst v0  }
0xae: {  	[tilespmem:$0x15B00] =	vst v0  }
0xaf: {  	[tilespmem:$0x15B10] =	vst v0  }
0xb0: {  	[tilespmem:$0x15B20] =	vst v0  }
0xb1: {  	[tilespmem:$0x15B30] =	vst v0  }
0xb2: {  	[tilespmem:$0x15B40] =	vst v0  }
0xb3: {  	[tilespmem:$0x15B50] =	vst v0  }
0xb4: {  	[tilespmem:$0x15B60] =	vst v0  }
0xb5: {  	[tilespmem:$0x15B70] =	vst v0  }
0xb6: {  	[tilespmem:$0x15B80] =	vst v0  }
0xb7: {  	[tilespmem:$0x15B90] =	vst v0  }
0xb8: {  	[tilespmem:$0x15BA0] =	vst v0  }
0xb9: {  	[tilespmem:$0x15BB0] =	vst v0  }
0xba: {  	[tilespmem:$0x15BC0] =	vst v0  }
0xbb: {  	[tilespmem:$0x15BD0] =	vst v0  }
0xbc: {  	[tilespmem:$0x15BE0] =	vst v0  }
0xbd: {  	[tilespmem:$0x15BF0] =	vst v0  }
0xbe: {  	[spmem:s24] =	stream.linear.scatter [tilespmem:s20], [sflag:$0x4], $0x800, $0x38;
	[tilespmem:$0x16400] =	vst v63  }
0xbf: {  	_ =	swait.ge [sflag:s30], $0x800  }
0xc0: {  	[sflag:s30] =	ssyncset.done $0x0  }
0xc1: {  	[sflag:s30] =	ssyncadd.s32 $0xFFFFF800  }
0xc2: {  	[tilespmem:s9], [sflag:$0x4] =	stream.linear.gather [hbm4b:s25+s9], $0x1400, $0x38;
	[tilespmem:$0x16400] =	vst v63  }
0xc3: {  	_ =	swait.ge [sflag:s30], $0x1400  }
0xc4: {  	[sflag:s30] =	ssyncset.done $0x0  }
0xc5: {  	s2 =	rddreg [dreg:$0x5];
	[sflag:s30] =	ssyncadd.s32 $0xFFFFEC00  }
0xc6: {  	[tilespmem:s17], [sflag:$0x1] =	stream.strided.gather [hbm4b:s2+s31], $0xA000, s22, s31, $0x38;
	[tilespmem:$0x16400] =	vst v63  }
0xc7: {  	[bflag:$0x0] =	sbarrier.arrive $0xFFFF  }
0xc8: {  	s3 =	rddreg [dreg:$0x6]  }
0xc9: {  	[tilespmem:s18], [sflag:$0x2] =	stream.strided.gather [hbm4b:s3+s31], $0xA000, s22, s31, $0x38;
	[tilespmem:$0x16400] =	vst v63  }
0xca: {  	_ =	swait.ge [sflag:s19], $0xA000  }
0xcb: {  	[sflag:s19] =	ssyncset.done $0x0  }
0xcc: {  	[sflag:s19] =	ssyncadd.s32 $0xFFFF6000  }
0xcd: {  	[spmem:s23] =	stream.indirect.scatter.add.f32 [tilespmem:s17], [sflag:$0x3], $0x80, s9, s10, $0xb8;
	[tilespmem:$0x16400] =	vst v63  }
0xce: {  	_ = 	snop  }
0xcf: {  	[spmem:s23] =	stream.indirect.scatter.add.f32 [tilespmem:s12], [sflag:$0x3], $0x80, s11, s10, $0xb8;
	[tilespmem:$0x16400] =	vst v63  }
0xd0: {  	_ = 	snop  }
0xd1: {  	[spmem:s23] =	stream.indirect.scatter.add.f32 [tilespmem:s15], [sflag:$0x3], $0x80, s14, s10, $0xb8;
	[tilespmem:$0x16400] =	vst v63  }
0xd2: {  	_ = 	snop  }
0xd3: {  	[spmem:s23] =	stream.indirect.scatter.add.f32 [tilespmem:s29], [sflag:$0x3], $0x80, s21, s10, $0xb8;
	[tilespmem:$0x16400] =	vst v63  }
0xd4: {  	_ =	swait.ge [sflag:s16], $0x2800  }
0xd5: {  	[sflag:s16] =	ssyncset.done $0x0  }
0xd6: {  	[sflag:s16] =	ssyncadd.s32 $0xFFFFD800  }
0xd7: {  	_ =	swait.ge [sflag:s16], $0x2800  }
0xd8: {  	[sflag:s16] =	ssyncset.done $0x0  }
0xd9: {  	[sflag:s16] =	ssyncadd.s32 $0xFFFFD800  }
0xda: {  	_ =	swait.ge [sflag:s16], $0x2800  }
0xdb: {  	[sflag:s16] =	ssyncset.done $0x0  }
0xdc: {  	[sflag:s16] =	ssyncadd.s32 $0xFFFFD800  }
0xdd: {  	_ =	swait.ge [sflag:s16], $0x2800  }
0xde: {  	[sflag:s16] =	ssyncset.done $0x0  }
0xdf: {  	s4 =	rddreg [dreg:$0x7];
	[sflag:s16] =	ssyncadd.s32 $0xFFFFD800  }
0xe0: {  	[tilespmem:s17], [sflag:$0x1] =	stream.strided.gather [hbm4b:s4+s31], $0xA000, s22, s31, $0x38;
	[tilespmem:$0x16400] =	vst v63  }
0xe1: {  	_ =	swait.ge [sflag:s26], $0xA000  }
0xe2: {  	[sflag:s26] =	ssyncset.done $0x0  }
0xe3: {  	s3 =	simm.s32 $0x200;
	[sflag:s26] =	ssyncadd.s32 $0xFFFF6000  }
0xe4: {  	[spmem:s23] =	stream.indirect.scatter.add.f32 [tilespmem:s18], [sflag:$0x3], $0x80, s3, s10, $0xb8;
	[tilespmem:$0x16400] =	vst v63  }
0xe5: {  	s4 =	simm.s32 $0x280  }
0xe6: {  	[spmem:s23] =	stream.indirect.scatter.add.f32 [tilespmem:s0], [sflag:$0x3], $0x80, s4, s10, $0xb8;
	[tilespmem:$0x16400] =	vst v63  }
0xe7: {  	s3 =	simm.s32 $0x300  }
0xe8: {  	[spmem:s23] =	stream.indirect.scatter.add.f32 [tilespmem:s13], [sflag:$0x3], $0x80, s3, s10, $0xb8;
	[tilespmem:$0x16400] =	vst v63  }
0xe9: {  	s4 =	simm.s32 $0x380  }
0xea: {  	[spmem:s23] =	stream.indirect.scatter.add.f32 [tilespmem:s1], [sflag:$0x3], $0x80, s4, s10, $0xb8;
	[tilespmem:$0x16400] =	vst v63  }
0xeb: {  	_ =	swait.ge [sflag:s16], $0x2800  }
0xec: {  	[sflag:s16] =	ssyncset.done $0x0  }
0xed: {  	[sflag:s16] =	ssyncadd.s32 $0xFFFFD800  }
0xee: {  	_ =	swait.ge [sflag:s16], $0x2800  }
0xef: {  	[sflag:s16] =	ssyncset.done $0x0  }
0xf0: {  	[sflag:s16] =	ssyncadd.s32 $0xFFFFD800  }
0xf1: {  	_ =	swait.ge [sflag:s16], $0x2800  }
0xf2: {  	[sflag:s16] =	ssyncset.done $0x0  }
0xf3: {  	[sflag:s16] =	ssyncadd.s32 $0xFFFFD800  }
0xf4: {  	_ =	swait.ge [sflag:s16], $0x2800  }
0xf5: {  	[sflag:s16] =	ssyncset.done $0x0  }
0xf6: {  	s3 =	rddreg [dreg:$0x8];
	[sflag:s16] =	ssyncadd.s32 $0xFFFFD800  }
0xf7: {  	[tilespmem:s18], [sflag:$0x2] =	stream.strided.gather [hbm4b:s3+s31], $0xA000, s22, s31, $0x38;
	[tilespmem:$0x16400] =	vst v63  }
0xf8: {  	_ =	swait.ge [sflag:s19], $0xA000  }
0xf9: {  	[sflag:s19] =	ssyncset.done $0x0  }
0xfa: {  	[sflag:s19] =	ssyncadd.s32 $0xFFFF6000  }
0xfb: {  	[spmem:s23] =	stream.indirect.scatter.add.f32 [tilespmem:s17], [sflag:$0x3], $0x80, s31, s10, $0xb8;
	[tilespmem:$0x16400] =	vst v63  }
0xfc: {  	s4 =	simm.s32 $0x480  }
0xfd: {  	[spmem:s23] =	stream.indirect.scatter.add.f32 [tilespmem:s12], [sflag:$0x3], $0x80, s4, s10, $0xb8;
	[tilespmem:$0x16400] =	vst v63  }
0xfe: {  	s3 =	simm.s32 $0x500  }
0xff: {  	[spmem:s23] =	stream.indirect.scatter.add.f32 [tilespmem:s15], [sflag:$0x3], $0x80, s3, s10, $0xb8;
	[tilespmem:$0x16400] =	vst v63  }
0x100: {  	s4 =	simm.s32 $0x580  }
0x101: {  	[spmem:s23] =	stream.indirect.scatter.add.f32 [tilespmem:s29], [sflag:$0x3], $0x80, s4, s10, $0xb8;
	[tilespmem:$0x16400] =	vst v63  }
0x102: {  	_ =	swait.ge [sflag:s16], $0x2800  }
0x103: {  	[sflag:s16] =	ssyncset.done $0x0  }
0x104: {  	[sflag:s16] =	ssyncadd.s32 $0xFFFFD800  }
0x105: {  	_ =	swait.ge [sflag:s16], $0x2800  }
0x106: {  	[sflag:s16] =	ssyncset.done $0x0  }
0x107: {  	[sflag:s16] =	ssyncadd.s32 $0xFFFFD800  }
0x108: {  	_ =	swait.ge [sflag:s16], $0x2800  }
0x109: {  	[sflag:s16] =	ssyncset.done $0x0  }
0x10a: {  	[sflag:s16] =	ssyncadd.s32 $0xFFFFD800  }
0x10b: {  	_ =	swait.ge [sflag:s16], $0x2800  }
0x10c: {  	[sflag:s16] =	ssyncset.done $0x0  }
0x10d: {  	s3 =	rddreg [dreg:$0x9];
	[sflag:s16] =	ssyncadd.s32 $0xFFFFD800  }
0x10e: {  	[tilespmem:s17], [sflag:$0x1] =	stream.strided.gather [hbm4b:s3+s31], $0xA000, s22, s31, $0x38;
	[tilespmem:$0x16400] =	vst v63  }
0x10f: {  	_ =	swait.ge [sflag:s26], $0xA000  }
0x110: {  	[sflag:s26] =	ssyncset.done $0x0  }
0x111: {  	s4 =	simm.s32 $0x600;
	[sflag:s26] =	ssyncadd.s32 $0xFFFF6000  }
0x112: {  	[spmem:s23] =	stream.indirect.scatter.add.f32 [tilespmem:s18], [sflag:$0x3], $0x80, s4, s10, $0xb8;
	[tilespmem:$0x16400] =	vst v63  }
0x113: {  	s3 =	simm.s32 $0x680  }
0x114: {  	[spmem:s23] =	stream.indirect.scatter.add.f32 [tilespmem:s0], [sflag:$0x3], $0x80, s3, s10, $0xb8;
	[tilespmem:$0x16400] =	vst v63  }
0x115: {  	s4 =	simm.s32 $0x700  }
0x116: {  	[spmem:s23] =	stream.indirect.scatter.add.f32 [tilespmem:s13], [sflag:$0x3], $0x80, s4, s10, $0xb8;
	[tilespmem:$0x16400] =	vst v63  }
0x117: {  	s3 =	simm.s32 $0x780  }
0x118: {  	[spmem:s23] =	stream.indirect.scatter.add.f32 [tilespmem:s1], [sflag:$0x3], $0x80, s3, s10, $0xb8;
	[tilespmem:$0x16400] =	vst v63  }
0x119: {  	_ =	swait.ge [sflag:s16], $0x2800  }
0x11a: {  	[sflag:s16] =	ssyncset.done $0x0  }
0x11b: {  	[sflag:s16] =	ssyncadd.s32 $0xFFFFD800  }
0x11c: {  	_ =	swait.ge [sflag:s16], $0x2800  }
0x11d: {  	[sflag:s16] =	ssyncset.done $0x0  }
0x11e: {  	[sflag:s16] =	ssyncadd.s32 $0xFFFFD800  }
0x11f: {  	_ =	swait.ge [sflag:s16], $0x2800  }
0x120: {  	[sflag:s16] =	ssyncset.done $0x0  }
0x121: {  	[sflag:s16] =	ssyncadd.s32 $0xFFFFD800  }
0x122: {  	_ =	swait.ge [sflag:s16], $0x2800  }
0x123: {  	[sflag:s16] =	ssyncset.done $0x0  }
0x124: {  	[sflag:s16] =	ssyncadd.s32 $0xFFFFD800  }
0x125: {  	[tilespmem:s18], [sflag:$0x2] =	stream.strided.gather [hbm4b:s6+s31], $0xA000, s22, s31, $0x38;
	[tilespmem:$0x16400] =	vst v63  }
0x126: {  	_ =	swait.ge [sflag:s19], $0xA000  }
0x127: {  	[sflag:s19] =	ssyncset.done $0x0  }
0x128: {  	[sflag:s19] =	ssyncadd.s32 $0xFFFF6000  }
0x129: {  	[spmem:s23] =	stream.indirect.scatter.add.f32 [tilespmem:s17], [sflag:$0x3], $0x80, s22, s10, $0xb8;
	[tilespmem:$0x16400] =	vst v63  }
0x12a: {  	s4 =	simm.s32 $0x880  }
0x12b: {  	[spmem:s23] =	stream.indirect.scatter.add.f32 [tilespmem:s12], [sflag:$0x3], $0x80, s4, s10, $0xb8;
	[tilespmem:$0x16400] =	vst v63  }
0x12c: {  	s3 =	simm.s32 $0x900  }
0x12d: {  	[spmem:s23] =	stream.indirect.scatter.add.f32 [tilespmem:s15], [sflag:$0x3], $0x80, s3, s10, $0xb8;
	[tilespmem:$0x16400] =	vst v63  }
0x12e: {  	s4 =	simm.s32 $0x980  }
0x12f: {  	[spmem:s23] =	stream.indirect.scatter.add.f32 [tilespmem:s29], [sflag:$0x3], $0x80, s4, s10, $0xb8;
	[tilespmem:$0x16400] =	vst v63  }
0x130: {  	_ =	swait.ge [sflag:s16], $0x2800  }
0x131: {  	[sflag:s16] =	ssyncset.done $0x0  }
0x132: {  	[sflag:s16] =	ssyncadd.s32 $0xFFFFD800  }
0x133: {  	_ =	swait.ge [sflag:s16], $0x2800  }
0x134: {  	[sflag:s16] =	ssyncset.done $0x0  }
0x135: {  	[sflag:s16] =	ssyncadd.s32 $0xFFFFD800  }
0x136: {  	_ =	swait.ge [sflag:s16], $0x2800  }
0x137: {  	[sflag:s16] =	ssyncset.done $0x0  }
0x138: {  	[sflag:s16] =	ssyncadd.s32 $0xFFFFD800  }
0x139: {  	_ =	swait.ge [sflag:s16], $0x2800  }
0x13a: {  	s2 =	simm.s32 @!p3 $0x400;
	[sflag:s16] =	ssyncset.done $0x0  }
0x13b: {  	s3 =	simm.s32 @!p3 $0x800;
	s4 =	simm.s32 @!p3 $0x1400;
	[sflag:s16] =	ssyncadd.s32 $0xFFFFD800  }
0x13c: {  	[tilespmem:s4], [sflag:$0x1] =	stream.strided.gather @!p3 [hbm4b:s7+s2], $0xA000, s3, s2, $0x38;
	[tilespmem:$0x16400] =	vst v63  }
0x13d: {  	_ =	swait.ge [sflag:s26], $0xA000  }
0x13e: {  	[sflag:s26] =	ssyncset.done $0x0  }
0x13f: {  	s3 =	simm.s32 $0xA00;
	[sflag:s26] =	ssyncadd.s32 $0xFFFF6000  }
0x140: {  	[spmem:s23] =	stream.indirect.scatter.add.f32 [tilespmem:s18], [sflag:$0x3], $0x80, s3, s10, $0xb8;
	[tilespmem:$0x16400] =	vst v63  }
0x141: {  	s4 =	simm.s32 $0xA80  }
0x142: {  	[spmem:s23] =	stream.indirect.scatter.add.f32 [tilespmem:s0], [sflag:$0x3], $0x80, s4, s10, $0xb8;
	[tilespmem:$0x16400] =	vst v63  }
0x143: {  	s3 =	simm.s32 $0xB00  }
0x144: {  	[spmem:s23] =	stream.indirect.scatter.add.f32 [tilespmem:s13], [sflag:$0x3], $0x80, s3, s10, $0xb8;
	[tilespmem:$0x16400] =	vst v63  }
0x145: {  	s4 =	simm.s32 $0xB80  }
0x146: {  	[spmem:s23] =	stream.indirect.scatter.add.f32 [tilespmem:s1], [sflag:$0x3], $0x80, s4, s10, $0xb8;
	[tilespmem:$0x16400] =	vst v63  }
0x147: {  	_ =	swait.ge [sflag:s16], $0x2800  }
0x148: {  	[sflag:s16] =	ssyncset.done $0x0  }
0x149: {  	[sflag:s16] =	ssyncadd.s32 $0xFFFFD800  }
0x14a: {  	_ =	swait.ge [sflag:s16], $0x2800  }
0x14b: {  	[sflag:s16] =	ssyncset.done $0x0  }
0x14c: {  	[sflag:s16] =	ssyncadd.s32 $0xFFFFD800  }
0x14d: {  	_ =	swait.ge [sflag:s16], $0x2800  }
.Ltmp2:
0x14e: {  	[sflag:s16] =	ssyncset.done $0x0;
	(pc) =	sbr.rel @p3 .LBB2_7-.Ltmp2, $4  }
0x14f: {  	[sflag:s16] =	ssyncadd.s32 $0xFFFFD800  }
0x150: {  	_ =	swait.ge [sflag:s16], $0x2800  }
0x151: {  	[sflag:s16] =	ssyncset.done $0x0  }
0x152: {  	[sflag:s16] =	ssyncadd.s32 $0xFFFFD800  }
0x153: {  	s5 =	rddreg [dreg:$0xa]  }
0x154: {  	[tilespmem:s18], [sflag:$0x2] =	stream.strided.gather [hbm4b:s5+s31], $0xA000, s22, s31, $0x38;
	[tilespmem:$0x16400] =	vst v63  }
0x155: {  	_ =	swait.ge [sflag:s19], $0xA000  }
0x156: {  	[sflag:s19] =	ssyncset.done $0x0  }
0x157: {  	s2 =	simm.s32 $0xC00;
	[sflag:s19] =	ssyncadd.s32 $0xFFFF6000  }
0x158: {  	[spmem:s23] =	stream.indirect.scatter.add.f32 [tilespmem:s17], [sflag:$0x3], $0x80, s2, s10, $0xb8;
	[tilespmem:$0x16400] =	vst v63  }
0x159: {  	s20 =	simm.s32 $0xC80  }
0x15a: {  	[spmem:s23] =	stream.indirect.scatter.add.f32 [tilespmem:s12], [sflag:$0x3], $0x80, s20, s10, $0xb8;
	[tilespmem:$0x16400] =	vst v63  }
0x15b: {  	s3 =	simm.s32 $0xD00  }
0x15c: {  	[spmem:s23] =	stream.indirect.scatter.add.f32 [tilespmem:s15], [sflag:$0x3], $0x80, s3, s10, $0xb8;
	[tilespmem:$0x16400] =	vst v63  }
0x15d: {  	s4 =	simm.s32 $0xD80  }
0x15e: {  	[spmem:s23] =	stream.indirect.scatter.add.f32 [tilespmem:s29], [sflag:$0x3], $0x80, s4, s10, $0xb8;
	[tilespmem:$0x16400] =	vst v63  }
0x15f: {  	_ =	swait.ge [sflag:s16], $0x2800  }
0x160: {  	[sflag:s16] =	ssyncset.done $0x0  }
0x161: {  	[sflag:s16] =	ssyncadd.s32 $0xFFFFD800  }
0x162: {  	_ =	swait.ge [sflag:s16], $0x2800  }
0x163: {  	[sflag:s16] =	ssyncset.done $0x0  }
0x164: {  	[sflag:s16] =	ssyncadd.s32 $0xFFFFD800  }
0x165: {  	_ =	swait.ge [sflag:s16], $0x2800  }
0x166: {  	[sflag:s16] =	ssyncset.done $0x0  }
0x167: {  	[sflag:s16] =	ssyncadd.s32 $0xFFFFD800  }
0x168: {  	_ =	swait.ge [sflag:s16], $0x2800  }
0x169: {  	[sflag:s16] =	ssyncset.done $0x0  }
0x16a: {  	s20 =	rddreg [dreg:$0xb];
	[sflag:s16] =	ssyncadd.s32 $0xFFFFD800  }
0x16b: {  	[tilespmem:s17], [sflag:$0x1] =	stream.strided.gather [hbm4b:s20+s31], $0xA000, s22, s31, $0x38;
	[tilespmem:$0x16400] =	vst v63  }
0x16c: {  	_ =	swait.ge [sflag:s26], $0xA000  }
0x16d: {  	s21 =	smov.u32 s8;
	[sflag:s26] =	ssyncset.done $0x0  }
0x16e: {  	s8 =	smov.u32 s6;
	s6 =	simm.s32 $0xE00;
	[sflag:s26] =	ssyncadd.s32 $0xFFFF6000  }
0x16f: {  	[spmem:s23] =	stream.indirect.scatter.add.f32 [tilespmem:s18], [sflag:$0x3], $0x80, s6, s10, $0xb8;
	[tilespmem:$0x16400] =	vst v63  }
0x170: {  	s9 =	smov.u32 s7;
	s7 =	simm.s32 $0xE80  }
0x171: {  	[spmem:s23] =	stream.indirect.scatter.add.f32 [tilespmem:s0], [sflag:$0x3], $0x80, s7, s10, $0xb8;
	[tilespmem:$0x16400] =	vst v63  }
0x172: {  	s3 =	simm.s32 $0xF00  }
0x173: {  	[spmem:s23] =	stream.indirect.scatter.add.f32 [tilespmem:s13], [sflag:$0x3], $0x80, s3, s10, $0xb8;
	[tilespmem:$0x16400] =	vst v63  }
0x174: {  	s4 =	simm.s32 $0xF80  }
0x175: {  	[spmem:s23] =	stream.indirect.scatter.add.f32 [tilespmem:s1], [sflag:$0x3], $0x80, s4, s10, $0xb8;
	[tilespmem:$0x16400] =	vst v63  }
0x176: {  	_ =	swait.ge [sflag:s16], $0x2800  }
0x177: {  	[sflag:s16] =	ssyncset.done $0x0  }
0x178: {  	[sflag:s16] =	ssyncadd.s32 $0xFFFFD800  }
0x179: {  	_ =	swait.ge [sflag:s16], $0x2800  }
0x17a: {  	[sflag:s16] =	ssyncset.done $0x0  }
0x17b: {  	[sflag:s16] =	ssyncadd.s32 $0xFFFFD800  }
0x17c: {  	_ =	swait.ge [sflag:s16], $0x2800  }
0x17d: {  	[sflag:s16] =	ssyncset.done $0x0  }
0x17e: {  	[sflag:s16] =	ssyncadd.s32 $0xFFFFD800  }
0x17f: {  	_ =	swait.ge [sflag:s16], $0x2800  }
0x180: {  	s2 =	simm.s32 @!p0 $0x400;
	[sflag:s16] =	ssyncset.done $0x0  }
0x181: {  	s3 =	simm.s32 @!p0 $0x800;
	s4 =	simm.s32 @!p0 $0xB400;
	[sflag:s16] =	ssyncadd.s32 $0xFFFFD800  }
0x182: {  	[tilespmem:s4], [sflag:$0x4] =	stream.strided.gather @!p0 [hbm4b:s5+s2], $0x2800, s3, s2, $0x38;
	[tilespmem:$0x16400] =	vst v63  }
0x183: {  	s5 =	simm.s32 @!p0 $0x4  }
0x184: {  	_ =	swait.ge @!p0 [sflag:s5], $0x2800  }
0x185: {  	[sflag:s5] =	ssyncset.done @!p0 $0x0  }
0x186: {  	s6 =	simm.s32 @!p0 $0x50;
	s7 =	simm.s32 @!p0 $0xE00;
	[sflag:s5] =	ssyncadd.s32 @!p0 $0xFFFFD800  }
0x187: {  	[spmem:s23] =	stream.indirect.scatter.add.f32 @!p0 [tilespmem:s4], [sflag:$0x4], $0x80, s7, s6, $0xb8;
	[tilespmem:$0x16400] =	vst v63  }
0x188: {  	_ =	swait.ge @!p0 [sflag:s5], $0x2800  }
0x189: {  	[sflag:s5] =	ssyncset.done @!p0 $0x0  }
0x18a: {  	s4 =	simm.s32 @!p0 $0xDC00;
	s7 =	rddreg [dreg:$0xc];
	[sflag:s5] =	ssyncadd.s32 @!p0 $0xFFFFD800  }
0x18b: {  	[tilespmem:s4], [sflag:$0x4] =	stream.strided.gather @!p0 [hbm4b:s7+s2], $0x2800, s3, s2, $0x38;
	[tilespmem:$0x16400] =	vst v63  }
0x18c: {  	_ =	swait.ge @!p0 [sflag:s5], $0x2800  }
0x18d: {  	[sflag:s5] =	ssyncset.done @!p0 $0x0  }
0x18e: {  	s7 =	simm.s32 @!p0 $0xE80;
	[sflag:s5] =	ssyncadd.s32 @!p0 $0xFFFFD800  }
0x18f: {  	[spmem:s23] =	stream.indirect.scatter.add.f32 @!p0 [tilespmem:s4], [sflag:$0x4], $0x80, s7, s6, $0xb8;
	[tilespmem:$0x16400] =	vst v63  }
0x190: {  	_ =	swait.ge @!p0 [sflag:s5], $0x2800  }
0x191: {  	[sflag:s5] =	ssyncset.done @!p0 $0x0  }
0x192: {  	s4 =	simm.s32 @!p0 $0x10400;
	s7 =	rddreg [dreg:$0xd];
	[sflag:s5] =	ssyncadd.s32 @!p0 $0xFFFFD800  }
0x193: {  	[tilespmem:s4], [sflag:$0x4] =	stream.strided.gather @!p0 [hbm4b:s7+s2], $0x2800, s3, s2, $0x38;
	[tilespmem:$0x16400] =	vst v63  }
0x194: {  	_ =	swait.ge @!p0 [sflag:s5], $0x2800  }
0x195: {  	[sflag:s5] =	ssyncset.done @!p0 $0x0  }
0x196: {  	s7 =	simm.s32 @!p0 $0xF00;
	[sflag:s5] =	ssyncadd.s32 @!p0 $0xFFFFD800  }
0x197: {  	[spmem:s23] =	stream.indirect.scatter.add.f32 @!p0 [tilespmem:s4], [sflag:$0x4], $0x80, s7, s6, $0xb8;
	[tilespmem:$0x16400] =	vst v63  }
0x198: {  	_ =	swait.ge @!p0 [sflag:s5], $0x2800  }
0x199: {  	[sflag:s5] =	ssyncset.done @!p0 $0x0  }
0x19a: {  	s4 =	simm.s32 @!p0 $0x12C00;
	s7 =	rddreg [dreg:$0xe];
	[sflag:s5] =	ssyncadd.s32 @!p0 $0xFFFFD800  }
0x19b: {  	[tilespmem:s4], [sflag:$0x4] =	stream.strided.gather @!p0 [hbm4b:s7+s2], $0x2800, s3, s2, $0x38;
	[tilespmem:$0x16400] =	vst v63  }
0x19c: {  	_ =	swait.ge @!p0 [sflag:s5], $0x2800  }
0x19d: {  	[sflag:s5] =	ssyncset.done @!p0 $0x0  }
0x19e: {  	s2 =	simm.s32 @!p0 $0xF80;
	[sflag:s5] =	ssyncadd.s32 @!p0 $0xFFFFD800  }
0x19f: {  	[spmem:s23] =	stream.indirect.scatter.add.f32 @!p0 [tilespmem:s4], [sflag:$0x4], $0x80, s2, s6, $0xb8;
	[tilespmem:$0x16400] =	vst v63  }
0x1a0: {  	_ =	swait.ge @!p0 [sflag:s5], $0x2800  }
0x1a1: {  	[sflag:s5] =	ssyncset.done @!p0 $0x0  }
0x1a2: {  	[sflag:s5] =	ssyncadd.s32 @!p0 $0xFFFFD800;
	s5 =	rddreg [dreg:$0xf]  }
0x1a3: {  	[tilespmem:s18], [sflag:$0x2] =	stream.strided.gather [hbm4b:s5+s31], $0xA000, s22, s31, $0x38;
	[tilespmem:$0x16400] =	vst v63  }
0x1a4: {  	_ =	swait.ge [sflag:s19], $0xA000  }
0x1a5: {  	[sflag:s19] =	ssyncset.done $0x0  }
0x1a6: {  	s6 =	simm.s32 $0x1000;
	[sflag:s19] =	ssyncadd.s32 $0xFFFF6000  }
0x1a7: {  	[spmem:s23] =	stream.indirect.scatter.add.f32 [tilespmem:s17], [sflag:$0x3], $0x80, s6, s10, $0xb8;
	[tilespmem:$0x16400] =	vst v63  }
0x1a8: {  	s7 =	simm.s32 $0x1080  }
0x1a9: {  	[spmem:s23] =	stream.indirect.scatter.add.f32 [tilespmem:s12], [sflag:$0x3], $0x80, s7, s10, $0xb8;
	[tilespmem:$0x16400] =	vst v63  }
0x1aa: {  	s3 =	simm.s32 $0x1100  }
0x1ab: {  	[spmem:s23] =	stream.indirect.scatter.add.f32 [tilespmem:s15], [sflag:$0x3], $0x80, s3, s10, $0xb8;
	[tilespmem:$0x16400] =	vst v63  }
0x1ac: {  	s4 =	simm.s32 $0x1180  }
0x1ad: {  	[spmem:s23] =	stream.indirect.scatter.add.f32 [tilespmem:s29], [sflag:$0x3], $0x80, s4, s10, $0xb8;
	[tilespmem:$0x16400] =	vst v63  }
0x1ae: {  	_ =	swait.ge [sflag:s16], $0x2800  }
0x1af: {  	[sflag:s16] =	ssyncset.done $0x0  }
0x1b0: {  	[sflag:s16] =	ssyncadd.s32 $0xFFFFD800  }
0x1b1: {  	_ =	swait.ge [sflag:s16], $0x2800  }
0x1b2: {  	[sflag:s16] =	ssyncset.done $0x0  }
0x1b3: {  	[sflag:s16] =	ssyncadd.s32 $0xFFFFD800  }
0x1b4: {  	_ =	swait.ge [sflag:s16], $0x2800  }
0x1b5: {  	[sflag:s16] =	ssyncset.done $0x0  }
0x1b6: {  	[sflag:s16] =	ssyncadd.s32 $0xFFFFD800  }
0x1b7: {  	_ =	swait.ge [sflag:s16], $0x2800  }
0x1b8: {  	s2 =	simm.s32 @!p1 $0x400;
	s5 =	simm.s32 @!p1 $0x4;
	[sflag:s16] =	ssyncset.done $0x0  }
0x1b9: {  	s3 =	simm.s32 @!p1 $0x800;
	s4 =	simm.s32 @!p1 $0x1400;
	[sflag:s16] =	ssyncadd.s32 $0xFFFFD800  }
0x1ba: {  	[tilespmem:s4], [sflag:$0x4] =	stream.strided.gather @!p1 [hbm4b:s20+s2], $0x2800, s3, s2, $0x38;
	[tilespmem:$0x16400] =	vst v63  }
0x1bb: {  	_ =	swait.ge @!p1 [sflag:s5], $0x2800  }
0x1bc: {  	[sflag:s5] =	ssyncset.done @!p1 $0x0  }
0x1bd: {  	s6 =	simm.s32 @!p1 $0x50;
	s7 =	simm.s32 @!p1 $0x1000;
	[sflag:s5] =	ssyncadd.s32 @!p1 $0xFFFFD800  }
0x1be: {  	[spmem:s23] =	stream.indirect.scatter.add.f32 @!p1 [tilespmem:s4], [sflag:$0x4], $0x80, s7, s6, $0xb8;
	[tilespmem:$0x16400] =	vst v63  }
0x1bf: {  	_ =	swait.ge @!p1 [sflag:s5], $0x2800  }
0x1c0: {  	[sflag:s5] =	ssyncset.done @!p1 $0x0  }
0x1c1: {  	s4 =	simm.s32 @!p1 $0x3C00;
	s7 =	rddreg [dreg:$0x10];
	[sflag:s5] =	ssyncadd.s32 @!p1 $0xFFFFD800  }
0x1c2: {  	[tilespmem:s4], [sflag:$0x4] =	stream.strided.gather @!p1 [hbm4b:s7+s2], $0x2800, s3, s2, $0x38;
	[tilespmem:$0x16400] =	vst v63  }
0x1c3: {  	_ =	swait.ge @!p1 [sflag:s5], $0x2800  }
0x1c4: {  	[sflag:s5] =	ssyncset.done @!p1 $0x0  }
0x1c5: {  	s7 =	simm.s32 @!p1 $0x1080;
	[sflag:s5] =	ssyncadd.s32 @!p1 $0xFFFFD800  }
0x1c6: {  	[spmem:s23] =	stream.indirect.scatter.add.f32 @!p1 [tilespmem:s4], [sflag:$0x4], $0x80, s7, s6, $0xb8;
	[tilespmem:$0x16400] =	vst v63  }
0x1c7: {  	_ =	swait.ge @!p1 [sflag:s5], $0x2800  }
0x1c8: {  	[sflag:s5] =	ssyncset.done @!p1 $0x0  }
0x1c9: {  	s4 =	simm.s32 @!p1 $0x6400;
	s7 =	rddreg [dreg:$0x11];
	[sflag:s5] =	ssyncadd.s32 @!p1 $0xFFFFD800  }
0x1ca: {  	[tilespmem:s4], [sflag:$0x4] =	stream.strided.gather @!p1 [hbm4b:s7+s2], $0x2800, s3, s2, $0x38;
	[tilespmem:$0x16400] =	vst v63  }
0x1cb: {  	_ =	swait.ge @!p1 [sflag:s5], $0x2800  }
0x1cc: {  	[sflag:s5] =	ssyncset.done @!p1 $0x0  }
0x1cd: {  	s7 =	simm.s32 @!p1 $0x1100;
	[sflag:s5] =	ssyncadd.s32 @!p1 $0xFFFFD800  }
0x1ce: {  	[spmem:s23] =	stream.indirect.scatter.add.f32 @!p1 [tilespmem:s4], [sflag:$0x4], $0x80, s7, s6, $0xb8;
	[tilespmem:$0x16400] =	vst v63  }
0x1cf: {  	_ =	swait.ge @!p1 [sflag:s5], $0x2800  }
0x1d0: {  	[sflag:s5] =	ssyncset.done @!p1 $0x0  }
0x1d1: {  	s4 =	simm.s32 @!p1 $0x8C00;
	s7 =	rddreg [dreg:$0x12];
	[sflag:s5] =	ssyncadd.s32 @!p1 $0xFFFFD800  }
0x1d2: {  	[tilespmem:s4], [sflag:$0x4] =	stream.strided.gather @!p1 [hbm4b:s7+s2], $0x2800, s3, s2, $0x38;
	[tilespmem:$0x16400] =	vst v63  }
0x1d3: {  	_ =	swait.ge @!p1 [sflag:s5], $0x2800  }
0x1d4: {  	[sflag:s5] =	ssyncset.done @!p1 $0x0  }
0x1d5: {  	s2 =	simm.s32 @!p1 $0x1180;
	[sflag:s5] =	ssyncadd.s32 @!p1 $0xFFFFD800  }
0x1d6: {  	[spmem:s23] =	stream.indirect.scatter.add.f32 @!p1 [tilespmem:s4], [sflag:$0x4], $0x80, s2, s6, $0xb8;
	[tilespmem:$0x16400] =	vst v63  }
0x1d7: {  	_ =	swait.ge @!p1 [sflag:s5], $0x2800  }
0x1d8: {  	[sflag:s5] =	ssyncset.done @!p1 $0x0  }
0x1d9: {  	[sflag:s5] =	ssyncadd.s32 @!p1 $0xFFFFD800  }
0x1da: {  	_ =	swait.ge [sflag:s26], $0xA000  }
0x1db: {  	[sflag:s26] =	ssyncset.done $0x0  }
0x1dc: {  	s5 =	simm.s32 $0x1200;
	[sflag:s26] =	ssyncadd.s32 $0xFFFF6000  }
0x1dd: {  	[spmem:s23] =	stream.indirect.scatter.add.f32 [tilespmem:s18], [sflag:$0x3], $0x80, s5, s10, $0xb8;
	[tilespmem:$0x16400] =	vst v63  }
0x1de: {  	s6 =	simm.s32 $0x1280  }
0x1df: {  	[spmem:s23] =	stream.indirect.scatter.add.f32 [tilespmem:s0], [sflag:$0x3], $0x80, s6, s10, $0xb8;
	[tilespmem:$0x16400] =	vst v63  }
0x1e0: {  	s7 =	simm.s32 $0x1300  }
0x1e1: {  	[spmem:s23] =	stream.indirect.scatter.add.f32 [tilespmem:s13], [sflag:$0x3], $0x80, s7, s10, $0xb8;
	[tilespmem:$0x16400] =	vst v63  }
0x1e2: {  	s20 =	simm.s32 $0x1380  }
0x1e3: {  	[spmem:s23] =	stream.indirect.scatter.add.f32 [tilespmem:s1], [sflag:$0x3], $0x80, s20, s10, $0xb8;
	[tilespmem:$0x16400] =	vst v63  }
0x1e4: {  	_ =	swait.ge [sflag:s16], $0x2800  }
0x1e5: {  	[sflag:s16] =	ssyncset.done $0x0  }
0x1e6: {  	[sflag:s16] =	ssyncadd.s32 $0xFFFFD800  }
0x1e7: {  	_ =	swait.ge [sflag:s16], $0x2800  }
0x1e8: {  	[sflag:s16] =	ssyncset.done $0x0  }
0x1e9: {  	[sflag:s16] =	ssyncadd.s32 $0xFFFFD800  }
0x1ea: {  	_ =	swait.ge [sflag:s16], $0x2800  }
.Ltmp3:
0x1eb: {  	[sflag:s16] =	ssyncset.done $0x0;
	(pc) =	sbr.rel @p2 .LBB2_5-.Ltmp3, $4  }
0x1ec: {  	s5 =	stileid.u32;
	[sflag:s16] =	ssyncadd.s32 $0xFFFFD800  }
0x1ed: {  	s6 =	smov.u32 s8;
	s8 =	smov.u32 s21;
	_ =	swait.ge [sflag:s16], $0x2800  }
0x1ee: {  	s21 =	simm.s32 $0x180;
	s7 =	smov.u32 s9;
	[sflag:s16] =	ssyncset.done $0x0  }
0x1ef: {  	s9 =	simm.s32 $0x0;
	s20 =	simm.s32 $0x15400;
	[sflag:s16] =	ssyncadd.s32 $0xFFFFD800  }
0x1f0: {  	s2 =	rddreg [dreg:$0xf]  }
0x1f1: {  	[tilespmem:s18], [sflag:$0x4] =	stream.strided.gather [hbm4b:s2+s31], $0x2800, s22, s31, $0x38;
	[tilespmem:$0x16400] =	vst v63  }
0x1f2: {  	_ =	swait.ge [sflag:s30], $0x2800  }
0x1f3: {  	[sflag:s30] =	ssyncset.done $0x0  }
0x1f4: {  	s4 =	simm.s32 $0x1200;
	[sflag:s30] =	ssyncadd.s32 $0xFFFFD800  }
0x1f5: {  	[spmem:s23] =	stream.indirect.scatter.add.f32 [tilespmem:s18], [sflag:$0x4], $0x80, s4, s10, $0xb8;
	[tilespmem:$0x16400] =	vst v63  }
0x1f6: {  	_ =	swait.ge [sflag:s30], $0x2800  }
0x1f7: {  	[sflag:s30] =	ssyncset.done $0x0  }
0x1f8: {  	s3 =	rddreg [dreg:$0x13];
	[sflag:s30] =	ssyncadd.s32 $0xFFFFD800  }
0x1f9: {  	[tilespmem:s0], [sflag:$0x4] =	stream.strided.gather [hbm4b:s3+s31], $0x2800, s22, s31, $0x38;
	[tilespmem:$0x16400] =	vst v63  }
0x1fa: {  	_ =	swait.ge [sflag:s30], $0x2800  }
0x1fb: {  	[sflag:s30] =	ssyncset.done $0x0  }
0x1fc: {  	s4 =	simm.s32 $0x1280;
	[sflag:s30] =	ssyncadd.s32 $0xFFFFD800  }
0x1fd: {  	[spmem:s23] =	stream.indirect.scatter.add.f32 [tilespmem:s0], [sflag:$0x4], $0x80, s4, s10, $0xb8;
	[tilespmem:$0x16400] =	vst v63  }
0x1fe: {  	_ =	swait.ge [sflag:s30], $0x2800  }
0x1ff: {  	[sflag:s30] =	ssyncset.done $0x0  }
0x200: {  	s3 =	rddreg [dreg:$0x14];
	[sflag:s30] =	ssyncadd.s32 $0xFFFFD800  }
0x201: {  	[tilespmem:s13], [sflag:$0x4] =	stream.strided.gather [hbm4b:s3+s31], $0x2800, s22, s31, $0x38;
	[tilespmem:$0x16400] =	vst v63  }
0x202: {  	_ =	swait.ge [sflag:s30], $0x2800  }
0x203: {  	[sflag:s30] =	ssyncset.done $0x0  }
0x204: {  	s4 =	simm.s32 $0x1300;
	[sflag:s30] =	ssyncadd.s32 $0xFFFFD800  }
0x205: {  	[spmem:s23] =	stream.indirect.scatter.add.f32 [tilespmem:s13], [sflag:$0x4], $0x80, s4, s10, $0xb8;
	[tilespmem:$0x16400] =	vst v63  }
0x206: {  	_ =	swait.ge [sflag:s30], $0x2800  }
0x207: {  	[sflag:s30] =	ssyncset.done $0x0  }
0x208: {  	s3 =	rddreg [dreg:$0x15];
	[sflag:s30] =	ssyncadd.s32 $0xFFFFD800  }
0x209: {  	[tilespmem:s1], [sflag:$0x4] =	stream.strided.gather [hbm4b:s3+s31], $0x2800, s22, s31, $0x38;
	[tilespmem:$0x16400] =	vst v63  }
.Ltmp4:
0x20a: {  	_ = 	snop;
	(pc) =	sbr.rel .LBB2_4-.Ltmp4, $4  }
0x20b: {  	_ =	swait.ge [sflag:s30], $0x2800  }
0x20c: {  	[sflag:s30] =	ssyncset.done $0x0  }
0x20d: {  	s4 =	simm.s32 $0x1380;
	[sflag:s30] =	ssyncadd.s32 $0xFFFFD800  }
0x20e: {  	[spmem:s23] =	stream.indirect.scatter.add.f32 [tilespmem:s1], [sflag:$0x4], $0x80, s4, s10, $0xb8;
	[tilespmem:$0x16400] =	vst v63  }
.LBB2_6:
0x20f: {  	_ =	sfence.sel $0x180000  }
0x210: {  	[bflag:$0x0] =	sbarrier.arrive $0xFFFF  }
0x211: {  	_ =	strace $0x90000047  }
0x212: {  	[bflag:$0x2] =	sbarrier.arrive $0xFFFF  }
0x213: {  	p0 =	sne.s32 s5, $0x0;
	s0 =	rddreg [dreg:$0x4]  }
0x214: {  	s0 =	sadd.s32 @!p0 $0x100000, s0  }
0x215: {  	[sflag:s0] =	ssyncadd.tile.s32 @!p0 $0x1;
	_ =	shalt  }
.Lfunc_end2:
_tile_overlayer_lowered:
.L_overlay_start_2:
0x216: {  	(tag) =	ssettag $0x2  }
0x217: {  	s0 =	rddreg [dreg:$0x0];
	s2 =	stileid.u32  }
0x218: {  	s1 =	rddreg [dreg:$0x1];
	p0 =	sne.s32 s2, $0x0  }
0x219: {  	s3 =	rddreg [dreg:$0x2];
	[bflag:$0x3] =	sbarrier.arrive $0xFFFF;
	s2 =	simm.s32 @!p0 $0x1C04  }
0x21a: {  	[timem:s3], [sflag:s2] =	dma.local @!p0 [hbm:s0], s1  }
0x21b: {  	s0 =	simm.s32 @!p0 $0x4  }
0x21c: {  	_ =	swait.ge @!p0 [sflag:s0], s1  }
0x21d: {  	s1 =	ssub.s32 @!p0 $0x0, s1;
	[sflag:s0] =	ssyncset.done @!p0 $0x0  }
0x21e: {  	[sflag:s0] =	ssyncadd.s32 @!p0 s1  }
0x21f: {  	[bflag:$0x3] =	sbarrier.arrive $0xFFFF  }
0x220: {  	_ =	shalt  }

</sc_bundles>
